<compile_context>
chip_gen: v7x
topology: tpu7x:2x2x1
jax: 0.10.2.dev20260603
libtpu: 0.0.44.dev20260713+nightly
codegen_flags: <defaults>
</compile_context>

<pallas_src>
import math
import numpy as np
import functools
import jax
import jax.numpy as jnp
from jax.experimental import pallas as pl
from jax.experimental.pallas import tpu as pltpu
from jax.experimental.pallas import tpu_sc as plsc

HID = 2048; NH = 16; DK = 128; DR = 64; DV = 128; DC = 512; DCP = 1536
INH = 8; IHD = 128; ITOPK = 8
HALF = DR // 2
MB = 256
QB = 1024
HPG = 2
SCALE = 1.0 / math.sqrt(DK + DR)
BF = jnp.bfloat16
F32 = jnp.float32


def _rope_tables(S):
    inv = 1.0 / (10000.0 ** (np.arange(0, DR, 2)[: DR // 2].astype(np.float32) / DR))
    t = np.arange(S, dtype=np.float32)
    f = np.outer(t, inv)
    return jnp.asarray(np.cos(f), dtype=F32), jnp.asarray(np.sin(f), dtype=F32)


def _nt(a, b):
    return jax.lax.dot_general(a, b, (((1,), (1,)), ((), ())),
                               preferred_element_type=F32)



def _ka_body(x_ref, wc_ref, wcp_ref, wkr_ref, wigt_ref, wqc_ref, wqr_ref,
             wkc_ref, wv_ref, cos_ref, sin_ref,
             qc_ref, qr_ref, kc_ref, v_ref, kr_ref, gt_ref):
    xb = x_ref[...]
    xb16 = xb.astype(BF)
    gt_ref[...] = _nt(wigt_ref[...], xb)
    co = cos_ref[...]
    si = sin_ref[...]
    y = jnp.dot(xb16, wkr_ref[...], preferred_element_type=F32)
    a = y[:, :HALF]
    b = y[:, HALF:]
    kr_ref[...] = jnp.concatenate(
        [a * co - b * si, a * si + b * co], axis=1).astype(BF)
    c16 = jnp.dot(xb16, wc_ref[...], preferred_element_type=F32).astype(BF)
    cp16 = jnp.dot(xb16, wcp_ref[...], preferred_element_type=F32).astype(BF)
    qc = jnp.dot(cp16, wqc_ref[...], preferred_element_type=F32) * SCALE
    qc_ref[...] = qc.astype(BF)
    yq = jnp.dot(cp16, wqr_ref[...], preferred_element_type=F32) * SCALE
    parts = []
    for h in range(NH):
        qa = yq[:, h * DR:h * DR + HALF]
        qb = yq[:, h * DR + HALF:(h + 1) * DR]
        parts += [qa * co - qb * si, qa * si + qb * co]
    qr_ref[...] = jnp.concatenate(parts, axis=1).astype(BF)
    kc_ref[...] = jnp.dot(c16, wkc_ref[...], preferred_element_type=F32).astype(BF)
    v_ref[...] = jnp.dot(c16, wv_ref[...], preferred_element_type=F32).astype(BF)


def _ka(x2, W_c, W_cp, W_kr_d, W_igate_t, W_qc, W_qr_d, W_kc, W_v, cos_t, sin_t):
    S = x2.shape[0]
    const = lambda i: (0, 0)
    row = lambda i: (i, 0)
    return pl.pallas_call(
        _ka_body,
        grid=(S // MB,),
        in_specs=[
            pl.BlockSpec((MB, HID), row),
            pl.BlockSpec((HID, DC), const),
            pl.BlockSpec((HID, DCP), const),
            pl.BlockSpec((HID, DR), const),
            pl.BlockSpec((INH, HID), const),
            pl.BlockSpec((DCP, NH * DK), const),
            pl.BlockSpec((DCP, NH * DR), const),
            pl.BlockSpec((DC, NH * DK), const),
            pl.BlockSpec((DC, NH * DV), const),
            pl.BlockSpec((MB, HALF), row),
            pl.BlockSpec((MB, HALF), row),
        ],
        out_specs=[
            pl.BlockSpec((MB, NH * DK), row),
            pl.BlockSpec((MB, NH * DR), row),
            pl.BlockSpec((MB, NH * DK), row),
            pl.BlockSpec((MB, NH * DV), row),
            pl.BlockSpec((MB, DR), row),
            pl.BlockSpec((INH, MB), lambda i: (0, i)),
        ],
        out_shape=[
            jax.ShapeDtypeStruct((S, NH * DK), BF),
            jax.ShapeDtypeStruct((S, NH * DR), BF),
            jax.ShapeDtypeStruct((S, NH * DK), BF),
            jax.ShapeDtypeStruct((S, NH * DV), BF),
            jax.ShapeDtypeStruct((S, DR), BF),
            jax.ShapeDtypeStruct((INH, S), F32),
        ],
    )(x2, W_c, W_cp, W_kr_d, W_igate_t, W_qc, W_qr_d, W_kc, W_v, cos_t, sin_t)



def _kb_body(qc_ref, qr_ref, kc_ref, kr_ref, v_ref, o_ref):
    S = qc_ref.shape[0]
    nq = S // QB
    kr = kr_ref[...]
    for hh in range(HPG):
        kc = kc_ref[:, hh * DK:(hh + 1) * DK]
        v = v_ref[:, hh * DV:(hh + 1) * DV]
        for i in range(nq):
            qc = qc_ref[i * QB:(i + 1) * QB, hh * DK:(hh + 1) * DK]
            qr = qr_ref[i * QB:(i + 1) * QB, hh * DR:(hh + 1) * DR]
            m = jnp.full((QB, 1), -1e30, F32)
            l = jnp.zeros((QB, 1), F32)
            acc = jnp.zeros((QB, DV), F32)
            rows = i * QB + jax.lax.broadcasted_iota(jnp.int32, (QB, QB), 0)
            for j in range(i + 1):
                s = _nt(qc, kc[j * QB:(j + 1) * QB, :])
                s = s + _nt(qr, kr[j * QB:(j + 1) * QB, :])
                if j == i:
                    cols = j * QB + jax.lax.broadcasted_iota(jnp.int32, (QB, QB), 1)
                    s = jnp.where(cols > rows, -1e30, s)
                mb = jnp.max(s, axis=1, keepdims=True)
                m_new = jnp.maximum(m, mb)
                p = jnp.exp(s - m_new)
                corr = jnp.exp(m - m_new)
                l = l * corr + jnp.sum(p, axis=1, keepdims=True)
                acc = acc * corr + jnp.dot(p.astype(BF), v[j * QB:(j + 1) * QB, :],
                                           preferred_element_type=F32)
                m = m_new
            o_ref[i * QB:(i + 1) * QB, hh * DV:(hh + 1) * DV] = (acc / l).astype(BF)


def _kb(qc, qr, kc, kr, v):
    S = qc.shape[0]
    return pl.pallas_call(
        _kb_body,
        grid=(NH // HPG,),
        in_specs=[
            pl.BlockSpec((S, HPG * DK), lambda h: (0, h)),
            pl.BlockSpec((S, HPG * DR), lambda h: (0, h)),
            pl.BlockSpec((S, HPG * DK), lambda h: (0, h)),
            pl.BlockSpec((S, DR), lambda h: (0, 0)),
            pl.BlockSpec((S, HPG * DV), lambda h: (0, h)),
        ],
        out_specs=pl.BlockSpec((S, HPG * DV), lambda h: (0, h)),
        out_shape=jax.ShapeDtypeStruct((S, NH * DV), BF),
    )(qc, qr, kc, kr, v)




_SC_NC = 2
_SC_V = 2048 // 16


def _ksc_body(gate_hbm, x_hbm, out_hbm, g_v, rows_v, sem):
    wid = jax.lax.axis_index("s") * _SC_NC + jax.lax.axis_index("c")
    head = jax.lax.rem(wid, INH)
    pltpu.sync_copy(gate_hbm.at[head], g_v)
    lane = jax.lax.broadcasted_iota(jnp.int32, (16,), 0)
    zero16 = jnp.zeros((16,), jnp.int32)
    gdn = jax.lax.GatherDimensionNumbers(
        offset_dims=(), collapsed_slice_dims=(0,), start_index_map=(0,))
    excl = []
    found_vec = zero16
    for t in range(ITOPK):
        def scan(v, carry):
            m, bi = carry
            for u in range(4):
                vals = g_v[pl.ds((v * 4 + u) * 16, 16)]
                pos = (v * 4 + u) * 16 + lane
                for e in excl:
                    vals = jnp.where(pos == e, -3.0e38, vals)
                upd = vals > m
                m = jnp.where(upd, vals, m)
                bi = jnp.where(upd, pos, bi)
            return m, bi
        m, bi = jax.lax.fori_loop(
            0, _SC_V // 4, scan,
            (jnp.full((16,), -3.0e38, F32), zero16))
        for sh in (8, 4, 2, 1):
            perm = jnp.bitwise_and(lane + sh, 15)
            m2 = jax.lax.gather(m, perm[:, None], gdn, (1,),
                                mode=jax.lax.GatherScatterMode.PROMISE_IN_BOUNDS)
            bi2 = jax.lax.gather(bi, perm[:, None], gdn, (1,),
                                 mode=jax.lax.GatherScatterMode.PROMISE_IN_BOUNDS)
            upd = (m2 > m) | ((m2 == m) & (bi2 < bi))
            m = jnp.where(upd, m2, m)
            bi = jnp.where(upd, bi2, bi)
        gi = bi
        excl.append(gi)
        found_vec = jnp.where(lane == t, gi, found_vec)
    pltpu.async_copy(x_hbm.at[found_vec], rows_v, sem).wait()

    @pl.when(wid < INH)
    def _():
        pltpu.sync_copy(rows_v.at[pl.ds(0, ITOPK)],
                        out_hbm.at[pl.ds(wid * ITOPK, ITOPK)])


def _ksc(gate_t, x2):
    S = x2.shape[0]
    k = functools.partial(
        pl.kernel,
        mesh=plsc.VectorSubcoreMesh(core_axis_name="c", subcore_axis_name="s"),
        out_type=jax.ShapeDtypeStruct((INH * ITOPK, HID), F32),
        scratch_types=[
            pltpu.VMEM((S,), F32),
            pltpu.VMEM((16, HID), F32),
            pltpu.SemaphoreType.DMA,
        ],
    )(_ksc_body)
    return k(gate_t, x2)



def _kc_body(xs_ref, wip_ref, wsq_ref, wsk_ref, wsv_ref, wio_ref,
             a_ref, wo_ref, o_ref, bias_ref):
    i = pl.program_id(0)

    @pl.when(i == 0)
    def _indexer():
        x_sel = xs_ref[...].astype(BF)
        sel = []
        for h in range(INH):
            sel.append(jnp.dot(x_sel[h * ITOPK:(h + 1) * ITOPK, :],
                               wip_ref[:, h * IHD:(h + 1) * IHD],
                               preferred_element_type=F32))
        s64 = jnp.concatenate(sel, axis=0)
        sq = jnp.dot(s64, wsq_ref[...], preferred_element_type=F32)
        sk = jnp.dot(s64, wsk_ref[...], preferred_element_type=F32)
        sv = jnp.dot(s64, wsv_ref[...], preferred_element_type=F32)
        sc = _nt(sq, sk) / math.sqrt(IHD)
        mx = jnp.max(sc, axis=1, keepdims=True)
        p = jnp.exp(sc - mx)
        p = p / jnp.sum(p, axis=1, keepdims=True)
        so = jnp.dot(p, sv, preferred_element_type=F32)
        rr = jax.lax.broadcasted_iota(jnp.int32, (INH, INH * ITOPK), 0)
        cgrp = jax.lax.broadcasted_iota(jnp.int32, (INH, INH * ITOPK), 1) // ITOPK
        A = jnp.where(rr == cgrp, 1.0 / ITOPK, 0.0)
        avg = jnp.dot(A, so, preferred_element_type=F32)
        ib = jnp.dot(avg, wio_ref[...], preferred_element_type=F32)
        bvec = jnp.zeros((1, HID), F32)
        for n in range(NH):
            bvec = bvec + jnp.dot(
                ib[n // 2:n // 2 + 1, :].astype(BF),
                wo_ref[n * DV:(n + 1) * DV, :],
                preferred_element_type=F32)
        bias_ref[...] = bvec

    @pl.when(i > 0)
    def _proj():
        o_ref[...] = jnp.dot(a_ref[...], wo_ref[...],
                             preferred_element_type=F32) + bias_ref[...]


def _kc(x_sel, W_iproj, W_sq, W_sk, W_sv, W_io, attn, W_o):
    S = attn.shape[0]
    const = lambda i: (0, 0)
    return pl.pallas_call(
        _kc_body,
        grid=(1 + S // MB,),
        in_specs=[
            pl.BlockSpec((INH * ITOPK, HID), const),
            pl.BlockSpec((HID, INH * IHD), const),
            pl.BlockSpec((IHD, IHD), const),
            pl.BlockSpec((IHD, IHD), const),
            pl.BlockSpec((IHD, IHD), const),
            pl.BlockSpec((IHD, DV), const),
            pl.BlockSpec((MB, NH * DV), lambda i: (jnp.maximum(i - 1, 0), 0)),
            pl.BlockSpec((NH * DV, HID), const),
        ],
        out_specs=pl.BlockSpec((MB, HID), lambda i: (jnp.maximum(i - 1, 0), 0)),
        out_shape=jax.ShapeDtypeStruct((S, HID), F32),
        scratch_shapes=[pltpu.VMEM((1, HID), F32)],
    )(x_sel, W_iproj, W_sq, W_sk, W_sv, W_io, attn, W_o)


def kernel(x, W_c, W_cp, W_qc, W_qr, W_kc, W_kr, W_v, W_o,
           W_iproj, W_igate, W_sq, W_sk, W_sv, W_iout):
    B, S, _ = x.shape
    x2 = x.reshape(S, HID)
    cos_t, sin_t = _rope_tables(S)

    perm = np.concatenate([np.arange(0, DR, 2), np.arange(1, DR, 2)])
    W_qr_d = W_qr.reshape(DCP, NH, DR)[:, :, perm].reshape(DCP, NH * DR)
    W_kr_d = W_kr[:, perm]

    qc, qr, kc, v, kr, gate_t = _ka(
        x2, W_c.astype(BF), W_cp.astype(BF), W_kr_d.astype(BF), W_igate.T,
        W_qc.astype(BF), W_qr_d.astype(BF), W_kc.astype(BF), W_v.astype(BF),
        cos_t, sin_t)

    attn = _kb(qc, qr, kc, kr, v)

    x_sel = _ksc(gate_t, x2)

    out = _kc(x_sel, W_iproj.astype(BF), W_sq, W_sk, W_sv,
              W_iout[:, :DV], attn, W_o.astype(BF))
    return out.reshape(B, S, HID)

# --- scband reference (transcript-rebuilt; emitter-appended) ---
"""Pipeline reference for scband-multihead-latent-attention-v3-2-13262859010626 (READ-ONLY COPY).

The authoritative reference and input builder live on the scoring server;
editing this copy changes nothing except your own understanding.
"""

import math
import jax, jax.numpy as jnp
import numpy as np

HID = 2048; NH = 16; DK = 128; DR = 64; DV = 128; DC = 512; DCP = 1536
INH = 8; IHD = 128; ITOPK = 8; MAXS = 2048


def _freqs(dim, end, base=10000.0):
    inv = 1.0 / (base ** (np.arange(0, dim, 2)[: dim // 2].astype(np.float32) / dim))
    t = np.arange(end, dtype=np.float32)
    f = np.outer(t, inv)
    return jnp.asarray(np.cos(f), dtype=jnp.float32), jnp.asarray(np.sin(f), dtype=jnp.float32)


def _rope(x, cos, sin):
    # x: [B, H, S, D]; cos/sin: [S, D//2]
    x1 = x[..., 0::2]
    x2 = x[..., 1::2]
    c = cos[None, None, :, :]
    s = sin[None, None, :, :]
    o1 = x1 * c - x2 * s
    o2 = x1 * s + x2 * c
    return jnp.stack([o1, o2], axis=-1).reshape(x.shape)


def setup_inputs(seed: int = 0) -> dict:
    key = jax.random.key(seed)
    ks = jax.random.split(key, 16)
    def w(k, shp):
        return jax.random.normal(k, shp, dtype=jnp.float32) * 0.02
    B, S = 1, 2048
    return {
        "x": jax.random.normal(ks[0], (B, S, HID), dtype=jnp.float32),
        "W_c": w(ks[1], (HID, DC)),
        "W_cp": w(ks[2], (HID, DCP)),
        "W_qc": w(ks[3], (DCP, NH * DK)),
        "W_qr": w(ks[4], (DCP, NH * DR)),
        "W_kc": w(ks[5], (DC, NH * DK)),
        "W_kr": w(ks[6], (HID, DR)),
        "W_v": w(ks[7], (DC, NH * DV)),
        "W_o": w(ks[8], (NH * DV, HID)),
        "W_iproj": w(ks[9], (HID, INH * IHD)),
        "W_igate": w(ks[10], (HID, INH)),
        "W_sq": w(ks[11], (IHD, IHD)),
        "W_sk": w(ks[12], (IHD, IHD)),
        "W_sv": w(ks[13], (IHD, IHD)),
        "W_iout": w(ks[14], (IHD, HID)),
    }


def _forward(x, W_c, W_cp, W_qc, W_qr, W_kc, W_kr, W_v, W_o,
             W_iproj, W_igate, W_sq, W_sk, W_sv, W_iout):
    B, S, _ = x.shape
    c = x @ W_c
    cp = x @ W_cp
    q_c = (cp @ W_qc).reshape(B, S, NH, DK).transpose(0, 2, 1, 3)
    k_c = (c @ W_kc).reshape(B, S, NH, DK).transpose(0, 2, 1, 3)
    q_r = (cp @ W_qr).reshape(B, S, NH, DR).transpose(0, 2, 1, 3)
    k_r = jnp.broadcast_to((x @ W_kr)[:, None, :, :], (B, NH, S, DR))
    v = (c @ W_v).reshape(B, S, NH, DV).transpose(0, 2, 1, 3)
    cos, sin = _freqs(DR, MAXS)
    q_r = _rope(q_r, cos[:S], sin[:S])
    k_r = _rope(k_r, cos[:S], sin[:S])
    q = jnp.concatenate([q_c, q_r], axis=-1)
    k = jnp.concatenate([k_c, k_r], axis=-1)
    scale = 1.0 / math.sqrt(DK + DR)
    scores = jnp.einsum('bhsd,bhtd->bhst', q, k) * scale
    causal = jnp.triu(jnp.ones((S, S), dtype=bool), k=1)
    scores = jnp.where(causal[None, None], -jnp.inf, scores)
    probs = jax.nn.softmax(scores.astype(jnp.float32), axis=-1)
    attn_out = jnp.einsum('bhst,bhtd->bhsd', probs, v)
    # Lightning Indexer (NSA)
    idx_states = (x @ W_iproj).reshape(B, S, INH, IHD)
    gate = x @ W_igate  # [B, S, INH]
    gate_t = gate.transpose(0, 2, 1)  # [B, INH, S]
    topv, topi = jax.lax.top_k(gate_t, ITOPK)  # [B, INH, K]
    ist = idx_states.transpose(0, 2, 1, 3)  # [B, INH, S, IHD]
    sel = jnp.take_along_axis(ist, topi[..., None], axis=2)  # [B, INH, K, IHD]
    bidx = jnp.arange(B)[:, None, None]
    hidx = jnp.arange(INH)[None, :, None]
    mask_h = jnp.zeros((B, INH, S), dtype=jnp.float32).at[bidx, hidx, topi].set(1.0)
    index_mask = jnp.any(mask_h > 0, axis=1)  # [B, S]
    index_states = sel.reshape(B, INH * ITOPK, IHD)
    # sparse attention over selected tokens
    sq = index_states @ W_sq
    sk = index_states @ W_sk
    sv = index_states @ W_sv
    s_scores = (sq @ sk.transpose(0, 2, 1)) / math.sqrt(IHD)
    s_probs = jax.nn.softmax(s_scores, axis=-1)
    s_out = s_probs @ sv  # [B, INH*K, IHD]
    sparse_output = s_out @ W_iout  # [B, INH*K, HID]
    index_output = sparse_output.reshape(B, INH, ITOPK, HID).mean(axis=2)  # [B, INH, HID]
    index_output = jnp.broadcast_to(index_output[:, :, None, :], (B, INH, S, HID))[..., :DV]
    rep = NH // INH
    index_output = jnp.repeat(index_output, rep, axis=1)  # [B, NH, S, DV]
    attn_out = attn_out + index_output
    out = attn_out.transpose(0, 2, 1, 3).reshape(B, S, NH * DV) @ W_o
    return out


def reference(x, W_c, W_cp, W_qc, W_qr, W_kc, W_kr, W_v, W_o,
              W_iproj, W_igate, W_sq, W_sk, W_sv, W_iout):
    return _forward(x, W_c, W_cp, W_qc, W_qr, W_kc, W_kr, W_v, W_o,
                    W_iproj, W_igate, W_sq, W_sk, W_sv, W_iout)

if __name__ == "__main__":
    import jax
    _d = setup_inputs()
    print(jax.jit(kernel)(*tuple(_d.values())))

</pallas_src>

<mosaic_0001>
#map = affine_map<(d0, d1) -> (0, 0)>
module attributes {stable_mosaic.version = 14 : i64} {
  func.func @_ksc_body(%arg0: i32, %arg1: i32, %arg2: memref<8x2048xf32, #tpu.memory_space<hbm>>, %arg3: memref<2048x2048xf32, #tpu.memory_space<hbm>>, %arg4: memref<64x2048xf32, #tpu.memory_space<hbm>>, %arg5: memref<2048xf32, #tpu.memory_space<vmem>>, %arg6: memref<16x2048xf32, #tpu.memory_space<vmem>>, %arg7: memref<!tpu.dma_semaphore, #tpu.memory_space<semaphore_mem>>) attributes {dimension_semantics = [#tpu.dimension_semantics<core_parallel>, #tpu.dimension_semantics<subcore_parallel>], iteration_bounds = array<i64: 2, 16>, scalar_prefetch = 0 : i64, scratch_operands = 3 : i64, tpu.core_type = #tpu.core_type<sc_vector_subcore>, window_params = [{transform_indices = #map}, {transform_indices = #map}, {transform_indices = #map}]} {
    %mul3A = arith.constant 2 : i32
    %mul3A_0 = arith.muli %arg1, %mul3A : i32
    %add3A = arith.addi %mul3A_0, %arg0 : i32
    %rem3A = arith.constant 8 : i32
    %rem3A_1 = arith.remsi %add3A, %rem3A : i32
    "tpu.region"() ({
      %run_scoped3A = tpu.sem_alloc : memref<!tpu.dma_semaphore, #tpu.memory_space<semaphore_mem>>
      %dma_start3A_706 = arith.constant 0 : i32
      %dma_start3A_707 = tpu.memref_slice %arg2[%rem3A_1, %dma_start3A_706] : memref<8x2048xf32, #tpu.memory_space<hbm>> -> memref<1x2048xf32, #tpu.memory_space<hbm>>
      %dma_start3A_708 = tpu.memref_squeeze %dma_start3A_707 : memref<1x2048xf32, #tpu.memory_space<hbm>> -> memref<2048xf32, #tpu.memory_space<hbm>>
      %dma_start3A_709 = arith.constant 0 : i32
      %dma_start3A_710 = tpu.memref_slice %arg2[%rem3A_1, %dma_start3A_709] : memref<8x2048xf32, #tpu.memory_space<hbm>> -> memref<1x2048xf32, #tpu.memory_space<hbm>>
      %dma_start3A_711 = tpu.memref_squeeze %dma_start3A_710 : memref<1x2048xf32, #tpu.memory_space<hbm>> -> memref<2048xf32, #tpu.memory_space<hbm>>
      tpu.enqueue_dma source(%dma_start3A_711 : memref<2048xf32, #tpu.memory_space<hbm>>) target(%arg5 : memref<2048xf32, #tpu.memory_space<vmem>>) target_semaphore(%run_scoped3A : memref<!tpu.dma_semaphore, #tpu.memory_space<semaphore_mem>>)
      %dma_wait3A_712 = arith.constant 0 : i32
      %dma_wait3A_713 = tpu.memref_slice %arg2[%rem3A_1, %dma_wait3A_712] : memref<8x2048xf32, #tpu.memory_space<hbm>> -> memref<1x2048xf32, #tpu.memory_space<hbm>>
      %dma_wait3A_714 = tpu.memref_squeeze %dma_wait3A_713 : memref<1x2048xf32, #tpu.memory_space<hbm>> -> memref<2048xf32, #tpu.memory_space<hbm>>
      %dma_wait3A_715 = arith.constant 0 : i32
      %dma_wait3A_716 = tpu.memref_slice %arg2[%rem3A_1, %dma_wait3A_715] : memref<8x2048xf32, #tpu.memory_space<hbm>> -> memref<1x2048xf32, #tpu.memory_space<hbm>>
      %dma_wait3A_717 = tpu.memref_squeeze %dma_wait3A_716 : memref<1x2048xf32, #tpu.memory_space<hbm>> -> memref<2048xf32, #tpu.memory_space<hbm>>
      tpu.wait_dma2 semaphore(%run_scoped3A : memref<!tpu.dma_semaphore, #tpu.memory_space<semaphore_mem>>) src(%dma_wait3A_717 : memref<2048xf32, #tpu.memory_space<hbm>>) dst(%arg5 : memref<2048xf32, #tpu.memory_space<vmem>>)
      tpu.yield
    }) : () -> ()
    %iota3A = tpu.iota {dimensions = array<i32: 0>} : vector<16xi32>
    %broadcast_in_dim3A = arith.constant 0 : i32
    %broadcast_in_dim3A_2 = vector.broadcast %broadcast_in_dim3A : i32 to vector<16xi32>
    %broadcast_in_dim3A_3 = arith.constant -3.000000e+38 : f32
    %broadcast_in_dim3A_4 = vector.broadcast %broadcast_in_dim3A_3 : f32 to vector<16xf32>
    %scan3A = arith.constant 0 : i32
    %scan3A_5 = arith.constant 32 : i32
    %scan3A_6 = arith.addi %scan3A, %scan3A_5 : i32
    %scan3A_7 = arith.constant 1 : i32
    %scan3A_8:2 = scf.for %scan3A_706 = %scan3A to %scan3A_6 step %scan3A_7 iter_args(%scan3A_707 = %broadcast_in_dim3A_4, %scan3A_708 = %broadcast_in_dim3A_2) -> (vector<16xf32>, vector<16xi32>)  : i32 {
      %mul3A_709 = arith.constant 4 : i32
      %mul3A_710 = arith.muli %scan3A_706, %mul3A_709 : i32
      %add3A_711 = arith.constant 0 : i32
      %add3A_712 = arith.addi %mul3A_710, %add3A_711 : i32
      %mul3A_713 = arith.constant 16 : i32
      %mul3A_714 = arith.muli %add3A_712, %mul3A_713 : i32
      %get3A = arith.index_cast %mul3A_714 : i32 to index
      %get3A_715 = tpu.vector_load %arg5[%get3A] {strides = array<i32>} : memref<2048xf32, #tpu.memory_space<vmem>>, vector<16xf32>,
      %get3A_716 = vector.shape_cast %get3A_715 : vector<16xf32> to vector<16xf32>
      %mul3A_717 = arith.constant 4 : i32
      %mul3A_718 = arith.muli %scan3A_706, %mul3A_717 : i32
      %add3A_719 = arith.constant 0 : i32
      %add3A_720 = arith.addi %mul3A_718, %add3A_719 : i32
      %mul3A_721 = arith.constant 16 : i32
      %mul3A_722 = arith.muli %add3A_720, %mul3A_721 : i32
      %add3A_723 = vector.broadcast %mul3A_722 : i32 to vector<16xi32>
      %add3A_724 = arith.addi %add3A_723, %iota3A : vector<16xi32>
      %gt3A_725 = arith.cmpf ogt, %get3A_716, %scan3A_707 : vector<16xf32>
      %select_n3A_726 = arith.select %gt3A_725, %get3A_716, %scan3A_707 : vector<16xi1>, vector<16xf32>
      %select_n3A_727 = arith.select %gt3A_725, %add3A_724, %scan3A_708 : vector<16xi1>, vector<16xi32>
      %mul3A_728 = arith.constant 4 : i32
      %mul3A_729 = arith.muli %scan3A_706, %mul3A_728 : i32
      %add3A_730 = arith.constant 1 : i32
      %add3A_731 = arith.addi %mul3A_729, %add3A_730 : i32
      %mul3A_732 = arith.constant 16 : i32
      %mul3A_733 = arith.muli %add3A_731, %mul3A_732 : i32
      %get3A_734 = arith.index_cast %mul3A_733 : i32 to index
      %get3A_735 = tpu.vector_load %arg5[%get3A_734] {strides = array<i32>} : memref<2048xf32, #tpu.memory_space<vmem>>, vector<16xf32>,
      %get3A_736 = vector.shape_cast %get3A_735 : vector<16xf32> to vector<16xf32>
      %mul3A_737 = arith.constant 4 : i32
      %mul3A_738 = arith.muli %scan3A_706, %mul3A_737 : i32
      %add3A_739 = arith.constant 1 : i32
      %add3A_740 = arith.addi %mul3A_738, %add3A_739 : i32
      %mul3A_741 = arith.constant 16 : i32
      %mul3A_742 = arith.muli %add3A_740, %mul3A_741 : i32
      %add3A_743 = vector.broadcast %mul3A_742 : i32 to vector<16xi32>
      %add3A_744 = arith.addi %add3A_743, %iota3A : vector<16xi32>
      %gt3A_745 = arith.cmpf ogt, %get3A_736, %select_n3A_726 : vector<16xf32>
      %select_n3A_746 = arith.select %gt3A_745, %get3A_736, %select_n3A_726 : vector<16xi1>, vector<16xf32>
      %select_n3A_747 = arith.select %gt3A_745, %add3A_744, %select_n3A_727 : vector<16xi1>, vector<16xi32>
      %mul3A_748 = arith.constant 4 : i32
      %mul3A_749 = arith.muli %scan3A_706, %mul3A_748 : i32
      %add3A_750 = arith.constant 2 : i32
      %add3A_751 = arith.addi %mul3A_749, %add3A_750 : i32
      %mul3A_752 = arith.constant 16 : i32
      %mul3A_753 = arith.muli %add3A_751, %mul3A_752 : i32
      %get3A_754 = arith.index_cast %mul3A_753 : i32 to index
      %get3A_755 = tpu.vector_load %arg5[%get3A_754] {strides = array<i32>} : memref<2048xf32, #tpu.memory_space<vmem>>, vector<16xf32>,
      %get3A_756 = vector.shape_cast %get3A_755 : vector<16xf32> to vector<16xf32>
      %mul3A_757 = arith.constant 4 : i32
      %mul3A_758 = arith.muli %scan3A_706, %mul3A_757 : i32
      %add3A_759 = arith.constant 2 : i32
      %add3A_760 = arith.addi %mul3A_758, %add3A_759 : i32
      %mul3A_761 = arith.constant 16 : i32
      %mul3A_762 = arith.muli %add3A_760, %mul3A_761 : i32
      %add3A_763 = vector.broadcast %mul3A_762 : i32 to vector<16xi32>
      %add3A_764 = arith.addi %add3A_763, %iota3A : vector<16xi32>
      %gt3A_765 = arith.cmpf ogt, %get3A_756, %select_n3A_746 : vector<16xf32>
      %select_n3A_766 = arith.select %gt3A_765, %get3A_756, %select_n3A_746 : vector<16xi1>, vector<16xf32>
      %select_n3A_767 = arith.select %gt3A_765, %add3A_764, %select_n3A_747 : vector<16xi1>, vector<16xi32>
      %mul3A_768 = arith.constant 4 : i32
      %mul3A_769 = arith.muli %scan3A_706, %mul3A_768 : i32
      %add3A_770 = arith.constant 3 : i32
      %add3A_771 = arith.addi %mul3A_769, %add3A_770 : i32
      %mul3A_772 = arith.constant 16 : i32
      %mul3A_773 = arith.muli %add3A_771, %mul3A_772 : i32
      %get3A_774 = arith.index_cast %mul3A_773 : i32 to index
      %get3A_775 = tpu.vector_load %arg5[%get3A_774] {strides = array<i32>} : memref<2048xf32, #tpu.memory_space<vmem>>, vector<16xf32>,
      %get3A_776 = vector.shape_cast %get3A_775 : vector<16xf32> to vector<16xf32>
      %mul3A_777 = arith.constant 4 : i32
      %mul3A_778 = arith.muli %scan3A_706, %mul3A_777 : i32
      %add3A_779 = arith.constant 3 : i32
      %add3A_780 = arith.addi %mul3A_778, %add3A_779 : i32
      %mul3A_781 = arith.constant 16 : i32
      %mul3A_782 = arith.muli %add3A_780, %mul3A_781 : i32
      %add3A_783 = vector.broadcast %mul3A_782 : i32 to vector<16xi32>
      %add3A_784 = arith.addi %add3A_783, %iota3A : vector<16xi32>
      %gt3A_785 = arith.cmpf ogt, %get3A_776, %select_n3A_766 : vector<16xf32>
      %select_n3A_786 = arith.select %gt3A_785, %get3A_776, %select_n3A_766 : vector<16xi1>, vector<16xf32>
      %select_n3A_787 = arith.select %gt3A_785, %add3A_784, %select_n3A_767 : vector<16xi1>, vector<16xi32>
      scf.yield %select_n3A_786, %select_n3A_787 : vector<16xf32>, vector<16xi32>
    }
    %scan3A_9 = arith.constant 32 : i32
    %add3A_10 = arith.constant 8 : i32
    %add3A_11 = vector.broadcast %add3A_10 : i32 to vector<16xi32>
    %add3A_12 = arith.addi %iota3A, %add3A_11 : vector<16xi32>
    %and3A = arith.constant 15 : i32
    %and3A_13 = vector.broadcast %and3A : i32 to vector<16xi32>
    %and3A_14 = arith.andi %add3A_12, %and3A_13 : vector<16xi32>
    %broadcast_in_dim3A_15 = vector.shape_cast %and3A_14 : vector<16xi32> to vector<16x1xi32>
    %gather3A = vector.shape_cast %broadcast_in_dim3A_15 : vector<16x1xi32> to vector<16xi32>
    %gather3A_16 = tpu.dynamic_gather %scan3A_8#0[%gather3A] in [0] : vector<16xf32>, vector<16xi32> -> vector<16xf32>
    %broadcast_in_dim3A_17 = vector.shape_cast %and3A_14 : vector<16xi32> to vector<16x1xi32>
    %gather3A_18 = vector.shape_cast %broadcast_in_dim3A_17 : vector<16x1xi32> to vector<16xi32>
    %gather3A_19 = tpu.dynamic_gather %scan3A_8#1[%gather3A_18] in [0] : vector<16xi32>, vector<16xi32> -> vector<16xi32>
    %gt3A = arith.cmpf ogt, %gather3A_16, %scan3A_8#0 : vector<16xf32>
    %eq3A = arith.cmpf oeq, %gather3A_16, %scan3A_8#0 : vector<16xf32>
    %lt3A = arith.cmpi slt, %gather3A_19, %scan3A_8#1 : vector<16xi32>
    %and3A_20 = arith.andi %eq3A, %lt3A : vector<16xi1>
    %or3A = arith.ori %gt3A, %and3A_20 : vector<16xi1>
    %select_n3A = arith.select %or3A, %gather3A_16, %scan3A_8#0 : vector<16xi1>, vector<16xf32>
    %select_n3A_21 = arith.select %or3A, %gather3A_19, %scan3A_8#1 : vector<16xi1>, vector<16xi32>
    %add3A_22 = arith.constant 4 : i32
    %add3A_23 = vector.broadcast %add3A_22 : i32 to vector<16xi32>
    %add3A_24 = arith.addi %iota3A, %add3A_23 : vector<16xi32>
    %and3A_25 = arith.constant 15 : i32
    %and3A_26 = vector.broadcast %and3A_25 : i32 to vector<16xi32>
    %and3A_27 = arith.andi %add3A_24, %and3A_26 : vector<16xi32>
    %broadcast_in_dim3A_28 = vector.shape_cast %and3A_27 : vector<16xi32> to vector<16x1xi32>
    %gather3A_29 = vector.shape_cast %broadcast_in_dim3A_28 : vector<16x1xi32> to vector<16xi32>
    %gather3A_30 = tpu.dynamic_gather %select_n3A[%gather3A_29] in [0] : vector<16xf32>, vector<16xi32> -> vector<16xf32>
    %broadcast_in_dim3A_31 = vector.shape_cast %and3A_27 : vector<16xi32> to vector<16x1xi32>
    %gather3A_32 = vector.shape_cast %broadcast_in_dim3A_31 : vector<16x1xi32> to vector<16xi32>
    %gather3A_33 = tpu.dynamic_gather %select_n3A_21[%gather3A_32] in [0] : vector<16xi32>, vector<16xi32> -> vector<16xi32>
    %gt3A_34 = arith.cmpf ogt, %gather3A_30, %select_n3A : vector<16xf32>
    %eq3A_35 = arith.cmpf oeq, %gather3A_30, %select_n3A : vector<16xf32>
    %lt3A_36 = arith.cmpi slt, %gather3A_33, %select_n3A_21 : vector<16xi32>
    %and3A_37 = arith.andi %eq3A_35, %lt3A_36 : vector<16xi1>
    %or3A_38 = arith.ori %gt3A_34, %and3A_37 : vector<16xi1>
    %select_n3A_39 = arith.select %or3A_38, %gather3A_30, %select_n3A : vector<16xi1>, vector<16xf32>
    %select_n3A_40 = arith.select %or3A_38, %gather3A_33, %select_n3A_21 : vector<16xi1>, vector<16xi32>
    %add3A_41 = arith.constant 2 : i32
    %add3A_42 = vector.broadcast %add3A_41 : i32 to vector<16xi32>
    %add3A_43 = arith.addi %iota3A, %add3A_42 : vector<16xi32>
    %and3A_44 = arith.constant 15 : i32
    %and3A_45 = vector.broadcast %and3A_44 : i32 to vector<16xi32>
    %and3A_46 = arith.andi %add3A_43, %and3A_45 : vector<16xi32>
    %broadcast_in_dim3A_47 = vector.shape_cast %and3A_46 : vector<16xi32> to vector<16x1xi32>
    %gather3A_48 = vector.shape_cast %broadcast_in_dim3A_47 : vector<16x1xi32> to vector<16xi32>
    %gather3A_49 = tpu.dynamic_gather %select_n3A_39[%gather3A_48] in [0] : vector<16xf32>, vector<16xi32> -> vector<16xf32>
    %broadcast_in_dim3A_50 = vector.shape_cast %and3A_46 : vector<16xi32> to vector<16x1xi32>
    %gather3A_51 = vector.shape_cast %broadcast_in_dim3A_50 : vector<16x1xi32> to vector<16xi32>
    %gather3A_52 = tpu.dynamic_gather %select_n3A_40[%gather3A_51] in [0] : vector<16xi32>, vector<16xi32> -> vector<16xi32>
    %gt3A_53 = arith.cmpf ogt, %gather3A_49, %select_n3A_39 : vector<16xf32>
    %eq3A_54 = arith.cmpf oeq, %gather3A_49, %select_n3A_39 : vector<16xf32>
    %lt3A_55 = arith.cmpi slt, %gather3A_52, %select_n3A_40 : vector<16xi32>
    %and3A_56 = arith.andi %eq3A_54, %lt3A_55 : vector<16xi1>
    %or3A_57 = arith.ori %gt3A_53, %and3A_56 : vector<16xi1>
    %select_n3A_58 = arith.select %or3A_57, %gather3A_49, %select_n3A_39 : vector<16xi1>, vector<16xf32>
    %select_n3A_59 = arith.select %or3A_57, %gather3A_52, %select_n3A_40 : vector<16xi1>, vector<16xi32>
    %add3A_60 = arith.constant 1 : i32
    %add3A_61 = vector.broadcast %add3A_60 : i32 to vector<16xi32>
    %add3A_62 = arith.addi %iota3A, %add3A_61 : vector<16xi32>
    %and3A_63 = arith.constant 15 : i32
    %and3A_64 = vector.broadcast %and3A_63 : i32 to vector<16xi32>
    %and3A_65 = arith.andi %add3A_62, %and3A_64 : vector<16xi32>
    %broadcast_in_dim3A_66 = vector.shape_cast %and3A_65 : vector<16xi32> to vector<16x1xi32>
    %gather3A_67 = vector.shape_cast %broadcast_in_dim3A_66 : vector<16x1xi32> to vector<16xi32>
    %gather3A_68 = tpu.dynamic_gather %select_n3A_58[%gather3A_67] in [0] : vector<16xf32>, vector<16xi32> -> vector<16xf32>
    %broadcast_in_dim3A_69 = vector.shape_cast %and3A_65 : vector<16xi32> to vector<16x1xi32>
    %gather3A_70 = vector.shape_cast %broadcast_in_dim3A_69 : vector<16x1xi32> to vector<16xi32>
    %gather3A_71 = tpu.dynamic_gather %select_n3A_59[%gather3A_70] in [0] : vector<16xi32>, vector<16xi32> -> vector<16xi32>
    %gt3A_72 = arith.cmpf ogt, %gather3A_68, %select_n3A_58 : vector<16xf32>
    %eq3A_73 = arith.cmpf oeq, %gather3A_68, %select_n3A_58 : vector<16xf32>
    %lt3A_74 = arith.cmpi slt, %gather3A_71, %select_n3A_59 : vector<16xi32>
    %and3A_75 = arith.andi %eq3A_73, %lt3A_74 : vector<16xi1>
    %or3A_76 = arith.ori %gt3A_72, %and3A_75 : vector<16xi1>
    %select_n3A_77 = arith.select %or3A_76, %gather3A_68, %select_n3A_58 : vector<16xi1>, vector<16xf32>
    %select_n3A_78 = arith.select %or3A_76, %gather3A_71, %select_n3A_59 : vector<16xi1>, vector<16xi32>
    %eq3A_79 = arith.constant 0 : i32
    %eq3A_80 = vector.broadcast %eq3A_79 : i32 to vector<16xi32>
    %eq3A_81 = arith.cmpi eq, %iota3A, %eq3A_80 : vector<16xi32>
    %select_n3A_82 = arith.select %eq3A_81, %select_n3A_78, %broadcast_in_dim3A_2 : vector<16xi1>, vector<16xi32>
    %broadcast_in_dim3A_83 = arith.constant -3.000000e+38 : f32
    %broadcast_in_dim3A_84 = vector.broadcast %broadcast_in_dim3A_83 : f32 to vector<16xf32>
    %scan3A_85 = arith.constant 0 : i32
    %scan3A_86 = arith.constant 32 : i32
    %scan3A_87 = arith.addi %scan3A_85, %scan3A_86 : i32
    %scan3A_88 = arith.constant 1 : i32
    %scan3A_89:2 = scf.for %scan3A_706 = %scan3A_85 to %scan3A_87 step %scan3A_88 iter_args(%scan3A_707 = %broadcast_in_dim3A_84, %scan3A_708 = %broadcast_in_dim3A_2) -> (vector<16xf32>, vector<16xi32>)  : i32 {
      %mul3A_709 = arith.constant 4 : i32
      %mul3A_710 = arith.muli %scan3A_706, %mul3A_709 : i32
      %add3A_711 = arith.constant 0 : i32
      %add3A_712 = arith.addi %mul3A_710, %add3A_711 : i32
      %mul3A_713 = arith.constant 16 : i32
      %mul3A_714 = arith.muli %add3A_712, %mul3A_713 : i32
      %get3A = arith.index_cast %mul3A_714 : i32 to index
      %get3A_715 = tpu.vector_load %arg5[%get3A] {strides = array<i32>} : memref<2048xf32, #tpu.memory_space<vmem>>, vector<16xf32>,
      %get3A_716 = vector.shape_cast %get3A_715 : vector<16xf32> to vector<16xf32>
      %mul3A_717 = arith.constant 4 : i32
      %mul3A_718 = arith.muli %scan3A_706, %mul3A_717 : i32
      %add3A_719 = arith.constant 0 : i32
      %add3A_720 = arith.addi %mul3A_718, %add3A_719 : i32
      %mul3A_721 = arith.constant 16 : i32
      %mul3A_722 = arith.muli %add3A_720, %mul3A_721 : i32
      %add3A_723 = vector.broadcast %mul3A_722 : i32 to vector<16xi32>
      %add3A_724 = arith.addi %add3A_723, %iota3A : vector<16xi32>
      %eq3A_725 = arith.cmpi eq, %add3A_724, %select_n3A_78 : vector<16xi32>
      %jit3A = arith.constant -3.000000e+38 : f32
      %broadcast_in_dim3A_726 = vector.broadcast %jit3A : f32 to vector<16xf32>
      %select_n3A_727 = arith.select %eq3A_725, %broadcast_in_dim3A_726, %get3A_716 : vector<16xi1>, vector<16xf32>
      %gt3A_728 = arith.cmpf ogt, %select_n3A_727, %scan3A_707 : vector<16xf32>
      %select_n3A_729 = arith.select %gt3A_728, %select_n3A_727, %scan3A_707 : vector<16xi1>, vector<16xf32>
      %select_n3A_730 = arith.select %gt3A_728, %add3A_724, %scan3A_708 : vector<16xi1>, vector<16xi32>
      %mul3A_731 = arith.constant 4 : i32
      %mul3A_732 = arith.muli %scan3A_706, %mul3A_731 : i32
      %add3A_733 = arith.constant 1 : i32
      %add3A_734 = arith.addi %mul3A_732, %add3A_733 : i32
      %mul3A_735 = arith.constant 16 : i32
      %mul3A_736 = arith.muli %add3A_734, %mul3A_735 : i32
      %get3A_737 = arith.index_cast %mul3A_736 : i32 to index
      %get3A_738 = tpu.vector_load %arg5[%get3A_737] {strides = array<i32>} : memref<2048xf32, #tpu.memory_space<vmem>>, vector<16xf32>,
      %get3A_739 = vector.shape_cast %get3A_738 : vector<16xf32> to vector<16xf32>
      %mul3A_740 = arith.constant 4 : i32
      %mul3A_741 = arith.muli %scan3A_706, %mul3A_740 : i32
      %add3A_742 = arith.constant 1 : i32
      %add3A_743 = arith.addi %mul3A_741, %add3A_742 : i32
      %mul3A_744 = arith.constant 16 : i32
      %mul3A_745 = arith.muli %add3A_743, %mul3A_744 : i32
      %add3A_746 = vector.broadcast %mul3A_745 : i32 to vector<16xi32>
      %add3A_747 = arith.addi %add3A_746, %iota3A : vector<16xi32>
      %eq3A_748 = arith.cmpi eq, %add3A_747, %select_n3A_78 : vector<16xi32>
      %jit3A_749 = arith.constant -3.000000e+38 : f32
      %broadcast_in_dim3A_750 = vector.broadcast %jit3A_749 : f32 to vector<16xf32>
      %select_n3A_751 = arith.select %eq3A_748, %broadcast_in_dim3A_750, %get3A_739 : vector<16xi1>, vector<16xf32>
      %gt3A_752 = arith.cmpf ogt, %select_n3A_751, %select_n3A_729 : vector<16xf32>
      %select_n3A_753 = arith.select %gt3A_752, %select_n3A_751, %select_n3A_729 : vector<16xi1>, vector<16xf32>
      %select_n3A_754 = arith.select %gt3A_752, %add3A_747, %select_n3A_730 : vector<16xi1>, vector<16xi32>
      %mul3A_755 = arith.constant 4 : i32
      %mul3A_756 = arith.muli %scan3A_706, %mul3A_755 : i32
      %add3A_757 = arith.constant 2 : i32
      %add3A_758 = arith.addi %mul3A_756, %add3A_757 : i32
      %mul3A_759 = arith.constant 16 : i32
      %mul3A_760 = arith.muli %add3A_758, %mul3A_759 : i32
      %get3A_761 = arith.index_cast %mul3A_760 : i32 to index
      %get3A_762 = tpu.vector_load %arg5[%get3A_761] {strides = array<i32>} : memref<2048xf32, #tpu.memory_space<vmem>>, vector<16xf32>,
      %get3A_763 = vector.shape_cast %get3A_762 : vector<16xf32> to vector<16xf32>
      %mul3A_764 = arith.constant 4 : i32
      %mul3A_765 = arith.muli %scan3A_706, %mul3A_764 : i32
      %add3A_766 = arith.constant 2 : i32
      %add3A_767 = arith.addi %mul3A_765, %add3A_766 : i32
      %mul3A_768 = arith.constant 16 : i32
      %mul3A_769 = arith.muli %add3A_767, %mul3A_768 : i32
      %add3A_770 = vector.broadcast %mul3A_769 : i32 to vector<16xi32>
      %add3A_771 = arith.addi %add3A_770, %iota3A : vector<16xi32>
      %eq3A_772 = arith.cmpi eq, %add3A_771, %select_n3A_78 : vector<16xi32>
      %jit3A_773 = arith.constant -3.000000e+38 : f32
      %broadcast_in_dim3A_774 = vector.broadcast %jit3A_773 : f32 to vector<16xf32>
      %select_n3A_775 = arith.select %eq3A_772, %broadcast_in_dim3A_774, %get3A_763 : vector<16xi1>, vector<16xf32>
      %gt3A_776 = arith.cmpf ogt, %select_n3A_775, %select_n3A_753 : vector<16xf32>
      %select_n3A_777 = arith.select %gt3A_776, %select_n3A_775, %select_n3A_753 : vector<16xi1>, vector<16xf32>
      %select_n3A_778 = arith.select %gt3A_776, %add3A_771, %select_n3A_754 : vector<16xi1>, vector<16xi32>
      %mul3A_779 = arith.constant 4 : i32
      %mul3A_780 = arith.muli %scan3A_706, %mul3A_779 : i32
      %add3A_781 = arith.constant 3 : i32
      %add3A_782 = arith.addi %mul3A_780, %add3A_781 : i32
      %mul3A_783 = arith.constant 16 : i32
      %mul3A_784 = arith.muli %add3A_782, %mul3A_783 : i32
      %get3A_785 = arith.index_cast %mul3A_784 : i32 to index
      %get3A_786 = tpu.vector_load %arg5[%get3A_785] {strides = array<i32>} : memref<2048xf32, #tpu.memory_space<vmem>>, vector<16xf32>,
      %get3A_787 = vector.shape_cast %get3A_786 : vector<16xf32> to vector<16xf32>
      %mul3A_788 = arith.constant 4 : i32
      %mul3A_789 = arith.muli %scan3A_706, %mul3A_788 : i32
      %add3A_790 = arith.constant 3 : i32
      %add3A_791 = arith.addi %mul3A_789, %add3A_790 : i32
      %mul3A_792 = arith.constant 16 : i32
      %mul3A_793 = arith.muli %add3A_791, %mul3A_792 : i32
      %add3A_794 = vector.broadcast %mul3A_793 : i32 to vector<16xi32>
      %add3A_795 = arith.addi %add3A_794, %iota3A : vector<16xi32>
      %eq3A_796 = arith.cmpi eq, %add3A_795, %select_n3A_78 : vector<16xi32>
      %jit3A_797 = arith.constant -3.000000e+38 : f32
      %broadcast_in_dim3A_798 = vector.broadcast %jit3A_797 : f32 to vector<16xf32>
      %select_n3A_799 = arith.select %eq3A_796, %broadcast_in_dim3A_798, %get3A_787 : vector<16xi1>, vector<16xf32>
      %gt3A_800 = arith.cmpf ogt, %select_n3A_799, %select_n3A_777 : vector<16xf32>
      %select_n3A_801 = arith.select %gt3A_800, %select_n3A_799, %select_n3A_777 : vector<16xi1>, vector<16xf32>
      %select_n3A_802 = arith.select %gt3A_800, %add3A_795, %select_n3A_778 : vector<16xi1>, vector<16xi32>
      scf.yield %select_n3A_801, %select_n3A_802 : vector<16xf32>, vector<16xi32>
    }
    %scan3A_90 = arith.constant 32 : i32
    %add3A_91 = arith.constant 8 : i32
    %add3A_92 = vector.broadcast %add3A_91 : i32 to vector<16xi32>
    %add3A_93 = arith.addi %iota3A, %add3A_92 : vector<16xi32>
    %and3A_94 = arith.constant 15 : i32
    %and3A_95 = vector.broadcast %and3A_94 : i32 to vector<16xi32>
    %and3A_96 = arith.andi %add3A_93, %and3A_95 : vector<16xi32>
    %broadcast_in_dim3A_97 = vector.shape_cast %and3A_96 : vector<16xi32> to vector<16x1xi32>
    %gather3A_98 = vector.shape_cast %broadcast_in_dim3A_97 : vector<16x1xi32> to vector<16xi32>
    %gather3A_99 = tpu.dynamic_gather %scan3A_89#0[%gather3A_98] in [0] : vector<16xf32>, vector<16xi32> -> vector<16xf32>
    %broadcast_in_dim3A_100 = vector.shape_cast %and3A_96 : vector<16xi32> to vector<16x1xi32>
    %gather3A_101 = vector.shape_cast %broadcast_in_dim3A_100 : vector<16x1xi32> to vector<16xi32>
    %gather3A_102 = tpu.dynamic_gather %scan3A_89#1[%gather3A_101] in [0] : vector<16xi32>, vector<16xi32> -> vector<16xi32>
    %gt3A_103 = arith.cmpf ogt, %gather3A_99, %scan3A_89#0 : vector<16xf32>
    %eq3A_104 = arith.cmpf oeq, %gather3A_99, %scan3A_89#0 : vector<16xf32>
    %lt3A_105 = arith.cmpi slt, %gather3A_102, %scan3A_89#1 : vector<16xi32>
    %and3A_106 = arith.andi %eq3A_104, %lt3A_105 : vector<16xi1>
    %or3A_107 = arith.ori %gt3A_103, %and3A_106 : vector<16xi1>
    %select_n3A_108 = arith.select %or3A_107, %gather3A_99, %scan3A_89#0 : vector<16xi1>, vector<16xf32>
    %select_n3A_109 = arith.select %or3A_107, %gather3A_102, %scan3A_89#1 : vector<16xi1>, vector<16xi32>
    %add3A_110 = arith.constant 4 : i32
    %add3A_111 = vector.broadcast %add3A_110 : i32 to vector<16xi32>
    %add3A_112 = arith.addi %iota3A, %add3A_111 : vector<16xi32>
    %and3A_113 = arith.constant 15 : i32
    %and3A_114 = vector.broadcast %and3A_113 : i32 to vector<16xi32>
    %and3A_115 = arith.andi %add3A_112, %and3A_114 : vector<16xi32>
    %broadcast_in_dim3A_116 = vector.shape_cast %and3A_115 : vector<16xi32> to vector<16x1xi32>
    %gather3A_117 = vector.shape_cast %broadcast_in_dim3A_116 : vector<16x1xi32> to vector<16xi32>
    %gather3A_118 = tpu.dynamic_gather %select_n3A_108[%gather3A_117] in [0] : vector<16xf32>, vector<16xi32> -> vector<16xf32>
    %broadcast_in_dim3A_119 = vector.shape_cast %and3A_115 : vector<16xi32> to vector<16x1xi32>
    %gather3A_120 = vector.shape_cast %broadcast_in_dim3A_119 : vector<16x1xi32> to vector<16xi32>
    %gather3A_121 = tpu.dynamic_gather %select_n3A_109[%gather3A_120] in [0] : vector<16xi32>, vector<16xi32> -> vector<16xi32>
    %gt3A_122 = arith.cmpf ogt, %gather3A_118, %select_n3A_108 : vector<16xf32>
    %eq3A_123 = arith.cmpf oeq, %gather3A_118, %select_n3A_108 : vector<16xf32>
    %lt3A_124 = arith.cmpi slt, %gather3A_121, %select_n3A_109 : vector<16xi32>
    %and3A_125 = arith.andi %eq3A_123, %lt3A_124 : vector<16xi1>
    %or3A_126 = arith.ori %gt3A_122, %and3A_125 : vector<16xi1>
    %select_n3A_127 = arith.select %or3A_126, %gather3A_118, %select_n3A_108 : vector<16xi1>, vector<16xf32>
    %select_n3A_128 = arith.select %or3A_126, %gather3A_121, %select_n3A_109 : vector<16xi1>, vector<16xi32>
    %add3A_129 = arith.constant 2 : i32
    %add3A_130 = vector.broadcast %add3A_129 : i32 to vector<16xi32>
    %add3A_131 = arith.addi %iota3A, %add3A_130 : vector<16xi32>
    %and3A_132 = arith.constant 15 : i32
    %and3A_133 = vector.broadcast %and3A_132 : i32 to vector<16xi32>
    %and3A_134 = arith.andi %add3A_131, %and3A_133 : vector<16xi32>
    %broadcast_in_dim3A_135 = vector.shape_cast %and3A_134 : vector<16xi32> to vector<16x1xi32>
    %gather3A_136 = vector.shape_cast %broadcast_in_dim3A_135 : vector<16x1xi32> to vector<16xi32>
    %gather3A_137 = tpu.dynamic_gather %select_n3A_127[%gather3A_136] in [0] : vector<16xf32>, vector<16xi32> -> vector<16xf32>
    %broadcast_in_dim3A_138 = vector.shape_cast %and3A_134 : vector<16xi32> to vector<16x1xi32>
    %gather3A_139 = vector.shape_cast %broadcast_in_dim3A_138 : vector<16x1xi32> to vector<16xi32>
    %gather3A_140 = tpu.dynamic_gather %select_n3A_128[%gather3A_139] in [0] : vector<16xi32>, vector<16xi32> -> vector<16xi32>
    %gt3A_141 = arith.cmpf ogt, %gather3A_137, %select_n3A_127 : vector<16xf32>
    %eq3A_142 = arith.cmpf oeq, %gather3A_137, %select_n3A_127 : vector<16xf32>
    %lt3A_143 = arith.cmpi slt, %gather3A_140, %select_n3A_128 : vector<16xi32>
    %and3A_144 = arith.andi %eq3A_142, %lt3A_143 : vector<16xi1>
    %or3A_145 = arith.ori %gt3A_141, %and3A_144 : vector<16xi1>
    %select_n3A_146 = arith.select %or3A_145, %gather3A_137, %select_n3A_127 : vector<16xi1>, vector<16xf32>
    %select_n3A_147 = arith.select %or3A_145, %gather3A_140, %select_n3A_128 : vector<16xi1>, vector<16xi32>
    %add3A_148 = arith.constant 1 : i32
    %add3A_149 = vector.broadcast %add3A_148 : i32 to vector<16xi32>
    %add3A_150 = arith.addi %iota3A, %add3A_149 : vector<16xi32>
    %and3A_151 = arith.constant 15 : i32
    %and3A_152 = vector.broadcast %and3A_151 : i32 to vector<16xi32>
    %and3A_153 = arith.andi %add3A_150, %and3A_152 : vector<16xi32>
    %broadcast_in_dim3A_154 = vector.shape_cast %and3A_153 : vector<16xi32> to vector<16x1xi32>
    %gather3A_155 = vector.shape_cast %broadcast_in_dim3A_154 : vector<16x1xi32> to vector<16xi32>
    %gather3A_156 = tpu.dynamic_gather %select_n3A_146[%gather3A_155] in [0] : vector<16xf32>, vector<16xi32> -> vector<16xf32>
    %broadcast_in_dim3A_157 = vector.shape_cast %and3A_153 : vector<16xi32> to vector<16x1xi32>
    %gather3A_158 = vector.shape_cast %broadcast_in_dim3A_157 : vector<16x1xi32> to vector<16xi32>
    %gather3A_159 = tpu.dynamic_gather %select_n3A_147[%gather3A_158] in [0] : vector<16xi32>, vector<16xi32> -> vector<16xi32>
    %gt3A_160 = arith.cmpf ogt, %gather3A_156, %select_n3A_146 : vector<16xf32>
    %eq3A_161 = arith.cmpf oeq, %gather3A_156, %select_n3A_146 : vector<16xf32>
    %lt3A_162 = arith.cmpi slt, %gather3A_159, %select_n3A_147 : vector<16xi32>
    %and3A_163 = arith.andi %eq3A_161, %lt3A_162 : vector<16xi1>
    %or3A_164 = arith.ori %gt3A_160, %and3A_163 : vector<16xi1>
    %select_n3A_165 = arith.select %or3A_164, %gather3A_156, %select_n3A_146 : vector<16xi1>, vector<16xf32>
    %select_n3A_166 = arith.select %or3A_164, %gather3A_159, %select_n3A_147 : vector<16xi1>, vector<16xi32>
    %eq3A_167 = arith.constant 1 : i32
    %eq3A_168 = vector.broadcast %eq3A_167 : i32 to vector<16xi32>
    %eq3A_169 = arith.cmpi eq, %iota3A, %eq3A_168 : vector<16xi32>
    %select_n3A_170 = arith.select %eq3A_169, %select_n3A_166, %select_n3A_82 : vector<16xi1>, vector<16xi32>
    %broadcast_in_dim3A_171 = arith.constant -3.000000e+38 : f32
    %broadcast_in_dim3A_172 = vector.broadcast %broadcast_in_dim3A_171 : f32 to vector<16xf32>
    %scan3A_173 = arith.constant 0 : i32
    %scan3A_174 = arith.constant 32 : i32
    %scan3A_175 = arith.addi %scan3A_173, %scan3A_174 : i32
    %scan3A_176 = arith.constant 1 : i32
    %scan3A_177:2 = scf.for %scan3A_706 = %scan3A_173 to %scan3A_175 step %scan3A_176 iter_args(%scan3A_707 = %broadcast_in_dim3A_172, %scan3A_708 = %broadcast_in_dim3A_2) -> (vector<16xf32>, vector<16xi32>)  : i32 {
      %mul3A_709 = arith.constant 4 : i32
      %mul3A_710 = arith.muli %scan3A_706, %mul3A_709 : i32
      %add3A_711 = arith.constant 0 : i32
      %add3A_712 = arith.addi %mul3A_710, %add3A_711 : i32
      %mul3A_713 = arith.constant 16 : i32
      %mul3A_714 = arith.muli %add3A_712, %mul3A_713 : i32
      %get3A = arith.index_cast %mul3A_714 : i32 to index
      %get3A_715 = tpu.vector_load %arg5[%get3A] {strides = array<i32>} : memref<2048xf32, #tpu.memory_space<vmem>>, vector<16xf32>,
      %get3A_716 = vector.shape_cast %get3A_715 : vector<16xf32> to vector<16xf32>
      %mul3A_717 = arith.constant 4 : i32
      %mul3A_718 = arith.muli %scan3A_706, %mul3A_717 : i32
      %add3A_719 = arith.constant 0 : i32
      %add3A_720 = arith.addi %mul3A_718, %add3A_719 : i32
      %mul3A_721 = arith.constant 16 : i32
      %mul3A_722 = arith.muli %add3A_720, %mul3A_721 : i32
      %add3A_723 = vector.broadcast %mul3A_722 : i32 to vector<16xi32>
      %add3A_724 = arith.addi %add3A_723, %iota3A : vector<16xi32>
      %eq3A_725 = arith.cmpi eq, %add3A_724, %select_n3A_78 : vector<16xi32>
      %jit3A = arith.constant -3.000000e+38 : f32
      %broadcast_in_dim3A_726 = vector.broadcast %jit3A : f32 to vector<16xf32>
      %select_n3A_727 = arith.select %eq3A_725, %broadcast_in_dim3A_726, %get3A_716 : vector<16xi1>, vector<16xf32>
      %eq3A_728 = arith.cmpi eq, %add3A_724, %select_n3A_166 : vector<16xi32>
      %jit3A_729 = arith.constant -3.000000e+38 : f32
      %broadcast_in_dim3A_730 = vector.broadcast %jit3A_729 : f32 to vector<16xf32>
      %select_n3A_731 = arith.select %eq3A_728, %broadcast_in_dim3A_730, %select_n3A_727 : vector<16xi1>, vector<16xf32>
      %gt3A_732 = arith.cmpf ogt, %select_n3A_731, %scan3A_707 : vector<16xf32>
      %select_n3A_733 = arith.select %gt3A_732, %select_n3A_731, %scan3A_707 : vector<16xi1>, vector<16xf32>
      %select_n3A_734 = arith.select %gt3A_732, %add3A_724, %scan3A_708 : vector<16xi1>, vector<16xi32>
      %mul3A_735 = arith.constant 4 : i32
      %mul3A_736 = arith.muli %scan3A_706, %mul3A_735 : i32
      %add3A_737 = arith.constant 1 : i32
      %add3A_738 = arith.addi %mul3A_736, %add3A_737 : i32
      %mul3A_739 = arith.constant 16 : i32
      %mul3A_740 = arith.muli %add3A_738, %mul3A_739 : i32
      %get3A_741 = arith.index_cast %mul3A_740 : i32 to index
      %get3A_742 = tpu.vector_load %arg5[%get3A_741] {strides = array<i32>} : memref<2048xf32, #tpu.memory_space<vmem>>, vector<16xf32>,
      %get3A_743 = vector.shape_cast %get3A_742 : vector<16xf32> to vector<16xf32>
      %mul3A_744 = arith.constant 4 : i32
      %mul3A_745 = arith.muli %scan3A_706, %mul3A_744 : i32
      %add3A_746 = arith.constant 1 : i32
      %add3A_747 = arith.addi %mul3A_745, %add3A_746 : i32
      %mul3A_748 = arith.constant 16 : i32
      %mul3A_749 = arith.muli %add3A_747, %mul3A_748 : i32
      %add3A_750 = vector.broadcast %mul3A_749 : i32 to vector<16xi32>
      %add3A_751 = arith.addi %add3A_750, %iota3A : vector<16xi32>
      %eq3A_752 = arith.cmpi eq, %add3A_751, %select_n3A_78 : vector<16xi32>
      %jit3A_753 = arith.constant -3.000000e+38 : f32
      %broadcast_in_dim3A_754 = vector.broadcast %jit3A_753 : f32 to vector<16xf32>
      %select_n3A_755 = arith.select %eq3A_752, %broadcast_in_dim3A_754, %get3A_743 : vector<16xi1>, vector<16xf32>
      %eq3A_756 = arith.cmpi eq, %add3A_751, %select_n3A_166 : vector<16xi32>
      %jit3A_757 = arith.constant -3.000000e+38 : f32
      %broadcast_in_dim3A_758 = vector.broadcast %jit3A_757 : f32 to vector<16xf32>
      %select_n3A_759 = arith.select %eq3A_756, %broadcast_in_dim3A_758, %select_n3A_755 : vector<16xi1>, vector<16xf32>
      %gt3A_760 = arith.cmpf ogt, %select_n3A_759, %select_n3A_733 : vector<16xf32>
      %select_n3A_761 = arith.select %gt3A_760, %select_n3A_759, %select_n3A_733 : vector<16xi1>, vector<16xf32>
      %select_n3A_762 = arith.select %gt3A_760, %add3A_751, %select_n3A_734 : vector<16xi1>, vector<16xi32>
      %mul3A_763 = arith.constant 4 : i32
      %mul3A_764 = arith.muli %scan3A_706, %mul3A_763 : i32
      %add3A_765 = arith.constant 2 : i32
      %add3A_766 = arith.addi %mul3A_764, %add3A_765 : i32
      %mul3A_767 = arith.constant 16 : i32
      %mul3A_768 = arith.muli %add3A_766, %mul3A_767 : i32
      %get3A_769 = arith.index_cast %mul3A_768 : i32 to index
      %get3A_770 = tpu.vector_load %arg5[%get3A_769] {strides = array<i32>} : memref<2048xf32, #tpu.memory_space<vmem>>, vector<16xf32>,
      %get3A_771 = vector.shape_cast %get3A_770 : vector<16xf32> to vector<16xf32>
      %mul3A_772 = arith.constant 4 : i32
      %mul3A_773 = arith.muli %scan3A_706, %mul3A_772 : i32
      %add3A_774 = arith.constant 2 : i32
      %add3A_775 = arith.addi %mul3A_773, %add3A_774 : i32
      %mul3A_776 = arith.constant 16 : i32
      %mul3A_777 = arith.muli %add3A_775, %mul3A_776 : i32
      %add3A_778 = vector.broadcast %mul3A_777 : i32 to vector<16xi32>
      %add3A_779 = arith.addi %add3A_778, %iota3A : vector<16xi32>
      %eq3A_780 = arith.cmpi eq, %add3A_779, %select_n3A_78 : vector<16xi32>
      %jit3A_781 = arith.constant -3.000000e+38 : f32
      %broadcast_in_dim3A_782 = vector.broadcast %jit3A_781 : f32 to vector<16xf32>
      %select_n3A_783 = arith.select %eq3A_780, %broadcast_in_dim3A_782, %get3A_771 : vector<16xi1>, vector<16xf32>
      %eq3A_784 = arith.cmpi eq, %add3A_779, %select_n3A_166 : vector<16xi32>
      %jit3A_785 = arith.constant -3.000000e+38 : f32
      %broadcast_in_dim3A_786 = vector.broadcast %jit3A_785 : f32 to vector<16xf32>
      %select_n3A_787 = arith.select %eq3A_784, %broadcast_in_dim3A_786, %select_n3A_783 : vector<16xi1>, vector<16xf32>
      %gt3A_788 = arith.cmpf ogt, %select_n3A_787, %select_n3A_761 : vector<16xf32>
      %select_n3A_789 = arith.select %gt3A_788, %select_n3A_787, %select_n3A_761 : vector<16xi1>, vector<16xf32>
      %select_n3A_790 = arith.select %gt3A_788, %add3A_779, %select_n3A_762 : vector<16xi1>, vector<16xi32>
      %mul3A_791 = arith.constant 4 : i32
      %mul3A_792 = arith.muli %scan3A_706, %mul3A_791 : i32
      %add3A_793 = arith.constant 3 : i32
      %add3A_794 = arith.addi %mul3A_792, %add3A_793 : i32
      %mul3A_795 = arith.constant 16 : i32
      %mul3A_796 = arith.muli %add3A_794, %mul3A_795 : i32
      %get3A_797 = arith.index_cast %mul3A_796 : i32 to index
      %get3A_798 = tpu.vector_load %arg5[%get3A_797] {strides = array<i32>} : memref<2048xf32, #tpu.memory_space<vmem>>, vector<16xf32>,
      %get3A_799 = vector.shape_cast %get3A_798 : vector<16xf32> to vector<16xf32>
      %mul3A_800 = arith.constant 4 : i32
      %mul3A_801 = arith.muli %scan3A_706, %mul3A_800 : i32
      %add3A_802 = arith.constant 3 : i32
      %add3A_803 = arith.addi %mul3A_801, %add3A_802 : i32
      %mul3A_804 = arith.constant 16 : i32
      %mul3A_805 = arith.muli %add3A_803, %mul3A_804 : i32
      %add3A_806 = vector.broadcast %mul3A_805 : i32 to vector<16xi32>
      %add3A_807 = arith.addi %add3A_806, %iota3A : vector<16xi32>
      %eq3A_808 = arith.cmpi eq, %add3A_807, %select_n3A_78 : vector<16xi32>
      %jit3A_809 = arith.constant -3.000000e+38 : f32
      %broadcast_in_dim3A_810 = vector.broadcast %jit3A_809 : f32 to vector<16xf32>
      %select_n3A_811 = arith.select %eq3A_808, %broadcast_in_dim3A_810, %get3A_799 : vector<16xi1>, vector<16xf32>
      %eq3A_812 = arith.cmpi eq, %add3A_807, %select_n3A_166 : vector<16xi32>
      %jit3A_813 = arith.constant -3.000000e+38 : f32
      %broadcast_in_dim3A_814 = vector.broadcast %jit3A_813 : f32 to vector<16xf32>
      %select_n3A_815 = arith.select %eq3A_812, %broadcast_in_dim3A_814, %select_n3A_811 : vector<16xi1>, vector<16xf32>
      %gt3A_816 = arith.cmpf ogt, %select_n3A_815, %select_n3A_789 : vector<16xf32>
      %select_n3A_817 = arith.select %gt3A_816, %select_n3A_815, %select_n3A_789 : vector<16xi1>, vector<16xf32>
      %select_n3A_818 = arith.select %gt3A_816, %add3A_807, %select_n3A_790 : vector<16xi1>, vector<16xi32>
      scf.yield %select_n3A_817, %select_n3A_818 : vector<16xf32>, vector<16xi32>
    }
    %scan3A_178 = arith.constant 32 : i32
    %add3A_179 = arith.constant 8 : i32
    %add3A_180 = vector.broadcast %add3A_179 : i32 to vector<16xi32>
    %add3A_181 = arith.addi %iota3A, %add3A_180 : vector<16xi32>
    %and3A_182 = arith.constant 15 : i32
    %and3A_183 = vector.broadcast %and3A_182 : i32 to vector<16xi32>
    %and3A_184 = arith.andi %add3A_181, %and3A_183 : vector<16xi32>
    %broadcast_in_dim3A_185 = vector.shape_cast %and3A_184 : vector<16xi32> to vector<16x1xi32>
    %gather3A_186 = vector.shape_cast %broadcast_in_dim3A_185 : vector<16x1xi32> to vector<16xi32>
    %gather3A_187 = tpu.dynamic_gather %scan3A_177#0[%gather3A_186] in [0] : vector<16xf32>, vector<16xi32> -> vector<16xf32>
    %broadcast_in_dim3A_188 = vector.shape_cast %and3A_184 : vector<16xi32> to vector<16x1xi32>
    %gather3A_189 = vector.shape_cast %broadcast_in_dim3A_188 : vector<16x1xi32> to vector<16xi32>
    %gather3A_190 = tpu.dynamic_gather %scan3A_177#1[%gather3A_189] in [0] : vector<16xi32>, vector<16xi32> -> vector<16xi32>
    %gt3A_191 = arith.cmpf ogt, %gather3A_187, %scan3A_177#0 : vector<16xf32>
    %eq3A_192 = arith.cmpf oeq, %gather3A_187, %scan3A_177#0 : vector<16xf32>
    %lt3A_193 = arith.cmpi slt, %gather3A_190, %scan3A_177#1 : vector<16xi32>
    %and3A_194 = arith.andi %eq3A_192, %lt3A_193 : vector<16xi1>
    %or3A_195 = arith.ori %gt3A_191, %and3A_194 : vector<16xi1>
    %select_n3A_196 = arith.select %or3A_195, %gather3A_187, %scan3A_177#0 : vector<16xi1>, vector<16xf32>
    %select_n3A_197 = arith.select %or3A_195, %gather3A_190, %scan3A_177#1 : vector<16xi1>, vector<16xi32>
    %add3A_198 = arith.constant 4 : i32
    %add3A_199 = vector.broadcast %add3A_198 : i32 to vector<16xi32>
    %add3A_200 = arith.addi %iota3A, %add3A_199 : vector<16xi32>
    %and3A_201 = arith.constant 15 : i32
    %and3A_202 = vector.broadcast %and3A_201 : i32 to vector<16xi32>
    %and3A_203 = arith.andi %add3A_200, %and3A_202 : vector<16xi32>
    %broadcast_in_dim3A_204 = vector.shape_cast %and3A_203 : vector<16xi32> to vector<16x1xi32>
    %gather3A_205 = vector.shape_cast %broadcast_in_dim3A_204 : vector<16x1xi32> to vector<16xi32>
    %gather3A_206 = tpu.dynamic_gather %select_n3A_196[%gather3A_205] in [0] : vector<16xf32>, vector<16xi32> -> vector<16xf32>
    %broadcast_in_dim3A_207 = vector.shape_cast %and3A_203 : vector<16xi32> to vector<16x1xi32>
    %gather3A_208 = vector.shape_cast %broadcast_in_dim3A_207 : vector<16x1xi32> to vector<16xi32>
    %gather3A_209 = tpu.dynamic_gather %select_n3A_197[%gather3A_208] in [0] : vector<16xi32>, vector<16xi32> -> vector<16xi32>
    %gt3A_210 = arith.cmpf ogt, %gather3A_206, %select_n3A_196 : vector<16xf32>
    %eq3A_211 = arith.cmpf oeq, %gather3A_206, %select_n3A_196 : vector<16xf32>
    %lt3A_212 = arith.cmpi slt, %gather3A_209, %select_n3A_197 : vector<16xi32>
    %and3A_213 = arith.andi %eq3A_211, %lt3A_212 : vector<16xi1>
    %or3A_214 = arith.ori %gt3A_210, %and3A_213 : vector<16xi1>
    %select_n3A_215 = arith.select %or3A_214, %gather3A_206, %select_n3A_196 : vector<16xi1>, vector<16xf32>
    %select_n3A_216 = arith.select %or3A_214, %gather3A_209, %select_n3A_197 : vector<16xi1>, vector<16xi32>
    %add3A_217 = arith.constant 2 : i32
    %add3A_218 = vector.broadcast %add3A_217 : i32 to vector<16xi32>
    %add3A_219 = arith.addi %iota3A, %add3A_218 : vector<16xi32>
    %and3A_220 = arith.constant 15 : i32
    %and3A_221 = vector.broadcast %and3A_220 : i32 to vector<16xi32>
    %and3A_222 = arith.andi %add3A_219, %and3A_221 : vector<16xi32>
    %broadcast_in_dim3A_223 = vector.shape_cast %and3A_222 : vector<16xi32> to vector<16x1xi32>
    %gather3A_224 = vector.shape_cast %broadcast_in_dim3A_223 : vector<16x1xi32> to vector<16xi32>
    %gather3A_225 = tpu.dynamic_gather %select_n3A_215[%gather3A_224] in [0] : vector<16xf32>, vector<16xi32> -> vector<16xf32>
    %broadcast_in_dim3A_226 = vector.shape_cast %and3A_222 : vector<16xi32> to vector<16x1xi32>
    %gather3A_227 = vector.shape_cast %broadcast_in_dim3A_226 : vector<16x1xi32> to vector<16xi32>
    %gather3A_228 = tpu.dynamic_gather %select_n3A_216[%gather3A_227] in [0] : vector<16xi32>, vector<16xi32> -> vector<16xi32>
    %gt3A_229 = arith.cmpf ogt, %gather3A_225, %select_n3A_215 : vector<16xf32>
    %eq3A_230 = arith.cmpf oeq, %gather3A_225, %select_n3A_215 : vector<16xf32>
    %lt3A_231 = arith.cmpi slt, %gather3A_228, %select_n3A_216 : vector<16xi32>
    %and3A_232 = arith.andi %eq3A_230, %lt3A_231 : vector<16xi1>
    %or3A_233 = arith.ori %gt3A_229, %and3A_232 : vector<16xi1>
    %select_n3A_234 = arith.select %or3A_233, %gather3A_225, %select_n3A_215 : vector<16xi1>, vector<16xf32>
    %select_n3A_235 = arith.select %or3A_233, %gather3A_228, %select_n3A_216 : vector<16xi1>, vector<16xi32>
    %add3A_236 = arith.constant 1 : i32
    %add3A_237 = vector.broadcast %add3A_236 : i32 to vector<16xi32>
    %add3A_238 = arith.addi %iota3A, %add3A_237 : vector<16xi32>
    %and3A_239 = arith.constant 15 : i32
    %and3A_240 = vector.broadcast %and3A_239 : i32 to vector<16xi32>
    %and3A_241 = arith.andi %add3A_238, %and3A_240 : vector<16xi32>
    %broadcast_in_dim3A_242 = vector.shape_cast %and3A_241 : vector<16xi32> to vector<16x1xi32>
    %gather3A_243 = vector.shape_cast %broadcast_in_dim3A_242 : vector<16x1xi32> to vector<16xi32>
    %gather3A_244 = tpu.dynamic_gather %select_n3A_234[%gather3A_243] in [0] : vector<16xf32>, vector<16xi32> -> vector<16xf32>
    %broadcast_in_dim3A_245 = vector.shape_cast %and3A_241 : vector<16xi32> to vector<16x1xi32>
    %gather3A_246 = vector.shape_cast %broadcast_in_dim3A_245 : vector<16x1xi32> to vector<16xi32>
    %gather3A_247 = tpu.dynamic_gather %select_n3A_235[%gather3A_246] in [0] : vector<16xi32>, vector<16xi32> -> vector<16xi32>
    %gt3A_248 = arith.cmpf ogt, %gather3A_244, %select_n3A_234 : vector<16xf32>
    %eq3A_249 = arith.cmpf oeq, %gather3A_244, %select_n3A_234 : vector<16xf32>
    %lt3A_250 = arith.cmpi slt, %gather3A_247, %select_n3A_235 : vector<16xi32>
    %and3A_251 = arith.andi %eq3A_249, %lt3A_250 : vector<16xi1>
    %or3A_252 = arith.ori %gt3A_248, %and3A_251 : vector<16xi1>
    %select_n3A_253 = arith.select %or3A_252, %gather3A_244, %select_n3A_234 : vector<16xi1>, vector<16xf32>
    %select_n3A_254 = arith.select %or3A_252, %gather3A_247, %select_n3A_235 : vector<16xi1>, vector<16xi32>
    %eq3A_255 = arith.constant 2 : i32
    %eq3A_256 = vector.broadcast %eq3A_255 : i32 to vector<16xi32>
    %eq3A_257 = arith.cmpi eq, %iota3A, %eq3A_256 : vector<16xi32>
    %select_n3A_258 = arith.select %eq3A_257, %select_n3A_254, %select_n3A_170 : vector<16xi1>, vector<16xi32>
    %broadcast_in_dim3A_259 = arith.constant -3.000000e+38 : f32
    %broadcast_in_dim3A_260 = vector.broadcast %broadcast_in_dim3A_259 : f32 to vector<16xf32>
    %scan3A_261 = arith.constant 0 : i32
    %scan3A_262 = arith.constant 32 : i32
    %scan3A_263 = arith.addi %scan3A_261, %scan3A_262 : i32
    %scan3A_264 = arith.constant 1 : i32
    %scan3A_265:2 = scf.for %scan3A_706 = %scan3A_261 to %scan3A_263 step %scan3A_264 iter_args(%scan3A_707 = %broadcast_in_dim3A_260, %scan3A_708 = %broadcast_in_dim3A_2) -> (vector<16xf32>, vector<16xi32>)  : i32 {
      %mul3A_709 = arith.constant 4 : i32
      %mul3A_710 = arith.muli %scan3A_706, %mul3A_709 : i32
      %add3A_711 = arith.constant 0 : i32
      %add3A_712 = arith.addi %mul3A_710, %add3A_711 : i32
      %mul3A_713 = arith.constant 16 : i32
      %mul3A_714 = arith.muli %add3A_712, %mul3A_713 : i32
      %get3A = arith.index_cast %mul3A_714 : i32 to index
      %get3A_715 = tpu.vector_load %arg5[%get3A] {strides = array<i32>} : memref<2048xf32, #tpu.memory_space<vmem>>, vector<16xf32>,
      %get3A_716 = vector.shape_cast %get3A_715 : vector<16xf32> to vector<16xf32>
      %mul3A_717 = arith.constant 4 : i32
      %mul3A_718 = arith.muli %scan3A_706, %mul3A_717 : i32
      %add3A_719 = arith.constant 0 : i32
      %add3A_720 = arith.addi %mul3A_718, %add3A_719 : i32
      %mul3A_721 = arith.constant 16 : i32
      %mul3A_722 = arith.muli %add3A_720, %mul3A_721 : i32
      %add3A_723 = vector.broadcast %mul3A_722 : i32 to vector<16xi32>
      %add3A_724 = arith.addi %add3A_723, %iota3A : vector<16xi32>
      %eq3A_725 = arith.cmpi eq, %add3A_724, %select_n3A_78 : vector<16xi32>
      %jit3A = arith.constant -3.000000e+38 : f32
      %broadcast_in_dim3A_726 = vector.broadcast %jit3A : f32 to vector<16xf32>
      %select_n3A_727 = arith.select %eq3A_725, %broadcast_in_dim3A_726, %get3A_716 : vector<16xi1>, vector<16xf32>
      %eq3A_728 = arith.cmpi eq, %add3A_724, %select_n3A_166 : vector<16xi32>
      %jit3A_729 = arith.constant -3.000000e+38 : f32
      %broadcast_in_dim3A_730 = vector.broadcast %jit3A_729 : f32 to vector<16xf32>
      %select_n3A_731 = arith.select %eq3A_728, %broadcast_in_dim3A_730, %select_n3A_727 : vector<16xi1>, vector<16xf32>
      %eq3A_732 = arith.cmpi eq, %add3A_724, %select_n3A_254 : vector<16xi32>
      %jit3A_733 = arith.constant -3.000000e+38 : f32
      %broadcast_in_dim3A_734 = vector.broadcast %jit3A_733 : f32 to vector<16xf32>
      %select_n3A_735 = arith.select %eq3A_732, %broadcast_in_dim3A_734, %select_n3A_731 : vector<16xi1>, vector<16xf32>
      %gt3A_736 = arith.cmpf ogt, %select_n3A_735, %scan3A_707 : vector<16xf32>
      %select_n3A_737 = arith.select %gt3A_736, %select_n3A_735, %scan3A_707 : vector<16xi1>, vector<16xf32>
      %select_n3A_738 = arith.select %gt3A_736, %add3A_724, %scan3A_708 : vector<16xi1>, vector<16xi32>
      %mul3A_739 = arith.constant 4 : i32
      %mul3A_740 = arith.muli %scan3A_706, %mul3A_739 : i32
      %add3A_741 = arith.constant 1 : i32
      %add3A_742 = arith.addi %mul3A_740, %add3A_741 : i32
      %mul3A_743 = arith.constant 16 : i32
      %mul3A_744 = arith.muli %add3A_742, %mul3A_743 : i32
      %get3A_745 = arith.index_cast %mul3A_744 : i32 to index
      %get3A_746 = tpu.vector_load %arg5[%get3A_745] {strides = array<i32>} : memref<2048xf32, #tpu.memory_space<vmem>>, vector<16xf32>,
      %get3A_747 = vector.shape_cast %get3A_746 : vector<16xf32> to vector<16xf32>
      %mul3A_748 = arith.constant 4 : i32
      %mul3A_749 = arith.muli %scan3A_706, %mul3A_748 : i32
      %add3A_750 = arith.constant 1 : i32
      %add3A_751 = arith.addi %mul3A_749, %add3A_750 : i32
      %mul3A_752 = arith.constant 16 : i32
      %mul3A_753 = arith.muli %add3A_751, %mul3A_752 : i32
      %add3A_754 = vector.broadcast %mul3A_753 : i32 to vector<16xi32>
      %add3A_755 = arith.addi %add3A_754, %iota3A : vector<16xi32>
      %eq3A_756 = arith.cmpi eq, %add3A_755, %select_n3A_78 : vector<16xi32>
      %jit3A_757 = arith.constant -3.000000e+38 : f32
      %broadcast_in_dim3A_758 = vector.broadcast %jit3A_757 : f32 to vector<16xf32>
      %select_n3A_759 = arith.select %eq3A_756, %broadcast_in_dim3A_758, %get3A_747 : vector<16xi1>, vector<16xf32>
      %eq3A_760 = arith.cmpi eq, %add3A_755, %select_n3A_166 : vector<16xi32>
      %jit3A_761 = arith.constant -3.000000e+38 : f32
      %broadcast_in_dim3A_762 = vector.broadcast %jit3A_761 : f32 to vector<16xf32>
      %select_n3A_763 = arith.select %eq3A_760, %broadcast_in_dim3A_762, %select_n3A_759 : vector<16xi1>, vector<16xf32>
      %eq3A_764 = arith.cmpi eq, %add3A_755, %select_n3A_254 : vector<16xi32>
      %jit3A_765 = arith.constant -3.000000e+38 : f32
      %broadcast_in_dim3A_766 = vector.broadcast %jit3A_765 : f32 to vector<16xf32>
      %select_n3A_767 = arith.select %eq3A_764, %broadcast_in_dim3A_766, %select_n3A_763 : vector<16xi1>, vector<16xf32>
      %gt3A_768 = arith.cmpf ogt, %select_n3A_767, %select_n3A_737 : vector<16xf32>
      %select_n3A_769 = arith.select %gt3A_768, %select_n3A_767, %select_n3A_737 : vector<16xi1>, vector<16xf32>
      %select_n3A_770 = arith.select %gt3A_768, %add3A_755, %select_n3A_738 : vector<16xi1>, vector<16xi32>
      %mul3A_771 = arith.constant 4 : i32
      %mul3A_772 = arith.muli %scan3A_706, %mul3A_771 : i32
      %add3A_773 = arith.constant 2 : i32
      %add3A_774 = arith.addi %mul3A_772, %add3A_773 : i32
      %mul3A_775 = arith.constant 16 : i32
      %mul3A_776 = arith.muli %add3A_774, %mul3A_775 : i32
      %get3A_777 = arith.index_cast %mul3A_776 : i32 to index
      %get3A_778 = tpu.vector_load %arg5[%get3A_777] {strides = array<i32>} : memref<2048xf32, #tpu.memory_space<vmem>>, vector<16xf32>,
      %get3A_779 = vector.shape_cast %get3A_778 : vector<16xf32> to vector<16xf32>
      %mul3A_780 = arith.constant 4 : i32
      %mul3A_781 = arith.muli %scan3A_706, %mul3A_780 : i32
      %add3A_782 = arith.constant 2 : i32
      %add3A_783 = arith.addi %mul3A_781, %add3A_782 : i32
      %mul3A_784 = arith.constant 16 : i32
      %mul3A_785 = arith.muli %add3A_783, %mul3A_784 : i32
      %add3A_786 = vector.broadcast %mul3A_785 : i32 to vector<16xi32>
      %add3A_787 = arith.addi %add3A_786, %iota3A : vector<16xi32>
      %eq3A_788 = arith.cmpi eq, %add3A_787, %select_n3A_78 : vector<16xi32>
      %jit3A_789 = arith.constant -3.000000e+38 : f32
      %broadcast_in_dim3A_790 = vector.broadcast %jit3A_789 : f32 to vector<16xf32>
      %select_n3A_791 = arith.select %eq3A_788, %broadcast_in_dim3A_790, %get3A_779 : vector<16xi1>, vector<16xf32>
      %eq3A_792 = arith.cmpi eq, %add3A_787, %select_n3A_166 : vector<16xi32>
      %jit3A_793 = arith.constant -3.000000e+38 : f32
      %broadcast_in_dim3A_794 = vector.broadcast %jit3A_793 : f32 to vector<16xf32>
      %select_n3A_795 = arith.select %eq3A_792, %broadcast_in_dim3A_794, %select_n3A_791 : vector<16xi1>, vector<16xf32>
      %eq3A_796 = arith.cmpi eq, %add3A_787, %select_n3A_254 : vector<16xi32>
      %jit3A_797 = arith.constant -3.000000e+38 : f32
      %broadcast_in_dim3A_798 = vector.broadcast %jit3A_797 : f32 to vector<16xf32>
      %select_n3A_799 = arith.select %eq3A_796, %broadcast_in_dim3A_798, %select_n3A_795 : vector<16xi1>, vector<16xf32>
      %gt3A_800 = arith.cmpf ogt, %select_n3A_799, %select_n3A_769 : vector<16xf32>
      %select_n3A_801 = arith.select %gt3A_800, %select_n3A_799, %select_n3A_769 : vector<16xi1>, vector<16xf32>
      %select_n3A_802 = arith.select %gt3A_800, %add3A_787, %select_n3A_770 : vector<16xi1>, vector<16xi32>
      %mul3A_803 = arith.constant 4 : i32
      %mul3A_804 = arith.muli %scan3A_706, %mul3A_803 : i32
      %add3A_805 = arith.constant 3 : i32
      %add3A_806 = arith.addi %mul3A_804, %add3A_805 : i32
      %mul3A_807 = arith.constant 16 : i32
      %mul3A_808 = arith.muli %add3A_806, %mul3A_807 : i32
      %get3A_809 = arith.index_cast %mul3A_808 : i32 to index
      %get3A_810 = tpu.vector_load %arg5[%get3A_809] {strides = array<i32>} : memref<2048xf32, #tpu.memory_space<vmem>>, vector<16xf32>,
      %get3A_811 = vector.shape_cast %get3A_810 : vector<16xf32> to vector<16xf32>
      %mul3A_812 = arith.constant 4 : i32
      %mul3A_813 = arith.muli %scan3A_706, %mul3A_812 : i32
      %add3A_814 = arith.constant 3 : i32
      %add3A_815 = arith.addi %mul3A_813, %add3A_814 : i32
      %mul3A_816 = arith.constant 16 : i32
      %mul3A_817 = arith.muli %add3A_815, %mul3A_816 : i32
      %add3A_818 = vector.broadcast %mul3A_817 : i32 to vector<16xi32>
      %add3A_819 = arith.addi %add3A_818, %iota3A : vector<16xi32>
      %eq3A_820 = arith.cmpi eq, %add3A_819, %select_n3A_78 : vector<16xi32>
      %jit3A_821 = arith.constant -3.000000e+38 : f32
      %broadcast_in_dim3A_822 = vector.broadcast %jit3A_821 : f32 to vector<16xf32>
      %select_n3A_823 = arith.select %eq3A_820, %broadcast_in_dim3A_822, %get3A_811 : vector<16xi1>, vector<16xf32>
      %eq3A_824 = arith.cmpi eq, %add3A_819, %select_n3A_166 : vector<16xi32>
      %jit3A_825 = arith.constant -3.000000e+38 : f32
      %broadcast_in_dim3A_826 = vector.broadcast %jit3A_825 : f32 to vector<16xf32>
      %select_n3A_827 = arith.select %eq3A_824, %broadcast_in_dim3A_826, %select_n3A_823 : vector<16xi1>, vector<16xf32>
      %eq3A_828 = arith.cmpi eq, %add3A_819, %select_n3A_254 : vector<16xi32>
      %jit3A_829 = arith.constant -3.000000e+38 : f32
      %broadcast_in_dim3A_830 = vector.broadcast %jit3A_829 : f32 to vector<16xf32>
      %select_n3A_831 = arith.select %eq3A_828, %broadcast_in_dim3A_830, %select_n3A_827 : vector<16xi1>, vector<16xf32>
      %gt3A_832 = arith.cmpf ogt, %select_n3A_831, %select_n3A_801 : vector<16xf32>
      %select_n3A_833 = arith.select %gt3A_832, %select_n3A_831, %select_n3A_801 : vector<16xi1>, vector<16xf32>
      %select_n3A_834 = arith.select %gt3A_832, %add3A_819, %select_n3A_802 : vector<16xi1>, vector<16xi32>
      scf.yield %select_n3A_833, %select_n3A_834 : vector<16xf32>, vector<16xi32>
    }
    %scan3A_266 = arith.constant 32 : i32
    %add3A_267 = arith.constant 8 : i32
    %add3A_268 = vector.broadcast %add3A_267 : i32 to vector<16xi32>
    %add3A_269 = arith.addi %iota3A, %add3A_268 : vector<16xi32>
    %and3A_270 = arith.constant 15 : i32
    %and3A_271 = vector.broadcast %and3A_270 : i32 to vector<16xi32>
    %and3A_272 = arith.andi %add3A_269, %and3A_271 : vector<16xi32>
    %broadcast_in_dim3A_273 = vector.shape_cast %and3A_272 : vector<16xi32> to vector<16x1xi32>
    %gather3A_274 = vector.shape_cast %broadcast_in_dim3A_273 : vector<16x1xi32> to vector<16xi32>
    %gather3A_275 = tpu.dynamic_gather %scan3A_265#0[%gather3A_274] in [0] : vector<16xf32>, vector<16xi32> -> vector<16xf32>
    %broadcast_in_dim3A_276 = vector.shape_cast %and3A_272 : vector<16xi32> to vector<16x1xi32>
    %gather3A_277 = vector.shape_cast %broadcast_in_dim3A_276 : vector<16x1xi32> to vector<16xi32>
    %gather3A_278 = tpu.dynamic_gather %scan3A_265#1[%gather3A_277] in [0] : vector<16xi32>, vector<16xi32> -> vector<16xi32>
    %gt3A_279 = arith.cmpf ogt, %gather3A_275, %scan3A_265#0 : vector<16xf32>
    %eq3A_280 = arith.cmpf oeq, %gather3A_275, %scan3A_265#0 : vector<16xf32>
    %lt3A_281 = arith.cmpi slt, %gather3A_278, %scan3A_265#1 : vector<16xi32>
    %and3A_282 = arith.andi %eq3A_280, %lt3A_281 : vector<16xi1>
    %or3A_283 = arith.ori %gt3A_279, %and3A_282 : vector<16xi1>
    %select_n3A_284 = arith.select %or3A_283, %gather3A_275, %scan3A_265#0 : vector<16xi1>, vector<16xf32>
    %select_n3A_285 = arith.select %or3A_283, %gather3A_278, %scan3A_265#1 : vector<16xi1>, vector<16xi32>
    %add3A_286 = arith.constant 4 : i32
    %add3A_287 = vector.broadcast %add3A_286 : i32 to vector<16xi32>
    %add3A_288 = arith.addi %iota3A, %add3A_287 : vector<16xi32>
    %and3A_289 = arith.constant 15 : i32
    %and3A_290 = vector.broadcast %and3A_289 : i32 to vector<16xi32>
    %and3A_291 = arith.andi %add3A_288, %and3A_290 : vector<16xi32>
    %broadcast_in_dim3A_292 = vector.shape_cast %and3A_291 : vector<16xi32> to vector<16x1xi32>
    %gather3A_293 = vector.shape_cast %broadcast_in_dim3A_292 : vector<16x1xi32> to vector<16xi32>
    %gather3A_294 = tpu.dynamic_gather %select_n3A_284[%gather3A_293] in [0] : vector<16xf32>, vector<16xi32> -> vector<16xf32>
    %broadcast_in_dim3A_295 = vector.shape_cast %and3A_291 : vector<16xi32> to vector<16x1xi32>
    %gather3A_296 = vector.shape_cast %broadcast_in_dim3A_295 : vector<16x1xi32> to vector<16xi32>
    %gather3A_297 = tpu.dynamic_gather %select_n3A_285[%gather3A_296] in [0] : vector<16xi32>, vector<16xi32> -> vector<16xi32>
    %gt3A_298 = arith.cmpf ogt, %gather3A_294, %select_n3A_284 : vector<16xf32>
    %eq3A_299 = arith.cmpf oeq, %gather3A_294, %select_n3A_284 : vector<16xf32>
    %lt3A_300 = arith.cmpi slt, %gather3A_297, %select_n3A_285 : vector<16xi32>
    %and3A_301 = arith.andi %eq3A_299, %lt3A_300 : vector<16xi1>
    %or3A_302 = arith.ori %gt3A_298, %and3A_301 : vector<16xi1>
    %select_n3A_303 = arith.select %or3A_302, %gather3A_294, %select_n3A_284 : vector<16xi1>, vector<16xf32>
    %select_n3A_304 = arith.select %or3A_302, %gather3A_297, %select_n3A_285 : vector<16xi1>, vector<16xi32>
    %add3A_305 = arith.constant 2 : i32
    %add3A_306 = vector.broadcast %add3A_305 : i32 to vector<16xi32>
    %add3A_307 = arith.addi %iota3A, %add3A_306 : vector<16xi32>
    %and3A_308 = arith.constant 15 : i32
    %and3A_309 = vector.broadcast %and3A_308 : i32 to vector<16xi32>
    %and3A_310 = arith.andi %add3A_307, %and3A_309 : vector<16xi32>
    %broadcast_in_dim3A_311 = vector.shape_cast %and3A_310 : vector<16xi32> to vector<16x1xi32>
    %gather3A_312 = vector.shape_cast %broadcast_in_dim3A_311 : vector<16x1xi32> to vector<16xi32>
    %gather3A_313 = tpu.dynamic_gather %select_n3A_303[%gather3A_312] in [0] : vector<16xf32>, vector<16xi32> -> vector<16xf32>
    %broadcast_in_dim3A_314 = vector.shape_cast %and3A_310 : vector<16xi32> to vector<16x1xi32>
    %gather3A_315 = vector.shape_cast %broadcast_in_dim3A_314 : vector<16x1xi32> to vector<16xi32>
    %gather3A_316 = tpu.dynamic_gather %select_n3A_304[%gather3A_315] in [0] : vector<16xi32>, vector<16xi32> -> vector<16xi32>
    %gt3A_317 = arith.cmpf ogt, %gather3A_313, %select_n3A_303 : vector<16xf32>
    %eq3A_318 = arith.cmpf oeq, %gather3A_313, %select_n3A_303 : vector<16xf32>
    %lt3A_319 = arith.cmpi slt, %gather3A_316, %select_n3A_304 : vector<16xi32>
    %and3A_320 = arith.andi %eq3A_318, %lt3A_319 : vector<16xi1>
    %or3A_321 = arith.ori %gt3A_317, %and3A_320 : vector<16xi1>
    %select_n3A_322 = arith.select %or3A_321, %gather3A_313, %select_n3A_303 : vector<16xi1>, vector<16xf32>
    %select_n3A_323 = arith.select %or3A_321, %gather3A_316, %select_n3A_304 : vector<16xi1>, vector<16xi32>
    %add3A_324 = arith.constant 1 : i32
    %add3A_325 = vector.broadcast %add3A_324 : i32 to vector<16xi32>
    %add3A_326 = arith.addi %iota3A, %add3A_325 : vector<16xi32>
    %and3A_327 = arith.constant 15 : i32
    %and3A_328 = vector.broadcast %and3A_327 : i32 to vector<16xi32>
    %and3A_329 = arith.andi %add3A_326, %and3A_328 : vector<16xi32>
    %broadcast_in_dim3A_330 = vector.shape_cast %and3A_329 : vector<16xi32> to vector<16x1xi32>
    %gather3A_331 = vector.shape_cast %broadcast_in_dim3A_330 : vector<16x1xi32> to vector<16xi32>
    %gather3A_332 = tpu.dynamic_gather %select_n3A_322[%gather3A_331] in [0] : vector<16xf32>, vector<16xi32> -> vector<16xf32>
    %broadcast_in_dim3A_333 = vector.shape_cast %and3A_329 : vector<16xi32> to vector<16x1xi32>
    %gather3A_334 = vector.shape_cast %broadcast_in_dim3A_333 : vector<16x1xi32> to vector<16xi32>
    %gather3A_335 = tpu.dynamic_gather %select_n3A_323[%gather3A_334] in [0] : vector<16xi32>, vector<16xi32> -> vector<16xi32>
    %gt3A_336 = arith.cmpf ogt, %gather3A_332, %select_n3A_322 : vector<16xf32>
    %eq3A_337 = arith.cmpf oeq, %gather3A_332, %select_n3A_322 : vector<16xf32>
    %lt3A_338 = arith.cmpi slt, %gather3A_335, %select_n3A_323 : vector<16xi32>
    %and3A_339 = arith.andi %eq3A_337, %lt3A_338 : vector<16xi1>
    %or3A_340 = arith.ori %gt3A_336, %and3A_339 : vector<16xi1>
    %select_n3A_341 = arith.select %or3A_340, %gather3A_332, %select_n3A_322 : vector<16xi1>, vector<16xf32>
    %select_n3A_342 = arith.select %or3A_340, %gather3A_335, %select_n3A_323 : vector<16xi1>, vector<16xi32>
    %eq3A_343 = arith.constant 3 : i32
    %eq3A_344 = vector.broadcast %eq3A_343 : i32 to vector<16xi32>
    %eq3A_345 = arith.cmpi eq, %iota3A, %eq3A_344 : vector<16xi32>
    %select_n3A_346 = arith.select %eq3A_345, %select_n3A_342, %select_n3A_258 : vector<16xi1>, vector<16xi32>
    %broadcast_in_dim3A_347 = arith.constant -3.000000e+38 : f32
    %broadcast_in_dim3A_348 = vector.broadcast %broadcast_in_dim3A_347 : f32 to vector<16xf32>
    %scan3A_349 = arith.constant 0 : i32
    %scan3A_350 = arith.constant 32 : i32
    %scan3A_351 = arith.addi %scan3A_349, %scan3A_350 : i32
    %scan3A_352 = arith.constant 1 : i32
    %scan3A_353:2 = scf.for %scan3A_706 = %scan3A_349 to %scan3A_351 step %scan3A_352 iter_args(%scan3A_707 = %broadcast_in_dim3A_348, %scan3A_708 = %broadcast_in_dim3A_2) -> (vector<16xf32>, vector<16xi32>)  : i32 {
      %mul3A_709 = arith.constant 4 : i32
      %mul3A_710 = arith.muli %scan3A_706, %mul3A_709 : i32
      %add3A_711 = arith.constant 0 : i32
      %add3A_712 = arith.addi %mul3A_710, %add3A_711 : i32
      %mul3A_713 = arith.constant 16 : i32
      %mul3A_714 = arith.muli %add3A_712, %mul3A_713 : i32
      %get3A = arith.index_cast %mul3A_714 : i32 to index
      %get3A_715 = tpu.vector_load %arg5[%get3A] {strides = array<i32>} : memref<2048xf32, #tpu.memory_space<vmem>>, vector<16xf32>,
      %get3A_716 = vector.shape_cast %get3A_715 : vector<16xf32> to vector<16xf32>
      %mul3A_717 = arith.constant 4 : i32
      %mul3A_718 = arith.muli %scan3A_706, %mul3A_717 : i32
      %add3A_719 = arith.constant 0 : i32
      %add3A_720 = arith.addi %mul3A_718, %add3A_719 : i32
      %mul3A_721 = arith.constant 16 : i32
      %mul3A_722 = arith.muli %add3A_720, %mul3A_721 : i32
      %add3A_723 = vector.broadcast %mul3A_722 : i32 to vector<16xi32>
      %add3A_724 = arith.addi %add3A_723, %iota3A : vector<16xi32>
      %eq3A_725 = arith.cmpi eq, %add3A_724, %select_n3A_78 : vector<16xi32>
      %jit3A = arith.constant -3.000000e+38 : f32
      %broadcast_in_dim3A_726 = vector.broadcast %jit3A : f32 to vector<16xf32>
      %select_n3A_727 = arith.select %eq3A_725, %broadcast_in_dim3A_726, %get3A_716 : vector<16xi1>, vector<16xf32>
      %eq3A_728 = arith.cmpi eq, %add3A_724, %select_n3A_166 : vector<16xi32>
      %jit3A_729 = arith.constant -3.000000e+38 : f32
      %broadcast_in_dim3A_730 = vector.broadcast %jit3A_729 : f32 to vector<16xf32>
      %select_n3A_731 = arith.select %eq3A_728, %broadcast_in_dim3A_730, %select_n3A_727 : vector<16xi1>, vector<16xf32>
      %eq3A_732 = arith.cmpi eq, %add3A_724, %select_n3A_254 : vector<16xi32>
      %jit3A_733 = arith.constant -3.000000e+38 : f32
      %broadcast_in_dim3A_734 = vector.broadcast %jit3A_733 : f32 to vector<16xf32>
      %select_n3A_735 = arith.select %eq3A_732, %broadcast_in_dim3A_734, %select_n3A_731 : vector<16xi1>, vector<16xf32>
      %eq3A_736 = arith.cmpi eq, %add3A_724, %select_n3A_342 : vector<16xi32>
      %jit3A_737 = arith.constant -3.000000e+38 : f32
      %broadcast_in_dim3A_738 = vector.broadcast %jit3A_737 : f32 to vector<16xf32>
      %select_n3A_739 = arith.select %eq3A_736, %broadcast_in_dim3A_738, %select_n3A_735 : vector<16xi1>, vector<16xf32>
      %gt3A_740 = arith.cmpf ogt, %select_n3A_739, %scan3A_707 : vector<16xf32>
      %select_n3A_741 = arith.select %gt3A_740, %select_n3A_739, %scan3A_707 : vector<16xi1>, vector<16xf32>
      %select_n3A_742 = arith.select %gt3A_740, %add3A_724, %scan3A_708 : vector<16xi1>, vector<16xi32>
      %mul3A_743 = arith.constant 4 : i32
      %mul3A_744 = arith.muli %scan3A_706, %mul3A_743 : i32
      %add3A_745 = arith.constant 1 : i32
      %add3A_746 = arith.addi %mul3A_744, %add3A_745 : i32
      %mul3A_747 = arith.constant 16 : i32
      %mul3A_748 = arith.muli %add3A_746, %mul3A_747 : i32
      %get3A_749 = arith.index_cast %mul3A_748 : i32 to index
      %get3A_750 = tpu.vector_load %arg5[%get3A_749] {strides = array<i32>} : memref<2048xf32, #tpu.memory_space<vmem>>, vector<16xf32>,
      %get3A_751 = vector.shape_cast %get3A_750 : vector<16xf32> to vector<16xf32>
      %mul3A_752 = arith.constant 4 : i32
      %mul3A_753 = arith.muli %scan3A_706, %mul3A_752 : i32
      %add3A_754 = arith.constant 1 : i32
      %add3A_755 = arith.addi %mul3A_753, %add3A_754 : i32
      %mul3A_756 = arith.constant 16 : i32
      %mul3A_757 = arith.muli %add3A_755, %mul3A_756 : i32
      %add3A_758 = vector.broadcast %mul3A_757 : i32 to vector<16xi32>
      %add3A_759 = arith.addi %add3A_758, %iota3A : vector<16xi32>
      %eq3A_760 = arith.cmpi eq, %add3A_759, %select_n3A_78 : vector<16xi32>
      %jit3A_761 = arith.constant -3.000000e+38 : f32
      %broadcast_in_dim3A_762 = vector.broadcast %jit3A_761 : f32 to vector<16xf32>
      %select_n3A_763 = arith.select %eq3A_760, %broadcast_in_dim3A_762, %get3A_751 : vector<16xi1>, vector<16xf32>
      %eq3A_764 = arith.cmpi eq, %add3A_759, %select_n3A_166 : vector<16xi32>
      %jit3A_765 = arith.constant -3.000000e+38 : f32
      %broadcast_in_dim3A_766 = vector.broadcast %jit3A_765 : f32 to vector<16xf32>
      %select_n3A_767 = arith.select %eq3A_764, %broadcast_in_dim3A_766, %select_n3A_763 : vector<16xi1>, vector<16xf32>
      %eq3A_768 = arith.cmpi eq, %add3A_759, %select_n3A_254 : vector<16xi32>
      %jit3A_769 = arith.constant -3.000000e+38 : f32
      %broadcast_in_dim3A_770 = vector.broadcast %jit3A_769 : f32 to vector<16xf32>
      %select_n3A_771 = arith.select %eq3A_768, %broadcast_in_dim3A_770, %select_n3A_767 : vector<16xi1>, vector<16xf32>
      %eq3A_772 = arith.cmpi eq, %add3A_759, %select_n3A_342 : vector<16xi32>
      %jit3A_773 = arith.constant -3.000000e+38 : f32
      %broadcast_in_dim3A_774 = vector.broadcast %jit3A_773 : f32 to vector<16xf32>
      %select_n3A_775 = arith.select %eq3A_772, %broadcast_in_dim3A_774, %select_n3A_771 : vector<16xi1>, vector<16xf32>
      %gt3A_776 = arith.cmpf ogt, %select_n3A_775, %select_n3A_741 : vector<16xf32>
      %select_n3A_777 = arith.select %gt3A_776, %select_n3A_775, %select_n3A_741 : vector<16xi1>, vector<16xf32>
      %select_n3A_778 = arith.select %gt3A_776, %add3A_759, %select_n3A_742 : vector<16xi1>, vector<16xi32>
      %mul3A_779 = arith.constant 4 : i32
      %mul3A_780 = arith.muli %scan3A_706, %mul3A_779 : i32
      %add3A_781 = arith.constant 2 : i32
      %add3A_782 = arith.addi %mul3A_780, %add3A_781 : i32
      %mul3A_783 = arith.constant 16 : i32
      %mul3A_784 = arith.muli %add3A_782, %mul3A_783 : i32
      %get3A_785 = arith.index_cast %mul3A_784 : i32 to index
      %get3A_786 = tpu.vector_load %arg5[%get3A_785] {strides = array<i32>} : memref<2048xf32, #tpu.memory_space<vmem>>, vector<16xf32>,
      %get3A_787 = vector.shape_cast %get3A_786 : vector<16xf32> to vector<16xf32>
      %mul3A_788 = arith.constant 4 : i32
      %mul3A_789 = arith.muli %scan3A_706, %mul3A_788 : i32
      %add3A_790 = arith.constant 2 : i32
      %add3A_791 = arith.addi %mul3A_789, %add3A_790 : i32
      %mul3A_792 = arith.constant 16 : i32
      %mul3A_793 = arith.muli %add3A_791, %mul3A_792 : i32
      %add3A_794 = vector.broadcast %mul3A_793 : i32 to vector<16xi32>
      %add3A_795 = arith.addi %add3A_794, %iota3A : vector<16xi32>
      %eq3A_796 = arith.cmpi eq, %add3A_795, %select_n3A_78 : vector<16xi32>
      %jit3A_797 = arith.constant -3.000000e+38 : f32
      %broadcast_in_dim3A_798 = vector.broadcast %jit3A_797 : f32 to vector<16xf32>
      %select_n3A_799 = arith.select %eq3A_796, %broadcast_in_dim3A_798, %get3A_787 : vector<16xi1>, vector<16xf32>
      %eq3A_800 = arith.cmpi eq, %add3A_795, %select_n3A_166 : vector<16xi32>
      %jit3A_801 = arith.constant -3.000000e+38 : f32
      %broadcast_in_dim3A_802 = vector.broadcast %jit3A_801 : f32 to vector<16xf32>
      %select_n3A_803 = arith.select %eq3A_800, %broadcast_in_dim3A_802, %select_n3A_799 : vector<16xi1>, vector<16xf32>
      %eq3A_804 = arith.cmpi eq, %add3A_795, %select_n3A_254 : vector<16xi32>
      %jit3A_805 = arith.constant -3.000000e+38 : f32
      %broadcast_in_dim3A_806 = vector.broadcast %jit3A_805 : f32 to vector<16xf32>
      %select_n3A_807 = arith.select %eq3A_804, %broadcast_in_dim3A_806, %select_n3A_803 : vector<16xi1>, vector<16xf32>
      %eq3A_808 = arith.cmpi eq, %add3A_795, %select_n3A_342 : vector<16xi32>
      %jit3A_809 = arith.constant -3.000000e+38 : f32
      %broadcast_in_dim3A_810 = vector.broadcast %jit3A_809 : f32 to vector<16xf32>
      %select_n3A_811 = arith.select %eq3A_808, %broadcast_in_dim3A_810, %select_n3A_807 : vector<16xi1>, vector<16xf32>
      %gt3A_812 = arith.cmpf ogt, %select_n3A_811, %select_n3A_777 : vector<16xf32>
      %select_n3A_813 = arith.select %gt3A_812, %select_n3A_811, %select_n3A_777 : vector<16xi1>, vector<16xf32>
      %select_n3A_814 = arith.select %gt3A_812, %add3A_795, %select_n3A_778 : vector<16xi1>, vector<16xi32>
      %mul3A_815 = arith.constant 4 : i32
      %mul3A_816 = arith.muli %scan3A_706, %mul3A_815 : i32
      %add3A_817 = arith.constant 3 : i32
      %add3A_818 = arith.addi %mul3A_816, %add3A_817 : i32
      %mul3A_819 = arith.constant 16 : i32
      %mul3A_820 = arith.muli %add3A_818, %mul3A_819 : i32
      %get3A_821 = arith.index_cast %mul3A_820 : i32 to index
      %get3A_822 = tpu.vector_load %arg5[%get3A_821] {strides = array<i32>} : memref<2048xf32, #tpu.memory_space<vmem>>, vector<16xf32>,
      %get3A_823 = vector.shape_cast %get3A_822 : vector<16xf32> to vector<16xf32>
      %mul3A_824 = arith.constant 4 : i32
      %mul3A_825 = arith.muli %scan3A_706, %mul3A_824 : i32
      %add3A_826 = arith.constant 3 : i32
      %add3A_827 = arith.addi %mul3A_825, %add3A_826 : i32
      %mul3A_828 = arith.constant 16 : i32
      %mul3A_829 = arith.muli %add3A_827, %mul3A_828 : i32
      %add3A_830 = vector.broadcast %mul3A_829 : i32 to vector<16xi32>
      %add3A_831 = arith.addi %add3A_830, %iota3A : vector<16xi32>
      %eq3A_832 = arith.cmpi eq, %add3A_831, %select_n3A_78 : vector<16xi32>
      %jit3A_833 = arith.constant -3.000000e+38 : f32
      %broadcast_in_dim3A_834 = vector.broadcast %jit3A_833 : f32 to vector<16xf32>
      %select_n3A_835 = arith.select %eq3A_832, %broadcast_in_dim3A_834, %get3A_823 : vector<16xi1>, vector<16xf32>
      %eq3A_836 = arith.cmpi eq, %add3A_831, %select_n3A_166 : vector<16xi32>
      %jit3A_837 = arith.constant -3.000000e+38 : f32
      %broadcast_in_dim3A_838 = vector.broadcast %jit3A_837 : f32 to vector<16xf32>
      %select_n3A_839 = arith.select %eq3A_836, %broadcast_in_dim3A_838, %select_n3A_835 : vector<16xi1>, vector<16xf32>
      %eq3A_840 = arith.cmpi eq, %add3A_831, %select_n3A_254 : vector<16xi32>
      %jit3A_841 = arith.constant -3.000000e+38 : f32
      %broadcast_in_dim3A_842 = vector.broadcast %jit3A_841 : f32 to vector<16xf32>
      %select_n3A_843 = arith.select %eq3A_840, %broadcast_in_dim3A_842, %select_n3A_839 : vector<16xi1>, vector<16xf32>
      %eq3A_844 = arith.cmpi eq, %add3A_831, %select_n3A_342 : vector<16xi32>
      %jit3A_845 = arith.constant -3.000000e+38 : f32
      %broadcast_in_dim3A_846 = vector.broadcast %jit3A_845 : f32 to vector<16xf32>
      %select_n3A_847 = arith.select %eq3A_844, %broadcast_in_dim3A_846, %select_n3A_843 : vector<16xi1>, vector<16xf32>
      %gt3A_848 = arith.cmpf ogt, %select_n3A_847, %select_n3A_813 : vector<16xf32>
      %select_n3A_849 = arith.select %gt3A_848, %select_n3A_847, %select_n3A_813 : vector<16xi1>, vector<16xf32>
      %select_n3A_850 = arith.select %gt3A_848, %add3A_831, %select_n3A_814 : vector<16xi1>, vector<16xi32>
      scf.yield %select_n3A_849, %select_n3A_850 : vector<16xf32>, vector<16xi32>
    }
    %scan3A_354 = arith.constant 32 : i32
    %add3A_355 = arith.constant 8 : i32
    %add3A_356 = vector.broadcast %add3A_355 : i32 to vector<16xi32>
    %add3A_357 = arith.addi %iota3A, %add3A_356 : vector<16xi32>
    %and3A_358 = arith.constant 15 : i32
    %and3A_359 = vector.broadcast %and3A_358 : i32 to vector<16xi32>
    %and3A_360 = arith.andi %add3A_357, %and3A_359 : vector<16xi32>
    %broadcast_in_dim3A_361 = vector.shape_cast %and3A_360 : vector<16xi32> to vector<16x1xi32>
    %gather3A_362 = vector.shape_cast %broadcast_in_dim3A_361 : vector<16x1xi32> to vector<16xi32>
    %gather3A_363 = tpu.dynamic_gather %scan3A_353#0[%gather3A_362] in [0] : vector<16xf32>, vector<16xi32> -> vector<16xf32>
    %broadcast_in_dim3A_364 = vector.shape_cast %and3A_360 : vector<16xi32> to vector<16x1xi32>
    %gather3A_365 = vector.shape_cast %broadcast_in_dim3A_364 : vector<16x1xi32> to vector<16xi32>
    %gather3A_366 = tpu.dynamic_gather %scan3A_353#1[%gather3A_365] in [0] : vector<16xi32>, vector<16xi32> -> vector<16xi32>
    %gt3A_367 = arith.cmpf ogt, %gather3A_363, %scan3A_353#0 : vector<16xf32>
    %eq3A_368 = arith.cmpf oeq, %gather3A_363, %scan3A_353#0 : vector<16xf32>
    %lt3A_369 = arith.cmpi slt, %gather3A_366, %scan3A_353#1 : vector<16xi32>
    %and3A_370 = arith.andi %eq3A_368, %lt3A_369 : vector<16xi1>
    %or3A_371 = arith.ori %gt3A_367, %and3A_370 : vector<16xi1>
    %select_n3A_372 = arith.select %or3A_371, %gather3A_363, %scan3A_353#0 : vector<16xi1>, vector<16xf32>
    %select_n3A_373 = arith.select %or3A_371, %gather3A_366, %scan3A_353#1 : vector<16xi1>, vector<16xi32>
    %add3A_374 = arith.constant 4 : i32
    %add3A_375 = vector.broadcast %add3A_374 : i32 to vector<16xi32>
    %add3A_376 = arith.addi %iota3A, %add3A_375 : vector<16xi32>
    %and3A_377 = arith.constant 15 : i32
    %and3A_378 = vector.broadcast %and3A_377 : i32 to vector<16xi32>
    %and3A_379 = arith.andi %add3A_376, %and3A_378 : vector<16xi32>
    %broadcast_in_dim3A_380 = vector.shape_cast %and3A_379 : vector<16xi32> to vector<16x1xi32>
    %gather3A_381 = vector.shape_cast %broadcast_in_dim3A_380 : vector<16x1xi32> to vector<16xi32>
    %gather3A_382 = tpu.dynamic_gather %select_n3A_372[%gather3A_381] in [0] : vector<16xf32>, vector<16xi32> -> vector<16xf32>
    %broadcast_in_dim3A_383 = vector.shape_cast %and3A_379 : vector<16xi32> to vector<16x1xi32>
    %gather3A_384 = vector.shape_cast %broadcast_in_dim3A_383 : vector<16x1xi32> to vector<16xi32>
    %gather3A_385 = tpu.dynamic_gather %select_n3A_373[%gather3A_384] in [0] : vector<16xi32>, vector<16xi32> -> vector<16xi32>
    %gt3A_386 = arith.cmpf ogt, %gather3A_382, %select_n3A_372 : vector<16xf32>
    %eq3A_387 = arith.cmpf oeq, %gather3A_382, %select_n3A_372 : vector<16xf32>
    %lt3A_388 = arith.cmpi slt, %gather3A_385, %select_n3A_373 : vector<16xi32>
    %and3A_389 = arith.andi %eq3A_387, %lt3A_388 : vector<16xi1>
    %or3A_390 = arith.ori %gt3A_386, %and3A_389 : vector<16xi1>
    %select_n3A_391 = arith.select %or3A_390, %gather3A_382, %select_n3A_372 : vector<16xi1>, vector<16xf32>
    %select_n3A_392 = arith.select %or3A_390, %gather3A_385, %select_n3A_373 : vector<16xi1>, vector<16xi32>
    %add3A_393 = arith.constant 2 : i32
    %add3A_394 = vector.broadcast %add3A_393 : i32 to vector<16xi32>
    %add3A_395 = arith.addi %iota3A, %add3A_394 : vector<16xi32>
    %and3A_396 = arith.constant 15 : i32
    %and3A_397 = vector.broadcast %and3A_396 : i32 to vector<16xi32>
    %and3A_398 = arith.andi %add3A_395, %and3A_397 : vector<16xi32>
    %broadcast_in_dim3A_399 = vector.shape_cast %and3A_398 : vector<16xi32> to vector<16x1xi32>
    %gather3A_400 = vector.shape_cast %broadcast_in_dim3A_399 : vector<16x1xi32> to vector<16xi32>
    %gather3A_401 = tpu.dynamic_gather %select_n3A_391[%gather3A_400] in [0] : vector<16xf32>, vector<16xi32> -> vector<16xf32>
    %broadcast_in_dim3A_402 = vector.shape_cast %and3A_398 : vector<16xi32> to vector<16x1xi32>
    %gather3A_403 = vector.shape_cast %broadcast_in_dim3A_402 : vector<16x1xi32> to vector<16xi32>
    %gather3A_404 = tpu.dynamic_gather %select_n3A_392[%gather3A_403] in [0] : vector<16xi32>, vector<16xi32> -> vector<16xi32>
    %gt3A_405 = arith.cmpf ogt, %gather3A_401, %select_n3A_391 : vector<16xf32>
    %eq3A_406 = arith.cmpf oeq, %gather3A_401, %select_n3A_391 : vector<16xf32>
    %lt3A_407 = arith.cmpi slt, %gather3A_404, %select_n3A_392 : vector<16xi32>
    %and3A_408 = arith.andi %eq3A_406, %lt3A_407 : vector<16xi1>
    %or3A_409 = arith.ori %gt3A_405, %and3A_408 : vector<16xi1>
    %select_n3A_410 = arith.select %or3A_409, %gather3A_401, %select_n3A_391 : vector<16xi1>, vector<16xf32>
    %select_n3A_411 = arith.select %or3A_409, %gather3A_404, %select_n3A_392 : vector<16xi1>, vector<16xi32>
    %add3A_412 = arith.constant 1 : i32
    %add3A_413 = vector.broadcast %add3A_412 : i32 to vector<16xi32>
    %add3A_414 = arith.addi %iota3A, %add3A_413 : vector<16xi32>
    %and3A_415 = arith.constant 15 : i32
    %and3A_416 = vector.broadcast %and3A_415 : i32 to vector<16xi32>
    %and3A_417 = arith.andi %add3A_414, %and3A_416 : vector<16xi32>
    %broadcast_in_dim3A_418 = vector.shape_cast %and3A_417 : vector<16xi32> to vector<16x1xi32>
    %gather3A_419 = vector.shape_cast %broadcast_in_dim3A_418 : vector<16x1xi32> to vector<16xi32>
    %gather3A_420 = tpu.dynamic_gather %select_n3A_410[%gather3A_419] in [0] : vector<16xf32>, vector<16xi32> -> vector<16xf32>
    %broadcast_in_dim3A_421 = vector.shape_cast %and3A_417 : vector<16xi32> to vector<16x1xi32>
    %gather3A_422 = vector.shape_cast %broadcast_in_dim3A_421 : vector<16x1xi32> to vector<16xi32>
    %gather3A_423 = tpu.dynamic_gather %select_n3A_411[%gather3A_422] in [0] : vector<16xi32>, vector<16xi32> -> vector<16xi32>
    %gt3A_424 = arith.cmpf ogt, %gather3A_420, %select_n3A_410 : vector<16xf32>
    %eq3A_425 = arith.cmpf oeq, %gather3A_420, %select_n3A_410 : vector<16xf32>
    %lt3A_426 = arith.cmpi slt, %gather3A_423, %select_n3A_411 : vector<16xi32>
    %and3A_427 = arith.andi %eq3A_425, %lt3A_426 : vector<16xi1>
    %or3A_428 = arith.ori %gt3A_424, %and3A_427 : vector<16xi1>
    %select_n3A_429 = arith.select %or3A_428, %gather3A_420, %select_n3A_410 : vector<16xi1>, vector<16xf32>
    %select_n3A_430 = arith.select %or3A_428, %gather3A_423, %select_n3A_411 : vector<16xi1>, vector<16xi32>
    %eq3A_431 = arith.constant 4 : i32
    %eq3A_432 = vector.broadcast %eq3A_431 : i32 to vector<16xi32>
    %eq3A_433 = arith.cmpi eq, %iota3A, %eq3A_432 : vector<16xi32>
    %select_n3A_434 = arith.select %eq3A_433, %select_n3A_430, %select_n3A_346 : vector<16xi1>, vector<16xi32>
    %broadcast_in_dim3A_435 = arith.constant -3.000000e+38 : f32
    %broadcast_in_dim3A_436 = vector.broadcast %broadcast_in_dim3A_435 : f32 to vector<16xf32>
    %scan3A_437 = arith.constant 0 : i32
    %scan3A_438 = arith.constant 32 : i32
    %scan3A_439 = arith.addi %scan3A_437, %scan3A_438 : i32
    %scan3A_440 = arith.constant 1 : i32
    %scan3A_441:2 = scf.for %scan3A_706 = %scan3A_437 to %scan3A_439 step %scan3A_440 iter_args(%scan3A_707 = %broadcast_in_dim3A_436, %scan3A_708 = %broadcast_in_dim3A_2) -> (vector<16xf32>, vector<16xi32>)  : i32 {
      %mul3A_709 = arith.constant 4 : i32
      %mul3A_710 = arith.muli %scan3A_706, %mul3A_709 : i32
      %add3A_711 = arith.constant 0 : i32
      %add3A_712 = arith.addi %mul3A_710, %add3A_711 : i32
      %mul3A_713 = arith.constant 16 : i32
      %mul3A_714 = arith.muli %add3A_712, %mul3A_713 : i32
      %get3A = arith.index_cast %mul3A_714 : i32 to index
      %get3A_715 = tpu.vector_load %arg5[%get3A] {strides = array<i32>} : memref<2048xf32, #tpu.memory_space<vmem>>, vector<16xf32>,
      %get3A_716 = vector.shape_cast %get3A_715 : vector<16xf32> to vector<16xf32>
      %mul3A_717 = arith.constant 4 : i32
      %mul3A_718 = arith.muli %scan3A_706, %mul3A_717 : i32
      %add3A_719 = arith.constant 0 : i32
      %add3A_720 = arith.addi %mul3A_718, %add3A_719 : i32
      %mul3A_721 = arith.constant 16 : i32
      %mul3A_722 = arith.muli %add3A_720, %mul3A_721 : i32
      %add3A_723 = vector.broadcast %mul3A_722 : i32 to vector<16xi32>
      %add3A_724 = arith.addi %add3A_723, %iota3A : vector<16xi32>
      %eq3A_725 = arith.cmpi eq, %add3A_724, %select_n3A_78 : vector<16xi32>
      %jit3A = arith.constant -3.000000e+38 : f32
      %broadcast_in_dim3A_726 = vector.broadcast %jit3A : f32 to vector<16xf32>
      %select_n3A_727 = arith.select %eq3A_725, %broadcast_in_dim3A_726, %get3A_716 : vector<16xi1>, vector<16xf32>
      %eq3A_728 = arith.cmpi eq, %add3A_724, %select_n3A_166 : vector<16xi32>
      %jit3A_729 = arith.constant -3.000000e+38 : f32
      %broadcast_in_dim3A_730 = vector.broadcast %jit3A_729 : f32 to vector<16xf32>
      %select_n3A_731 = arith.select %eq3A_728, %broadcast_in_dim3A_730, %select_n3A_727 : vector<16xi1>, vector<16xf32>
      %eq3A_732 = arith.cmpi eq, %add3A_724, %select_n3A_254 : vector<16xi32>
      %jit3A_733 = arith.constant -3.000000e+38 : f32
      %broadcast_in_dim3A_734 = vector.broadcast %jit3A_733 : f32 to vector<16xf32>
      %select_n3A_735 = arith.select %eq3A_732, %broadcast_in_dim3A_734, %select_n3A_731 : vector<16xi1>, vector<16xf32>
      %eq3A_736 = arith.cmpi eq, %add3A_724, %select_n3A_342 : vector<16xi32>
      %jit3A_737 = arith.constant -3.000000e+38 : f32
      %broadcast_in_dim3A_738 = vector.broadcast %jit3A_737 : f32 to vector<16xf32>
      %select_n3A_739 = arith.select %eq3A_736, %broadcast_in_dim3A_738, %select_n3A_735 : vector<16xi1>, vector<16xf32>
      %eq3A_740 = arith.cmpi eq, %add3A_724, %select_n3A_430 : vector<16xi32>
      %jit3A_741 = arith.constant -3.000000e+38 : f32
      %broadcast_in_dim3A_742 = vector.broadcast %jit3A_741 : f32 to vector<16xf32>
      %select_n3A_743 = arith.select %eq3A_740, %broadcast_in_dim3A_742, %select_n3A_739 : vector<16xi1>, vector<16xf32>
      %gt3A_744 = arith.cmpf ogt, %select_n3A_743, %scan3A_707 : vector<16xf32>
      %select_n3A_745 = arith.select %gt3A_744, %select_n3A_743, %scan3A_707 : vector<16xi1>, vector<16xf32>
      %select_n3A_746 = arith.select %gt3A_744, %add3A_724, %scan3A_708 : vector<16xi1>, vector<16xi32>
      %mul3A_747 = arith.constant 4 : i32
      %mul3A_748 = arith.muli %scan3A_706, %mul3A_747 : i32
      %add3A_749 = arith.constant 1 : i32
      %add3A_750 = arith.addi %mul3A_748, %add3A_749 : i32
      %mul3A_751 = arith.constant 16 : i32
      %mul3A_752 = arith.muli %add3A_750, %mul3A_751 : i32
      %get3A_753 = arith.index_cast %mul3A_752 : i32 to index
      %get3A_754 = tpu.vector_load %arg5[%get3A_753] {strides = array<i32>} : memref<2048xf32, #tpu.memory_space<vmem>>, vector<16xf32>,
      %get3A_755 = vector.shape_cast %get3A_754 : vector<16xf32> to vector<16xf32>
      %mul3A_756 = arith.constant 4 : i32
      %mul3A_757 = arith.muli %scan3A_706, %mul3A_756 : i32
      %add3A_758 = arith.constant 1 : i32
      %add3A_759 = arith.addi %mul3A_757, %add3A_758 : i32
      %mul3A_760 = arith.constant 16 : i32
      %mul3A_761 = arith.muli %add3A_759, %mul3A_760 : i32
      %add3A_762 = vector.broadcast %mul3A_761 : i32 to vector<16xi32>
      %add3A_763 = arith.addi %add3A_762, %iota3A : vector<16xi32>
      %eq3A_764 = arith.cmpi eq, %add3A_763, %select_n3A_78 : vector<16xi32>
      %jit3A_765 = arith.constant -3.000000e+38 : f32
      %broadcast_in_dim3A_766 = vector.broadcast %jit3A_765 : f32 to vector<16xf32>
      %select_n3A_767 = arith.select %eq3A_764, %broadcast_in_dim3A_766, %get3A_755 : vector<16xi1>, vector<16xf32>
      %eq3A_768 = arith.cmpi eq, %add3A_763, %select_n3A_166 : vector<16xi32>
      %jit3A_769 = arith.constant -3.000000e+38 : f32
      %broadcast_in_dim3A_770 = vector.broadcast %jit3A_769 : f32 to vector<16xf32>
      %select_n3A_771 = arith.select %eq3A_768, %broadcast_in_dim3A_770, %select_n3A_767 : vector<16xi1>, vector<16xf32>
      %eq3A_772 = arith.cmpi eq, %add3A_763, %select_n3A_254 : vector<16xi32>
      %jit3A_773 = arith.constant -3.000000e+38 : f32
      %broadcast_in_dim3A_774 = vector.broadcast %jit3A_773 : f32 to vector<16xf32>
      %select_n3A_775 = arith.select %eq3A_772, %broadcast_in_dim3A_774, %select_n3A_771 : vector<16xi1>, vector<16xf32>
      %eq3A_776 = arith.cmpi eq, %add3A_763, %select_n3A_342 : vector<16xi32>
      %jit3A_777 = arith.constant -3.000000e+38 : f32
      %broadcast_in_dim3A_778 = vector.broadcast %jit3A_777 : f32 to vector<16xf32>
      %select_n3A_779 = arith.select %eq3A_776, %broadcast_in_dim3A_778, %select_n3A_775 : vector<16xi1>, vector<16xf32>
      %eq3A_780 = arith.cmpi eq, %add3A_763, %select_n3A_430 : vector<16xi32>
      %jit3A_781 = arith.constant -3.000000e+38 : f32
      %broadcast_in_dim3A_782 = vector.broadcast %jit3A_781 : f32 to vector<16xf32>
      %select_n3A_783 = arith.select %eq3A_780, %broadcast_in_dim3A_782, %select_n3A_779 : vector<16xi1>, vector<16xf32>
      %gt3A_784 = arith.cmpf ogt, %select_n3A_783, %select_n3A_745 : vector<16xf32>
      %select_n3A_785 = arith.select %gt3A_784, %select_n3A_783, %select_n3A_745 : vector<16xi1>, vector<16xf32>
      %select_n3A_786 = arith.select %gt3A_784, %add3A_763, %select_n3A_746 : vector<16xi1>, vector<16xi32>
      %mul3A_787 = arith.constant 4 : i32
      %mul3A_788 = arith.muli %scan3A_706, %mul3A_787 : i32
      %add3A_789 = arith.constant 2 : i32
      %add3A_790 = arith.addi %mul3A_788, %add3A_789 : i32
      %mul3A_791 = arith.constant 16 : i32
      %mul3A_792 = arith.muli %add3A_790, %mul3A_791 : i32
      %get3A_793 = arith.index_cast %mul3A_792 : i32 to index
      %get3A_794 = tpu.vector_load %arg5[%get3A_793] {strides = array<i32>} : memref<2048xf32, #tpu.memory_space<vmem>>, vector<16xf32>,
      %get3A_795 = vector.shape_cast %get3A_794 : vector<16xf32> to vector<16xf32>
      %mul3A_796 = arith.constant 4 : i32
      %mul3A_797 = arith.muli %scan3A_706, %mul3A_796 : i32
      %add3A_798 = arith.constant 2 : i32
      %add3A_799 = arith.addi %mul3A_797, %add3A_798 : i32
      %mul3A_800 = arith.constant 16 : i32
      %mul3A_801 = arith.muli %add3A_799, %mul3A_800 : i32
      %add3A_802 = vector.broadcast %mul3A_801 : i32 to vector<16xi32>
      %add3A_803 = arith.addi %add3A_802, %iota3A : vector<16xi32>
      %eq3A_804 = arith.cmpi eq, %add3A_803, %select_n3A_78 : vector<16xi32>
      %jit3A_805 = arith.constant -3.000000e+38 : f32
      %broadcast_in_dim3A_806 = vector.broadcast %jit3A_805 : f32 to vector<16xf32>
      %select_n3A_807 = arith.select %eq3A_804, %broadcast_in_dim3A_806, %get3A_795 : vector<16xi1>, vector<16xf32>
      %eq3A_808 = arith.cmpi eq, %add3A_803, %select_n3A_166 : vector<16xi32>
      %jit3A_809 = arith.constant -3.000000e+38 : f32
      %broadcast_in_dim3A_810 = vector.broadcast %jit3A_809 : f32 to vector<16xf32>
      %select_n3A_811 = arith.select %eq3A_808, %broadcast_in_dim3A_810, %select_n3A_807 : vector<16xi1>, vector<16xf32>
      %eq3A_812 = arith.cmpi eq, %add3A_803, %select_n3A_254 : vector<16xi32>
      %jit3A_813 = arith.constant -3.000000e+38 : f32
      %broadcast_in_dim3A_814 = vector.broadcast %jit3A_813 : f32 to vector<16xf32>
      %select_n3A_815 = arith.select %eq3A_812, %broadcast_in_dim3A_814, %select_n3A_811 : vector<16xi1>, vector<16xf32>
      %eq3A_816 = arith.cmpi eq, %add3A_803, %select_n3A_342 : vector<16xi32>
      %jit3A_817 = arith.constant -3.000000e+38 : f32
      %broadcast_in_dim3A_818 = vector.broadcast %jit3A_817 : f32 to vector<16xf32>
      %select_n3A_819 = arith.select %eq3A_816, %broadcast_in_dim3A_818, %select_n3A_815 : vector<16xi1>, vector<16xf32>
      %eq3A_820 = arith.cmpi eq, %add3A_803, %select_n3A_430 : vector<16xi32>
      %jit3A_821 = arith.constant -3.000000e+38 : f32
      %broadcast_in_dim3A_822 = vector.broadcast %jit3A_821 : f32 to vector<16xf32>
      %select_n3A_823 = arith.select %eq3A_820, %broadcast_in_dim3A_822, %select_n3A_819 : vector<16xi1>, vector<16xf32>
      %gt3A_824 = arith.cmpf ogt, %select_n3A_823, %select_n3A_785 : vector<16xf32>
      %select_n3A_825 = arith.select %gt3A_824, %select_n3A_823, %select_n3A_785 : vector<16xi1>, vector<16xf32>
      %select_n3A_826 = arith.select %gt3A_824, %add3A_803, %select_n3A_786 : vector<16xi1>, vector<16xi32>
      %mul3A_827 = arith.constant 4 : i32
      %mul3A_828 = arith.muli %scan3A_706, %mul3A_827 : i32
      %add3A_829 = arith.constant 3 : i32
      %add3A_830 = arith.addi %mul3A_828, %add3A_829 : i32
      %mul3A_831 = arith.constant 16 : i32
      %mul3A_832 = arith.muli %add3A_830, %mul3A_831 : i32
      %get3A_833 = arith.index_cast %mul3A_832 : i32 to index
      %get3A_834 = tpu.vector_load %arg5[%get3A_833] {strides = array<i32>} : memref<2048xf32, #tpu.memory_space<vmem>>, vector<16xf32>,
      %get3A_835 = vector.shape_cast %get3A_834 : vector<16xf32> to vector<16xf32>
      %mul3A_836 = arith.constant 4 : i32
      %mul3A_837 = arith.muli %scan3A_706, %mul3A_836 : i32
      %add3A_838 = arith.constant 3 : i32
      %add3A_839 = arith.addi %mul3A_837, %add3A_838 : i32
      %mul3A_840 = arith.constant 16 : i32
      %mul3A_841 = arith.muli %add3A_839, %mul3A_840 : i32
      %add3A_842 = vector.broadcast %mul3A_841 : i32 to vector<16xi32>
      %add3A_843 = arith.addi %add3A_842, %iota3A : vector<16xi32>
      %eq3A_844 = arith.cmpi eq, %add3A_843, %select_n3A_78 : vector<16xi32>
      %jit3A_845 = arith.constant -3.000000e+38 : f32
      %broadcast_in_dim3A_846 = vector.broadcast %jit3A_845 : f32 to vector<16xf32>
      %select_n3A_847 = arith.select %eq3A_844, %broadcast_in_dim3A_846, %get3A_835 : vector<16xi1>, vector<16xf32>
      %eq3A_848 = arith.cmpi eq, %add3A_843, %select_n3A_166 : vector<16xi32>
      %jit3A_849 = arith.constant -3.000000e+38 : f32
      %broadcast_in_dim3A_850 = vector.broadcast %jit3A_849 : f32 to vector<16xf32>
      %select_n3A_851 = arith.select %eq3A_848, %broadcast_in_dim3A_850, %select_n3A_847 : vector<16xi1>, vector<16xf32>
      %eq3A_852 = arith.cmpi eq, %add3A_843, %select_n3A_254 : vector<16xi32>
      %jit3A_853 = arith.constant -3.000000e+38 : f32
      %broadcast_in_dim3A_854 = vector.broadcast %jit3A_853 : f32 to vector<16xf32>
      %select_n3A_855 = arith.select %eq3A_852, %broadcast_in_dim3A_854, %select_n3A_851 : vector<16xi1>, vector<16xf32>
      %eq3A_856 = arith.cmpi eq, %add3A_843, %select_n3A_342 : vector<16xi32>
      %jit3A_857 = arith.constant -3.000000e+38 : f32
      %broadcast_in_dim3A_858 = vector.broadcast %jit3A_857 : f32 to vector<16xf32>
      %select_n3A_859 = arith.select %eq3A_856, %broadcast_in_dim3A_858, %select_n3A_855 : vector<16xi1>, vector<16xf32>
      %eq3A_860 = arith.cmpi eq, %add3A_843, %select_n3A_430 : vector<16xi32>
      %jit3A_861 = arith.constant -3.000000e+38 : f32
      %broadcast_in_dim3A_862 = vector.broadcast %jit3A_861 : f32 to vector<16xf32>
      %select_n3A_863 = arith.select %eq3A_860, %broadcast_in_dim3A_862, %select_n3A_859 : vector<16xi1>, vector<16xf32>
      %gt3A_864 = arith.cmpf ogt, %select_n3A_863, %select_n3A_825 : vector<16xf32>
      %select_n3A_865 = arith.select %gt3A_864, %select_n3A_863, %select_n3A_825 : vector<16xi1>, vector<16xf32>
      %select_n3A_866 = arith.select %gt3A_864, %add3A_843, %select_n3A_826 : vector<16xi1>, vector<16xi32>
      scf.yield %select_n3A_865, %select_n3A_866 : vector<16xf32>, vector<16xi32>
    }
    %scan3A_442 = arith.constant 32 : i32
    %add3A_443 = arith.constant 8 : i32
    %add3A_444 = vector.broadcast %add3A_443 : i32 to vector<16xi32>
    %add3A_445 = arith.addi %iota3A, %add3A_444 : vector<16xi32>
    %and3A_446 = arith.constant 15 : i32
    %and3A_447 = vector.broadcast %and3A_446 : i32 to vector<16xi32>
    %and3A_448 = arith.andi %add3A_445, %and3A_447 : vector<16xi32>
    %broadcast_in_dim3A_449 = vector.shape_cast %and3A_448 : vector<16xi32> to vector<16x1xi32>
    %gather3A_450 = vector.shape_cast %broadcast_in_dim3A_449 : vector<16x1xi32> to vector<16xi32>
    %gather3A_451 = tpu.dynamic_gather %scan3A_441#0[%gather3A_450] in [0] : vector<16xf32>, vector<16xi32> -> vector<16xf32>
    %broadcast_in_dim3A_452 = vector.shape_cast %and3A_448 : vector<16xi32> to vector<16x1xi32>
    %gather3A_453 = vector.shape_cast %broadcast_in_dim3A_452 : vector<16x1xi32> to vector<16xi32>
    %gather3A_454 = tpu.dynamic_gather %scan3A_441#1[%gather3A_453] in [0] : vector<16xi32>, vector<16xi32> -> vector<16xi32>
    %gt3A_455 = arith.cmpf ogt, %gather3A_451, %scan3A_441#0 : vector<16xf32>
    %eq3A_456 = arith.cmpf oeq, %gather3A_451, %scan3A_441#0 : vector<16xf32>
    %lt3A_457 = arith.cmpi slt, %gather3A_454, %scan3A_441#1 : vector<16xi32>
    %and3A_458 = arith.andi %eq3A_456, %lt3A_457 : vector<16xi1>
    %or3A_459 = arith.ori %gt3A_455, %and3A_458 : vector<16xi1>
    %select_n3A_460 = arith.select %or3A_459, %gather3A_451, %scan3A_441#0 : vector<16xi1>, vector<16xf32>
    %select_n3A_461 = arith.select %or3A_459, %gather3A_454, %scan3A_441#1 : vector<16xi1>, vector<16xi32>
    %add3A_462 = arith.constant 4 : i32
    %add3A_463 = vector.broadcast %add3A_462 : i32 to vector<16xi32>
    %add3A_464 = arith.addi %iota3A, %add3A_463 : vector<16xi32>
    %and3A_465 = arith.constant 15 : i32
    %and3A_466 = vector.broadcast %and3A_465 : i32 to vector<16xi32>
    %and3A_467 = arith.andi %add3A_464, %and3A_466 : vector<16xi32>
    %broadcast_in_dim3A_468 = vector.shape_cast %and3A_467 : vector<16xi32> to vector<16x1xi32>
    %gather3A_469 = vector.shape_cast %broadcast_in_dim3A_468 : vector<16x1xi32> to vector<16xi32>
    %gather3A_470 = tpu.dynamic_gather %select_n3A_460[%gather3A_469] in [0] : vector<16xf32>, vector<16xi32> -> vector<16xf32>
    %broadcast_in_dim3A_471 = vector.shape_cast %and3A_467 : vector<16xi32> to vector<16x1xi32>
    %gather3A_472 = vector.shape_cast %broadcast_in_dim3A_471 : vector<16x1xi32> to vector<16xi32>
    %gather3A_473 = tpu.dynamic_gather %select_n3A_461[%gather3A_472] in [0] : vector<16xi32>, vector<16xi32> -> vector<16xi32>
    %gt3A_474 = arith.cmpf ogt, %gather3A_470, %select_n3A_460 : vector<16xf32>
    %eq3A_475 = arith.cmpf oeq, %gather3A_470, %select_n3A_460 : vector<16xf32>
    %lt3A_476 = arith.cmpi slt, %gather3A_473, %select_n3A_461 : vector<16xi32>
    %and3A_477 = arith.andi %eq3A_475, %lt3A_476 : vector<16xi1>
    %or3A_478 = arith.ori %gt3A_474, %and3A_477 : vector<16xi1>
    %select_n3A_479 = arith.select %or3A_478, %gather3A_470, %select_n3A_460 : vector<16xi1>, vector<16xf32>
    %select_n3A_480 = arith.select %or3A_478, %gather3A_473, %select_n3A_461 : vector<16xi1>, vector<16xi32>
    %add3A_481 = arith.constant 2 : i32
    %add3A_482 = vector.broadcast %add3A_481 : i32 to vector<16xi32>
    %add3A_483 = arith.addi %iota3A, %add3A_482 : vector<16xi32>
    %and3A_484 = arith.constant 15 : i32
    %and3A_485 = vector.broadcast %and3A_484 : i32 to vector<16xi32>
    %and3A_486 = arith.andi %add3A_483, %and3A_485 : vector<16xi32>
    %broadcast_in_dim3A_487 = vector.shape_cast %and3A_486 : vector<16xi32> to vector<16x1xi32>
    %gather3A_488 = vector.shape_cast %broadcast_in_dim3A_487 : vector<16x1xi32> to vector<16xi32>
    %gather3A_489 = tpu.dynamic_gather %select_n3A_479[%gather3A_488] in [0] : vector<16xf32>, vector<16xi32> -> vector<16xf32>
    %broadcast_in_dim3A_490 = vector.shape_cast %and3A_486 : vector<16xi32> to vector<16x1xi32>
    %gather3A_491 = vector.shape_cast %broadcast_in_dim3A_490 : vector<16x1xi32> to vector<16xi32>
    %gather3A_492 = tpu.dynamic_gather %select_n3A_480[%gather3A_491] in [0] : vector<16xi32>, vector<16xi32> -> vector<16xi32>
    %gt3A_493 = arith.cmpf ogt, %gather3A_489, %select_n3A_479 : vector<16xf32>
    %eq3A_494 = arith.cmpf oeq, %gather3A_489, %select_n3A_479 : vector<16xf32>
    %lt3A_495 = arith.cmpi slt, %gather3A_492, %select_n3A_480 : vector<16xi32>
    %and3A_496 = arith.andi %eq3A_494, %lt3A_495 : vector<16xi1>
    %or3A_497 = arith.ori %gt3A_493, %and3A_496 : vector<16xi1>
    %select_n3A_498 = arith.select %or3A_497, %gather3A_489, %select_n3A_479 : vector<16xi1>, vector<16xf32>
    %select_n3A_499 = arith.select %or3A_497, %gather3A_492, %select_n3A_480 : vector<16xi1>, vector<16xi32>
    %add3A_500 = arith.constant 1 : i32
    %add3A_501 = vector.broadcast %add3A_500 : i32 to vector<16xi32>
    %add3A_502 = arith.addi %iota3A, %add3A_501 : vector<16xi32>
    %and3A_503 = arith.constant 15 : i32
    %and3A_504 = vector.broadcast %and3A_503 : i32 to vector<16xi32>
    %and3A_505 = arith.andi %add3A_502, %and3A_504 : vector<16xi32>
    %broadcast_in_dim3A_506 = vector.shape_cast %and3A_505 : vector<16xi32> to vector<16x1xi32>
    %gather3A_507 = vector.shape_cast %broadcast_in_dim3A_506 : vector<16x1xi32> to vector<16xi32>
    %gather3A_508 = tpu.dynamic_gather %select_n3A_498[%gather3A_507] in [0] : vector<16xf32>, vector<16xi32> -> vector<16xf32>
    %broadcast_in_dim3A_509 = vector.shape_cast %and3A_505 : vector<16xi32> to vector<16x1xi32>
    %gather3A_510 = vector.shape_cast %broadcast_in_dim3A_509 : vector<16x1xi32> to vector<16xi32>
    %gather3A_511 = tpu.dynamic_gather %select_n3A_499[%gather3A_510] in [0] : vector<16xi32>, vector<16xi32> -> vector<16xi32>
    %gt3A_512 = arith.cmpf ogt, %gather3A_508, %select_n3A_498 : vector<16xf32>
    %eq3A_513 = arith.cmpf oeq, %gather3A_508, %select_n3A_498 : vector<16xf32>
    %lt3A_514 = arith.cmpi slt, %gather3A_511, %select_n3A_499 : vector<16xi32>
    %and3A_515 = arith.andi %eq3A_513, %lt3A_514 : vector<16xi1>
    %or3A_516 = arith.ori %gt3A_512, %and3A_515 : vector<16xi1>
    %select_n3A_517 = arith.select %or3A_516, %gather3A_508, %select_n3A_498 : vector<16xi1>, vector<16xf32>
    %select_n3A_518 = arith.select %or3A_516, %gather3A_511, %select_n3A_499 : vector<16xi1>, vector<16xi32>
    %eq3A_519 = arith.constant 5 : i32
    %eq3A_520 = vector.broadcast %eq3A_519 : i32 to vector<16xi32>
    %eq3A_521 = arith.cmpi eq, %iota3A, %eq3A_520 : vector<16xi32>
    %select_n3A_522 = arith.select %eq3A_521, %select_n3A_518, %select_n3A_434 : vector<16xi1>, vector<16xi32>
    %broadcast_in_dim3A_523 = arith.constant -3.000000e+38 : f32
    %broadcast_in_dim3A_524 = vector.broadcast %broadcast_in_dim3A_523 : f32 to vector<16xf32>
    %scan3A_525 = arith.constant 0 : i32
    %scan3A_526 = arith.constant 32 : i32
    %scan3A_527 = arith.addi %scan3A_525, %scan3A_526 : i32
    %scan3A_528 = arith.constant 1 : i32
    %scan3A_529:2 = scf.for %scan3A_706 = %scan3A_525 to %scan3A_527 step %scan3A_528 iter_args(%scan3A_707 = %broadcast_in_dim3A_524, %scan3A_708 = %broadcast_in_dim3A_2) -> (vector<16xf32>, vector<16xi32>)  : i32 {
      %mul3A_709 = arith.constant 4 : i32
      %mul3A_710 = arith.muli %scan3A_706, %mul3A_709 : i32
      %add3A_711 = arith.constant 0 : i32
      %add3A_712 = arith.addi %mul3A_710, %add3A_711 : i32
      %mul3A_713 = arith.constant 16 : i32
      %mul3A_714 = arith.muli %add3A_712, %mul3A_713 : i32
      %get3A = arith.index_cast %mul3A_714 : i32 to index
      %get3A_715 = tpu.vector_load %arg5[%get3A] {strides = array<i32>} : memref<2048xf32, #tpu.memory_space<vmem>>, vector<16xf32>,
      %get3A_716 = vector.shape_cast %get3A_715 : vector<16xf32> to vector<16xf32>
      %mul3A_717 = arith.constant 4 : i32
      %mul3A_718 = arith.muli %scan3A_706, %mul3A_717 : i32
      %add3A_719 = arith.constant 0 : i32
      %add3A_720 = arith.addi %mul3A_718, %add3A_719 : i32
      %mul3A_721 = arith.constant 16 : i32
      %mul3A_722 = arith.muli %add3A_720, %mul3A_721 : i32
      %add3A_723 = vector.broadcast %mul3A_722 : i32 to vector<16xi32>
      %add3A_724 = arith.addi %add3A_723, %iota3A : vector<16xi32>
      %eq3A_725 = arith.cmpi eq, %add3A_724, %select_n3A_78 : vector<16xi32>
      %jit3A = arith.constant -3.000000e+38 : f32
      %broadcast_in_dim3A_726 = vector.broadcast %jit3A : f32 to vector<16xf32>
      %select_n3A_727 = arith.select %eq3A_725, %broadcast_in_dim3A_726, %get3A_716 : vector<16xi1>, vector<16xf32>
      %eq3A_728 = arith.cmpi eq, %add3A_724, %select_n3A_166 : vector<16xi32>
      %jit3A_729 = arith.constant -3.000000e+38 : f32
      %broadcast_in_dim3A_730 = vector.broadcast %jit3A_729 : f32 to vector<16xf32>
      %select_n3A_731 = arith.select %eq3A_728, %broadcast_in_dim3A_730, %select_n3A_727 : vector<16xi1>, vector<16xf32>
      %eq3A_732 = arith.cmpi eq, %add3A_724, %select_n3A_254 : vector<16xi32>
      %jit3A_733 = arith.constant -3.000000e+38 : f32
      %broadcast_in_dim3A_734 = vector.broadcast %jit3A_733 : f32 to vector<16xf32>
      %select_n3A_735 = arith.select %eq3A_732, %broadcast_in_dim3A_734, %select_n3A_731 : vector<16xi1>, vector<16xf32>
      %eq3A_736 = arith.cmpi eq, %add3A_724, %select_n3A_342 : vector<16xi32>
      %jit3A_737 = arith.constant -3.000000e+38 : f32
      %broadcast_in_dim3A_738 = vector.broadcast %jit3A_737 : f32 to vector<16xf32>
      %select_n3A_739 = arith.select %eq3A_736, %broadcast_in_dim3A_738, %select_n3A_735 : vector<16xi1>, vector<16xf32>
      %eq3A_740 = arith.cmpi eq, %add3A_724, %select_n3A_430 : vector<16xi32>
      %jit3A_741 = arith.constant -3.000000e+38 : f32
      %broadcast_in_dim3A_742 = vector.broadcast %jit3A_741 : f32 to vector<16xf32>
      %select_n3A_743 = arith.select %eq3A_740, %broadcast_in_dim3A_742, %select_n3A_739 : vector<16xi1>, vector<16xf32>
      %eq3A_744 = arith.cmpi eq, %add3A_724, %select_n3A_518 : vector<16xi32>
      %jit3A_745 = arith.constant -3.000000e+38 : f32
      %broadcast_in_dim3A_746 = vector.broadcast %jit3A_745 : f32 to vector<16xf32>
      %select_n3A_747 = arith.select %eq3A_744, %broadcast_in_dim3A_746, %select_n3A_743 : vector<16xi1>, vector<16xf32>
      %gt3A_748 = arith.cmpf ogt, %select_n3A_747, %scan3A_707 : vector<16xf32>
      %select_n3A_749 = arith.select %gt3A_748, %select_n3A_747, %scan3A_707 : vector<16xi1>, vector<16xf32>
      %select_n3A_750 = arith.select %gt3A_748, %add3A_724, %scan3A_708 : vector<16xi1>, vector<16xi32>
      %mul3A_751 = arith.constant 4 : i32
      %mul3A_752 = arith.muli %scan3A_706, %mul3A_751 : i32
      %add3A_753 = arith.constant 1 : i32
      %add3A_754 = arith.addi %mul3A_752, %add3A_753 : i32
      %mul3A_755 = arith.constant 16 : i32
      %mul3A_756 = arith.muli %add3A_754, %mul3A_755 : i32
      %get3A_757 = arith.index_cast %mul3A_756 : i32 to index
      %get3A_758 = tpu.vector_load %arg5[%get3A_757] {strides = array<i32>} : memref<2048xf32, #tpu.memory_space<vmem>>, vector<16xf32>,
      %get3A_759 = vector.shape_cast %get3A_758 : vector<16xf32> to vector<16xf32>
      %mul3A_760 = arith.constant 4 : i32
      %mul3A_761 = arith.muli %scan3A_706, %mul3A_760 : i32
      %add3A_762 = arith.constant 1 : i32
      %add3A_763 = arith.addi %mul3A_761, %add3A_762 : i32
      %mul3A_764 = arith.constant 16 : i32
      %mul3A_765 = arith.muli %add3A_763, %mul3A_764 : i32
      %add3A_766 = vector.broadcast %mul3A_765 : i32 to vector<16xi32>
      %add3A_767 = arith.addi %add3A_766, %iota3A : vector<16xi32>
      %eq3A_768 = arith.cmpi eq, %add3A_767, %select_n3A_78 : vector<16xi32>
      %jit3A_769 = arith.constant -3.000000e+38 : f32
      %broadcast_in_dim3A_770 = vector.broadcast %jit3A_769 : f32 to vector<16xf32>
      %select_n3A_771 = arith.select %eq3A_768, %broadcast_in_dim3A_770, %get3A_759 : vector<16xi1>, vector<16xf32>
      %eq3A_772 = arith.cmpi eq, %add3A_767, %select_n3A_166 : vector<16xi32>
      %jit3A_773 = arith.constant -3.000000e+38 : f32
      %broadcast_in_dim3A_774 = vector.broadcast %jit3A_773 : f32 to vector<16xf32>
      %select_n3A_775 = arith.select %eq3A_772, %broadcast_in_dim3A_774, %select_n3A_771 : vector<16xi1>, vector<16xf32>
      %eq3A_776 = arith.cmpi eq, %add3A_767, %select_n3A_254 : vector<16xi32>
      %jit3A_777 = arith.constant -3.000000e+38 : f32
      %broadcast_in_dim3A_778 = vector.broadcast %jit3A_777 : f32 to vector<16xf32>
      %select_n3A_779 = arith.select %eq3A_776, %broadcast_in_dim3A_778, %select_n3A_775 : vector<16xi1>, vector<16xf32>
      %eq3A_780 = arith.cmpi eq, %add3A_767, %select_n3A_342 : vector<16xi32>
      %jit3A_781 = arith.constant -3.000000e+38 : f32
      %broadcast_in_dim3A_782 = vector.broadcast %jit3A_781 : f32 to vector<16xf32>
      %select_n3A_783 = arith.select %eq3A_780, %broadcast_in_dim3A_782, %select_n3A_779 : vector<16xi1>, vector<16xf32>
      %eq3A_784 = arith.cmpi eq, %add3A_767, %select_n3A_430 : vector<16xi32>
      %jit3A_785 = arith.constant -3.000000e+38 : f32
      %broadcast_in_dim3A_786 = vector.broadcast %jit3A_785 : f32 to vector<16xf32>
      %select_n3A_787 = arith.select %eq3A_784, %broadcast_in_dim3A_786, %select_n3A_783 : vector<16xi1>, vector<16xf32>
      %eq3A_788 = arith.cmpi eq, %add3A_767, %select_n3A_518 : vector<16xi32>
      %jit3A_789 = arith.constant -3.000000e+38 : f32
      %broadcast_in_dim3A_790 = vector.broadcast %jit3A_789 : f32 to vector<16xf32>
      %select_n3A_791 = arith.select %eq3A_788, %broadcast_in_dim3A_790, %select_n3A_787 : vector<16xi1>, vector<16xf32>
      %gt3A_792 = arith.cmpf ogt, %select_n3A_791, %select_n3A_749 : vector<16xf32>
      %select_n3A_793 = arith.select %gt3A_792, %select_n3A_791, %select_n3A_749 : vector<16xi1>, vector<16xf32>
      %select_n3A_794 = arith.select %gt3A_792, %add3A_767, %select_n3A_750 : vector<16xi1>, vector<16xi32>
      %mul3A_795 = arith.constant 4 : i32
      %mul3A_796 = arith.muli %scan3A_706, %mul3A_795 : i32
      %add3A_797 = arith.constant 2 : i32
      %add3A_798 = arith.addi %mul3A_796, %add3A_797 : i32
      %mul3A_799 = arith.constant 16 : i32
      %mul3A_800 = arith.muli %add3A_798, %mul3A_799 : i32
      %get3A_801 = arith.index_cast %mul3A_800 : i32 to index
      %get3A_802 = tpu.vector_load %arg5[%get3A_801] {strides = array<i32>} : memref<2048xf32, #tpu.memory_space<vmem>>, vector<16xf32>,
      %get3A_803 = vector.shape_cast %get3A_802 : vector<16xf32> to vector<16xf32>
      %mul3A_804 = arith.constant 4 : i32
      %mul3A_805 = arith.muli %scan3A_706, %mul3A_804 : i32
      %add3A_806 = arith.constant 2 : i32
      %add3A_807 = arith.addi %mul3A_805, %add3A_806 : i32
      %mul3A_808 = arith.constant 16 : i32
      %mul3A_809 = arith.muli %add3A_807, %mul3A_808 : i32
      %add3A_810 = vector.broadcast %mul3A_809 : i32 to vector<16xi32>
      %add3A_811 = arith.addi %add3A_810, %iota3A : vector<16xi32>
      %eq3A_812 = arith.cmpi eq, %add3A_811, %select_n3A_78 : vector<16xi32>
      %jit3A_813 = arith.constant -3.000000e+38 : f32
      %broadcast_in_dim3A_814 = vector.broadcast %jit3A_813 : f32 to vector<16xf32>
      %select_n3A_815 = arith.select %eq3A_812, %broadcast_in_dim3A_814, %get3A_803 : vector<16xi1>, vector<16xf32>
      %eq3A_816 = arith.cmpi eq, %add3A_811, %select_n3A_166 : vector<16xi32>
      %jit3A_817 = arith.constant -3.000000e+38 : f32
      %broadcast_in_dim3A_818 = vector.broadcast %jit3A_817 : f32 to vector<16xf32>
      %select_n3A_819 = arith.select %eq3A_816, %broadcast_in_dim3A_818, %select_n3A_815 : vector<16xi1>, vector<16xf32>
      %eq3A_820 = arith.cmpi eq, %add3A_811, %select_n3A_254 : vector<16xi32>
      %jit3A_821 = arith.constant -3.000000e+38 : f32
      %broadcast_in_dim3A_822 = vector.broadcast %jit3A_821 : f32 to vector<16xf32>
      %select_n3A_823 = arith.select %eq3A_820, %broadcast_in_dim3A_822, %select_n3A_819 : vector<16xi1>, vector<16xf32>
      %eq3A_824 = arith.cmpi eq, %add3A_811, %select_n3A_342 : vector<16xi32>
      %jit3A_825 = arith.constant -3.000000e+38 : f32
      %broadcast_in_dim3A_826 = vector.broadcast %jit3A_825 : f32 to vector<16xf32>
      %select_n3A_827 = arith.select %eq3A_824, %broadcast_in_dim3A_826, %select_n3A_823 : vector<16xi1>, vector<16xf32>
      %eq3A_828 = arith.cmpi eq, %add3A_811, %select_n3A_430 : vector<16xi32>
      %jit3A_829 = arith.constant -3.000000e+38 : f32
      %broadcast_in_dim3A_830 = vector.broadcast %jit3A_829 : f32 to vector<16xf32>
      %select_n3A_831 = arith.select %eq3A_828, %broadcast_in_dim3A_830, %select_n3A_827 : vector<16xi1>, vector<16xf32>
      %eq3A_832 = arith.cmpi eq, %add3A_811, %select_n3A_518 : vector<16xi32>
      %jit3A_833 = arith.constant -3.000000e+38 : f32
      %broadcast_in_dim3A_834 = vector.broadcast %jit3A_833 : f32 to vector<16xf32>
      %select_n3A_835 = arith.select %eq3A_832, %broadcast_in_dim3A_834, %select_n3A_831 : vector<16xi1>, vector<16xf32>
      %gt3A_836 = arith.cmpf ogt, %select_n3A_835, %select_n3A_793 : vector<16xf32>
      %select_n3A_837 = arith.select %gt3A_836, %select_n3A_835, %select_n3A_793 : vector<16xi1>, vector<16xf32>
      %select_n3A_838 = arith.select %gt3A_836, %add3A_811, %select_n3A_794 : vector<16xi1>, vector<16xi32>
      %mul3A_839 = arith.constant 4 : i32
      %mul3A_840 = arith.muli %scan3A_706, %mul3A_839 : i32
      %add3A_841 = arith.constant 3 : i32
      %add3A_842 = arith.addi %mul3A_840, %add3A_841 : i32
      %mul3A_843 = arith.constant 16 : i32
      %mul3A_844 = arith.muli %add3A_842, %mul3A_843 : i32
      %get3A_845 = arith.index_cast %mul3A_844 : i32 to index
      %get3A_846 = tpu.vector_load %arg5[%get3A_845] {strides = array<i32>} : memref<2048xf32, #tpu.memory_space<vmem>>, vector<16xf32>,
      %get3A_847 = vector.shape_cast %get3A_846 : vector<16xf32> to vector<16xf32>
      %mul3A_848 = arith.constant 4 : i32
      %mul3A_849 = arith.muli %scan3A_706, %mul3A_848 : i32
      %add3A_850 = arith.constant 3 : i32
      %add3A_851 = arith.addi %mul3A_849, %add3A_850 : i32
      %mul3A_852 = arith.constant 16 : i32
      %mul3A_853 = arith.muli %add3A_851, %mul3A_852 : i32
      %add3A_854 = vector.broadcast %mul3A_853 : i32 to vector<16xi32>
      %add3A_855 = arith.addi %add3A_854, %iota3A : vector<16xi32>
      %eq3A_856 = arith.cmpi eq, %add3A_855, %select_n3A_78 : vector<16xi32>
      %jit3A_857 = arith.constant -3.000000e+38 : f32
      %broadcast_in_dim3A_858 = vector.broadcast %jit3A_857 : f32 to vector<16xf32>
      %select_n3A_859 = arith.select %eq3A_856, %broadcast_in_dim3A_858, %get3A_847 : vector<16xi1>, vector<16xf32>
      %eq3A_860 = arith.cmpi eq, %add3A_855, %select_n3A_166 : vector<16xi32>
      %jit3A_861 = arith.constant -3.000000e+38 : f32
      %broadcast_in_dim3A_862 = vector.broadcast %jit3A_861 : f32 to vector<16xf32>
      %select_n3A_863 = arith.select %eq3A_860, %broadcast_in_dim3A_862, %select_n3A_859 : vector<16xi1>, vector<16xf32>
      %eq3A_864 = arith.cmpi eq, %add3A_855, %select_n3A_254 : vector<16xi32>
      %jit3A_865 = arith.constant -3.000000e+38 : f32
      %broadcast_in_dim3A_866 = vector.broadcast %jit3A_865 : f32 to vector<16xf32>
      %select_n3A_867 = arith.select %eq3A_864, %broadcast_in_dim3A_866, %select_n3A_863 : vector<16xi1>, vector<16xf32>
      %eq3A_868 = arith.cmpi eq, %add3A_855, %select_n3A_342 : vector<16xi32>
      %jit3A_869 = arith.constant -3.000000e+38 : f32
      %broadcast_in_dim3A_870 = vector.broadcast %jit3A_869 : f32 to vector<16xf32>
      %select_n3A_871 = arith.select %eq3A_868, %broadcast_in_dim3A_870, %select_n3A_867 : vector<16xi1>, vector<16xf32>
      %eq3A_872 = arith.cmpi eq, %add3A_855, %select_n3A_430 : vector<16xi32>
      %jit3A_873 = arith.constant -3.000000e+38 : f32
      %broadcast_in_dim3A_874 = vector.broadcast %jit3A_873 : f32 to vector<16xf32>
      %select_n3A_875 = arith.select %eq3A_872, %broadcast_in_dim3A_874, %select_n3A_871 : vector<16xi1>, vector<16xf32>
      %eq3A_876 = arith.cmpi eq, %add3A_855, %select_n3A_518 : vector<16xi32>
      %jit3A_877 = arith.constant -3.000000e+38 : f32
      %broadcast_in_dim3A_878 = vector.broadcast %jit3A_877 : f32 to vector<16xf32>
      %select_n3A_879 = arith.select %eq3A_876, %broadcast_in_dim3A_878, %select_n3A_875 : vector<16xi1>, vector<16xf32>
      %gt3A_880 = arith.cmpf ogt, %select_n3A_879, %select_n3A_837 : vector<16xf32>
      %select_n3A_881 = arith.select %gt3A_880, %select_n3A_879, %select_n3A_837 : vector<16xi1>, vector<16xf32>
      %select_n3A_882 = arith.select %gt3A_880, %add3A_855, %select_n3A_838 : vector<16xi1>, vector<16xi32>
      scf.yield %select_n3A_881, %select_n3A_882 : vector<16xf32>, vector<16xi32>
    }
    %scan3A_530 = arith.constant 32 : i32
    %add3A_531 = arith.constant 8 : i32
    %add3A_532 = vector.broadcast %add3A_531 : i32 to vector<16xi32>
    %add3A_533 = arith.addi %iota3A, %add3A_532 : vector<16xi32>
    %and3A_534 = arith.constant 15 : i32
    %and3A_535 = vector.broadcast %and3A_534 : i32 to vector<16xi32>
    %and3A_536 = arith.andi %add3A_533, %and3A_535 : vector<16xi32>
    %broadcast_in_dim3A_537 = vector.shape_cast %and3A_536 : vector<16xi32> to vector<16x1xi32>
    %gather3A_538 = vector.shape_cast %broadcast_in_dim3A_537 : vector<16x1xi32> to vector<16xi32>
    %gather3A_539 = tpu.dynamic_gather %scan3A_529#0[%gather3A_538] in [0] : vector<16xf32>, vector<16xi32> -> vector<16xf32>
    %broadcast_in_dim3A_540 = vector.shape_cast %and3A_536 : vector<16xi32> to vector<16x1xi32>
    %gather3A_541 = vector.shape_cast %broadcast_in_dim3A_540 : vector<16x1xi32> to vector<16xi32>
    %gather3A_542 = tpu.dynamic_gather %scan3A_529#1[%gather3A_541] in [0] : vector<16xi32>, vector<16xi32> -> vector<16xi32>
    %gt3A_543 = arith.cmpf ogt, %gather3A_539, %scan3A_529#0 : vector<16xf32>
    %eq3A_544 = arith.cmpf oeq, %gather3A_539, %scan3A_529#0 : vector<16xf32>
    %lt3A_545 = arith.cmpi slt, %gather3A_542, %scan3A_529#1 : vector<16xi32>
    %and3A_546 = arith.andi %eq3A_544, %lt3A_545 : vector<16xi1>
    %or3A_547 = arith.ori %gt3A_543, %and3A_546 : vector<16xi1>
    %select_n3A_548 = arith.select %or3A_547, %gather3A_539, %scan3A_529#0 : vector<16xi1>, vector<16xf32>
    %select_n3A_549 = arith.select %or3A_547, %gather3A_542, %scan3A_529#1 : vector<16xi1>, vector<16xi32>
    %add3A_550 = arith.constant 4 : i32
    %add3A_551 = vector.broadcast %add3A_550 : i32 to vector<16xi32>
    %add3A_552 = arith.addi %iota3A, %add3A_551 : vector<16xi32>
    %and3A_553 = arith.constant 15 : i32
    %and3A_554 = vector.broadcast %and3A_553 : i32 to vector<16xi32>
    %and3A_555 = arith.andi %add3A_552, %and3A_554 : vector<16xi32>
    %broadcast_in_dim3A_556 = vector.shape_cast %and3A_555 : vector<16xi32> to vector<16x1xi32>
    %gather3A_557 = vector.shape_cast %broadcast_in_dim3A_556 : vector<16x1xi32> to vector<16xi32>
    %gather3A_558 = tpu.dynamic_gather %select_n3A_548[%gather3A_557] in [0] : vector<16xf32>, vector<16xi32> -> vector<16xf32>
    %broadcast_in_dim3A_559 = vector.shape_cast %and3A_555 : vector<16xi32> to vector<16x1xi32>
    %gather3A_560 = vector.shape_cast %broadcast_in_dim3A_559 : vector<16x1xi32> to vector<16xi32>
    %gather3A_561 = tpu.dynamic_gather %select_n3A_549[%gather3A_560] in [0] : vector<16xi32>, vector<16xi32> -> vector<16xi32>
    %gt3A_562 = arith.cmpf ogt, %gather3A_558, %select_n3A_548 : vector<16xf32>
    %eq3A_563 = arith.cmpf oeq, %gather3A_558, %select_n3A_548 : vector<16xf32>
    %lt3A_564 = arith.cmpi slt, %gather3A_561, %select_n3A_549 : vector<16xi32>
    %and3A_565 = arith.andi %eq3A_563, %lt3A_564 : vector<16xi1>
    %or3A_566 = arith.ori %gt3A_562, %and3A_565 : vector<16xi1>
    %select_n3A_567 = arith.select %or3A_566, %gather3A_558, %select_n3A_548 : vector<16xi1>, vector<16xf32>
    %select_n3A_568 = arith.select %or3A_566, %gather3A_561, %select_n3A_549 : vector<16xi1>, vector<16xi32>
    %add3A_569 = arith.constant 2 : i32
    %add3A_570 = vector.broadcast %add3A_569 : i32 to vector<16xi32>
    %add3A_571 = arith.addi %iota3A, %add3A_570 : vector<16xi32>
    %and3A_572 = arith.constant 15 : i32
    %and3A_573 = vector.broadcast %and3A_572 : i32 to vector<16xi32>
    %and3A_574 = arith.andi %add3A_571, %and3A_573 : vector<16xi32>
    %broadcast_in_dim3A_575 = vector.shape_cast %and3A_574 : vector<16xi32> to vector<16x1xi32>
    %gather3A_576 = vector.shape_cast %broadcast_in_dim3A_575 : vector<16x1xi32> to vector<16xi32>
    %gather3A_577 = tpu.dynamic_gather %select_n3A_567[%gather3A_576] in [0] : vector<16xf32>, vector<16xi32> -> vector<16xf32>
    %broadcast_in_dim3A_578 = vector.shape_cast %and3A_574 : vector<16xi32> to vector<16x1xi32>
    %gather3A_579 = vector.shape_cast %broadcast_in_dim3A_578 : vector<16x1xi32> to vector<16xi32>
    %gather3A_580 = tpu.dynamic_gather %select_n3A_568[%gather3A_579] in [0] : vector<16xi32>, vector<16xi32> -> vector<16xi32>
    %gt3A_581 = arith.cmpf ogt, %gather3A_577, %select_n3A_567 : vector<16xf32>
    %eq3A_582 = arith.cmpf oeq, %gather3A_577, %select_n3A_567 : vector<16xf32>
    %lt3A_583 = arith.cmpi slt, %gather3A_580, %select_n3A_568 : vector<16xi32>
    %and3A_584 = arith.andi %eq3A_582, %lt3A_583 : vector<16xi1>
    %or3A_585 = arith.ori %gt3A_581, %and3A_584 : vector<16xi1>
    %select_n3A_586 = arith.select %or3A_585, %gather3A_577, %select_n3A_567 : vector<16xi1>, vector<16xf32>
    %select_n3A_587 = arith.select %or3A_585, %gather3A_580, %select_n3A_568 : vector<16xi1>, vector<16xi32>
    %add3A_588 = arith.constant 1 : i32
    %add3A_589 = vector.broadcast %add3A_588 : i32 to vector<16xi32>
    %add3A_590 = arith.addi %iota3A, %add3A_589 : vector<16xi32>
    %and3A_591 = arith.constant 15 : i32
    %and3A_592 = vector.broadcast %and3A_591 : i32 to vector<16xi32>
    %and3A_593 = arith.andi %add3A_590, %and3A_592 : vector<16xi32>
    %broadcast_in_dim3A_594 = vector.shape_cast %and3A_593 : vector<16xi32> to vector<16x1xi32>
    %gather3A_595 = vector.shape_cast %broadcast_in_dim3A_594 : vector<16x1xi32> to vector<16xi32>
    %gather3A_596 = tpu.dynamic_gather %select_n3A_586[%gather3A_595] in [0] : vector<16xf32>, vector<16xi32> -> vector<16xf32>
    %broadcast_in_dim3A_597 = vector.shape_cast %and3A_593 : vector<16xi32> to vector<16x1xi32>
    %gather3A_598 = vector.shape_cast %broadcast_in_dim3A_597 : vector<16x1xi32> to vector<16xi32>
    %gather3A_599 = tpu.dynamic_gather %select_n3A_587[%gather3A_598] in [0] : vector<16xi32>, vector<16xi32> -> vector<16xi32>
    %gt3A_600 = arith.cmpf ogt, %gather3A_596, %select_n3A_586 : vector<16xf32>
    %eq3A_601 = arith.cmpf oeq, %gather3A_596, %select_n3A_586 : vector<16xf32>
    %lt3A_602 = arith.cmpi slt, %gather3A_599, %select_n3A_587 : vector<16xi32>
    %and3A_603 = arith.andi %eq3A_601, %lt3A_602 : vector<16xi1>
    %or3A_604 = arith.ori %gt3A_600, %and3A_603 : vector<16xi1>
    %select_n3A_605 = arith.select %or3A_604, %gather3A_596, %select_n3A_586 : vector<16xi1>, vector<16xf32>
    %select_n3A_606 = arith.select %or3A_604, %gather3A_599, %select_n3A_587 : vector<16xi1>, vector<16xi32>
    %eq3A_607 = arith.constant 6 : i32
    %eq3A_608 = vector.broadcast %eq3A_607 : i32 to vector<16xi32>
    %eq3A_609 = arith.cmpi eq, %iota3A, %eq3A_608 : vector<16xi32>
    %select_n3A_610 = arith.select %eq3A_609, %select_n3A_606, %select_n3A_522 : vector<16xi1>, vector<16xi32>
    %broadcast_in_dim3A_611 = arith.constant -3.000000e+38 : f32
    %broadcast_in_dim3A_612 = vector.broadcast %broadcast_in_dim3A_611 : f32 to vector<16xf32>
    %scan3A_613 = arith.constant 0 : i32
    %scan3A_614 = arith.constant 32 : i32
    %scan3A_615 = arith.addi %scan3A_613, %scan3A_614 : i32
    %scan3A_616 = arith.constant 1 : i32
    %scan3A_617:2 = scf.for %scan3A_706 = %scan3A_613 to %scan3A_615 step %scan3A_616 iter_args(%scan3A_707 = %broadcast_in_dim3A_612, %scan3A_708 = %broadcast_in_dim3A_2) -> (vector<16xf32>, vector<16xi32>)  : i32 {
      %mul3A_709 = arith.constant 4 : i32
      %mul3A_710 = arith.muli %scan3A_706, %mul3A_709 : i32
      %add3A_711 = arith.constant 0 : i32
      %add3A_712 = arith.addi %mul3A_710, %add3A_711 : i32
      %mul3A_713 = arith.constant 16 : i32
      %mul3A_714 = arith.muli %add3A_712, %mul3A_713 : i32
      %get3A = arith.index_cast %mul3A_714 : i32 to index
      %get3A_715 = tpu.vector_load %arg5[%get3A] {strides = array<i32>} : memref<2048xf32, #tpu.memory_space<vmem>>, vector<16xf32>,
      %get3A_716 = vector.shape_cast %get3A_715 : vector<16xf32> to vector<16xf32>
      %mul3A_717 = arith.constant 4 : i32
      %mul3A_718 = arith.muli %scan3A_706, %mul3A_717 : i32
      %add3A_719 = arith.constant 0 : i32
      %add3A_720 = arith.addi %mul3A_718, %add3A_719 : i32
      %mul3A_721 = arith.constant 16 : i32
      %mul3A_722 = arith.muli %add3A_720, %mul3A_721 : i32
      %add3A_723 = vector.broadcast %mul3A_722 : i32 to vector<16xi32>
      %add3A_724 = arith.addi %add3A_723, %iota3A : vector<16xi32>
      %eq3A_725 = arith.cmpi eq, %add3A_724, %select_n3A_78 : vector<16xi32>
      %jit3A = arith.constant -3.000000e+38 : f32
      %broadcast_in_dim3A_726 = vector.broadcast %jit3A : f32 to vector<16xf32>
      %select_n3A_727 = arith.select %eq3A_725, %broadcast_in_dim3A_726, %get3A_716 : vector<16xi1>, vector<16xf32>
      %eq3A_728 = arith.cmpi eq, %add3A_724, %select_n3A_166 : vector<16xi32>
      %jit3A_729 = arith.constant -3.000000e+38 : f32
      %broadcast_in_dim3A_730 = vector.broadcast %jit3A_729 : f32 to vector<16xf32>
      %select_n3A_731 = arith.select %eq3A_728, %broadcast_in_dim3A_730, %select_n3A_727 : vector<16xi1>, vector<16xf32>
      %eq3A_732 = arith.cmpi eq, %add3A_724, %select_n3A_254 : vector<16xi32>
      %jit3A_733 = arith.constant -3.000000e+38 : f32
      %broadcast_in_dim3A_734 = vector.broadcast %jit3A_733 : f32 to vector<16xf32>
      %select_n3A_735 = arith.select %eq3A_732, %broadcast_in_dim3A_734, %select_n3A_731 : vector<16xi1>, vector<16xf32>
      %eq3A_736 = arith.cmpi eq, %add3A_724, %select_n3A_342 : vector<16xi32>
      %jit3A_737 = arith.constant -3.000000e+38 : f32
      %broadcast_in_dim3A_738 = vector.broadcast %jit3A_737 : f32 to vector<16xf32>
      %select_n3A_739 = arith.select %eq3A_736, %broadcast_in_dim3A_738, %select_n3A_735 : vector<16xi1>, vector<16xf32>
      %eq3A_740 = arith.cmpi eq, %add3A_724, %select_n3A_430 : vector<16xi32>
      %jit3A_741 = arith.constant -3.000000e+38 : f32
      %broadcast_in_dim3A_742 = vector.broadcast %jit3A_741 : f32 to vector<16xf32>
      %select_n3A_743 = arith.select %eq3A_740, %broadcast_in_dim3A_742, %select_n3A_739 : vector<16xi1>, vector<16xf32>
      %eq3A_744 = arith.cmpi eq, %add3A_724, %select_n3A_518 : vector<16xi32>
      %jit3A_745 = arith.constant -3.000000e+38 : f32
      %broadcast_in_dim3A_746 = vector.broadcast %jit3A_745 : f32 to vector<16xf32>
      %select_n3A_747 = arith.select %eq3A_744, %broadcast_in_dim3A_746, %select_n3A_743 : vector<16xi1>, vector<16xf32>
      %eq3A_748 = arith.cmpi eq, %add3A_724, %select_n3A_606 : vector<16xi32>
      %jit3A_749 = arith.constant -3.000000e+38 : f32
      %broadcast_in_dim3A_750 = vector.broadcast %jit3A_749 : f32 to vector<16xf32>
      %select_n3A_751 = arith.select %eq3A_748, %broadcast_in_dim3A_750, %select_n3A_747 : vector<16xi1>, vector<16xf32>
      %gt3A_752 = arith.cmpf ogt, %select_n3A_751, %scan3A_707 : vector<16xf32>
      %select_n3A_753 = arith.select %gt3A_752, %select_n3A_751, %scan3A_707 : vector<16xi1>, vector<16xf32>
      %select_n3A_754 = arith.select %gt3A_752, %add3A_724, %scan3A_708 : vector<16xi1>, vector<16xi32>
      %mul3A_755 = arith.constant 4 : i32
      %mul3A_756 = arith.muli %scan3A_706, %mul3A_755 : i32
      %add3A_757 = arith.constant 1 : i32
      %add3A_758 = arith.addi %mul3A_756, %add3A_757 : i32
      %mul3A_759 = arith.constant 16 : i32
      %mul3A_760 = arith.muli %add3A_758, %mul3A_759 : i32
      %get3A_761 = arith.index_cast %mul3A_760 : i32 to index
      %get3A_762 = tpu.vector_load %arg5[%get3A_761] {strides = array<i32>} : memref<2048xf32, #tpu.memory_space<vmem>>, vector<16xf32>,
      %get3A_763 = vector.shape_cast %get3A_762 : vector<16xf32> to vector<16xf32>
      %mul3A_764 = arith.constant 4 : i32
      %mul3A_765 = arith.muli %scan3A_706, %mul3A_764 : i32
      %add3A_766 = arith.constant 1 : i32
      %add3A_767 = arith.addi %mul3A_765, %add3A_766 : i32
      %mul3A_768 = arith.constant 16 : i32
      %mul3A_769 = arith.muli %add3A_767, %mul3A_768 : i32
      %add3A_770 = vector.broadcast %mul3A_769 : i32 to vector<16xi32>
      %add3A_771 = arith.addi %add3A_770, %iota3A : vector<16xi32>
      %eq3A_772 = arith.cmpi eq, %add3A_771, %select_n3A_78 : vector<16xi32>
      %jit3A_773 = arith.constant -3.000000e+38 : f32
      %broadcast_in_dim3A_774 = vector.broadcast %jit3A_773 : f32 to vector<16xf32>
      %select_n3A_775 = arith.select %eq3A_772, %broadcast_in_dim3A_774, %get3A_763 : vector<16xi1>, vector<16xf32>
      %eq3A_776 = arith.cmpi eq, %add3A_771, %select_n3A_166 : vector<16xi32>
      %jit3A_777 = arith.constant -3.000000e+38 : f32
      %broadcast_in_dim3A_778 = vector.broadcast %jit3A_777 : f32 to vector<16xf32>
      %select_n3A_779 = arith.select %eq3A_776, %broadcast_in_dim3A_778, %select_n3A_775 : vector<16xi1>, vector<16xf32>
      %eq3A_780 = arith.cmpi eq, %add3A_771, %select_n3A_254 : vector<16xi32>
      %jit3A_781 = arith.constant -3.000000e+38 : f32
      %broadcast_in_dim3A_782 = vector.broadcast %jit3A_781 : f32 to vector<16xf32>
      %select_n3A_783 = arith.select %eq3A_780, %broadcast_in_dim3A_782, %select_n3A_779 : vector<16xi1>, vector<16xf32>
      %eq3A_784 = arith.cmpi eq, %add3A_771, %select_n3A_342 : vector<16xi32>
      %jit3A_785 = arith.constant -3.000000e+38 : f32
      %broadcast_in_dim3A_786 = vector.broadcast %jit3A_785 : f32 to vector<16xf32>
      %select_n3A_787 = arith.select %eq3A_784, %broadcast_in_dim3A_786, %select_n3A_783 : vector<16xi1>, vector<16xf32>
      %eq3A_788 = arith.cmpi eq, %add3A_771, %select_n3A_430 : vector<16xi32>
      %jit3A_789 = arith.constant -3.000000e+38 : f32
      %broadcast_in_dim3A_790 = vector.broadcast %jit3A_789 : f32 to vector<16xf32>
      %select_n3A_791 = arith.select %eq3A_788, %broadcast_in_dim3A_790, %select_n3A_787 : vector<16xi1>, vector<16xf32>
      %eq3A_792 = arith.cmpi eq, %add3A_771, %select_n3A_518 : vector<16xi32>
      %jit3A_793 = arith.constant -3.000000e+38 : f32
      %broadcast_in_dim3A_794 = vector.broadcast %jit3A_793 : f32 to vector<16xf32>
      %select_n3A_795 = arith.select %eq3A_792, %broadcast_in_dim3A_794, %select_n3A_791 : vector<16xi1>, vector<16xf32>
      %eq3A_796 = arith.cmpi eq, %add3A_771, %select_n3A_606 : vector<16xi32>
      %jit3A_797 = arith.constant -3.000000e+38 : f32
      %broadcast_in_dim3A_798 = vector.broadcast %jit3A_797 : f32 to vector<16xf32>
      %select_n3A_799 = arith.select %eq3A_796, %broadcast_in_dim3A_798, %select_n3A_795 : vector<16xi1>, vector<16xf32>
      %gt3A_800 = arith.cmpf ogt, %select_n3A_799, %select_n3A_753 : vector<16xf32>
      %select_n3A_801 = arith.select %gt3A_800, %select_n3A_799, %select_n3A_753 : vector<16xi1>, vector<16xf32>
      %select_n3A_802 = arith.select %gt3A_800, %add3A_771, %select_n3A_754 : vector<16xi1>, vector<16xi32>
      %mul3A_803 = arith.constant 4 : i32
      %mul3A_804 = arith.muli %scan3A_706, %mul3A_803 : i32
      %add3A_805 = arith.constant 2 : i32
      %add3A_806 = arith.addi %mul3A_804, %add3A_805 : i32
      %mul3A_807 = arith.constant 16 : i32
      %mul3A_808 = arith.muli %add3A_806, %mul3A_807 : i32
      %get3A_809 = arith.index_cast %mul3A_808 : i32 to index
      %get3A_810 = tpu.vector_load %arg5[%get3A_809] {strides = array<i32>} : memref<2048xf32, #tpu.memory_space<vmem>>, vector<16xf32>,
      %get3A_811 = vector.shape_cast %get3A_810 : vector<16xf32> to vector<16xf32>
      %mul3A_812 = arith.constant 4 : i32
      %mul3A_813 = arith.muli %scan3A_706, %mul3A_812 : i32
      %add3A_814 = arith.constant 2 : i32
      %add3A_815 = arith.addi %mul3A_813, %add3A_814 : i32
      %mul3A_816 = arith.constant 16 : i32
      %mul3A_817 = arith.muli %add3A_815, %mul3A_816 : i32
      %add3A_818 = vector.broadcast %mul3A_817 : i32 to vector<16xi32>
      %add3A_819 = arith.addi %add3A_818, %iota3A : vector<16xi32>
      %eq3A_820 = arith.cmpi eq, %add3A_819, %select_n3A_78 : vector<16xi32>
      %jit3A_821 = arith.constant -3.000000e+38 : f32
      %broadcast_in_dim3A_822 = vector.broadcast %jit3A_821 : f32 to vector<16xf32>
      %select_n3A_823 = arith.select %eq3A_820, %broadcast_in_dim3A_822, %get3A_811 : vector<16xi1>, vector<16xf32>
      %eq3A_824 = arith.cmpi eq, %add3A_819, %select_n3A_166 : vector<16xi32>
      %jit3A_825 = arith.constant -3.000000e+38 : f32
      %broadcast_in_dim3A_826 = vector.broadcast %jit3A_825 : f32 to vector<16xf32>
      %select_n3A_827 = arith.select %eq3A_824, %broadcast_in_dim3A_826, %select_n3A_823 : vector<16xi1>, vector<16xf32>
      %eq3A_828 = arith.cmpi eq, %add3A_819, %select_n3A_254 : vector<16xi32>
      %jit3A_829 = arith.constant -3.000000e+38 : f32
      %broadcast_in_dim3A_830 = vector.broadcast %jit3A_829 : f32 to vector<16xf32>
      %select_n3A_831 = arith.select %eq3A_828, %broadcast_in_dim3A_830, %select_n3A_827 : vector<16xi1>, vector<16xf32>
      %eq3A_832 = arith.cmpi eq, %add3A_819, %select_n3A_342 : vector<16xi32>
      %jit3A_833 = arith.constant -3.000000e+38 : f32
      %broadcast_in_dim3A_834 = vector.broadcast %jit3A_833 : f32 to vector<16xf32>
      %select_n3A_835 = arith.select %eq3A_832, %broadcast_in_dim3A_834, %select_n3A_831 : vector<16xi1>, vector<16xf32>
      %eq3A_836 = arith.cmpi eq, %add3A_819, %select_n3A_430 : vector<16xi32>
      %jit3A_837 = arith.constant -3.000000e+38 : f32
      %broadcast_in_dim3A_838 = vector.broadcast %jit3A_837 : f32 to vector<16xf32>
      %select_n3A_839 = arith.select %eq3A_836, %broadcast_in_dim3A_838, %select_n3A_835 : vector<16xi1>, vector<16xf32>
      %eq3A_840 = arith.cmpi eq, %add3A_819, %select_n3A_518 : vector<16xi32>
      %jit3A_841 = arith.constant -3.000000e+38 : f32
      %broadcast_in_dim3A_842 = vector.broadcast %jit3A_841 : f32 to vector<16xf32>
      %select_n3A_843 = arith.select %eq3A_840, %broadcast_in_dim3A_842, %select_n3A_839 : vector<16xi1>, vector<16xf32>
      %eq3A_844 = arith.cmpi eq, %add3A_819, %select_n3A_606 : vector<16xi32>
      %jit3A_845 = arith.constant -3.000000e+38 : f32
      %broadcast_in_dim3A_846 = vector.broadcast %jit3A_845 : f32 to vector<16xf32>
      %select_n3A_847 = arith.select %eq3A_844, %broadcast_in_dim3A_846, %select_n3A_843 : vector<16xi1>, vector<16xf32>
      %gt3A_848 = arith.cmpf ogt, %select_n3A_847, %select_n3A_801 : vector<16xf32>
      %select_n3A_849 = arith.select %gt3A_848, %select_n3A_847, %select_n3A_801 : vector<16xi1>, vector<16xf32>
      %select_n3A_850 = arith.select %gt3A_848, %add3A_819, %select_n3A_802 : vector<16xi1>, vector<16xi32>
      %mul3A_851 = arith.constant 4 : i32
      %mul3A_852 = arith.muli %scan3A_706, %mul3A_851 : i32
      %add3A_853 = arith.constant 3 : i32
      %add3A_854 = arith.addi %mul3A_852, %add3A_853 : i32
      %mul3A_855 = arith.constant 16 : i32
      %mul3A_856 = arith.muli %add3A_854, %mul3A_855 : i32
      %get3A_857 = arith.index_cast %mul3A_856 : i32 to index
      %get3A_858 = tpu.vector_load %arg5[%get3A_857] {strides = array<i32>} : memref<2048xf32, #tpu.memory_space<vmem>>, vector<16xf32>,
      %get3A_859 = vector.shape_cast %get3A_858 : vector<16xf32> to vector<16xf32>
      %mul3A_860 = arith.constant 4 : i32
      %mul3A_861 = arith.muli %scan3A_706, %mul3A_860 : i32
      %add3A_862 = arith.constant 3 : i32
      %add3A_863 = arith.addi %mul3A_861, %add3A_862 : i32
      %mul3A_864 = arith.constant 16 : i32
      %mul3A_865 = arith.muli %add3A_863, %mul3A_864 : i32
      %add3A_866 = vector.broadcast %mul3A_865 : i32 to vector<16xi32>
      %add3A_867 = arith.addi %add3A_866, %iota3A : vector<16xi32>
      %eq3A_868 = arith.cmpi eq, %add3A_867, %select_n3A_78 : vector<16xi32>
      %jit3A_869 = arith.constant -3.000000e+38 : f32
      %broadcast_in_dim3A_870 = vector.broadcast %jit3A_869 : f32 to vector<16xf32>
      %select_n3A_871 = arith.select %eq3A_868, %broadcast_in_dim3A_870, %get3A_859 : vector<16xi1>, vector<16xf32>
      %eq3A_872 = arith.cmpi eq, %add3A_867, %select_n3A_166 : vector<16xi32>
      %jit3A_873 = arith.constant -3.000000e+38 : f32
      %broadcast_in_dim3A_874 = vector.broadcast %jit3A_873 : f32 to vector<16xf32>
      %select_n3A_875 = arith.select %eq3A_872, %broadcast_in_dim3A_874, %select_n3A_871 : vector<16xi1>, vector<16xf32>
      %eq3A_876 = arith.cmpi eq, %add3A_867, %select_n3A_254 : vector<16xi32>
      %jit3A_877 = arith.constant -3.000000e+38 : f32
      %broadcast_in_dim3A_878 = vector.broadcast %jit3A_877 : f32 to vector<16xf32>
      %select_n3A_879 = arith.select %eq3A_876, %broadcast_in_dim3A_878, %select_n3A_875 : vector<16xi1>, vector<16xf32>
      %eq3A_880 = arith.cmpi eq, %add3A_867, %select_n3A_342 : vector<16xi32>
      %jit3A_881 = arith.constant -3.000000e+38 : f32
      %broadcast_in_dim3A_882 = vector.broadcast %jit3A_881 : f32 to vector<16xf32>
      %select_n3A_883 = arith.select %eq3A_880, %broadcast_in_dim3A_882, %select_n3A_879 : vector<16xi1>, vector<16xf32>
      %eq3A_884 = arith.cmpi eq, %add3A_867, %select_n3A_430 : vector<16xi32>
      %jit3A_885 = arith.constant -3.000000e+38 : f32
      %broadcast_in_dim3A_886 = vector.broadcast %jit3A_885 : f32 to vector<16xf32>
      %select_n3A_887 = arith.select %eq3A_884, %broadcast_in_dim3A_886, %select_n3A_883 : vector<16xi1>, vector<16xf32>
      %eq3A_888 = arith.cmpi eq, %add3A_867, %select_n3A_518 : vector<16xi32>
      %jit3A_889 = arith.constant -3.000000e+38 : f32
      %broadcast_in_dim3A_890 = vector.broadcast %jit3A_889 : f32 to vector<16xf32>
      %select_n3A_891 = arith.select %eq3A_888, %broadcast_in_dim3A_890, %select_n3A_887 : vector<16xi1>, vector<16xf32>
      %eq3A_892 = arith.cmpi eq, %add3A_867, %select_n3A_606 : vector<16xi32>
      %jit3A_893 = arith.constant -3.000000e+38 : f32
      %broadcast_in_dim3A_894 = vector.broadcast %jit3A_893 : f32 to vector<16xf32>
      %select_n3A_895 = arith.select %eq3A_892, %broadcast_in_dim3A_894, %select_n3A_891 : vector<16xi1>, vector<16xf32>
      %gt3A_896 = arith.cmpf ogt, %select_n3A_895, %select_n3A_849 : vector<16xf32>
      %select_n3A_897 = arith.select %gt3A_896, %select_n3A_895, %select_n3A_849 : vector<16xi1>, vector<16xf32>
      %select_n3A_898 = arith.select %gt3A_896, %add3A_867, %select_n3A_850 : vector<16xi1>, vector<16xi32>
      scf.yield %select_n3A_897, %select_n3A_898 : vector<16xf32>, vector<16xi32>
    }
    %scan3A_618 = arith.constant 32 : i32
    %add3A_619 = arith.constant 8 : i32
    %add3A_620 = vector.broadcast %add3A_619 : i32 to vector<16xi32>
    %add3A_621 = arith.addi %iota3A, %add3A_620 : vector<16xi32>
    %and3A_622 = arith.constant 15 : i32
    %and3A_623 = vector.broadcast %and3A_622 : i32 to vector<16xi32>
    %and3A_624 = arith.andi %add3A_621, %and3A_623 : vector<16xi32>
    %broadcast_in_dim3A_625 = vector.shape_cast %and3A_624 : vector<16xi32> to vector<16x1xi32>
    %gather3A_626 = vector.shape_cast %broadcast_in_dim3A_625 : vector<16x1xi32> to vector<16xi32>
    %gather3A_627 = tpu.dynamic_gather %scan3A_617#0[%gather3A_626] in [0] : vector<16xf32>, vector<16xi32> -> vector<16xf32>
    %broadcast_in_dim3A_628 = vector.shape_cast %and3A_624 : vector<16xi32> to vector<16x1xi32>
    %gather3A_629 = vector.shape_cast %broadcast_in_dim3A_628 : vector<16x1xi32> to vector<16xi32>
    %gather3A_630 = tpu.dynamic_gather %scan3A_617#1[%gather3A_629] in [0] : vector<16xi32>, vector<16xi32> -> vector<16xi32>
    %gt3A_631 = arith.cmpf ogt, %gather3A_627, %scan3A_617#0 : vector<16xf32>
    %eq3A_632 = arith.cmpf oeq, %gather3A_627, %scan3A_617#0 : vector<16xf32>
    %lt3A_633 = arith.cmpi slt, %gather3A_630, %scan3A_617#1 : vector<16xi32>
    %and3A_634 = arith.andi %eq3A_632, %lt3A_633 : vector<16xi1>
    %or3A_635 = arith.ori %gt3A_631, %and3A_634 : vector<16xi1>
    %select_n3A_636 = arith.select %or3A_635, %gather3A_627, %scan3A_617#0 : vector<16xi1>, vector<16xf32>
    %select_n3A_637 = arith.select %or3A_635, %gather3A_630, %scan3A_617#1 : vector<16xi1>, vector<16xi32>
    %add3A_638 = arith.constant 4 : i32
    %add3A_639 = vector.broadcast %add3A_638 : i32 to vector<16xi32>
    %add3A_640 = arith.addi %iota3A, %add3A_639 : vector<16xi32>
    %and3A_641 = arith.constant 15 : i32
    %and3A_642 = vector.broadcast %and3A_641 : i32 to vector<16xi32>
    %and3A_643 = arith.andi %add3A_640, %and3A_642 : vector<16xi32>
    %broadcast_in_dim3A_644 = vector.shape_cast %and3A_643 : vector<16xi32> to vector<16x1xi32>
    %gather3A_645 = vector.shape_cast %broadcast_in_dim3A_644 : vector<16x1xi32> to vector<16xi32>
    %gather3A_646 = tpu.dynamic_gather %select_n3A_636[%gather3A_645] in [0] : vector<16xf32>, vector<16xi32> -> vector<16xf32>
    %broadcast_in_dim3A_647 = vector.shape_cast %and3A_643 : vector<16xi32> to vector<16x1xi32>
    %gather3A_648 = vector.shape_cast %broadcast_in_dim3A_647 : vector<16x1xi32> to vector<16xi32>
    %gather3A_649 = tpu.dynamic_gather %select_n3A_637[%gather3A_648] in [0] : vector<16xi32>, vector<16xi32> -> vector<16xi32>
    %gt3A_650 = arith.cmpf ogt, %gather3A_646, %select_n3A_636 : vector<16xf32>
    %eq3A_651 = arith.cmpf oeq, %gather3A_646, %select_n3A_636 : vector<16xf32>
    %lt3A_652 = arith.cmpi slt, %gather3A_649, %select_n3A_637 : vector<16xi32>
    %and3A_653 = arith.andi %eq3A_651, %lt3A_652 : vector<16xi1>
    %or3A_654 = arith.ori %gt3A_650, %and3A_653 : vector<16xi1>
    %select_n3A_655 = arith.select %or3A_654, %gather3A_646, %select_n3A_636 : vector<16xi1>, vector<16xf32>
    %select_n3A_656 = arith.select %or3A_654, %gather3A_649, %select_n3A_637 : vector<16xi1>, vector<16xi32>
    %add3A_657 = arith.constant 2 : i32
    %add3A_658 = vector.broadcast %add3A_657 : i32 to vector<16xi32>
    %add3A_659 = arith.addi %iota3A, %add3A_658 : vector<16xi32>
    %and3A_660 = arith.constant 15 : i32
    %and3A_661 = vector.broadcast %and3A_660 : i32 to vector<16xi32>
    %and3A_662 = arith.andi %add3A_659, %and3A_661 : vector<16xi32>
    %broadcast_in_dim3A_663 = vector.shape_cast %and3A_662 : vector<16xi32> to vector<16x1xi32>
    %gather3A_664 = vector.shape_cast %broadcast_in_dim3A_663 : vector<16x1xi32> to vector<16xi32>
    %gather3A_665 = tpu.dynamic_gather %select_n3A_655[%gather3A_664] in [0] : vector<16xf32>, vector<16xi32> -> vector<16xf32>
    %broadcast_in_dim3A_666 = vector.shape_cast %and3A_662 : vector<16xi32> to vector<16x1xi32>
    %gather3A_667 = vector.shape_cast %broadcast_in_dim3A_666 : vector<16x1xi32> to vector<16xi32>
    %gather3A_668 = tpu.dynamic_gather %select_n3A_656[%gather3A_667] in [0] : vector<16xi32>, vector<16xi32> -> vector<16xi32>
    %gt3A_669 = arith.cmpf ogt, %gather3A_665, %select_n3A_655 : vector<16xf32>
    %eq3A_670 = arith.cmpf oeq, %gather3A_665, %select_n3A_655 : vector<16xf32>
    %lt3A_671 = arith.cmpi slt, %gather3A_668, %select_n3A_656 : vector<16xi32>
    %and3A_672 = arith.andi %eq3A_670, %lt3A_671 : vector<16xi1>
    %or3A_673 = arith.ori %gt3A_669, %and3A_672 : vector<16xi1>
    %select_n3A_674 = arith.select %or3A_673, %gather3A_665, %select_n3A_655 : vector<16xi1>, vector<16xf32>
    %select_n3A_675 = arith.select %or3A_673, %gather3A_668, %select_n3A_656 : vector<16xi1>, vector<16xi32>
    %add3A_676 = arith.constant 1 : i32
    %add3A_677 = vector.broadcast %add3A_676 : i32 to vector<16xi32>
    %add3A_678 = arith.addi %iota3A, %add3A_677 : vector<16xi32>
    %and3A_679 = arith.constant 15 : i32
    %and3A_680 = vector.broadcast %and3A_679 : i32 to vector<16xi32>
    %and3A_681 = arith.andi %add3A_678, %and3A_680 : vector<16xi32>
    %broadcast_in_dim3A_682 = vector.shape_cast %and3A_681 : vector<16xi32> to vector<16x1xi32>
    %gather3A_683 = vector.shape_cast %broadcast_in_dim3A_682 : vector<16x1xi32> to vector<16xi32>
    %gather3A_684 = tpu.dynamic_gather %select_n3A_674[%gather3A_683] in [0] : vector<16xf32>, vector<16xi32> -> vector<16xf32>
    %broadcast_in_dim3A_685 = vector.shape_cast %and3A_681 : vector<16xi32> to vector<16x1xi32>
    %gather3A_686 = vector.shape_cast %broadcast_in_dim3A_685 : vector<16x1xi32> to vector<16xi32>
    %gather3A_687 = tpu.dynamic_gather %select_n3A_675[%gather3A_686] in [0] : vector<16xi32>, vector<16xi32> -> vector<16xi32>
    %gt3A_688 = arith.cmpf ogt, %gather3A_684, %select_n3A_674 : vector<16xf32>
    %eq3A_689 = arith.cmpf oeq, %gather3A_684, %select_n3A_674 : vector<16xf32>
    %lt3A_690 = arith.cmpi slt, %gather3A_687, %select_n3A_675 : vector<16xi32>
    %and3A_691 = arith.andi %eq3A_689, %lt3A_690 : vector<16xi1>
    %or3A_692 = arith.ori %gt3A_688, %and3A_691 : vector<16xi1>
    %select_n3A_693 = arith.select %or3A_692, %gather3A_684, %select_n3A_674 : vector<16xi1>, vector<16xf32>
    %select_n3A_694 = arith.select %or3A_692, %gather3A_687, %select_n3A_675 : vector<16xi1>, vector<16xi32>
    %eq3A_695 = arith.constant 7 : i32
    %eq3A_696 = vector.broadcast %eq3A_695 : i32 to vector<16xi32>
    %eq3A_697 = arith.cmpi eq, %iota3A, %eq3A_696 : vector<16xi32>
    %select_n3A_698 = arith.select %eq3A_697, %select_n3A_694, %select_n3A_610 : vector<16xi1>, vector<16xi32>
    %dma_start3A = arith.constant 0 : i32
    %dma_start3A_699 = arith.constant 0 : i32
    %dma_start3A_700 = tpu.memref_slice %arg3[%dma_start3A, %dma_start3A_699] : memref<2048x2048xf32, #tpu.memory_space<hbm>> -> memref<2048x2048xf32, #tpu.memory_space<hbm>>
    tpu.enqueue_indirect_dma source(%dma_start3A_700 : memref<2048x2048xf32, #tpu.memory_space<hbm>>) target(%arg6 : memref<16x2048xf32, #tpu.memory_space<vmem>>) offsets(%select_n3A_698 : vector<16xi32>) semaphore(%arg7 : memref<!tpu.dma_semaphore, #tpu.memory_space<semaphore_mem>>)
    %dma_wait3A = arith.constant 0 : i32
    %dma_wait3A_701 = arith.constant 0 : i32
    %dma_wait3A_702 = tpu.memref_slice %arg3[%dma_wait3A, %dma_wait3A_701] : memref<2048x2048xf32, #tpu.memory_space<hbm>> -> memref<2048x2048xf32, #tpu.memory_space<hbm>>
    tpu.wait_indirect_dma semaphore(%arg7 : memref<!tpu.dma_semaphore, #tpu.memory_space<semaphore_mem>>) src(%dma_wait3A_702 : memref<2048x2048xf32, #tpu.memory_space<hbm>>) dst(%arg6 : memref<16x2048xf32, #tpu.memory_space<vmem>>)
    %lt3A_703 = arith.constant 8 : i32
    %lt3A_704 = arith.cmpi slt, %add3A, %lt3A_703 : i32
    %convert_element_type3A = arith.extui %lt3A_704 : i1 to i32
    %cond3A = arith.constant 0 : i32
    %cond3A_705 = arith.cmpi ne, %convert_element_type3A, %cond3A : i32
    scf.if %cond3A_705 {
      %mul3A_706 = arith.constant 8 : i32
      %mul3A_707 = arith.muli %add3A, %mul3A_706 : i32
      "tpu.region"() ({
        %run_scoped3A = tpu.sem_alloc : memref<!tpu.dma_semaphore, #tpu.memory_space<semaphore_mem>>
        %dma_start3A_708 = arith.constant 0 : i32
        %dma_start3A_709 = arith.constant 0 : i32
        %dma_start3A_710 = tpu.memref_slice %arg6[%dma_start3A_708, %dma_start3A_709] : memref<16x2048xf32, #tpu.memory_space<vmem>> -> memref<8x2048xf32, #tpu.memory_space<vmem>>
        %dma_start3A_711 = arith.constant 0 : i32
        %dma_start3A_712 = tpu.memref_slice %arg4[%mul3A_707, %dma_start3A_711] : memref<64x2048xf32, #tpu.memory_space<hbm>> -> memref<8x2048xf32, #tpu.memory_space<hbm>>
        %dma_start3A_713 = arith.constant 0 : i32
        %dma_start3A_714 = tpu.memref_slice %arg4[%mul3A_707, %dma_start3A_713] : memref<64x2048xf32, #tpu.memory_space<hbm>> -> memref<8x2048xf32, #tpu.memory_space<hbm>>
        %dma_start3A_715 = arith.constant 0 : i32
        %dma_start3A_716 = arith.constant 0 : i32
        %dma_start3A_717 = tpu.memref_slice %arg6[%dma_start3A_715, %dma_start3A_716] : memref<16x2048xf32, #tpu.memory_space<vmem>> -> memref<8x2048xf32, #tpu.memory_space<vmem>>
        tpu.enqueue_dma source(%dma_start3A_717 : memref<8x2048xf32, #tpu.memory_space<vmem>>) target(%dma_start3A_714 : memref<8x2048xf32, #tpu.memory_space<hbm>>) target_semaphore(%run_scoped3A : memref<!tpu.dma_semaphore, #tpu.memory_space<semaphore_mem>>)
        %dma_wait3A_718 = arith.constant 0 : i32
        %dma_wait3A_719 = arith.constant 0 : i32
        %dma_wait3A_720 = tpu.memref_slice %arg6[%dma_wait3A_718, %dma_wait3A_719] : memref<16x2048xf32, #tpu.memory_space<vmem>> -> memref<8x2048xf32, #tpu.memory_space<vmem>>
        %dma_wait3A_721 = arith.constant 0 : i32
        %dma_wait3A_722 = tpu.memref_slice %arg4[%mul3A_707, %dma_wait3A_721] : memref<64x2048xf32, #tpu.memory_space<hbm>> -> memref<8x2048xf32, #tpu.memory_space<hbm>>
        %dma_wait3A_723 = arith.constant 0 : i32
        %dma_wait3A_724 = tpu.memref_slice %arg4[%mul3A_707, %dma_wait3A_723] : memref<64x2048xf32, #tpu.memory_space<hbm>> -> memref<8x2048xf32, #tpu.memory_space<hbm>>
        %dma_wait3A_725 = arith.constant 0 : i32
        %dma_wait3A_726 = arith.constant 0 : i32
        %dma_wait3A_727 = tpu.memref_slice %arg6[%dma_wait3A_725, %dma_wait3A_726] : memref<16x2048xf32, #tpu.memory_space<vmem>> -> memref<8x2048xf32, #tpu.memory_space<vmem>>
        tpu.wait_dma2 semaphore(%run_scoped3A : memref<!tpu.dma_semaphore, #tpu.memory_space<semaphore_mem>>) src(%dma_wait3A_727 : memref<8x2048xf32, #tpu.memory_space<vmem>>) dst(%dma_wait3A_724 : memref<8x2048xf32, #tpu.memory_space<hbm>>)
        tpu.yield
      }) : () -> ()
    } else {
    }
    return
  }
}

module attributes {stable_mosaic.version = 14 : i64} {
  func.func @_ka_body(%arg0: i32, %arg1: memref<256x2048xf32, #tpu.memory_space<vmem>>, %arg2: memref<2048x512xbf16, #tpu.memory_space<vmem>>, %arg3: memref<2048x1536xbf16, #tpu.memory_space<vmem>>, %arg4: memref<2048x64xbf16, #tpu.memory_space<vmem>>, %arg5: memref<8x2048xf32, #tpu.memory_space<vmem>>, %arg6: memref<1536x2048xbf16, #tpu.memory_space<vmem>>, %arg7: memref<1536x1024xbf16, #tpu.memory_space<vmem>>, %arg8: memref<512x2048xbf16, #tpu.memory_space<vmem>>, %arg9: memref<512x2048xbf16, #tpu.memory_space<vmem>>, %arg10: memref<256x32xf32, #tpu.memory_space<vmem>>, %arg11: memref<256x32xf32, #tpu.memory_space<vmem>>, %arg12: memref<256x2048xbf16, #tpu.memory_space<vmem>>, %arg13: memref<256x1024xbf16, #tpu.memory_space<vmem>>, %arg14: memref<256x2048xbf16, #tpu.memory_space<vmem>>, %arg15: memref<256x2048xbf16, #tpu.memory_space<vmem>>, %arg16: memref<256x64xbf16, #tpu.memory_space<vmem>>, %arg17: memref<8x256xf32, #tpu.memory_space<vmem>>) attributes {dimension_semantics = [#tpu.dimension_semantics<arbitrary>], iteration_bounds = array<i64: 8>, scalar_prefetch = 0 : i64, scratch_operands = 0 : i64, tpu.core_type = #tpu.core_type<tc>, window_params = [{transform_indices = @transform_0, window_bounds = array<i64: 256, 2048>}, {pipeline_mode = #tpu.pipeline_mode<synchronous>, transform_indices = @transform_1, window_bounds = array<i64: 2048, 512>}, {pipeline_mode = #tpu.pipeline_mode<synchronous>, transform_indices = @transform_2, window_bounds = array<i64: 2048, 1536>}, {pipeline_mode = #tpu.pipeline_mode<synchronous>, transform_indices = @transform_3, window_bounds = array<i64: 2048, 64>}, {pipeline_mode = #tpu.pipeline_mode<synchronous>, transform_indices = @transform_4, window_bounds = array<i64: 8, 2048>}, {pipeline_mode = #tpu.pipeline_mode<synchronous>, transform_indices = @transform_5, window_bounds = array<i64: 1536, 2048>}, {pipeline_mode = #tpu.pipeline_mode<synchronous>, transform_indices = @transform_6, window_bounds = array<i64: 1536, 1024>}, {pipeline_mode = #tpu.pipeline_mode<synchronous>, transform_indices = @transform_7, window_bounds = array<i64: 512, 2048>}, {pipeline_mode = #tpu.pipeline_mode<synchronous>, transform_indices = @transform_8, window_bounds = array<i64: 512, 2048>}, {transform_indices = @transform_9, window_bounds = array<i64: 256, 32>}, {transform_indices = @transform_10, window_bounds = array<i64: 256, 32>}, {transform_indices = @transform_11, window_bounds = array<i64: 256, 2048>}, {transform_indices = @transform_12, window_bounds = array<i64: 256, 1024>}, {transform_indices = @transform_13, window_bounds = array<i64: 256, 2048>}, {transform_indices = @transform_14, window_bounds = array<i64: 256, 2048>}, {transform_indices = @transform_15, window_bounds = array<i64: 256, 64>}, {transform_indices = @transform_16, window_bounds = array<i64: 8, 256>}]} {
    %get3A = arith.constant 0 : index
    %get3A_0 = arith.constant 0 : index
    %get3A_1 = vector.load %arg1[%get3A, %get3A_0] : memref<256x2048xf32, #tpu.memory_space<vmem>>, vector<256x2048xf32>
    %convert_element_type3A = arith.truncf %get3A_1 : vector<256x2048xf32> to vector<256x2048xbf16>
    %get3A_2 = arith.constant 0 : index
    %get3A_3 = arith.constant 0 : index
    %get3A_4 = vector.load %arg5[%get3A_2, %get3A_3] : memref<8x2048xf32, #tpu.memory_space<vmem>>, vector<8x2048xf32>
    %dot_general3A = arith.constant dense<0.000000e+00> : vector<8x256xf32>
    %dot_general3A_5 = tpu.matmul %get3A_4, %get3A_1, %dot_general3A {dimension_numbers = #tpu.dot_dimension_numbers<[1], [1], [0], [0], [0, 0, 1, 0], [], []>, transpose_lhs_hint = false} : vector<8x2048xf32>, vector<256x2048xf32>, vector<8x256xf32> -> vector<8x256xf32>
    %swap3A = arith.constant 0 : index
    %swap3A_6 = arith.constant 0 : index
    %swap3A_7 = vector.load %arg17[%swap3A, %swap3A_6] : memref<8x256xf32, #tpu.memory_space<vmem>>, vector<8x256xf32>
    tpu.vector_store %arg17[%swap3A, %swap3A_6], %dot_general3A_5 {strides = array<i32>} : memref<8x256xf32, #tpu.memory_space<vmem>>, vector<8x256xf32>,
    %get3A_8 = arith.constant 0 : index
    %get3A_9 = arith.constant 0 : index
    %get3A_10 = vector.load %arg10[%get3A_8, %get3A_9] : memref<256x32xf32, #tpu.memory_space<vmem>>, vector<256x32xf32>
    %get3A_11 = arith.constant 0 : index
    %get3A_12 = arith.constant 0 : index
    %get3A_13 = vector.load %arg11[%get3A_11, %get3A_12] : memref<256x32xf32, #tpu.memory_space<vmem>>, vector<256x32xf32>
    %get3A_14 = arith.constant 0 : index
    %get3A_15 = arith.constant 0 : index
    %get3A_16 = vector.load %arg4[%get3A_14, %get3A_15] : memref<2048x64xbf16, #tpu.memory_space<vmem>>, vector<2048x64xbf16>
    %dot_general3A_17 = arith.constant dense<0.000000e+00> : vector<256x64xf32>
    %dot_general3A_18 = tpu.matmul %convert_element_type3A, %get3A_16, %dot_general3A_17 {dimension_numbers = #tpu.dot_dimension_numbers<[1], [0], [0], [1], [0, 0, 1, 1], [], []>, transpose_lhs_hint = false} : vector<256x2048xbf16>, vector<2048x64xbf16>, vector<256x64xf32> -> vector<256x64xf32>
    %slice3A = vector.extract_strided_slice %dot_general3A_18 {offsets = [0, 0], sizes = [256, 32], strides = [1, 1]} : vector<256x64xf32> to vector<256x32xf32>
    %slice3A_19 = vector.extract_strided_slice %dot_general3A_18 {offsets = [0, 32], sizes = [256, 32], strides = [1, 1]} : vector<256x64xf32> to vector<256x32xf32>
    %mul3A = arith.mulf %slice3A, %get3A_10 : vector<256x32xf32>
    %mul3A_20 = arith.mulf %slice3A_19, %get3A_13 : vector<256x32xf32>
    %sub3A = arith.subf %mul3A, %mul3A_20 : vector<256x32xf32>
    %mul3A_21 = arith.mulf %slice3A, %get3A_13 : vector<256x32xf32>
    %mul3A_22 = arith.mulf %slice3A_19, %get3A_10 : vector<256x32xf32>
    %add3A = arith.addf %mul3A_21, %mul3A_22 : vector<256x32xf32>
    %concatenate3A = tpu.concatenate %sub3A, %add3A in 1 : vector<256x32xf32>, vector<256x32xf32> -> vector<256x64xf32>
    %convert_element_type3A_23 = arith.truncf %concatenate3A : vector<256x64xf32> to vector<256x64xbf16>
    %swap3A_24 = arith.constant 0 : index
    %swap3A_25 = arith.constant 0 : index
    %swap3A_26 = vector.load %arg16[%swap3A_24, %swap3A_25] : memref<256x64xbf16, #tpu.memory_space<vmem>>, vector<256x64xbf16>
    tpu.vector_store %arg16[%swap3A_24, %swap3A_25], %convert_element_type3A_23 {strides = array<i32>} : memref<256x64xbf16, #tpu.memory_space<vmem>>, vector<256x64xbf16>,
    %get3A_27 = arith.constant 0 : index
    %get3A_28 = arith.constant 0 : index
    %get3A_29 = vector.load %arg2[%get3A_27, %get3A_28] : memref<2048x512xbf16, #tpu.memory_space<vmem>>, vector<2048x512xbf16>
    %dot_general3A_30 = arith.constant dense<0.000000e+00> : vector<256x512xf32>
    %dot_general3A_31 = tpu.matmul %convert_element_type3A, %get3A_29, %dot_general3A_30 {dimension_numbers = #tpu.dot_dimension_numbers<[1], [0], [0], [1], [0, 0, 1, 1], [], []>, transpose_lhs_hint = false} : vector<256x2048xbf16>, vector<2048x512xbf16>, vector<256x512xf32> -> vector<256x512xf32>
    %convert_element_type3A_32 = arith.truncf %dot_general3A_31 : vector<256x512xf32> to vector<256x512xbf16>
    %get3A_33 = arith.constant 0 : index
    %get3A_34 = arith.constant 0 : index
    %get3A_35 = vector.load %arg3[%get3A_33, %get3A_34] : memref<2048x1536xbf16, #tpu.memory_space<vmem>>, vector<2048x1536xbf16>
    %dot_general3A_36 = arith.constant dense<0.000000e+00> : vector<256x1536xf32>
    %dot_general3A_37 = tpu.matmul %convert_element_type3A, %get3A_35, %dot_general3A_36 {dimension_numbers = #tpu.dot_dimension_numbers<[1], [0], [0], [1], [0, 0, 1, 1], [], []>, transpose_lhs_hint = false} : vector<256x2048xbf16>, vector<2048x1536xbf16>, vector<256x1536xf32> -> vector<256x1536xf32>
    %convert_element_type3A_38 = arith.truncf %dot_general3A_37 : vector<256x1536xf32> to vector<256x1536xbf16>
    %get3A_39 = arith.constant 0 : index
    %get3A_40 = arith.constant 0 : index
    %get3A_41 = vector.load %arg6[%get3A_39, %get3A_40] : memref<1536x2048xbf16, #tpu.memory_space<vmem>>, vector<1536x2048xbf16>
    %dot_general3A_42 = arith.constant dense<0.000000e+00> : vector<256x2048xf32>
    %dot_general3A_43 = tpu.matmul %convert_element_type3A_38, %get3A_41, %dot_general3A_42 {dimension_numbers = #tpu.dot_dimension_numbers<[1], [0], [0], [1], [0, 0, 1, 1], [], []>, transpose_lhs_hint = false} : vector<256x1536xbf16>, vector<1536x2048xbf16>, vector<256x2048xf32> -> vector<256x2048xf32>
    %mul3A_44 = arith.constant 0.0721687824 : f32
    %mul3A_45 = vector.broadcast %mul3A_44 : f32 to vector<256x2048xf32>
    %mul3A_46 = arith.mulf %dot_general3A_43, %mul3A_45 : vector<256x2048xf32>
    %convert_element_type3A_47 = arith.truncf %mul3A_46 : vector<256x2048xf32> to vector<256x2048xbf16>
    %swap3A_48 = arith.constant 0 : index
    %swap3A_49 = arith.constant 0 : index
    %swap3A_50 = vector.load %arg12[%swap3A_48, %swap3A_49] : memref<256x2048xbf16, #tpu.memory_space<vmem>>, vector<256x2048xbf16>
    tpu.vector_store %arg12[%swap3A_48, %swap3A_49], %convert_element_type3A_47 {strides = array<i32>} : memref<256x2048xbf16, #tpu.memory_space<vmem>>, vector<256x2048xbf16>,
    %get3A_51 = arith.constant 0 : index
    %get3A_52 = arith.constant 0 : index
    %get3A_53 = vector.load %arg7[%get3A_51, %get3A_52] : memref<1536x1024xbf16, #tpu.memory_space<vmem>>, vector<1536x1024xbf16>
    %dot_general3A_54 = arith.constant dense<0.000000e+00> : vector<256x1024xf32>
    %dot_general3A_55 = tpu.matmul %convert_element_type3A_38, %get3A_53, %dot_general3A_54 {dimension_numbers = #tpu.dot_dimension_numbers<[1], [0], [0], [1], [0, 0, 1, 1], [], []>, transpose_lhs_hint = false} : vector<256x1536xbf16>, vector<1536x1024xbf16>, vector<256x1024xf32> -> vector<256x1024xf32>
    %mul3A_56 = arith.constant 0.0721687824 : f32
    %mul3A_57 = vector.broadcast %mul3A_56 : f32 to vector<256x1024xf32>
    %mul3A_58 = arith.mulf %dot_general3A_55, %mul3A_57 : vector<256x1024xf32>
    %slice3A_59 = vector.extract_strided_slice %mul3A_58 {offsets = [0, 0], sizes = [256, 32], strides = [1, 1]} : vector<256x1024xf32> to vector<256x32xf32>
    %slice3A_60 = vector.extract_strided_slice %mul3A_58 {offsets = [0, 32], sizes = [256, 32], strides = [1, 1]} : vector<256x1024xf32> to vector<256x32xf32>
    %mul3A_61 = arith.mulf %slice3A_59, %get3A_10 : vector<256x32xf32>
    %mul3A_62 = arith.mulf %slice3A_60, %get3A_13 : vector<256x32xf32>
    %sub3A_63 = arith.subf %mul3A_61, %mul3A_62 : vector<256x32xf32>
    %mul3A_64 = arith.mulf %slice3A_59, %get3A_13 : vector<256x32xf32>
    %mul3A_65 = arith.mulf %slice3A_60, %get3A_10 : vector<256x32xf32>
    %add3A_66 = arith.addf %mul3A_64, %mul3A_65 : vector<256x32xf32>
    %slice3A_67 = vector.extract_strided_slice %mul3A_58 {offsets = [0, 64], sizes = [256, 32], strides = [1, 1]} : vector<256x1024xf32> to vector<256x32xf32>
    %slice3A_68 = vector.extract_strided_slice %mul3A_58 {offsets = [0, 96], sizes = [256, 32], strides = [1, 1]} : vector<256x1024xf32> to vector<256x32xf32>
    %mul3A_69 = arith.mulf %slice3A_67, %get3A_10 : vector<256x32xf32>
    %mul3A_70 = arith.mulf %slice3A_68, %get3A_13 : vector<256x32xf32>
    %sub3A_71 = arith.subf %mul3A_69, %mul3A_70 : vector<256x32xf32>
    %mul3A_72 = arith.mulf %slice3A_67, %get3A_13 : vector<256x32xf32>
    %mul3A_73 = arith.mulf %slice3A_68, %get3A_10 : vector<256x32xf32>
    %add3A_74 = arith.addf %mul3A_72, %mul3A_73 : vector<256x32xf32>
    %slice3A_75 = vector.extract_strided_slice %mul3A_58 {offsets = [0, 128], sizes = [256, 32], strides = [1, 1]} : vector<256x1024xf32> to vector<256x32xf32>
    %slice3A_76 = vector.extract_strided_slice %mul3A_58 {offsets = [0, 160], sizes = [256, 32], strides = [1, 1]} : vector<256x1024xf32> to vector<256x32xf32>
    %mul3A_77 = arith.mulf %slice3A_75, %get3A_10 : vector<256x32xf32>
    %mul3A_78 = arith.mulf %slice3A_76, %get3A_13 : vector<256x32xf32>
    %sub3A_79 = arith.subf %mul3A_77, %mul3A_78 : vector<256x32xf32>
    %mul3A_80 = arith.mulf %slice3A_75, %get3A_13 : vector<256x32xf32>
    %mul3A_81 = arith.mulf %slice3A_76, %get3A_10 : vector<256x32xf32>
    %add3A_82 = arith.addf %mul3A_80, %mul3A_81 : vector<256x32xf32>
    %slice3A_83 = vector.extract_strided_slice %mul3A_58 {offsets = [0, 192], sizes = [256, 32], strides = [1, 1]} : vector<256x1024xf32> to vector<256x32xf32>
    %slice3A_84 = vector.extract_strided_slice %mul3A_58 {offsets = [0, 224], sizes = [256, 32], strides = [1, 1]} : vector<256x1024xf32> to vector<256x32xf32>
    %mul3A_85 = arith.mulf %slice3A_83, %get3A_10 : vector<256x32xf32>
    %mul3A_86 = arith.mulf %slice3A_84, %get3A_13 : vector<256x32xf32>
    %sub3A_87 = arith.subf %mul3A_85, %mul3A_86 : vector<256x32xf32>
    %mul3A_88 = arith.mulf %slice3A_83, %get3A_13 : vector<256x32xf32>
    %mul3A_89 = arith.mulf %slice3A_84, %get3A_10 : vector<256x32xf32>
    %add3A_90 = arith.addf %mul3A_88, %mul3A_89 : vector<256x32xf32>
    %slice3A_91 = vector.extract_strided_slice %mul3A_58 {offsets = [0, 256], sizes = [256, 32], strides = [1, 1]} : vector<256x1024xf32> to vector<256x32xf32>
    %slice3A_92 = vector.extract_strided_slice %mul3A_58 {offsets = [0, 288], sizes = [256, 32], strides = [1, 1]} : vector<256x1024xf32> to vector<256x32xf32>
    %mul3A_93 = arith.mulf %slice3A_91, %get3A_10 : vector<256x32xf32>
    %mul3A_94 = arith.mulf %slice3A_92, %get3A_13 : vector<256x32xf32>
    %sub3A_95 = arith.subf %mul3A_93, %mul3A_94 : vector<256x32xf32>
    %mul3A_96 = arith.mulf %slice3A_91, %get3A_13 : vector<256x32xf32>
    %mul3A_97 = arith.mulf %slice3A_92, %get3A_10 : vector<256x32xf32>
    %add3A_98 = arith.addf %mul3A_96, %mul3A_97 : vector<256x32xf32>
    %slice3A_99 = vector.extract_strided_slice %mul3A_58 {offsets = [0, 320], sizes = [256, 32], strides = [1, 1]} : vector<256x1024xf32> to vector<256x32xf32>
    %slice3A_100 = vector.extract_strided_slice %mul3A_58 {offsets = [0, 352], sizes = [256, 32], strides = [1, 1]} : vector<256x1024xf32> to vector<256x32xf32>
    %mul3A_101 = arith.mulf %slice3A_99, %get3A_10 : vector<256x32xf32>
    %mul3A_102 = arith.mulf %slice3A_100, %get3A_13 : vector<256x32xf32>
    %sub3A_103 = arith.subf %mul3A_101, %mul3A_102 : vector<256x32xf32>
    %mul3A_104 = arith.mulf %slice3A_99, %get3A_13 : vector<256x32xf32>
    %mul3A_105 = arith.mulf %slice3A_100, %get3A_10 : vector<256x32xf32>
    %add3A_106 = arith.addf %mul3A_104, %mul3A_105 : vector<256x32xf32>
    %slice3A_107 = vector.extract_strided_slice %mul3A_58 {offsets = [0, 384], sizes = [256, 32], strides = [1, 1]} : vector<256x1024xf32> to vector<256x32xf32>
    %slice3A_108 = vector.extract_strided_slice %mul3A_58 {offsets = [0, 416], sizes = [256, 32], strides = [1, 1]} : vector<256x1024xf32> to vector<256x32xf32>
    %mul3A_109 = arith.mulf %slice3A_107, %get3A_10 : vector<256x32xf32>
    %mul3A_110 = arith.mulf %slice3A_108, %get3A_13 : vector<256x32xf32>
    %sub3A_111 = arith.subf %mul3A_109, %mul3A_110 : vector<256x32xf32>
    %mul3A_112 = arith.mulf %slice3A_107, %get3A_13 : vector<256x32xf32>
    %mul3A_113 = arith.mulf %slice3A_108, %get3A_10 : vector<256x32xf32>
    %add3A_114 = arith.addf %mul3A_112, %mul3A_113 : vector<256x32xf32>
    %slice3A_115 = vector.extract_strided_slice %mul3A_58 {offsets = [0, 448], sizes = [256, 32], strides = [1, 1]} : vector<256x1024xf32> to vector<256x32xf32>
    %slice3A_116 = vector.extract_strided_slice %mul3A_58 {offsets = [0, 480], sizes = [256, 32], strides = [1, 1]} : vector<256x1024xf32> to vector<256x32xf32>
    %mul3A_117 = arith.mulf %slice3A_115, %get3A_10 : vector<256x32xf32>
    %mul3A_118 = arith.mulf %slice3A_116, %get3A_13 : vector<256x32xf32>
    %sub3A_119 = arith.subf %mul3A_117, %mul3A_118 : vector<256x32xf32>
    %mul3A_120 = arith.mulf %slice3A_115, %get3A_13 : vector<256x32xf32>
    %mul3A_121 = arith.mulf %slice3A_116, %get3A_10 : vector<256x32xf32>
    %add3A_122 = arith.addf %mul3A_120, %mul3A_121 : vector<256x32xf32>
    %slice3A_123 = vector.extract_strided_slice %mul3A_58 {offsets = [0, 512], sizes = [256, 32], strides = [1, 1]} : vector<256x1024xf32> to vector<256x32xf32>
    %slice3A_124 = vector.extract_strided_slice %mul3A_58 {offsets = [0, 544], sizes = [256, 32], strides = [1, 1]} : vector<256x1024xf32> to vector<256x32xf32>
    %mul3A_125 = arith.mulf %slice3A_123, %get3A_10 : vector<256x32xf32>
    %mul3A_126 = arith.mulf %slice3A_124, %get3A_13 : vector<256x32xf32>
    %sub3A_127 = arith.subf %mul3A_125, %mul3A_126 : vector<256x32xf32>
    %mul3A_128 = arith.mulf %slice3A_123, %get3A_13 : vector<256x32xf32>
    %mul3A_129 = arith.mulf %slice3A_124, %get3A_10 : vector<256x32xf32>
    %add3A_130 = arith.addf %mul3A_128, %mul3A_129 : vector<256x32xf32>
    %slice3A_131 = vector.extract_strided_slice %mul3A_58 {offsets = [0, 576], sizes = [256, 32], strides = [1, 1]} : vector<256x1024xf32> to vector<256x32xf32>
    %slice3A_132 = vector.extract_strided_slice %mul3A_58 {offsets = [0, 608], sizes = [256, 32], strides = [1, 1]} : vector<256x1024xf32> to vector<256x32xf32>
    %mul3A_133 = arith.mulf %slice3A_131, %get3A_10 : vector<256x32xf32>
    %mul3A_134 = arith.mulf %slice3A_132, %get3A_13 : vector<256x32xf32>
    %sub3A_135 = arith.subf %mul3A_133, %mul3A_134 : vector<256x32xf32>
    %mul3A_136 = arith.mulf %slice3A_131, %get3A_13 : vector<256x32xf32>
    %mul3A_137 = arith.mulf %slice3A_132, %get3A_10 : vector<256x32xf32>
    %add3A_138 = arith.addf %mul3A_136, %mul3A_137 : vector<256x32xf32>
    %slice3A_139 = vector.extract_strided_slice %mul3A_58 {offsets = [0, 640], sizes = [256, 32], strides = [1, 1]} : vector<256x1024xf32> to vector<256x32xf32>
    %slice3A_140 = vector.extract_strided_slice %mul3A_58 {offsets = [0, 672], sizes = [256, 32], strides = [1, 1]} : vector<256x1024xf32> to vector<256x32xf32>
    %mul3A_141 = arith.mulf %slice3A_139, %get3A_10 : vector<256x32xf32>
    %mul3A_142 = arith.mulf %slice3A_140, %get3A_13 : vector<256x32xf32>
    %sub3A_143 = arith.subf %mul3A_141, %mul3A_142 : vector<256x32xf32>
    %mul3A_144 = arith.mulf %slice3A_139, %get3A_13 : vector<256x32xf32>
    %mul3A_145 = arith.mulf %slice3A_140, %get3A_10 : vector<256x32xf32>
    %add3A_146 = arith.addf %mul3A_144, %mul3A_145 : vector<256x32xf32>
    %slice3A_147 = vector.extract_strided_slice %mul3A_58 {offsets = [0, 704], sizes = [256, 32], strides = [1, 1]} : vector<256x1024xf32> to vector<256x32xf32>
    %slice3A_148 = vector.extract_strided_slice %mul3A_58 {offsets = [0, 736], sizes = [256, 32], strides = [1, 1]} : vector<256x1024xf32> to vector<256x32xf32>
    %mul3A_149 = arith.mulf %slice3A_147, %get3A_10 : vector<256x32xf32>
    %mul3A_150 = arith.mulf %slice3A_148, %get3A_13 : vector<256x32xf32>
    %sub3A_151 = arith.subf %mul3A_149, %mul3A_150 : vector<256x32xf32>
    %mul3A_152 = arith.mulf %slice3A_147, %get3A_13 : vector<256x32xf32>
    %mul3A_153 = arith.mulf %slice3A_148, %get3A_10 : vector<256x32xf32>
    %add3A_154 = arith.addf %mul3A_152, %mul3A_153 : vector<256x32xf32>
    %slice3A_155 = vector.extract_strided_slice %mul3A_58 {offsets = [0, 768], sizes = [256, 32], strides = [1, 1]} : vector<256x1024xf32> to vector<256x32xf32>
    %slice3A_156 = vector.extract_strided_slice %mul3A_58 {offsets = [0, 800], sizes = [256, 32], strides = [1, 1]} : vector<256x1024xf32> to vector<256x32xf32>
    %mul3A_157 = arith.mulf %slice3A_155, %get3A_10 : vector<256x32xf32>
    %mul3A_158 = arith.mulf %slice3A_156, %get3A_13 : vector<256x32xf32>
    %sub3A_159 = arith.subf %mul3A_157, %mul3A_158 : vector<256x32xf32>
    %mul3A_160 = arith.mulf %slice3A_155, %get3A_13 : vector<256x32xf32>
    %mul3A_161 = arith.mulf %slice3A_156, %get3A_10 : vector<256x32xf32>
    %add3A_162 = arith.addf %mul3A_160, %mul3A_161 : vector<256x32xf32>
    %slice3A_163 = vector.extract_strided_slice %mul3A_58 {offsets = [0, 832], sizes = [256, 32], strides = [1, 1]} : vector<256x1024xf32> to vector<256x32xf32>
    %slice3A_164 = vector.extract_strided_slice %mul3A_58 {offsets = [0, 864], sizes = [256, 32], strides = [1, 1]} : vector<256x1024xf32> to vector<256x32xf32>
    %mul3A_165 = arith.mulf %slice3A_163, %get3A_10 : vector<256x32xf32>
    %mul3A_166 = arith.mulf %slice3A_164, %get3A_13 : vector<256x32xf32>
    %sub3A_167 = arith.subf %mul3A_165, %mul3A_166 : vector<256x32xf32>
    %mul3A_168 = arith.mulf %slice3A_163, %get3A_13 : vector<256x32xf32>
    %mul3A_169 = arith.mulf %slice3A_164, %get3A_10 : vector<256x32xf32>
    %add3A_170 = arith.addf %mul3A_168, %mul3A_169 : vector<256x32xf32>
    %slice3A_171 = vector.extract_strided_slice %mul3A_58 {offsets = [0, 896], sizes = [256, 32], strides = [1, 1]} : vector<256x1024xf32> to vector<256x32xf32>
    %slice3A_172 = vector.extract_strided_slice %mul3A_58 {offsets = [0, 928], sizes = [256, 32], strides = [1, 1]} : vector<256x1024xf32> to vector<256x32xf32>
    %mul3A_173 = arith.mulf %slice3A_171, %get3A_10 : vector<256x32xf32>
    %mul3A_174 = arith.mulf %slice3A_172, %get3A_13 : vector<256x32xf32>
    %sub3A_175 = arith.subf %mul3A_173, %mul3A_174 : vector<256x32xf32>
    %mul3A_176 = arith.mulf %slice3A_171, %get3A_13 : vector<256x32xf32>
    %mul3A_177 = arith.mulf %slice3A_172, %get3A_10 : vector<256x32xf32>
    %add3A_178 = arith.addf %mul3A_176, %mul3A_177 : vector<256x32xf32>
    %slice3A_179 = vector.extract_strided_slice %mul3A_58 {offsets = [0, 960], sizes = [256, 32], strides = [1, 1]} : vector<256x1024xf32> to vector<256x32xf32>
    %slice3A_180 = vector.extract_strided_slice %mul3A_58 {offsets = [0, 992], sizes = [256, 32], strides = [1, 1]} : vector<256x1024xf32> to vector<256x32xf32>
    %mul3A_181 = arith.mulf %slice3A_179, %get3A_10 : vector<256x32xf32>
    %mul3A_182 = arith.mulf %slice3A_180, %get3A_13 : vector<256x32xf32>
    %sub3A_183 = arith.subf %mul3A_181, %mul3A_182 : vector<256x32xf32>
    %mul3A_184 = arith.mulf %slice3A_179, %get3A_13 : vector<256x32xf32>
    %mul3A_185 = arith.mulf %slice3A_180, %get3A_10 : vector<256x32xf32>
    %add3A_186 = arith.addf %mul3A_184, %mul3A_185 : vector<256x32xf32>
    %concatenate3A_187 = tpu.concatenate %sub3A_63, %add3A_66, %sub3A_71, %add3A_74, %sub3A_79, %add3A_82, %sub3A_87, %add3A_90, %sub3A_95, %add3A_98, %sub3A_103, %add3A_106, %sub3A_111, %add3A_114, %sub3A_119, %add3A_122, %sub3A_127, %add3A_130, %sub3A_135, %add3A_138, %sub3A_143, %add3A_146, %sub3A_151, %add3A_154, %sub3A_159, %add3A_162, %sub3A_167, %add3A_170, %sub3A_175, %add3A_178, %sub3A_183, %add3A_186 in 1 : vector<256x32xf32>, vector<256x32xf32>, vector<256x32xf32>, vector<256x32xf32>, vector<256x32xf32>, vector<256x32xf32>, vector<256x32xf32>, vector<256x32xf32>, vector<256x32xf32>, vector<256x32xf32>, vector<256x32xf32>, vector<256x32xf32>, vector<256x32xf32>, vector<256x32xf32>, vector<256x32xf32>, vector<256x32xf32>, vector<256x32xf32>, vector<256x32xf32>, vector<256x32xf32>, vector<256x32xf32>, vector<256x32xf32>, vector<256x32xf32>, vector<256x32xf32>, vector<256x32xf32>, vector<256x32xf32>, vector<256x32xf32>, vector<256x32xf32>, vector<256x32xf32>, vector<256x32xf32>, vector<256x32xf32>, vector<256x32xf32>, vector<256x32xf32> -> vector<256x1024xf32>
    %convert_element_type3A_188 = arith.truncf %concatenate3A_187 : vector<256x1024xf32> to vector<256x1024xbf16>
    %swap3A_189 = arith.constant 0 : index
    %swap3A_190 = arith.constant 0 : index
    %swap3A_191 = vector.load %arg13[%swap3A_189, %swap3A_190] : memref<256x1024xbf16, #tpu.memory_space<vmem>>, vector<256x1024xbf16>
    tpu.vector_store %arg13[%swap3A_189, %swap3A_190], %convert_element_type3A_188 {strides = array<i32>} : memref<256x1024xbf16, #tpu.memory_space<vmem>>, vector<256x1024xbf16>,
    %get3A_192 = arith.constant 0 : index
    %get3A_193 = arith.constant 0 : index
    %get3A_194 = vector.load %arg8[%get3A_192, %get3A_193] : memref<512x2048xbf16, #tpu.memory_space<vmem>>, vector<512x2048xbf16>
    %dot_general3A_195 = arith.constant dense<0.000000e+00> : vector<256x2048xf32>
    %dot_general3A_196 = tpu.matmul %convert_element_type3A_32, %get3A_194, %dot_general3A_195 {dimension_numbers = #tpu.dot_dimension_numbers<[1], [0], [0], [1], [0, 0, 1, 1], [], []>, transpose_lhs_hint = false} : vector<256x512xbf16>, vector<512x2048xbf16>, vector<256x2048xf32> -> vector<256x2048xf32>
    %convert_element_type3A_197 = arith.truncf %dot_general3A_196 : vector<256x2048xf32> to vector<256x2048xbf16>
    %swap3A_198 = arith.constant 0 : index
    %swap3A_199 = arith.constant 0 : index
    %swap3A_200 = vector.load %arg14[%swap3A_198, %swap3A_199] : memref<256x2048xbf16, #tpu.memory_space<vmem>>, vector<256x2048xbf16>
    tpu.vector_store %arg14[%swap3A_198, %swap3A_199], %convert_element_type3A_197 {strides = array<i32>} : memref<256x2048xbf16, #tpu.memory_space<vmem>>, vector<256x2048xbf16>,
    %get3A_201 = arith.constant 0 : index
    %get3A_202 = arith.constant 0 : index
    %get3A_203 = vector.load %arg9[%get3A_201, %get3A_202] : memref<512x2048xbf16, #tpu.memory_space<vmem>>, vector<512x2048xbf16>
    %dot_general3A_204 = arith.constant dense<0.000000e+00> : vector<256x2048xf32>
    %dot_general3A_205 = tpu.matmul %convert_element_type3A_32, %get3A_203, %dot_general3A_204 {dimension_numbers = #tpu.dot_dimension_numbers<[1], [0], [0], [1], [0, 0, 1, 1], [], []>, transpose_lhs_hint = false} : vector<256x512xbf16>, vector<512x2048xbf16>, vector<256x2048xf32> -> vector<256x2048xf32>
    %convert_element_type3A_206 = arith.truncf %dot_general3A_205 : vector<256x2048xf32> to vector<256x2048xbf16>
    %swap3A_207 = arith.constant 0 : index
    %swap3A_208 = arith.constant 0 : index
    %swap3A_209 = vector.load %arg15[%swap3A_207, %swap3A_208] : memref<256x2048xbf16, #tpu.memory_space<vmem>>, vector<256x2048xbf16>
    tpu.vector_store %arg15[%swap3A_207, %swap3A_208], %convert_element_type3A_206 {strides = array<i32>} : memref<256x2048xbf16, #tpu.memory_space<vmem>>, vector<256x2048xbf16>,
    return
  }
  func.func @transform_0(%arg0: i32) -> (i32, i32) {
    %c0_i32 = arith.constant 0 : i32
    %c0_i32_0 = arith.constant 0 : i32
    return %arg0, %c0_i32 : i32, i32
  }
  func.func @transform_1(%arg0: i32) -> (i32, i32) {
    %c0_i32 = arith.constant 0 : i32
    %c0_i32_0 = arith.constant 0 : i32
    %c0_i32_1 = arith.constant 0 : i32
    return %c0_i32, %c0_i32_0 : i32, i32
  }
  func.func @transform_2(%arg0: i32) -> (i32, i32) {
    %c0_i32 = arith.constant 0 : i32
    %c0_i32_0 = arith.constant 0 : i32
    %c0_i32_1 = arith.constant 0 : i32
    return %c0_i32, %c0_i32_0 : i32, i32
  }
  func.func @transform_3(%arg0: i32) -> (i32, i32) {
    %c0_i32 = arith.constant 0 : i32
    %c0_i32_0 = arith.constant 0 : i32
    %c0_i32_1 = arith.constant 0 : i32
    return %c0_i32, %c0_i32_0 : i32, i32
  }
  func.func @transform_4(%arg0: i32) -> (i32, i32) {
    %c0_i32 = arith.constant 0 : i32
    %c0_i32_0 = arith.constant 0 : i32
    %c0_i32_1 = arith.constant 0 : i32
    return %c0_i32, %c0_i32_0 : i32, i32
  }
  func.func @transform_5(%arg0: i32) -> (i32, i32) {
    %c0_i32 = arith.constant 0 : i32
    %c0_i32_0 = arith.constant 0 : i32
    %c0_i32_1 = arith.constant 0 : i32
    return %c0_i32, %c0_i32_0 : i32, i32
  }
  func.func @transform_6(%arg0: i32) -> (i32, i32) {
    %c0_i32 = arith.constant 0 : i32
    %c0_i32_0 = arith.constant 0 : i32
    %c0_i32_1 = arith.constant 0 : i32
    return %c0_i32, %c0_i32_0 : i32, i32
  }
  func.func @transform_7(%arg0: i32) -> (i32, i32) {
    %c0_i32 = arith.constant 0 : i32
    %c0_i32_0 = arith.constant 0 : i32
    %c0_i32_1 = arith.constant 0 : i32
    return %c0_i32, %c0_i32_0 : i32, i32
  }
  func.func @transform_8(%arg0: i32) -> (i32, i32) {
    %c0_i32 = arith.constant 0 : i32
    %c0_i32_0 = arith.constant 0 : i32
    %c0_i32_1 = arith.constant 0 : i32
    return %c0_i32, %c0_i32_0 : i32, i32
  }
  func.func @transform_9(%arg0: i32) -> (i32, i32) {
    %c0_i32 = arith.constant 0 : i32
    %c0_i32_0 = arith.constant 0 : i32
    return %arg0, %c0_i32 : i32, i32
  }
  func.func @transform_10(%arg0: i32) -> (i32, i32) {
    %c0_i32 = arith.constant 0 : i32
    %c0_i32_0 = arith.constant 0 : i32
    return %arg0, %c0_i32 : i32, i32
  }
  func.func @transform_11(%arg0: i32) -> (i32, i32) {
    %c0_i32 = arith.constant 0 : i32
    %c0_i32_0 = arith.constant 0 : i32
    return %arg0, %c0_i32 : i32, i32
  }
  func.func @transform_12(%arg0: i32) -> (i32, i32) {
    %c0_i32 = arith.constant 0 : i32
    %c0_i32_0 = arith.constant 0 : i32
    return %arg0, %c0_i32 : i32, i32
  }
  func.func @transform_13(%arg0: i32) -> (i32, i32) {
    %c0_i32 = arith.constant 0 : i32
    %c0_i32_0 = arith.constant 0 : i32
    return %arg0, %c0_i32 : i32, i32
  }
  func.func @transform_14(%arg0: i32) -> (i32, i32) {
    %c0_i32 = arith.constant 0 : i32
    %c0_i32_0 = arith.constant 0 : i32
    return %arg0, %c0_i32 : i32, i32
  }
  func.func @transform_15(%arg0: i32) -> (i32, i32) {
    %c0_i32 = arith.constant 0 : i32
    %c0_i32_0 = arith.constant 0 : i32
    return %arg0, %c0_i32 : i32, i32
  }
  func.func @transform_16(%arg0: i32) -> (i32, i32) {
    %c0_i32 = arith.constant 0 : i32
    %c0_i32_0 = arith.constant 0 : i32
    return %c0_i32, %arg0 : i32, i32
  }
}

module attributes {stable_mosaic.version = 14 : i64} {
  func.func @_kb_body(%arg0: i32, %arg1: memref<2048x256xbf16, #tpu.memory_space<vmem>>, %arg2: memref<2048x128xbf16, #tpu.memory_space<vmem>>, %arg3: memref<2048x256xbf16, #tpu.memory_space<vmem>>, %arg4: memref<2048x64xbf16, #tpu.memory_space<vmem>>, %arg5: memref<2048x256xbf16, #tpu.memory_space<vmem>>, %arg6: memref<2048x256xbf16, #tpu.memory_space<vmem>>) attributes {dimension_semantics = [#tpu.dimension_semantics<arbitrary>], iteration_bounds = array<i64: 8>, scalar_prefetch = 0 : i64, scratch_operands = 0 : i64, tpu.core_type = #tpu.core_type<tc>, window_params = [{transform_indices = @transform_0, window_bounds = array<i64: 2048, 256>}, {transform_indices = @transform_1, window_bounds = array<i64: 2048, 128>}, {transform_indices = @transform_2, window_bounds = array<i64: 2048, 256>}, {pipeline_mode = #tpu.pipeline_mode<synchronous>, transform_indices = @transform_3, window_bounds = array<i64: 2048, 64>}, {transform_indices = @transform_4, window_bounds = array<i64: 2048, 256>}, {transform_indices = @transform_5, window_bounds = array<i64: 2048, 256>}]} {
    %get3A = arith.constant 0 : index
    %get3A_0 = arith.constant 0 : index
    %get3A_1 = vector.load %arg4[%get3A, %get3A_0] : memref<2048x64xbf16, #tpu.memory_space<vmem>>, vector<2048x64xbf16>
    %get3A_2 = arith.constant 0 : index
    %get3A_3 = arith.constant 0 : index
    %get3A_4 = vector.load %arg3[%get3A_2, %get3A_3] : memref<2048x256xbf16, #tpu.memory_space<vmem>>, vector<2048x128xbf16>
    %get3A_5 = arith.constant 0 : index
    %get3A_6 = arith.constant 0 : index
    %get3A_7 = vector.load %arg5[%get3A_5, %get3A_6] : memref<2048x256xbf16, #tpu.memory_space<vmem>>, vector<2048x128xbf16>
    %get3A_8 = arith.constant 0 : index
    %get3A_9 = arith.constant 0 : index
    %get3A_10 = vector.load %arg1[%get3A_8, %get3A_9] : memref<2048x256xbf16, #tpu.memory_space<vmem>>, vector<1024x128xbf16>
    %get3A_11 = arith.constant 0 : index
    %get3A_12 = arith.constant 0 : index
    %get3A_13 = vector.load %arg2[%get3A_11, %get3A_12] : memref<2048x128xbf16, #tpu.memory_space<vmem>>, vector<1024x64xbf16>
    %broadcast_in_dim3A = arith.constant -1.000000e+30 : f32
    %broadcast_in_dim3A_14 = vector.broadcast %broadcast_in_dim3A : f32 to vector<1024x1xf32>
    %broadcast_in_dim3A_15 = arith.constant 0.000000e+00 : f32
    %broadcast_in_dim3A_16 = vector.broadcast %broadcast_in_dim3A_15 : f32 to vector<1024x1xf32>
    %broadcast_in_dim3A_17 = arith.constant 0.000000e+00 : f32
    %broadcast_in_dim3A_18 = vector.broadcast %broadcast_in_dim3A_17 : f32 to vector<1024x128xf32>
    %iota3A = tpu.iota {dimensions = array<i32: 0>} : vector<1024x1024xi32>
    %add3A = arith.constant 0 : i32
    %add3A_19 = vector.broadcast %add3A : i32 to vector<1024x1024xi32>
    %add3A_20 = arith.addi %add3A_19, %iota3A : vector<1024x1024xi32>
    %slice3A = vector.extract_strided_slice %get3A_4 {offsets = [0, 0], sizes = [1024, 128], strides = [1, 1]} : vector<2048x128xbf16> to vector<1024x128xbf16>
    %dot_general3A = arith.constant dense<0.000000e+00> : vector<1024x1024xf32>
    %dot_general3A_21 = tpu.matmul %get3A_10, %slice3A, %dot_general3A {dimension_numbers = #tpu.dot_dimension_numbers<[1], [1], [0], [0], [0, 0, 1, 0], [], []>, transpose_lhs_hint = false} : vector<1024x128xbf16>, vector<1024x128xbf16>, vector<1024x1024xf32> -> vector<1024x1024xf32>
    %slice3A_22 = vector.extract_strided_slice %get3A_1 {offsets = [0, 0], sizes = [1024, 64], strides = [1, 1]} : vector<2048x64xbf16> to vector<1024x64xbf16>
    %dot_general3A_23 = arith.constant dense<0.000000e+00> : vector<1024x1024xf32>
    %dot_general3A_24 = tpu.matmul %get3A_13, %slice3A_22, %dot_general3A_23 {dimension_numbers = #tpu.dot_dimension_numbers<[1], [1], [0], [0], [0, 0, 1, 0], [], []>, transpose_lhs_hint = false} : vector<1024x64xbf16>, vector<1024x64xbf16>, vector<1024x1024xf32> -> vector<1024x1024xf32>
    %add3A_25 = arith.addf %dot_general3A_21, %dot_general3A_24 : vector<1024x1024xf32>
    %iota3A_26 = tpu.iota {dimensions = array<i32: 1>} : vector<1024x1024xi32>
    %add3A_27 = arith.constant 0 : i32
    %add3A_28 = vector.broadcast %add3A_27 : i32 to vector<1024x1024xi32>
    %add3A_29 = arith.addi %add3A_28, %iota3A_26 : vector<1024x1024xi32>
    %gt3A = arith.cmpi sgt, %add3A_29, %add3A_20 : vector<1024x1024xi32>
    %jit3A = arith.constant -1.000000e+30 : f32
    %broadcast_in_dim3A_30 = vector.broadcast %jit3A : f32 to vector<1024x1024xf32>
    %select_n3A = arith.select %gt3A, %broadcast_in_dim3A_30, %add3A_25 : vector<1024x1024xi1>, vector<1024x1024xf32>
    %reduce_max3A = arith.constant dense<0xFF800000> : vector<1024xf32>
    %reduce_max3A_31 = vector.multi_reduction <maximumf>, %select_n3A, %reduce_max3A [1] : vector<1024x1024xf32> to vector<1024xf32>
    %broadcast_in_dim3A_32 = vector.shape_cast %reduce_max3A_31 : vector<1024xf32> to vector<1024x1xf32>
    %max3A = arith.maximumf %broadcast_in_dim3A_14, %broadcast_in_dim3A_32 : vector<1024x1xf32>
    %sub3A = vector.broadcast %max3A : vector<1024x1xf32> to vector<1024x1024xf32>
    %sub3A_33 = arith.subf %select_n3A, %sub3A : vector<1024x1024xf32>
    %exp3A = math.exp %sub3A_33 : vector<1024x1024xf32>
    %sub3A_34 = arith.subf %broadcast_in_dim3A_14, %max3A : vector<1024x1xf32>
    %exp3A_35 = math.exp %sub3A_34 : vector<1024x1xf32>
    %mul3A = arith.mulf %broadcast_in_dim3A_16, %exp3A_35 : vector<1024x1xf32>
    %reduce_sum3A = arith.constant dense<0.000000e+00> : vector<1024xf32>
    %reduce_sum3A_36 = vector.multi_reduction <add>, %exp3A, %reduce_sum3A [1] : vector<1024x1024xf32> to vector<1024xf32>
    %broadcast_in_dim3A_37 = vector.shape_cast %reduce_sum3A_36 : vector<1024xf32> to vector<1024x1xf32>
    %add3A_38 = arith.addf %mul3A, %broadcast_in_dim3A_37 : vector<1024x1xf32>
    %mul3A_39 = vector.broadcast %exp3A_35 : vector<1024x1xf32> to vector<1024x128xf32>
    %mul3A_40 = arith.mulf %broadcast_in_dim3A_18, %mul3A_39 : vector<1024x128xf32>
    %convert_element_type3A = arith.truncf %exp3A : vector<1024x1024xf32> to vector<1024x1024xbf16>
    %slice3A_41 = vector.extract_strided_slice %get3A_7 {offsets = [0, 0], sizes = [1024, 128], strides = [1, 1]} : vector<2048x128xbf16> to vector<1024x128xbf16>
    %dot_general3A_42 = arith.constant dense<0.000000e+00> : vector<1024x128xf32>
    %dot_general3A_43 = tpu.matmul %convert_element_type3A, %slice3A_41, %dot_general3A_42 {dimension_numbers = #tpu.dot_dimension_numbers<[1], [0], [0], [1], [0, 0, 1, 1], [], []>, transpose_lhs_hint = false} : vector<1024x1024xbf16>, vector<1024x128xbf16>, vector<1024x128xf32> -> vector<1024x128xf32>
    %add3A_44 = arith.addf %mul3A_40, %dot_general3A_43 : vector<1024x128xf32>
    %div3A = vector.broadcast %add3A_38 : vector<1024x1xf32> to vector<1024x128xf32>
    %div3A_45 = arith.divf %add3A_44, %div3A : vector<1024x128xf32>
    %convert_element_type3A_46 = arith.truncf %div3A_45 : vector<1024x128xf32> to vector<1024x128xbf16>
    %swap3A = arith.constant 0 : index
    %swap3A_47 = arith.constant 0 : index
    %swap3A_48 = vector.load %arg6[%swap3A, %swap3A_47] : memref<2048x256xbf16, #tpu.memory_space<vmem>>, vector<1024x128xbf16>
    tpu.vector_store %arg6[%swap3A, %swap3A_47], %convert_element_type3A_46 {strides = array<i32>} : memref<2048x256xbf16, #tpu.memory_space<vmem>>, vector<1024x128xbf16>,
    %get3A_49 = arith.constant 1024 : index
    %get3A_50 = arith.constant 0 : index
    %get3A_51 = vector.load %arg1[%get3A_49, %get3A_50] : memref<2048x256xbf16, #tpu.memory_space<vmem>>, vector<1024x128xbf16>
    %get3A_52 = arith.constant 1024 : index
    %get3A_53 = arith.constant 0 : index
    %get3A_54 = vector.load %arg2[%get3A_52, %get3A_53] : memref<2048x128xbf16, #tpu.memory_space<vmem>>, vector<1024x64xbf16>
    %broadcast_in_dim3A_55 = arith.constant -1.000000e+30 : f32
    %broadcast_in_dim3A_56 = vector.broadcast %broadcast_in_dim3A_55 : f32 to vector<1024x1xf32>
    %broadcast_in_dim3A_57 = arith.constant 0.000000e+00 : f32
    %broadcast_in_dim3A_58 = vector.broadcast %broadcast_in_dim3A_57 : f32 to vector<1024x1xf32>
    %broadcast_in_dim3A_59 = arith.constant 0.000000e+00 : f32
    %broadcast_in_dim3A_60 = vector.broadcast %broadcast_in_dim3A_59 : f32 to vector<1024x128xf32>
    %iota3A_61 = tpu.iota {dimensions = array<i32: 0>} : vector<1024x1024xi32>
    %add3A_62 = arith.constant 1024 : i32
    %add3A_63 = vector.broadcast %add3A_62 : i32 to vector<1024x1024xi32>
    %add3A_64 = arith.addi %add3A_63, %iota3A_61 : vector<1024x1024xi32>
    %slice3A_65 = vector.extract_strided_slice %get3A_4 {offsets = [0, 0], sizes = [1024, 128], strides = [1, 1]} : vector<2048x128xbf16> to vector<1024x128xbf16>
    %dot_general3A_66 = arith.constant dense<0.000000e+00> : vector<1024x1024xf32>
    %dot_general3A_67 = tpu.matmul %get3A_51, %slice3A_65, %dot_general3A_66 {dimension_numbers = #tpu.dot_dimension_numbers<[1], [1], [0], [0], [0, 0, 1, 0], [], []>, transpose_lhs_hint = false} : vector<1024x128xbf16>, vector<1024x128xbf16>, vector<1024x1024xf32> -> vector<1024x1024xf32>
    %slice3A_68 = vector.extract_strided_slice %get3A_1 {offsets = [0, 0], sizes = [1024, 64], strides = [1, 1]} : vector<2048x64xbf16> to vector<1024x64xbf16>
    %dot_general3A_69 = arith.constant dense<0.000000e+00> : vector<1024x1024xf32>
    %dot_general3A_70 = tpu.matmul %get3A_54, %slice3A_68, %dot_general3A_69 {dimension_numbers = #tpu.dot_dimension_numbers<[1], [1], [0], [0], [0, 0, 1, 0], [], []>, transpose_lhs_hint = false} : vector<1024x64xbf16>, vector<1024x64xbf16>, vector<1024x1024xf32> -> vector<1024x1024xf32>
    %add3A_71 = arith.addf %dot_general3A_67, %dot_general3A_70 : vector<1024x1024xf32>
    %reduce_max3A_72 = arith.constant dense<0xFF800000> : vector<1024xf32>
    %reduce_max3A_73 = vector.multi_reduction <maximumf>, %add3A_71, %reduce_max3A_72 [1] : vector<1024x1024xf32> to vector<1024xf32>
    %broadcast_in_dim3A_74 = vector.shape_cast %reduce_max3A_73 : vector<1024xf32> to vector<1024x1xf32>
    %max3A_75 = arith.maximumf %broadcast_in_dim3A_56, %broadcast_in_dim3A_74 : vector<1024x1xf32>
    %sub3A_76 = vector.broadcast %max3A_75 : vector<1024x1xf32> to vector<1024x1024xf32>
    %sub3A_77 = arith.subf %add3A_71, %sub3A_76 : vector<1024x1024xf32>
    %exp3A_78 = math.exp %sub3A_77 : vector<1024x1024xf32>
    %sub3A_79 = arith.subf %broadcast_in_dim3A_56, %max3A_75 : vector<1024x1xf32>
    %exp3A_80 = math.exp %sub3A_79 : vector<1024x1xf32>
    %mul3A_81 = arith.mulf %broadcast_in_dim3A_58, %exp3A_80 : vector<1024x1xf32>
    %reduce_sum3A_82 = arith.constant dense<0.000000e+00> : vector<1024xf32>
    %reduce_sum3A_83 = vector.multi_reduction <add>, %exp3A_78, %reduce_sum3A_82 [1] : vector<1024x1024xf32> to vector<1024xf32>
    %broadcast_in_dim3A_84 = vector.shape_cast %reduce_sum3A_83 : vector<1024xf32> to vector<1024x1xf32>
    %add3A_85 = arith.addf %mul3A_81, %broadcast_in_dim3A_84 : vector<1024x1xf32>
    %mul3A_86 = vector.broadcast %exp3A_80 : vector<1024x1xf32> to vector<1024x128xf32>
    %mul3A_87 = arith.mulf %broadcast_in_dim3A_60, %mul3A_86 : vector<1024x128xf32>
    %convert_element_type3A_88 = arith.truncf %exp3A_78 : vector<1024x1024xf32> to vector<1024x1024xbf16>
    %slice3A_89 = vector.extract_strided_slice %get3A_7 {offsets = [0, 0], sizes = [1024, 128], strides = [1, 1]} : vector<2048x128xbf16> to vector<1024x128xbf16>
    %dot_general3A_90 = arith.constant dense<0.000000e+00> : vector<1024x128xf32>
    %dot_general3A_91 = tpu.matmul %convert_element_type3A_88, %slice3A_89, %dot_general3A_90 {dimension_numbers = #tpu.dot_dimension_numbers<[1], [0], [0], [1], [0, 0, 1, 1], [], []>, transpose_lhs_hint = false} : vector<1024x1024xbf16>, vector<1024x128xbf16>, vector<1024x128xf32> -> vector<1024x128xf32>
    %add3A_92 = arith.addf %mul3A_87, %dot_general3A_91 : vector<1024x128xf32>
    %slice3A_93 = vector.extract_strided_slice %get3A_4 {offsets = [1024, 0], sizes = [1024, 128], strides = [1, 1]} : vector<2048x128xbf16> to vector<1024x128xbf16>
    %dot_general3A_94 = arith.constant dense<0.000000e+00> : vector<1024x1024xf32>
    %dot_general3A_95 = tpu.matmul %get3A_51, %slice3A_93, %dot_general3A_94 {dimension_numbers = #tpu.dot_dimension_numbers<[1], [1], [0], [0], [0, 0, 1, 0], [], []>, transpose_lhs_hint = false} : vector<1024x128xbf16>, vector<1024x128xbf16>, vector<1024x1024xf32> -> vector<1024x1024xf32>
    %slice3A_96 = vector.extract_strided_slice %get3A_1 {offsets = [1024, 0], sizes = [1024, 64], strides = [1, 1]} : vector<2048x64xbf16> to vector<1024x64xbf16>
    %dot_general3A_97 = arith.constant dense<0.000000e+00> : vector<1024x1024xf32>
    %dot_general3A_98 = tpu.matmul %get3A_54, %slice3A_96, %dot_general3A_97 {dimension_numbers = #tpu.dot_dimension_numbers<[1], [1], [0], [0], [0, 0, 1, 0], [], []>, transpose_lhs_hint = false} : vector<1024x64xbf16>, vector<1024x64xbf16>, vector<1024x1024xf32> -> vector<1024x1024xf32>
    %add3A_99 = arith.addf %dot_general3A_95, %dot_general3A_98 : vector<1024x1024xf32>
    %iota3A_100 = tpu.iota {dimensions = array<i32: 1>} : vector<1024x1024xi32>
    %add3A_101 = arith.constant 1024 : i32
    %add3A_102 = vector.broadcast %add3A_101 : i32 to vector<1024x1024xi32>
    %add3A_103 = arith.addi %add3A_102, %iota3A_100 : vector<1024x1024xi32>
    %gt3A_104 = arith.cmpi sgt, %add3A_103, %add3A_64 : vector<1024x1024xi32>
    %jit3A_105 = arith.constant -1.000000e+30 : f32
    %broadcast_in_dim3A_106 = vector.broadcast %jit3A_105 : f32 to vector<1024x1024xf32>
    %select_n3A_107 = arith.select %gt3A_104, %broadcast_in_dim3A_106, %add3A_99 : vector<1024x1024xi1>, vector<1024x1024xf32>
    %reduce_max3A_108 = arith.constant dense<0xFF800000> : vector<1024xf32>
    %reduce_max3A_109 = vector.multi_reduction <maximumf>, %select_n3A_107, %reduce_max3A_108 [1] : vector<1024x1024xf32> to vector<1024xf32>
    %broadcast_in_dim3A_110 = vector.shape_cast %reduce_max3A_109 : vector<1024xf32> to vector<1024x1xf32>
    %max3A_111 = arith.maximumf %max3A_75, %broadcast_in_dim3A_110 : vector<1024x1xf32>
    %sub3A_112 = vector.broadcast %max3A_111 : vector<1024x1xf32> to vector<1024x1024xf32>
    %sub3A_113 = arith.subf %select_n3A_107, %sub3A_112 : vector<1024x1024xf32>
    %exp3A_114 = math.exp %sub3A_113 : vector<1024x1024xf32>
    %sub3A_115 = arith.subf %max3A_75, %max3A_111 : vector<1024x1xf32>
    %exp3A_116 = math.exp %sub3A_115 : vector<1024x1xf32>
    %mul3A_117 = arith.mulf %add3A_85, %exp3A_116 : vector<1024x1xf32>
    %reduce_sum3A_118 = arith.constant dense<0.000000e+00> : vector<1024xf32>
    %reduce_sum3A_119 = vector.multi_reduction <add>, %exp3A_114, %reduce_sum3A_118 [1] : vector<1024x1024xf32> to vector<1024xf32>
    %broadcast_in_dim3A_120 = vector.shape_cast %reduce_sum3A_119 : vector<1024xf32> to vector<1024x1xf32>
    %add3A_121 = arith.addf %mul3A_117, %broadcast_in_dim3A_120 : vector<1024x1xf32>
    %mul3A_122 = vector.broadcast %exp3A_116 : vector<1024x1xf32> to vector<1024x128xf32>
    %mul3A_123 = arith.mulf %add3A_92, %mul3A_122 : vector<1024x128xf32>
    %convert_element_type3A_124 = arith.truncf %exp3A_114 : vector<1024x1024xf32> to vector<1024x1024xbf16>
    %slice3A_125 = vector.extract_strided_slice %get3A_7 {offsets = [1024, 0], sizes = [1024, 128], strides = [1, 1]} : vector<2048x128xbf16> to vector<1024x128xbf16>
    %dot_general3A_126 = arith.constant dense<0.000000e+00> : vector<1024x128xf32>
    %dot_general3A_127 = tpu.matmul %convert_element_type3A_124, %slice3A_125, %dot_general3A_126 {dimension_numbers = #tpu.dot_dimension_numbers<[1], [0], [0], [1], [0, 0, 1, 1], [], []>, transpose_lhs_hint = false} : vector<1024x1024xbf16>, vector<1024x128xbf16>, vector<1024x128xf32> -> vector<1024x128xf32>
    %add3A_128 = arith.addf %mul3A_123, %dot_general3A_127 : vector<1024x128xf32>
    %div3A_129 = vector.broadcast %add3A_121 : vector<1024x1xf32> to vector<1024x128xf32>
    %div3A_130 = arith.divf %add3A_128, %div3A_129 : vector<1024x128xf32>
    %convert_element_type3A_131 = arith.truncf %div3A_130 : vector<1024x128xf32> to vector<1024x128xbf16>
    %swap3A_132 = arith.constant 1024 : index
    %swap3A_133 = arith.constant 0 : index
    %swap3A_134 = vector.load %arg6[%swap3A_132, %swap3A_133] : memref<2048x256xbf16, #tpu.memory_space<vmem>>, vector<1024x128xbf16>
    tpu.vector_store %arg6[%swap3A_132, %swap3A_133], %convert_element_type3A_131 {strides = array<i32>} : memref<2048x256xbf16, #tpu.memory_space<vmem>>, vector<1024x128xbf16>,
    %get3A_135 = arith.constant 0 : index
    %get3A_136 = arith.constant 128 : index
    %get3A_137 = vector.load %arg3[%get3A_135, %get3A_136] : memref<2048x256xbf16, #tpu.memory_space<vmem>>, vector<2048x128xbf16>
    %get3A_138 = arith.constant 0 : index
    %get3A_139 = arith.constant 128 : index
    %get3A_140 = vector.load %arg5[%get3A_138, %get3A_139] : memref<2048x256xbf16, #tpu.memory_space<vmem>>, vector<2048x128xbf16>
    %get3A_141 = arith.constant 0 : index
    %get3A_142 = arith.constant 128 : index
    %get3A_143 = vector.load %arg1[%get3A_141, %get3A_142] : memref<2048x256xbf16, #tpu.memory_space<vmem>>, vector<1024x128xbf16>
    %get3A_144 = arith.constant 0 : index
    %get3A_145 = arith.constant 64 : index
    %get3A_146 = vector.load %arg2[%get3A_144, %get3A_145] : memref<2048x128xbf16, #tpu.memory_space<vmem>>, vector<1024x64xbf16>
    %broadcast_in_dim3A_147 = arith.constant -1.000000e+30 : f32
    %broadcast_in_dim3A_148 = vector.broadcast %broadcast_in_dim3A_147 : f32 to vector<1024x1xf32>
    %broadcast_in_dim3A_149 = arith.constant 0.000000e+00 : f32
    %broadcast_in_dim3A_150 = vector.broadcast %broadcast_in_dim3A_149 : f32 to vector<1024x1xf32>
    %broadcast_in_dim3A_151 = arith.constant 0.000000e+00 : f32
    %broadcast_in_dim3A_152 = vector.broadcast %broadcast_in_dim3A_151 : f32 to vector<1024x128xf32>
    %iota3A_153 = tpu.iota {dimensions = array<i32: 0>} : vector<1024x1024xi32>
    %add3A_154 = arith.constant 0 : i32
    %add3A_155 = vector.broadcast %add3A_154 : i32 to vector<1024x1024xi32>
    %add3A_156 = arith.addi %add3A_155, %iota3A_153 : vector<1024x1024xi32>
    %slice3A_157 = vector.extract_strided_slice %get3A_137 {offsets = [0, 0], sizes = [1024, 128], strides = [1, 1]} : vector<2048x128xbf16> to vector<1024x128xbf16>
    %dot_general3A_158 = arith.constant dense<0.000000e+00> : vector<1024x1024xf32>
    %dot_general3A_159 = tpu.matmul %get3A_143, %slice3A_157, %dot_general3A_158 {dimension_numbers = #tpu.dot_dimension_numbers<[1], [1], [0], [0], [0, 0, 1, 0], [], []>, transpose_lhs_hint = false} : vector<1024x128xbf16>, vector<1024x128xbf16>, vector<1024x1024xf32> -> vector<1024x1024xf32>
    %slice3A_160 = vector.extract_strided_slice %get3A_1 {offsets = [0, 0], sizes = [1024, 64], strides = [1, 1]} : vector<2048x64xbf16> to vector<1024x64xbf16>
    %dot_general3A_161 = arith.constant dense<0.000000e+00> : vector<1024x1024xf32>
    %dot_general3A_162 = tpu.matmul %get3A_146, %slice3A_160, %dot_general3A_161 {dimension_numbers = #tpu.dot_dimension_numbers<[1], [1], [0], [0], [0, 0, 1, 0], [], []>, transpose_lhs_hint = false} : vector<1024x64xbf16>, vector<1024x64xbf16>, vector<1024x1024xf32> -> vector<1024x1024xf32>
    %add3A_163 = arith.addf %dot_general3A_159, %dot_general3A_162 : vector<1024x1024xf32>
    %iota3A_164 = tpu.iota {dimensions = array<i32: 1>} : vector<1024x1024xi32>
    %add3A_165 = arith.constant 0 : i32
    %add3A_166 = vector.broadcast %add3A_165 : i32 to vector<1024x1024xi32>
    %add3A_167 = arith.addi %add3A_166, %iota3A_164 : vector<1024x1024xi32>
    %gt3A_168 = arith.cmpi sgt, %add3A_167, %add3A_156 : vector<1024x1024xi32>
    %jit3A_169 = arith.constant -1.000000e+30 : f32
    %broadcast_in_dim3A_170 = vector.broadcast %jit3A_169 : f32 to vector<1024x1024xf32>
    %select_n3A_171 = arith.select %gt3A_168, %broadcast_in_dim3A_170, %add3A_163 : vector<1024x1024xi1>, vector<1024x1024xf32>
    %reduce_max3A_172 = arith.constant dense<0xFF800000> : vector<1024xf32>
    %reduce_max3A_173 = vector.multi_reduction <maximumf>, %select_n3A_171, %reduce_max3A_172 [1] : vector<1024x1024xf32> to vector<1024xf32>
    %broadcast_in_dim3A_174 = vector.shape_cast %reduce_max3A_173 : vector<1024xf32> to vector<1024x1xf32>
    %max3A_175 = arith.maximumf %broadcast_in_dim3A_148, %broadcast_in_dim3A_174 : vector<1024x1xf32>
    %sub3A_176 = vector.broadcast %max3A_175 : vector<1024x1xf32> to vector<1024x1024xf32>
    %sub3A_177 = arith.subf %select_n3A_171, %sub3A_176 : vector<1024x1024xf32>
    %exp3A_178 = math.exp %sub3A_177 : vector<1024x1024xf32>
    %sub3A_179 = arith.subf %broadcast_in_dim3A_148, %max3A_175 : vector<1024x1xf32>
    %exp3A_180 = math.exp %sub3A_179 : vector<1024x1xf32>
    %mul3A_181 = arith.mulf %broadcast_in_dim3A_150, %exp3A_180 : vector<1024x1xf32>
    %reduce_sum3A_182 = arith.constant dense<0.000000e+00> : vector<1024xf32>
    %reduce_sum3A_183 = vector.multi_reduction <add>, %exp3A_178, %reduce_sum3A_182 [1] : vector<1024x1024xf32> to vector<1024xf32>
    %broadcast_in_dim3A_184 = vector.shape_cast %reduce_sum3A_183 : vector<1024xf32> to vector<1024x1xf32>
    %add3A_185 = arith.addf %mul3A_181, %broadcast_in_dim3A_184 : vector<1024x1xf32>
    %mul3A_186 = vector.broadcast %exp3A_180 : vector<1024x1xf32> to vector<1024x128xf32>
    %mul3A_187 = arith.mulf %broadcast_in_dim3A_152, %mul3A_186 : vector<1024x128xf32>
    %convert_element_type3A_188 = arith.truncf %exp3A_178 : vector<1024x1024xf32> to vector<1024x1024xbf16>
    %slice3A_189 = vector.extract_strided_slice %get3A_140 {offsets = [0, 0], sizes = [1024, 128], strides = [1, 1]} : vector<2048x128xbf16> to vector<1024x128xbf16>
    %dot_general3A_190 = arith.constant dense<0.000000e+00> : vector<1024x128xf32>
    %dot_general3A_191 = tpu.matmul %convert_element_type3A_188, %slice3A_189, %dot_general3A_190 {dimension_numbers = #tpu.dot_dimension_numbers<[1], [0], [0], [1], [0, 0, 1, 1], [], []>, transpose_lhs_hint = false} : vector<1024x1024xbf16>, vector<1024x128xbf16>, vector<1024x128xf32> -> vector<1024x128xf32>
    %add3A_192 = arith.addf %mul3A_187, %dot_general3A_191 : vector<1024x128xf32>
    %div3A_193 = vector.broadcast %add3A_185 : vector<1024x1xf32> to vector<1024x128xf32>
    %div3A_194 = arith.divf %add3A_192, %div3A_193 : vector<1024x128xf32>
    %convert_element_type3A_195 = arith.truncf %div3A_194 : vector<1024x128xf32> to vector<1024x128xbf16>
    %swap3A_196 = arith.constant 0 : index
    %swap3A_197 = arith.constant 128 : index
    %swap3A_198 = vector.load %arg6[%swap3A_196, %swap3A_197] : memref<2048x256xbf16, #tpu.memory_space<vmem>>, vector<1024x128xbf16>
    tpu.vector_store %arg6[%swap3A_196, %swap3A_197], %convert_element_type3A_195 {strides = array<i32>} : memref<2048x256xbf16, #tpu.memory_space<vmem>>, vector<1024x128xbf16>,
    %get3A_199 = arith.constant 1024 : index
    %get3A_200 = arith.constant 128 : index
    %get3A_201 = vector.load %arg1[%get3A_199, %get3A_200] : memref<2048x256xbf16, #tpu.memory_space<vmem>>, vector<1024x128xbf16>
    %get3A_202 = arith.constant 1024 : index
    %get3A_203 = arith.constant 64 : index
    %get3A_204 = vector.load %arg2[%get3A_202, %get3A_203] : memref<2048x128xbf16, #tpu.memory_space<vmem>>, vector<1024x64xbf16>
    %broadcast_in_dim3A_205 = arith.constant -1.000000e+30 : f32
    %broadcast_in_dim3A_206 = vector.broadcast %broadcast_in_dim3A_205 : f32 to vector<1024x1xf32>
    %broadcast_in_dim3A_207 = arith.constant 0.000000e+00 : f32
    %broadcast_in_dim3A_208 = vector.broadcast %broadcast_in_dim3A_207 : f32 to vector<1024x1xf32>
    %broadcast_in_dim3A_209 = arith.constant 0.000000e+00 : f32
    %broadcast_in_dim3A_210 = vector.broadcast %broadcast_in_dim3A_209 : f32 to vector<1024x128xf32>
    %iota3A_211 = tpu.iota {dimensions = array<i32: 0>} : vector<1024x1024xi32>
    %add3A_212 = arith.constant 1024 : i32
    %add3A_213 = vector.broadcast %add3A_212 : i32 to vector<1024x1024xi32>
    %add3A_214 = arith.addi %add3A_213, %iota3A_211 : vector<1024x1024xi32>
    %slice3A_215 = vector.extract_strided_slice %get3A_137 {offsets = [0, 0], sizes = [1024, 128], strides = [1, 1]} : vector<2048x128xbf16> to vector<1024x128xbf16>
    %dot_general3A_216 = arith.constant dense<0.000000e+00> : vector<1024x1024xf32>
    %dot_general3A_217 = tpu.matmul %get3A_201, %slice3A_215, %dot_general3A_216 {dimension_numbers = #tpu.dot_dimension_numbers<[1], [1], [0], [0], [0, 0, 1, 0], [], []>, transpose_lhs_hint = false} : vector<1024x128xbf16>, vector<1024x128xbf16>, vector<1024x1024xf32> -> vector<1024x1024xf32>
    %slice3A_218 = vector.extract_strided_slice %get3A_1 {offsets = [0, 0], sizes = [1024, 64], strides = [1, 1]} : vector<2048x64xbf16> to vector<1024x64xbf16>
    %dot_general3A_219 = arith.constant dense<0.000000e+00> : vector<1024x1024xf32>
    %dot_general3A_220 = tpu.matmul %get3A_204, %slice3A_218, %dot_general3A_219 {dimension_numbers = #tpu.dot_dimension_numbers<[1], [1], [0], [0], [0, 0, 1, 0], [], []>, transpose_lhs_hint = false} : vector<1024x64xbf16>, vector<1024x64xbf16>, vector<1024x1024xf32> -> vector<1024x1024xf32>
    %add3A_221 = arith.addf %dot_general3A_217, %dot_general3A_220 : vector<1024x1024xf32>
    %reduce_max3A_222 = arith.constant dense<0xFF800000> : vector<1024xf32>
    %reduce_max3A_223 = vector.multi_reduction <maximumf>, %add3A_221, %reduce_max3A_222 [1] : vector<1024x1024xf32> to vector<1024xf32>
    %broadcast_in_dim3A_224 = vector.shape_cast %reduce_max3A_223 : vector<1024xf32> to vector<1024x1xf32>
    %max3A_225 = arith.maximumf %broadcast_in_dim3A_206, %broadcast_in_dim3A_224 : vector<1024x1xf32>
    %sub3A_226 = vector.broadcast %max3A_225 : vector<1024x1xf32> to vector<1024x1024xf32>
    %sub3A_227 = arith.subf %add3A_221, %sub3A_226 : vector<1024x1024xf32>
    %exp3A_228 = math.exp %sub3A_227 : vector<1024x1024xf32>
    %sub3A_229 = arith.subf %broadcast_in_dim3A_206, %max3A_225 : vector<1024x1xf32>
    %exp3A_230 = math.exp %sub3A_229 : vector<1024x1xf32>
    %mul3A_231 = arith.mulf %broadcast_in_dim3A_208, %exp3A_230 : vector<1024x1xf32>
    %reduce_sum3A_232 = arith.constant dense<0.000000e+00> : vector<1024xf32>
    %reduce_sum3A_233 = vector.multi_reduction <add>, %exp3A_228, %reduce_sum3A_232 [1] : vector<1024x1024xf32> to vector<1024xf32>
    %broadcast_in_dim3A_234 = vector.shape_cast %reduce_sum3A_233 : vector<1024xf32> to vector<1024x1xf32>
    %add3A_235 = arith.addf %mul3A_231, %broadcast_in_dim3A_234 : vector<1024x1xf32>
    %mul3A_236 = vector.broadcast %exp3A_230 : vector<1024x1xf32> to vector<1024x128xf32>
    %mul3A_237 = arith.mulf %broadcast_in_dim3A_210, %mul3A_236 : vector<1024x128xf32>
    %convert_element_type3A_238 = arith.truncf %exp3A_228 : vector<1024x1024xf32> to vector<1024x1024xbf16>
    %slice3A_239 = vector.extract_strided_slice %get3A_140 {offsets = [0, 0], sizes = [1024, 128], strides = [1, 1]} : vector<2048x128xbf16> to vector<1024x128xbf16>
    %dot_general3A_240 = arith.constant dense<0.000000e+00> : vector<1024x128xf32>
    %dot_general3A_241 = tpu.matmul %convert_element_type3A_238, %slice3A_239, %dot_general3A_240 {dimension_numbers = #tpu.dot_dimension_numbers<[1], [0], [0], [1], [0, 0, 1, 1], [], []>, transpose_lhs_hint = false} : vector<1024x1024xbf16>, vector<1024x128xbf16>, vector<1024x128xf32> -> vector<1024x128xf32>
    %add3A_242 = arith.addf %mul3A_237, %dot_general3A_241 : vector<1024x128xf32>
    %slice3A_243 = vector.extract_strided_slice %get3A_137 {offsets = [1024, 0], sizes = [1024, 128], strides = [1, 1]} : vector<2048x128xbf16> to vector<1024x128xbf16>
    %dot_general3A_244 = arith.constant dense<0.000000e+00> : vector<1024x1024xf32>
    %dot_general3A_245 = tpu.matmul %get3A_201, %slice3A_243, %dot_general3A_244 {dimension_numbers = #tpu.dot_dimension_numbers<[1], [1], [0], [0], [0, 0, 1, 0], [], []>, transpose_lhs_hint = false} : vector<1024x128xbf16>, vector<1024x128xbf16>, vector<1024x1024xf32> -> vector<1024x1024xf32>
    %slice3A_246 = vector.extract_strided_slice %get3A_1 {offsets = [1024, 0], sizes = [1024, 64], strides = [1, 1]} : vector<2048x64xbf16> to vector<1024x64xbf16>
    %dot_general3A_247 = arith.constant dense<0.000000e+00> : vector<1024x1024xf32>
    %dot_general3A_248 = tpu.matmul %get3A_204, %slice3A_246, %dot_general3A_247 {dimension_numbers = #tpu.dot_dimension_numbers<[1], [1], [0], [0], [0, 0, 1, 0], [], []>, transpose_lhs_hint = false} : vector<1024x64xbf16>, vector<1024x64xbf16>, vector<1024x1024xf32> -> vector<1024x1024xf32>
    %add3A_249 = arith.addf %dot_general3A_245, %dot_general3A_248 : vector<1024x1024xf32>
    %iota3A_250 = tpu.iota {dimensions = array<i32: 1>} : vector<1024x1024xi32>
    %add3A_251 = arith.constant 1024 : i32
    %add3A_252 = vector.broadcast %add3A_251 : i32 to vector<1024x1024xi32>
    %add3A_253 = arith.addi %add3A_252, %iota3A_250 : vector<1024x1024xi32>
    %gt3A_254 = arith.cmpi sgt, %add3A_253, %add3A_214 : vector<1024x1024xi32>
    %jit3A_255 = arith.constant -1.000000e+30 : f32
    %broadcast_in_dim3A_256 = vector.broadcast %jit3A_255 : f32 to vector<1024x1024xf32>
    %select_n3A_257 = arith.select %gt3A_254, %broadcast_in_dim3A_256, %add3A_249 : vector<1024x1024xi1>, vector<1024x1024xf32>
    %reduce_max3A_258 = arith.constant dense<0xFF800000> : vector<1024xf32>
    %reduce_max3A_259 = vector.multi_reduction <maximumf>, %select_n3A_257, %reduce_max3A_258 [1] : vector<1024x1024xf32> to vector<1024xf32>
    %broadcast_in_dim3A_260 = vector.shape_cast %reduce_max3A_259 : vector<1024xf32> to vector<1024x1xf32>
    %max3A_261 = arith.maximumf %max3A_225, %broadcast_in_dim3A_260 : vector<1024x1xf32>
    %sub3A_262 = vector.broadcast %max3A_261 : vector<1024x1xf32> to vector<1024x1024xf32>
    %sub3A_263 = arith.subf %select_n3A_257, %sub3A_262 : vector<1024x1024xf32>
    %exp3A_264 = math.exp %sub3A_263 : vector<1024x1024xf32>
    %sub3A_265 = arith.subf %max3A_225, %max3A_261 : vector<1024x1xf32>
    %exp3A_266 = math.exp %sub3A_265 : vector<1024x1xf32>
    %mul3A_267 = arith.mulf %add3A_235, %exp3A_266 : vector<1024x1xf32>
    %reduce_sum3A_268 = arith.constant dense<0.000000e+00> : vector<1024xf32>
    %reduce_sum3A_269 = vector.multi_reduction <add>, %exp3A_264, %reduce_sum3A_268 [1] : vector<1024x1024xf32> to vector<1024xf32>
    %broadcast_in_dim3A_270 = vector.shape_cast %reduce_sum3A_269 : vector<1024xf32> to vector<1024x1xf32>
    %add3A_271 = arith.addf %mul3A_267, %broadcast_in_dim3A_270 : vector<1024x1xf32>
    %mul3A_272 = vector.broadcast %exp3A_266 : vector<1024x1xf32> to vector<1024x128xf32>
    %mul3A_273 = arith.mulf %add3A_242, %mul3A_272 : vector<1024x128xf32>
    %convert_element_type3A_274 = arith.truncf %exp3A_264 : vector<1024x1024xf32> to vector<1024x1024xbf16>
    %slice3A_275 = vector.extract_strided_slice %get3A_140 {offsets = [1024, 0], sizes = [1024, 128], strides = [1, 1]} : vector<2048x128xbf16> to vector<1024x128xbf16>
    %dot_general3A_276 = arith.constant dense<0.000000e+00> : vector<1024x128xf32>
    %dot_general3A_277 = tpu.matmul %convert_element_type3A_274, %slice3A_275, %dot_general3A_276 {dimension_numbers = #tpu.dot_dimension_numbers<[1], [0], [0], [1], [0, 0, 1, 1], [], []>, transpose_lhs_hint = false} : vector<1024x1024xbf16>, vector<1024x128xbf16>, vector<1024x128xf32> -> vector<1024x128xf32>
    %add3A_278 = arith.addf %mul3A_273, %dot_general3A_277 : vector<1024x128xf32>
    %div3A_279 = vector.broadcast %add3A_271 : vector<1024x1xf32> to vector<1024x128xf32>
    %div3A_280 = arith.divf %add3A_278, %div3A_279 : vector<1024x128xf32>
    %convert_element_type3A_281 = arith.truncf %div3A_280 : vector<1024x128xf32> to vector<1024x128xbf16>
    %swap3A_282 = arith.constant 1024 : index
    %swap3A_283 = arith.constant 128 : index
    %swap3A_284 = vector.load %arg6[%swap3A_282, %swap3A_283] : memref<2048x256xbf16, #tpu.memory_space<vmem>>, vector<1024x128xbf16>
    tpu.vector_store %arg6[%swap3A_282, %swap3A_283], %convert_element_type3A_281 {strides = array<i32>} : memref<2048x256xbf16, #tpu.memory_space<vmem>>, vector<1024x128xbf16>,
    return
  }
  func.func @transform_0(%arg0: i32) -> (i32, i32) {
    %c0_i32 = arith.constant 0 : i32
    %c0_i32_0 = arith.constant 0 : i32
    return %c0_i32, %arg0 : i32, i32
  }
  func.func @transform_1(%arg0: i32) -> (i32, i32) {
    %c0_i32 = arith.constant 0 : i32
    %c0_i32_0 = arith.constant 0 : i32
    return %c0_i32, %arg0 : i32, i32
  }
  func.func @transform_2(%arg0: i32) -> (i32, i32) {
    %c0_i32 = arith.constant 0 : i32
    %c0_i32_0 = arith.constant 0 : i32
    return %c0_i32, %arg0 : i32, i32
  }
  func.func @transform_3(%arg0: i32) -> (i32, i32) {
    %c0_i32 = arith.constant 0 : i32
    %c0_i32_0 = arith.constant 0 : i32
    %c0_i32_1 = arith.constant 0 : i32
    return %c0_i32, %c0_i32_0 : i32, i32
  }
  func.func @transform_4(%arg0: i32) -> (i32, i32) {
    %c0_i32 = arith.constant 0 : i32
    %c0_i32_0 = arith.constant 0 : i32
    return %c0_i32, %arg0 : i32, i32
  }
  func.func @transform_5(%arg0: i32) -> (i32, i32) {
    %c0_i32 = arith.constant 0 : i32
    %c0_i32_0 = arith.constant 0 : i32
    return %c0_i32, %arg0 : i32, i32
  }
}

module attributes {stable_mosaic.version = 14 : i64} {
  func.func @_kc_body(%arg0: i32, %arg1: memref<64x2048xf32, #tpu.memory_space<vmem>>, %arg2: memref<2048x1024xbf16, #tpu.memory_space<vmem>>, %arg3: memref<128x128xf32, #tpu.memory_space<vmem>>, %arg4: memref<128x128xf32, #tpu.memory_space<vmem>>, %arg5: memref<128x128xf32, #tpu.memory_space<vmem>>, %arg6: memref<128x128xf32, #tpu.memory_space<vmem>>, %arg7: memref<256x2048xbf16, #tpu.memory_space<vmem>>, %arg8: memref<2048x2048xbf16, #tpu.memory_space<vmem>>, %arg9: memref<256x2048xf32, #tpu.memory_space<vmem>>, %arg10: memref<1x2048xf32, #tpu.memory_space<vmem>>) attributes {dimension_semantics = [#tpu.dimension_semantics<arbitrary>], iteration_bounds = array<i64: 9>, scalar_prefetch = 0 : i64, scratch_operands = 1 : i64, tpu.core_type = #tpu.core_type<tc>, window_params = [{pipeline_mode = #tpu.pipeline_mode<synchronous>, transform_indices = @transform_0, window_bounds = array<i64: 64, 2048>}, {pipeline_mode = #tpu.pipeline_mode<synchronous>, transform_indices = @transform_1, window_bounds = array<i64: 2048, 1024>}, {pipeline_mode = #tpu.pipeline_mode<synchronous>, transform_indices = @transform_2, window_bounds = array<i64: 128, 128>}, {pipeline_mode = #tpu.pipeline_mode<synchronous>, transform_indices = @transform_3, window_bounds = array<i64: 128, 128>}, {pipeline_mode = #tpu.pipeline_mode<synchronous>, transform_indices = @transform_4, window_bounds = array<i64: 128, 128>}, {pipeline_mode = #tpu.pipeline_mode<synchronous>, transform_indices = @transform_5, window_bounds = array<i64: 128, 128>}, {transform_indices = @transform_6, window_bounds = array<i64: 256, 2048>}, {pipeline_mode = #tpu.pipeline_mode<synchronous>, transform_indices = @transform_7, window_bounds = array<i64: 2048, 2048>}, {transform_indices = @transform_8, window_bounds = array<i64: 256, 2048>}]} {
    %eq3A = arith.constant 0 : i32
    %eq3A_0 = arith.cmpi eq, %arg0, %eq3A : i32
    %convert_element_type3A = arith.extui %eq3A_0 : i1 to i32
    %cond3A = arith.constant 0 : i32
    %cond3A_1 = arith.cmpi ne, %convert_element_type3A, %cond3A : i32
    scf.if %cond3A_1 {
      %get3A = arith.constant 0 : index
      %get3A_6 = arith.constant 0 : index
      %get3A_7 = vector.load %arg1[%get3A, %get3A_6] : memref<64x2048xf32, #tpu.memory_space<vmem>>, vector<64x2048xf32>
      %convert_element_type3A_8 = arith.truncf %get3A_7 : vector<64x2048xf32> to vector<64x2048xbf16>
      %slice3A = vector.extract_strided_slice %convert_element_type3A_8 {offsets = [0, 0], sizes = [8, 2048], strides = [1, 1]} : vector<64x2048xbf16> to vector<8x2048xbf16>
      %get3A_9 = arith.constant 0 : index
      %get3A_10 = arith.constant 0 : index
      %get3A_11 = vector.load %arg2[%get3A_9, %get3A_10] : memref<2048x1024xbf16, #tpu.memory_space<vmem>>, vector<2048x128xbf16>
      %dot_general3A = arith.constant dense<0.000000e+00> : vector<8x128xf32>
      %dot_general3A_12 = tpu.matmul %slice3A, %get3A_11, %dot_general3A {dimension_numbers = #tpu.dot_dimension_numbers<[1], [0], [0], [1], [0, 0, 1, 1], [], []>, transpose_lhs_hint = false} : vector<8x2048xbf16>, vector<2048x128xbf16>, vector<8x128xf32> -> vector<8x128xf32>
      %slice3A_13 = vector.extract_strided_slice %convert_element_type3A_8 {offsets = [8, 0], sizes = [8, 2048], strides = [1, 1]} : vector<64x2048xbf16> to vector<8x2048xbf16>
      %get3A_14 = arith.constant 0 : index
      %get3A_15 = arith.constant 128 : index
      %get3A_16 = vector.load %arg2[%get3A_14, %get3A_15] : memref<2048x1024xbf16, #tpu.memory_space<vmem>>, vector<2048x128xbf16>
      %dot_general3A_17 = arith.constant dense<0.000000e+00> : vector<8x128xf32>
      %dot_general3A_18 = tpu.matmul %slice3A_13, %get3A_16, %dot_general3A_17 {dimension_numbers = #tpu.dot_dimension_numbers<[1], [0], [0], [1], [0, 0, 1, 1], [], []>, transpose_lhs_hint = false} : vector<8x2048xbf16>, vector<2048x128xbf16>, vector<8x128xf32> -> vector<8x128xf32>
      %slice3A_19 = vector.extract_strided_slice %convert_element_type3A_8 {offsets = [16, 0], sizes = [8, 2048], strides = [1, 1]} : vector<64x2048xbf16> to vector<8x2048xbf16>
      %get3A_20 = arith.constant 0 : index
      %get3A_21 = arith.constant 256 : index
      %get3A_22 = vector.load %arg2[%get3A_20, %get3A_21] : memref<2048x1024xbf16, #tpu.memory_space<vmem>>, vector<2048x128xbf16>
      %dot_general3A_23 = arith.constant dense<0.000000e+00> : vector<8x128xf32>
      %dot_general3A_24 = tpu.matmul %slice3A_19, %get3A_22, %dot_general3A_23 {dimension_numbers = #tpu.dot_dimension_numbers<[1], [0], [0], [1], [0, 0, 1, 1], [], []>, transpose_lhs_hint = false} : vector<8x2048xbf16>, vector<2048x128xbf16>, vector<8x128xf32> -> vector<8x128xf32>
      %slice3A_25 = vector.extract_strided_slice %convert_element_type3A_8 {offsets = [24, 0], sizes = [8, 2048], strides = [1, 1]} : vector<64x2048xbf16> to vector<8x2048xbf16>
      %get3A_26 = arith.constant 0 : index
      %get3A_27 = arith.constant 384 : index
      %get3A_28 = vector.load %arg2[%get3A_26, %get3A_27] : memref<2048x1024xbf16, #tpu.memory_space<vmem>>, vector<2048x128xbf16>
      %dot_general3A_29 = arith.constant dense<0.000000e+00> : vector<8x128xf32>
      %dot_general3A_30 = tpu.matmul %slice3A_25, %get3A_28, %dot_general3A_29 {dimension_numbers = #tpu.dot_dimension_numbers<[1], [0], [0], [1], [0, 0, 1, 1], [], []>, transpose_lhs_hint = false} : vector<8x2048xbf16>, vector<2048x128xbf16>, vector<8x128xf32> -> vector<8x128xf32>
      %slice3A_31 = vector.extract_strided_slice %convert_element_type3A_8 {offsets = [32, 0], sizes = [8, 2048], strides = [1, 1]} : vector<64x2048xbf16> to vector<8x2048xbf16>
      %get3A_32 = arith.constant 0 : index
      %get3A_33 = arith.constant 512 : index
      %get3A_34 = vector.load %arg2[%get3A_32, %get3A_33] : memref<2048x1024xbf16, #tpu.memory_space<vmem>>, vector<2048x128xbf16>
      %dot_general3A_35 = arith.constant dense<0.000000e+00> : vector<8x128xf32>
      %dot_general3A_36 = tpu.matmul %slice3A_31, %get3A_34, %dot_general3A_35 {dimension_numbers = #tpu.dot_dimension_numbers<[1], [0], [0], [1], [0, 0, 1, 1], [], []>, transpose_lhs_hint = false} : vector<8x2048xbf16>, vector<2048x128xbf16>, vector<8x128xf32> -> vector<8x128xf32>
      %slice3A_37 = vector.extract_strided_slice %convert_element_type3A_8 {offsets = [40, 0], sizes = [8, 2048], strides = [1, 1]} : vector<64x2048xbf16> to vector<8x2048xbf16>
      %get3A_38 = arith.constant 0 : index
      %get3A_39 = arith.constant 640 : index
      %get3A_40 = vector.load %arg2[%get3A_38, %get3A_39] : memref<2048x1024xbf16, #tpu.memory_space<vmem>>, vector<2048x128xbf16>
      %dot_general3A_41 = arith.constant dense<0.000000e+00> : vector<8x128xf32>
      %dot_general3A_42 = tpu.matmul %slice3A_37, %get3A_40, %dot_general3A_41 {dimension_numbers = #tpu.dot_dimension_numbers<[1], [0], [0], [1], [0, 0, 1, 1], [], []>, transpose_lhs_hint = false} : vector<8x2048xbf16>, vector<2048x128xbf16>, vector<8x128xf32> -> vector<8x128xf32>
      %slice3A_43 = vector.extract_strided_slice %convert_element_type3A_8 {offsets = [48, 0], sizes = [8, 2048], strides = [1, 1]} : vector<64x2048xbf16> to vector<8x2048xbf16>
      %get3A_44 = arith.constant 0 : index
      %get3A_45 = arith.constant 768 : index
      %get3A_46 = vector.load %arg2[%get3A_44, %get3A_45] : memref<2048x1024xbf16, #tpu.memory_space<vmem>>, vector<2048x128xbf16>
      %dot_general3A_47 = arith.constant dense<0.000000e+00> : vector<8x128xf32>
      %dot_general3A_48 = tpu.matmul %slice3A_43, %get3A_46, %dot_general3A_47 {dimension_numbers = #tpu.dot_dimension_numbers<[1], [0], [0], [1], [0, 0, 1, 1], [], []>, transpose_lhs_hint = false} : vector<8x2048xbf16>, vector<2048x128xbf16>, vector<8x128xf32> -> vector<8x128xf32>
      %slice3A_49 = vector.extract_strided_slice %convert_element_type3A_8 {offsets = [56, 0], sizes = [8, 2048], strides = [1, 1]} : vector<64x2048xbf16> to vector<8x2048xbf16>
      %get3A_50 = arith.constant 0 : index
      %get3A_51 = arith.constant 896 : index
      %get3A_52 = vector.load %arg2[%get3A_50, %get3A_51] : memref<2048x1024xbf16, #tpu.memory_space<vmem>>, vector<2048x128xbf16>
      %dot_general3A_53 = arith.constant dense<0.000000e+00> : vector<8x128xf32>
      %dot_general3A_54 = tpu.matmul %slice3A_49, %get3A_52, %dot_general3A_53 {dimension_numbers = #tpu.dot_dimension_numbers<[1], [0], [0], [1], [0, 0, 1, 1], [], []>, transpose_lhs_hint = false} : vector<8x2048xbf16>, vector<2048x128xbf16>, vector<8x128xf32> -> vector<8x128xf32>
      %concatenate3A = tpu.concatenate %dot_general3A_12, %dot_general3A_18, %dot_general3A_24, %dot_general3A_30, %dot_general3A_36, %dot_general3A_42, %dot_general3A_48, %dot_general3A_54 in 0 : vector<8x128xf32>, vector<8x128xf32>, vector<8x128xf32>, vector<8x128xf32>, vector<8x128xf32>, vector<8x128xf32>, vector<8x128xf32>, vector<8x128xf32> -> vector<64x128xf32>
      %get3A_55 = arith.constant 0 : index
      %get3A_56 = arith.constant 0 : index
      %get3A_57 = vector.load %arg3[%get3A_55, %get3A_56] : memref<128x128xf32, #tpu.memory_space<vmem>>, vector<128x128xf32>
      %dot_general3A_58 = arith.constant dense<0.000000e+00> : vector<64x128xf32>
      %dot_general3A_59 = tpu.matmul %concatenate3A, %get3A_57, %dot_general3A_58 {dimension_numbers = #tpu.dot_dimension_numbers<[1], [0], [0], [1], [0, 0, 1, 1], [], []>, transpose_lhs_hint = false} : vector<64x128xf32>, vector<128x128xf32>, vector<64x128xf32> -> vector<64x128xf32>
      %get3A_60 = arith.constant 0 : index
      %get3A_61 = arith.constant 0 : index
      %get3A_62 = vector.load %arg4[%get3A_60, %get3A_61] : memref<128x128xf32, #tpu.memory_space<vmem>>, vector<128x128xf32>
      %dot_general3A_63 = arith.constant dense<0.000000e+00> : vector<64x128xf32>
      %dot_general3A_64 = tpu.matmul %concatenate3A, %get3A_62, %dot_general3A_63 {dimension_numbers = #tpu.dot_dimension_numbers<[1], [0], [0], [1], [0, 0, 1, 1], [], []>, transpose_lhs_hint = false} : vector<64x128xf32>, vector<128x128xf32>, vector<64x128xf32> -> vector<64x128xf32>
      %get3A_65 = arith.constant 0 : index
      %get3A_66 = arith.constant 0 : index
      %get3A_67 = vector.load %arg5[%get3A_65, %get3A_66] : memref<128x128xf32, #tpu.memory_space<vmem>>, vector<128x128xf32>
      %dot_general3A_68 = arith.constant dense<0.000000e+00> : vector<64x128xf32>
      %dot_general3A_69 = tpu.matmul %concatenate3A, %get3A_67, %dot_general3A_68 {dimension_numbers = #tpu.dot_dimension_numbers<[1], [0], [0], [1], [0, 0, 1, 1], [], []>, transpose_lhs_hint = false} : vector<64x128xf32>, vector<128x128xf32>, vector<64x128xf32> -> vector<64x128xf32>
      %dot_general3A_70 = arith.constant dense<0.000000e+00> : vector<64x64xf32>
      %dot_general3A_71 = tpu.matmul %dot_general3A_59, %dot_general3A_64, %dot_general3A_70 {dimension_numbers = #tpu.dot_dimension_numbers<[1], [1], [0], [0], [0, 0, 1, 0], [], []>, transpose_lhs_hint = false} : vector<64x128xf32>, vector<64x128xf32>, vector<64x64xf32> -> vector<64x64xf32>
      %div3A = arith.constant 11.3137083 : f32
      %div3A_72 = vector.broadcast %div3A : f32 to vector<64x64xf32>
      %div3A_73 = arith.divf %dot_general3A_71, %div3A_72 : vector<64x64xf32>
      %reduce_max3A = arith.constant dense<0xFF800000> : vector<64xf32>
      %reduce_max3A_74 = vector.multi_reduction <maximumf>, %div3A_73, %reduce_max3A [1] : vector<64x64xf32> to vector<64xf32>
      %broadcast_in_dim3A = vector.shape_cast %reduce_max3A_74 : vector<64xf32> to vector<64x1xf32>
      %sub3A = vector.broadcast %broadcast_in_dim3A : vector<64x1xf32> to vector<64x64xf32>
      %sub3A_75 = arith.subf %div3A_73, %sub3A : vector<64x64xf32>
      %exp3A = math.exp %sub3A_75 : vector<64x64xf32>
      %reduce_sum3A = arith.constant dense<0.000000e+00> : vector<64xf32>
      %reduce_sum3A_76 = vector.multi_reduction <add>, %exp3A, %reduce_sum3A [1] : vector<64x64xf32> to vector<64xf32>
      %broadcast_in_dim3A_77 = vector.shape_cast %reduce_sum3A_76 : vector<64xf32> to vector<64x1xf32>
      %div3A_78 = vector.broadcast %broadcast_in_dim3A_77 : vector<64x1xf32> to vector<64x64xf32>
      %div3A_79 = arith.divf %exp3A, %div3A_78 : vector<64x64xf32>
      %dot_general3A_80 = arith.constant dense<0.000000e+00> : vector<64x128xf32>
      %dot_general3A_81 = tpu.matmul %div3A_79, %dot_general3A_69, %dot_general3A_80 {dimension_numbers = #tpu.dot_dimension_numbers<[1], [0], [0], [1], [0, 0, 1, 1], [], []>, transpose_lhs_hint = false} : vector<64x64xf32>, vector<64x128xf32>, vector<64x128xf32> -> vector<64x128xf32>
      %iota3A = tpu.iota {dimensions = array<i32: 0>} : vector<8x64xi32>
      %iota3A_82 = tpu.iota {dimensions = array<i32: 1>} : vector<8x64xi32>
      %jit3A = arith.constant 8 : i32
      %div3A_83 = vector.broadcast %jit3A : i32 to vector<8x64xi32>
      %div3A_84 = arith.divsi %iota3A_82, %div3A_83 : vector<8x64xi32>
      %sign3A = arith.constant 0 : i32
      %sign3A_85 = vector.broadcast %sign3A : i32 to vector<8x64xi32>
      %sign3A_86 = arith.cmpi sgt, %iota3A_82, %sign3A_85 : vector<8x64xi32>
      %sign3A_87 = arith.extui %sign3A_86 : vector<8x64xi1> to vector<8x64xi32>
      %sign3A_88 = arith.constant 0 : i32
      %sign3A_89 = vector.broadcast %sign3A_88 : i32 to vector<8x64xi32>
      %sign3A_90 = arith.cmpi slt, %iota3A_82, %sign3A_89 : vector<8x64xi32>
      %sign3A_91 = arith.extui %sign3A_90 : vector<8x64xi1> to vector<8x64xi32>
      %sign3A_92 = arith.subi %sign3A_87, %sign3A_91 : vector<8x64xi32>
      %sign3A_93 = arith.constant 0 : i32
      %sign3A_94 = arith.cmpi sgt, %jit3A, %sign3A_93 : i32
      %sign3A_95 = arith.extui %sign3A_94 : i1 to i32
      %sign3A_96 = arith.constant 0 : i32
      %sign3A_97 = arith.cmpi slt, %jit3A, %sign3A_96 : i32
      %sign3A_98 = arith.extui %sign3A_97 : i1 to i32
      %sign3A_99 = arith.subi %sign3A_95, %sign3A_98 : i32
      %ne3A = vector.broadcast %sign3A_99 : i32 to vector<8x64xi32>
      %ne3A_100 = arith.cmpi ne, %sign3A_92, %ne3A : vector<8x64xi32>
      %rem3A = vector.broadcast %jit3A : i32 to vector<8x64xi32>
      %rem3A_101 = arith.remsi %iota3A_82, %rem3A : vector<8x64xi32>
      %ne3A_102 = arith.constant 0 : i32
      %ne3A_103 = vector.broadcast %ne3A_102 : i32 to vector<8x64xi32>
      %ne3A_104 = arith.cmpi ne, %rem3A_101, %ne3A_103 : vector<8x64xi32>
      %and3A = arith.andi %ne3A_100, %ne3A_104 : vector<8x64xi1>
      %sub3A_105 = arith.constant 1 : i32
      %sub3A_106 = vector.broadcast %sub3A_105 : i32 to vector<8x64xi32>
      %sub3A_107 = arith.subi %div3A_84, %sub3A_106 : vector<8x64xi32>
      %select_n3A = arith.select %and3A, %sub3A_107, %div3A_84 : vector<8x64xi1>, vector<8x64xi32>
      %eq3A_108 = arith.cmpi eq, %iota3A, %select_n3A : vector<8x64xi32>
      %jit3A_109 = arith.constant 1.250000e-01 : f32
      %jit3A_110 = arith.constant 0.000000e+00 : f32
      %broadcast_in_dim3A_111 = vector.broadcast %jit3A_109 : f32 to vector<8x64xf32>
      %broadcast_in_dim3A_112 = vector.broadcast %jit3A_110 : f32 to vector<8x64xf32>
      %select_n3A_113 = arith.select %eq3A_108, %broadcast_in_dim3A_111, %broadcast_in_dim3A_112 : vector<8x64xi1>, vector<8x64xf32>
      %dot_general3A_114 = arith.constant dense<0.000000e+00> : vector<8x128xf32>
      %dot_general3A_115 = tpu.matmul %select_n3A_113, %dot_general3A_81, %dot_general3A_114 {dimension_numbers = #tpu.dot_dimension_numbers<[1], [0], [0], [1], [0, 0, 1, 1], [], []>, transpose_lhs_hint = false} : vector<8x64xf32>, vector<64x128xf32>, vector<8x128xf32> -> vector<8x128xf32>
      %get3A_116 = arith.constant 0 : index
      %get3A_117 = arith.constant 0 : index
      %get3A_118 = vector.load %arg6[%get3A_116, %get3A_117] : memref<128x128xf32, #tpu.memory_space<vmem>>, vector<128x128xf32>
      %dot_general3A_119 = arith.constant dense<0.000000e+00> : vector<8x128xf32>
      %dot_general3A_120 = tpu.matmul %dot_general3A_115, %get3A_118, %dot_general3A_119 {dimension_numbers = #tpu.dot_dimension_numbers<[1], [0], [0], [1], [0, 0, 1, 1], [], []>, transpose_lhs_hint = false} : vector<8x128xf32>, vector<128x128xf32>, vector<8x128xf32> -> vector<8x128xf32>
      %broadcast_in_dim3A_121 = arith.constant 0.000000e+00 : f32
      %broadcast_in_dim3A_122 = vector.broadcast %broadcast_in_dim3A_121 : f32 to vector<1x2048xf32>
      %slice3A_123 = vector.extract_strided_slice %dot_general3A_120 {offsets = [0, 0], sizes = [1, 128], strides = [1, 1]} : vector<8x128xf32> to vector<1x128xf32>
      %convert_element_type3A_124 = arith.truncf %slice3A_123 : vector<1x128xf32> to vector<1x128xbf16>
      %get3A_125 = arith.constant 0 : index
      %get3A_126 = arith.constant 0 : index
      %get3A_127 = vector.load %arg8[%get3A_125, %get3A_126] : memref<2048x2048xbf16, #tpu.memory_space<vmem>>, vector<128x2048xbf16>
      %dot_general3A_128 = arith.constant dense<0.000000e+00> : vector<1x2048xf32>
      %dot_general3A_129 = tpu.matmul %convert_element_type3A_124, %get3A_127, %dot_general3A_128 {dimension_numbers = #tpu.dot_dimension_numbers<[1], [0], [0], [1], [0, 0, 1, 1], [], []>, transpose_lhs_hint = false} : vector<1x128xbf16>, vector<128x2048xbf16>, vector<1x2048xf32> -> vector<1x2048xf32>
      %add3A = arith.addf %broadcast_in_dim3A_122, %dot_general3A_129 : vector<1x2048xf32>
      %slice3A_130 = vector.extract_strided_slice %dot_general3A_120 {offsets = [0, 0], sizes = [1, 128], strides = [1, 1]} : vector<8x128xf32> to vector<1x128xf32>
      %convert_element_type3A_131 = arith.truncf %slice3A_130 : vector<1x128xf32> to vector<1x128xbf16>
      %get3A_132 = arith.constant 128 : index
      %get3A_133 = arith.constant 0 : index
      %get3A_134 = vector.load %arg8[%get3A_132, %get3A_133] : memref<2048x2048xbf16, #tpu.memory_space<vmem>>, vector<128x2048xbf16>
      %dot_general3A_135 = arith.constant dense<0.000000e+00> : vector<1x2048xf32>
      %dot_general3A_136 = tpu.matmul %convert_element_type3A_131, %get3A_134, %dot_general3A_135 {dimension_numbers = #tpu.dot_dimension_numbers<[1], [0], [0], [1], [0, 0, 1, 1], [], []>, transpose_lhs_hint = false} : vector<1x128xbf16>, vector<128x2048xbf16>, vector<1x2048xf32> -> vector<1x2048xf32>
      %add3A_137 = arith.addf %add3A, %dot_general3A_136 : vector<1x2048xf32>
      %slice3A_138 = vector.extract_strided_slice %dot_general3A_120 {offsets = [1, 0], sizes = [1, 128], strides = [1, 1]} : vector<8x128xf32> to vector<1x128xf32>
      %convert_element_type3A_139 = arith.truncf %slice3A_138 : vector<1x128xf32> to vector<1x128xbf16>
      %get3A_140 = arith.constant 256 : index
      %get3A_141 = arith.constant 0 : index
      %get3A_142 = vector.load %arg8[%get3A_140, %get3A_141] : memref<2048x2048xbf16, #tpu.memory_space<vmem>>, vector<128x2048xbf16>
      %dot_general3A_143 = arith.constant dense<0.000000e+00> : vector<1x2048xf32>
      %dot_general3A_144 = tpu.matmul %convert_element_type3A_139, %get3A_142, %dot_general3A_143 {dimension_numbers = #tpu.dot_dimension_numbers<[1], [0], [0], [1], [0, 0, 1, 1], [], []>, transpose_lhs_hint = false} : vector<1x128xbf16>, vector<128x2048xbf16>, vector<1x2048xf32> -> vector<1x2048xf32>
      %add3A_145 = arith.addf %add3A_137, %dot_general3A_144 : vector<1x2048xf32>
      %slice3A_146 = vector.extract_strided_slice %dot_general3A_120 {offsets = [1, 0], sizes = [1, 128], strides = [1, 1]} : vector<8x128xf32> to vector<1x128xf32>
      %convert_element_type3A_147 = arith.truncf %slice3A_146 : vector<1x128xf32> to vector<1x128xbf16>
      %get3A_148 = arith.constant 384 : index
      %get3A_149 = arith.constant 0 : index
      %get3A_150 = vector.load %arg8[%get3A_148, %get3A_149] : memref<2048x2048xbf16, #tpu.memory_space<vmem>>, vector<128x2048xbf16>
      %dot_general3A_151 = arith.constant dense<0.000000e+00> : vector<1x2048xf32>
      %dot_general3A_152 = tpu.matmul %convert_element_type3A_147, %get3A_150, %dot_general3A_151 {dimension_numbers = #tpu.dot_dimension_numbers<[1], [0], [0], [1], [0, 0, 1, 1], [], []>, transpose_lhs_hint = false} : vector<1x128xbf16>, vector<128x2048xbf16>, vector<1x2048xf32> -> vector<1x2048xf32>
      %add3A_153 = arith.addf %add3A_145, %dot_general3A_152 : vector<1x2048xf32>
      %slice3A_154 = vector.extract_strided_slice %dot_general3A_120 {offsets = [2, 0], sizes = [1, 128], strides = [1, 1]} : vector<8x128xf32> to vector<1x128xf32>
      %convert_element_type3A_155 = arith.truncf %slice3A_154 : vector<1x128xf32> to vector<1x128xbf16>
      %get3A_156 = arith.constant 512 : index
      %get3A_157 = arith.constant 0 : index
      %get3A_158 = vector.load %arg8[%get3A_156, %get3A_157] : memref<2048x2048xbf16, #tpu.memory_space<vmem>>, vector<128x2048xbf16>
      %dot_general3A_159 = arith.constant dense<0.000000e+00> : vector<1x2048xf32>
      %dot_general3A_160 = tpu.matmul %convert_element_type3A_155, %get3A_158, %dot_general3A_159 {dimension_numbers = #tpu.dot_dimension_numbers<[1], [0], [0], [1], [0, 0, 1, 1], [], []>, transpose_lhs_hint = false} : vector<1x128xbf16>, vector<128x2048xbf16>, vector<1x2048xf32> -> vector<1x2048xf32>
      %add3A_161 = arith.addf %add3A_153, %dot_general3A_160 : vector<1x2048xf32>
      %slice3A_162 = vector.extract_strided_slice %dot_general3A_120 {offsets = [2, 0], sizes = [1, 128], strides = [1, 1]} : vector<8x128xf32> to vector<1x128xf32>
      %convert_element_type3A_163 = arith.truncf %slice3A_162 : vector<1x128xf32> to vector<1x128xbf16>
      %get3A_164 = arith.constant 640 : index
      %get3A_165 = arith.constant 0 : index
      %get3A_166 = vector.load %arg8[%get3A_164, %get3A_165] : memref<2048x2048xbf16, #tpu.memory_space<vmem>>, vector<128x2048xbf16>
      %dot_general3A_167 = arith.constant dense<0.000000e+00> : vector<1x2048xf32>
      %dot_general3A_168 = tpu.matmul %convert_element_type3A_163, %get3A_166, %dot_general3A_167 {dimension_numbers = #tpu.dot_dimension_numbers<[1], [0], [0], [1], [0, 0, 1, 1], [], []>, transpose_lhs_hint = false} : vector<1x128xbf16>, vector<128x2048xbf16>, vector<1x2048xf32> -> vector<1x2048xf32>
      %add3A_169 = arith.addf %add3A_161, %dot_general3A_168 : vector<1x2048xf32>
      %slice3A_170 = vector.extract_strided_slice %dot_general3A_120 {offsets = [3, 0], sizes = [1, 128], strides = [1, 1]} : vector<8x128xf32> to vector<1x128xf32>
      %convert_element_type3A_171 = arith.truncf %slice3A_170 : vector<1x128xf32> to vector<1x128xbf16>
      %get3A_172 = arith.constant 768 : index
      %get3A_173 = arith.constant 0 : index
      %get3A_174 = vector.load %arg8[%get3A_172, %get3A_173] : memref<2048x2048xbf16, #tpu.memory_space<vmem>>, vector<128x2048xbf16>
      %dot_general3A_175 = arith.constant dense<0.000000e+00> : vector<1x2048xf32>
      %dot_general3A_176 = tpu.matmul %convert_element_type3A_171, %get3A_174, %dot_general3A_175 {dimension_numbers = #tpu.dot_dimension_numbers<[1], [0], [0], [1], [0, 0, 1, 1], [], []>, transpose_lhs_hint = false} : vector<1x128xbf16>, vector<128x2048xbf16>, vector<1x2048xf32> -> vector<1x2048xf32>
      %add3A_177 = arith.addf %add3A_169, %dot_general3A_176 : vector<1x2048xf32>
      %slice3A_178 = vector.extract_strided_slice %dot_general3A_120 {offsets = [3, 0], sizes = [1, 128], strides = [1, 1]} : vector<8x128xf32> to vector<1x128xf32>
      %convert_element_type3A_179 = arith.truncf %slice3A_178 : vector<1x128xf32> to vector<1x128xbf16>
      %get3A_180 = arith.constant 896 : index
      %get3A_181 = arith.constant 0 : index
      %get3A_182 = vector.load %arg8[%get3A_180, %get3A_181] : memref<2048x2048xbf16, #tpu.memory_space<vmem>>, vector<128x2048xbf16>
      %dot_general3A_183 = arith.constant dense<0.000000e+00> : vector<1x2048xf32>
      %dot_general3A_184 = tpu.matmul %convert_element_type3A_179, %get3A_182, %dot_general3A_183 {dimension_numbers = #tpu.dot_dimension_numbers<[1], [0], [0], [1], [0, 0, 1, 1], [], []>, transpose_lhs_hint = false} : vector<1x128xbf16>, vector<128x2048xbf16>, vector<1x2048xf32> -> vector<1x2048xf32>
      %add3A_185 = arith.addf %add3A_177, %dot_general3A_184 : vector<1x2048xf32>
      %slice3A_186 = vector.extract_strided_slice %dot_general3A_120 {offsets = [4, 0], sizes = [1, 128], strides = [1, 1]} : vector<8x128xf32> to vector<1x128xf32>
      %convert_element_type3A_187 = arith.truncf %slice3A_186 : vector<1x128xf32> to vector<1x128xbf16>
      %get3A_188 = arith.constant 1024 : index
      %get3A_189 = arith.constant 0 : index
      %get3A_190 = vector.load %arg8[%get3A_188, %get3A_189] : memref<2048x2048xbf16, #tpu.memory_space<vmem>>, vector<128x2048xbf16>
      %dot_general3A_191 = arith.constant dense<0.000000e+00> : vector<1x2048xf32>
      %dot_general3A_192 = tpu.matmul %convert_element_type3A_187, %get3A_190, %dot_general3A_191 {dimension_numbers = #tpu.dot_dimension_numbers<[1], [0], [0], [1], [0, 0, 1, 1], [], []>, transpose_lhs_hint = false} : vector<1x128xbf16>, vector<128x2048xbf16>, vector<1x2048xf32> -> vector<1x2048xf32>
      %add3A_193 = arith.addf %add3A_185, %dot_general3A_192 : vector<1x2048xf32>
      %slice3A_194 = vector.extract_strided_slice %dot_general3A_120 {offsets = [4, 0], sizes = [1, 128], strides = [1, 1]} : vector<8x128xf32> to vector<1x128xf32>
      %convert_element_type3A_195 = arith.truncf %slice3A_194 : vector<1x128xf32> to vector<1x128xbf16>
      %get3A_196 = arith.constant 1152 : index
      %get3A_197 = arith.constant 0 : index
      %get3A_198 = vector.load %arg8[%get3A_196, %get3A_197] : memref<2048x2048xbf16, #tpu.memory_space<vmem>>, vector<128x2048xbf16>
      %dot_general3A_199 = arith.constant dense<0.000000e+00> : vector<1x2048xf32>
      %dot_general3A_200 = tpu.matmul %convert_element_type3A_195, %get3A_198, %dot_general3A_199 {dimension_numbers = #tpu.dot_dimension_numbers<[1], [0], [0], [1], [0, 0, 1, 1], [], []>, transpose_lhs_hint = false} : vector<1x128xbf16>, vector<128x2048xbf16>, vector<1x2048xf32> -> vector<1x2048xf32>
      %add3A_201 = arith.addf %add3A_193, %dot_general3A_200 : vector<1x2048xf32>
      %slice3A_202 = vector.extract_strided_slice %dot_general3A_120 {offsets = [5, 0], sizes = [1, 128], strides = [1, 1]} : vector<8x128xf32> to vector<1x128xf32>
      %convert_element_type3A_203 = arith.truncf %slice3A_202 : vector<1x128xf32> to vector<1x128xbf16>
      %get3A_204 = arith.constant 1280 : index
      %get3A_205 = arith.constant 0 : index
      %get3A_206 = vector.load %arg8[%get3A_204, %get3A_205] : memref<2048x2048xbf16, #tpu.memory_space<vmem>>, vector<128x2048xbf16>
      %dot_general3A_207 = arith.constant dense<0.000000e+00> : vector<1x2048xf32>
      %dot_general3A_208 = tpu.matmul %convert_element_type3A_203, %get3A_206, %dot_general3A_207 {dimension_numbers = #tpu.dot_dimension_numbers<[1], [0], [0], [1], [0, 0, 1, 1], [], []>, transpose_lhs_hint = false} : vector<1x128xbf16>, vector<128x2048xbf16>, vector<1x2048xf32> -> vector<1x2048xf32>
      %add3A_209 = arith.addf %add3A_201, %dot_general3A_208 : vector<1x2048xf32>
      %slice3A_210 = vector.extract_strided_slice %dot_general3A_120 {offsets = [5, 0], sizes = [1, 128], strides = [1, 1]} : vector<8x128xf32> to vector<1x128xf32>
      %convert_element_type3A_211 = arith.truncf %slice3A_210 : vector<1x128xf32> to vector<1x128xbf16>
      %get3A_212 = arith.constant 1408 : index
      %get3A_213 = arith.constant 0 : index
      %get3A_214 = vector.load %arg8[%get3A_212, %get3A_213] : memref<2048x2048xbf16, #tpu.memory_space<vmem>>, vector<128x2048xbf16>
      %dot_general3A_215 = arith.constant dense<0.000000e+00> : vector<1x2048xf32>
      %dot_general3A_216 = tpu.matmul %convert_element_type3A_211, %get3A_214, %dot_general3A_215 {dimension_numbers = #tpu.dot_dimension_numbers<[1], [0], [0], [1], [0, 0, 1, 1], [], []>, transpose_lhs_hint = false} : vector<1x128xbf16>, vector<128x2048xbf16>, vector<1x2048xf32> -> vector<1x2048xf32>
      %add3A_217 = arith.addf %add3A_209, %dot_general3A_216 : vector<1x2048xf32>
      %slice3A_218 = vector.extract_strided_slice %dot_general3A_120 {offsets = [6, 0], sizes = [1, 128], strides = [1, 1]} : vector<8x128xf32> to vector<1x128xf32>
      %convert_element_type3A_219 = arith.truncf %slice3A_218 : vector<1x128xf32> to vector<1x128xbf16>
      %get3A_220 = arith.constant 1536 : index
      %get3A_221 = arith.constant 0 : index
      %get3A_222 = vector.load %arg8[%get3A_220, %get3A_221] : memref<2048x2048xbf16, #tpu.memory_space<vmem>>, vector<128x2048xbf16>
      %dot_general3A_223 = arith.constant dense<0.000000e+00> : vector<1x2048xf32>
      %dot_general3A_224 = tpu.matmul %convert_element_type3A_219, %get3A_222, %dot_general3A_223 {dimension_numbers = #tpu.dot_dimension_numbers<[1], [0], [0], [1], [0, 0, 1, 1], [], []>, transpose_lhs_hint = false} : vector<1x128xbf16>, vector<128x2048xbf16>, vector<1x2048xf32> -> vector<1x2048xf32>
      %add3A_225 = arith.addf %add3A_217, %dot_general3A_224 : vector<1x2048xf32>
      %slice3A_226 = vector.extract_strided_slice %dot_general3A_120 {offsets = [6, 0], sizes = [1, 128], strides = [1, 1]} : vector<8x128xf32> to vector<1x128xf32>
      %convert_element_type3A_227 = arith.truncf %slice3A_226 : vector<1x128xf32> to vector<1x128xbf16>
      %get3A_228 = arith.constant 1664 : index
      %get3A_229 = arith.constant 0 : index
      %get3A_230 = vector.load %arg8[%get3A_228, %get3A_229] : memref<2048x2048xbf16, #tpu.memory_space<vmem>>, vector<128x2048xbf16>
      %dot_general3A_231 = arith.constant dense<0.000000e+00> : vector<1x2048xf32>
      %dot_general3A_232 = tpu.matmul %convert_element_type3A_227, %get3A_230, %dot_general3A_231 {dimension_numbers = #tpu.dot_dimension_numbers<[1], [0], [0], [1], [0, 0, 1, 1], [], []>, transpose_lhs_hint = false} : vector<1x128xbf16>, vector<128x2048xbf16>, vector<1x2048xf32> -> vector<1x2048xf32>
      %add3A_233 = arith.addf %add3A_225, %dot_general3A_232 : vector<1x2048xf32>
      %slice3A_234 = vector.extract_strided_slice %dot_general3A_120 {offsets = [7, 0], sizes = [1, 128], strides = [1, 1]} : vector<8x128xf32> to vector<1x128xf32>
      %convert_element_type3A_235 = arith.truncf %slice3A_234 : vector<1x128xf32> to vector<1x128xbf16>
      %get3A_236 = arith.constant 1792 : index
      %get3A_237 = arith.constant 0 : index
      %get3A_238 = vector.load %arg8[%get3A_236, %get3A_237] : memref<2048x2048xbf16, #tpu.memory_space<vmem>>, vector<128x2048xbf16>
      %dot_general3A_239 = arith.constant dense<0.000000e+00> : vector<1x2048xf32>
      %dot_general3A_240 = tpu.matmul %convert_element_type3A_235, %get3A_238, %dot_general3A_239 {dimension_numbers = #tpu.dot_dimension_numbers<[1], [0], [0], [1], [0, 0, 1, 1], [], []>, transpose_lhs_hint = false} : vector<1x128xbf16>, vector<128x2048xbf16>, vector<1x2048xf32> -> vector<1x2048xf32>
      %add3A_241 = arith.addf %add3A_233, %dot_general3A_240 : vector<1x2048xf32>
      %slice3A_242 = vector.extract_strided_slice %dot_general3A_120 {offsets = [7, 0], sizes = [1, 128], strides = [1, 1]} : vector<8x128xf32> to vector<1x128xf32>
      %convert_element_type3A_243 = arith.truncf %slice3A_242 : vector<1x128xf32> to vector<1x128xbf16>
      %get3A_244 = arith.constant 1920 : index
      %get3A_245 = arith.constant 0 : index
      %get3A_246 = vector.load %arg8[%get3A_244, %get3A_245] : memref<2048x2048xbf16, #tpu.memory_space<vmem>>, vector<128x2048xbf16>
      %dot_general3A_247 = arith.constant dense<0.000000e+00> : vector<1x2048xf32>
      %dot_general3A_248 = tpu.matmul %convert_element_type3A_243, %get3A_246, %dot_general3A_247 {dimension_numbers = #tpu.dot_dimension_numbers<[1], [0], [0], [1], [0, 0, 1, 1], [], []>, transpose_lhs_hint = false} : vector<1x128xbf16>, vector<128x2048xbf16>, vector<1x2048xf32> -> vector<1x2048xf32>
      %add3A_249 = arith.addf %add3A_241, %dot_general3A_248 : vector<1x2048xf32>
      %swap3A = arith.constant 0 : index
      %swap3A_250 = arith.constant 0 : index
      %swap3A_251 = vector.load %arg10[%swap3A, %swap3A_250] : memref<1x2048xf32, #tpu.memory_space<vmem>>, vector<1x2048xf32>
      tpu.vector_store %arg10[%swap3A, %swap3A_250], %add3A_249 {strides = array<i32>} : memref<1x2048xf32, #tpu.memory_space<vmem>>, vector<1x2048xf32>,
    } else {
    }
    %gt3A = arith.constant 0 : i32
    %gt3A_2 = arith.cmpi sgt, %arg0, %gt3A : i32
    %convert_element_type3A_3 = arith.extui %gt3A_2 : i1 to i32
    %cond3A_4 = arith.constant 0 : i32
    %cond3A_5 = arith.cmpi ne, %convert_element_type3A_3, %cond3A_4 : i32
    scf.if %cond3A_5 {
      %get3A = arith.constant 0 : index
      %get3A_6 = arith.constant 0 : index
      %get3A_7 = vector.load %arg7[%get3A, %get3A_6] : memref<256x2048xbf16, #tpu.memory_space<vmem>>, vector<256x2048xbf16>
      %get3A_8 = arith.constant 0 : index
      %get3A_9 = arith.constant 0 : index
      %get3A_10 = vector.load %arg8[%get3A_8, %get3A_9] : memref<2048x2048xbf16, #tpu.memory_space<vmem>>, vector<2048x2048xbf16>
      %dot_general3A = arith.constant dense<0.000000e+00> : vector<256x2048xf32>
      %dot_general3A_11 = tpu.matmul %get3A_7, %get3A_10, %dot_general3A {dimension_numbers = #tpu.dot_dimension_numbers<[1], [0], [0], [1], [0, 0, 1, 1], [], []>, transpose_lhs_hint = false} : vector<256x2048xbf16>, vector<2048x2048xbf16>, vector<256x2048xf32> -> vector<256x2048xf32>
      %get3A_12 = arith.constant 0 : index
      %get3A_13 = arith.constant 0 : index
      %get3A_14 = vector.load %arg10[%get3A_12, %get3A_13] : memref<1x2048xf32, #tpu.memory_space<vmem>>, vector<1x2048xf32>
      %add3A = vector.broadcast %get3A_14 : vector<1x2048xf32> to vector<256x2048xf32>
      %add3A_15 = arith.addf %dot_general3A_11, %add3A : vector<256x2048xf32>
      %swap3A = arith.constant 0 : index
      %swap3A_16 = arith.constant 0 : index
      %swap3A_17 = vector.load %arg9[%swap3A, %swap3A_16] : memref<256x2048xf32, #tpu.memory_space<vmem>>, vector<256x2048xf32>
      tpu.vector_store %arg9[%swap3A, %swap3A_16], %add3A_15 {strides = array<i32>} : memref<256x2048xf32, #tpu.memory_space<vmem>>, vector<256x2048xf32>,
    } else {
    }
    return
  }
  func.func @transform_0(%arg0: i32) -> (i32, i32) {
    %c0_i32 = arith.constant 0 : i32
    %c0_i32_0 = arith.constant 0 : i32
    %c0_i32_1 = arith.constant 0 : i32
    return %c0_i32, %c0_i32_0 : i32, i32
  }
  func.func @transform_1(%arg0: i32) -> (i32, i32) {
    %c0_i32 = arith.constant 0 : i32
    %c0_i32_0 = arith.constant 0 : i32
    %c0_i32_1 = arith.constant 0 : i32
    return %c0_i32, %c0_i32_0 : i32, i32
  }
  func.func @transform_2(%arg0: i32) -> (i32, i32) {
    %c0_i32 = arith.constant 0 : i32
    %c0_i32_0 = arith.constant 0 : i32
    %c0_i32_1 = arith.constant 0 : i32
    return %c0_i32, %c0_i32_0 : i32, i32
  }
  func.func @transform_3(%arg0: i32) -> (i32, i32) {
    %c0_i32 = arith.constant 0 : i32
    %c0_i32_0 = arith.constant 0 : i32
    %c0_i32_1 = arith.constant 0 : i32
    return %c0_i32, %c0_i32_0 : i32, i32
  }
  func.func @transform_4(%arg0: i32) -> (i32, i32) {
    %c0_i32 = arith.constant 0 : i32
    %c0_i32_0 = arith.constant 0 : i32
    %c0_i32_1 = arith.constant 0 : i32
    return %c0_i32, %c0_i32_0 : i32, i32
  }
  func.func @transform_5(%arg0: i32) -> (i32, i32) {
    %c0_i32 = arith.constant 0 : i32
    %c0_i32_0 = arith.constant 0 : i32
    %c0_i32_1 = arith.constant 0 : i32
    return %c0_i32, %c0_i32_0 : i32, i32
  }
  func.func @transform_6(%arg0: i32) -> (i32, i32) {
    %sub3A = arith.constant 1 : i32
    %sub3A_0 = arith.subi %arg0, %sub3A : i32
    %max3A = arith.constant 0 : i32
    %max3A_1 = arith.maxsi %sub3A_0, %max3A : i32
    %c0_i32 = arith.constant 0 : i32
    %c0_i32_2 = arith.constant 0 : i32
    return %max3A_1, %c0_i32 : i32, i32
  }
  func.func @transform_7(%arg0: i32) -> (i32, i32) {
    %c0_i32 = arith.constant 0 : i32
    %c0_i32_0 = arith.constant 0 : i32
    %c0_i32_1 = arith.constant 0 : i32
    return %c0_i32, %c0_i32_0 : i32, i32
  }
  func.func @transform_8(%arg0: i32) -> (i32, i32) {
    %sub3A = arith.constant 1 : i32
    %sub3A_0 = arith.subi %arg0, %sub3A : i32
    %max3A = arith.constant 0 : i32
    %max3A_1 = arith.maxsi %sub3A_0, %max3A : i32
    %c0_i32 = arith.constant 0 : i32
    %c0_i32_2 = arith.constant 0 : i32
    return %max3A_1, %c0_i32 : i32, i32
  }
}

</mosaic_0001>

<sc_bundles>
// kernel: kernel.6.cloned.1.call-start
scs
__scs_entry_jumppad:
0x0: {  	(pc) =	sbr.rel $0x88, $3  }
0x1: {  	(tag) =	ssettag $0x0;
	lr =	simm.s32 $0x1  }
0x2: {  	[smem:$0x3F92] =	sst lr;
	_ =	strace $0xD0000000  }
0x3: {  	_ = 	snop  }
0x4: {  	_ = 	snop  }
0x5: {  	_ = 	snop  }
0x6: {  	_ = 	snop  }
0x7: {  	_ = 	snop  }
__scs_overlays_trampoline_lowered:
0x8: {  	[smem:$0x3FA1] =	sst s0  }
0x9: {  	[smem:$0x3FA2] =	sst s1  }
0xa: {  	[smem:$0x3FA3] =	sst s2  }
0xb: {  	[smem:$0x3FA4] =	sst s3  }
0xc: {  	[smem:$0x3FA5] =	sst s4  }
0xd: {  	[smem:$0x3FA6] =	sst s5  }
0xe: {  	[smem:$0x3FA7] =	sst s6  }
0xf: {  	[smem:$0x3FA8] =	sst s7  }
0x10: {  	[smem:$0x3FA9] =	sst s8  }
0x11: {  	[smem:$0x3FAA] =	sst s9;
	s0 =	simm.s32 @!p0 $0x0  }
0x12: {  	s1 =	sld [smem:$0x3F90];
	s0 =	simm.s32 @p0 $0x1  }
0x13: {  	[smem:$0x3FAB] =	sst s0;
	s0 =	simm.s32 @!p1 $0x0  }
0x14: {  	s2 =	sld [smem:$0x3F8F];
	s0 =	simm.s32 @p1 $0x1  }
0x15: {  	[smem:$0x3FAC] =	sst s0;
	s0 =	simm.s32 @!p2 $0x0  }
0x16: {  	s3 =	sld [smem:$0x3FDB];
	s0 =	simm.s32 @p2 $0x1  }
0x17: {  	s4 =	simm.s32 $0x1BF5;
	[smem:$0x3FAE] =	sst s0  }
0x18: {  	s0 =	sld [smem:$0x3F91];
	_ =	swait.ge [sflag:s4], $0x0  }
0x19: {  	s7 =	sld [smem:$0x3F92]  }
0x1a: {  	s8 =	sadd.s32 $0xFFFFE003, lr  }
0x1b: {  	s9 =	sadd.s32 $0xFFFFFEF7, lr;
	s5 =	simm.s32 $0xFFFFFFFF;
	p2 =	slt.u32 s8, $0xFFFFF086  }
0x1c: {  	p1 =	slt.u32 s9, $0xF7A;
	s5 =	simm.s32 @!p2 $0x0  }
0x1d: {  	s5 =	simm.s32 @p1 $0x1;
	p0 =	seq.s32 s7, s2  }
0x1e: {  	s7 =	smul.u32 @!p0 $0xF7A, s2;
	p2 =	seq.s32 @!p0 s5, $0x0  }
0x1f: {  	s9 =	smul.u32 $0xF7A, s1;
	s8 =	simm.s32 @!p0 $0x1BF5;
	p2 =	por !p2, p0  }
0x20: {  	[sflag:s8] =	ssyncset.s32 @!p0 $0xFFFFF086;
	s6 =	sadd.s32 @!p0 s3, s7;
	s7 =	simm.s32 @!p0 $0x108  }
0x21: {  	s3 =	sadd.s32 s3, s9;
	s6 =	sadd.s32 @!p0 $0x88, s6;
	s7 =	simm.s32 @p2 $0x1082  }
0x22: {  	[simem:s7], [sflag:s8] =	dma.local @!p0 [hbm:s6], $0xF7A  }
0x23: {  	s9 =	sor.u32 $0xD0000000, s2;
	s6 =	simm.s32 $0x108;
	_ =	swait.ge @!p0 [sflag:s8], $0x0  }
0x24: {  	s3 =	sadd.s32 $0x88, s3;
	s6 =	simm.s32 @!p1 $0x1082;
	[sflag:s4] =	ssyncset.s32 $0xFFFFF086  }
0x25: {  	[simem:s6], [sflag:s4] =	dma.local [hbm:s3], $0xF7A  }
0x26: {  	[smem:$0x3F92] =	sst s1;
	(tag) =	ssettag s2;
	_ =	strace s9  }
0x27: {  	s1 =	sld [smem:$0x3FA2]  }
0x28: {  	s2 =	sld [smem:$0x3FA3]  }
0x29: {  	s4 =	sld [smem:$0x3FA5]  }
0x2a: {  	p0 =	seq.s32 s5, $0x0;
	s5 =	sld [smem:$0x3FA6]  }
0x2b: {  	s6 =	sld [smem:$0x3FA7]  }
0x2c: {  	s7 =	sld [smem:$0x3FA8]  }
0x2d: {  	s3 =	simm.s32 $0x108;
	s8 =	sld [smem:$0x3FA9]  }
0x2e: {  	s3 =	simm.s32 @!p0 $0x1082;
	s9 =	sld [smem:$0x3FAA]  }
0x2f: {  	lr =	sadd.s32 s0, s3;
	s0 =	sld [smem:$0x3FA1]  }
0x30: {  	s3 =	sld [smem:$0x3FA4]  }
0x31: {  	[smem:$0x3FAD] =	sst s10  }
0x32: {  	s10 =	sld [smem:$0x3FAB];
	_ =	sdelay $0x3  }
0x33: {  	p0 =	seq.s32 s10, $0x1;
	s10 =	sld [smem:$0x3FAD];
	_ =	sdelay $0x3  }
0x34: {  	[smem:$0x3FAD] =	sst s10  }
0x35: {  	s10 =	sld [smem:$0x3FAC];
	_ =	sdelay $0x3  }
0x36: {  	p1 =	seq.s32 s10, $0x1;
	s10 =	sld [smem:$0x3FAD];
	_ =	sdelay $0x3  }
0x37: {  	[smem:$0x3FAD] =	sst s10  }
0x38: {  	s10 =	sld [smem:$0x3FAE]  }
0x39: {  	_ = 	snop;
	(pc) =	sbr.ind lr, $3  }
0x3a: {  	_ = 	snop  }
0x3b: {  	_ = 	snop  }
0x3c: {  	p2 =	seq.s32 s10, $0x1;
	s10 =	sld [smem:$0x3FAD]  }
0x3d: {  	_ =	shalt  }
0x3e: {  	_ =	shalt  }
0x3f: {  	_ =	shalt  }
0x40: {  	_ =	shalt  }
0x41: {  	_ =	shalt  }
0x42: {  	_ =	shalt  }
0x43: {  	_ =	shalt  }
0x44: {  	_ =	shalt  }
0x45: {  	_ =	shalt  }
0x46: {  	_ =	shalt  }
0x47: {  	_ =	shalt  }
0x48: {  	_ =	shalt  }
0x49: {  	_ =	shalt  }
0x4a: {  	_ =	shalt  }
0x4b: {  	_ =	shalt  }
0x4c: {  	_ =	shalt  }
0x4d: {  	_ =	shalt  }
0x4e: {  	_ =	shalt  }
0x4f: {  	_ =	shalt  }
0x50: {  	_ =	shalt  }
0x51: {  	_ =	shalt  }
0x52: {  	_ =	shalt  }
0x53: {  	_ =	shalt  }
0x54: {  	_ =	shalt  }
0x55: {  	_ =	shalt  }
0x56: {  	_ =	shalt  }
0x57: {  	_ =	shalt  }
0x58: {  	_ =	shalt  }
0x59: {  	_ =	shalt  }
0x5a: {  	_ =	shalt  }
0x5b: {  	_ =	shalt  }
0x5c: {  	_ =	shalt  }
0x5d: {  	_ =	shalt  }
0x5e: {  	_ =	shalt  }
0x5f: {  	_ =	shalt  }
0x60: {  	_ =	shalt  }
0x61: {  	_ =	shalt  }
0x62: {  	_ =	shalt  }
0x63: {  	_ =	shalt  }
0x64: {  	_ =	shalt  }
0x65: {  	_ =	shalt  }
0x66: {  	_ =	shalt  }
0x67: {  	_ =	shalt  }
0x68: {  	_ =	shalt  }
0x69: {  	_ =	shalt  }
0x6a: {  	_ =	shalt  }
0x6b: {  	_ =	shalt  }
0x6c: {  	_ =	shalt  }
0x6d: {  	_ =	shalt  }
0x6e: {  	_ =	shalt  }
0x6f: {  	_ =	shalt  }
0x70: {  	_ =	shalt  }
0x71: {  	_ =	shalt  }
0x72: {  	_ =	shalt  }
0x73: {  	_ =	shalt  }
0x74: {  	_ =	shalt  }
0x75: {  	_ =	shalt  }
0x76: {  	_ =	shalt  }
0x77: {  	_ =	shalt  }
0x78: {  	_ =	shalt  }
0x79: {  	_ =	shalt  }
0x7a: {  	_ =	shalt  }
0x7b: {  	_ =	shalt  }
0x7c: {  	_ =	shalt  }
0x7d: {  	_ =	shalt  }
0x7e: {  	_ =	shalt  }
0x7f: {  	_ =	shalt  }
0x80: {  	_ =	shalt  }
0x81: {  	_ =	shalt  }
0x82: {  	_ =	shalt  }
0x83: {  	_ =	shalt  }
0x84: {  	_ =	shalt  }
0x85: {  	_ =	shalt  }
0x86: {  	_ =	shalt  }
0x87: {  	_ =	shalt  }
.Lfunc_end0:
.L_simem_size_0:
called_computation_lowered:
.L_overlay_start_0:
0x88: {  	s2 =	sld [smem:$0x3FD9]  }
0x89: {  	s3 =	sld [smem:$0x3FFE];
	_ =	sdelay $0x1  }
0x8a: {  	s1 =	srdreg.scid  }
0x8b: {  	s0 =	sand.u32 $0x1, s1  }
0x8c: {  	s17 =	sshll.u32 s0, $0xA;
	s2 =	sadd.s32 s3, s2  }
0x8d: {  	s2 =	sadd.s32 s2, s17  }
0x8e: {  	[smem:$0x3FB9] =	sst s2  }
0x8f: {  	_ = 	snop  }
0x90: {  	s2 =	sld [smem:$0x3FC9];
	(tm) =	ssettm $0x1  }
0x91: {  	s18 =	sld [smem:$0x3FFB];
	_ =	sdelay $0x3  }
0x92: {  	_ =	strace s18  }
0x93: {  	s3 =	sld [smem:$0x3FFC];
	_ =	sdelay $0x3  }
0x94: {  	_ =	strace s3  }
0x95: {  	s3 =	sld [smem:$0x3FFD];
	_ =	sdelay $0x3  }
0x96: {  	_ =	strace s3  }
0x97: {  	_ =	strace $0x8FFFFFFF  }
0x98: {  	s19 =	sld [smem:$0x3FDB];
	_ =	sdelay $0x1  }
0x99: {  	s4 =	simm.s32 $_scs_section_size  }
0x9a: {  	s5 =	simm.s32 $_size__tile_overlayer_lowered;
	s6 =	simm.s32 $_tile_overlayer_lowered  }
0x9b: {  	s22 =	simm.s32 $0x1BFF;
	s21 =	sshll.u32 s6, $0x1;
	s3 =	sadd.s32 s4, s19  }
0x9c: {  	s7 =	simm.s32 $0x0;
	s20 =	sshll.u32 s5, $0x1;
	s5 =	sadd.s32 s21, s3  }
0x9d: {  	[timem:s7], [sflag:s22] =	dma.local [hbm:s5], s20  }
0x9e: {  	_ =	swait.ge [sflag:s22], s20  }
0x9f: {  	s4 =	ssub.s32 $0x0, s20;
	[sflag:s22] =	ssyncset.done $0x0  }
0xa0: {  	[sflag:s22] =	ssyncadd.s32 s4;
	_ =	sdelay $0x1  }
0xa1: {  	s23 =	simm.s32 $0x1B8B  }
0xa2: {  	_ =	swait.ge [sflag:s23], $0x1  }
0xa3: {  	[sflag:s23] =	ssyncset.done $0x0  }
0xa4: {  	s25 =	simm.s32 $0x1B8E;
	s24 =	sld [smem:$0x3FFE];
	[sflag:s23] =	ssyncadd.s32 $0xFFFFFFFF  }
0xa5: {  	s26 =	simm.s32 $execute0_lowered;
	[smem:$0x3FD2] =	sst s25  }
0xa6: {  	s5 =	sshll.u32 s26, $0x1;
	_ =	strace $0x80000046;
	[dreg:$0x1] =	wrdreg $0xFFFFFFFF  }
0xa7: {  	s28 =	simm.s32 $_size_execute0_lowered;
	s3 =	sadd.s32 s3, s5;
	[dreg:$0x0] =	wrdreg $0x0  }
0xa8: {  	s5 =	sshll.u32 s28, $0x1;
	[dreg:$0x2] =	wrdreg s3  }
0xa9: {  	[dreg:$0x3] =	wrdreg s5  }
0xaa: {  	[dreg:$0x4] =	wrdreg $0xC0  }
0xab: {  	_ =	task [dreg:s7], $0x5FFFF  }
0xac: {  	[dreg:$0x1] =	wrdreg $0xFFFFFFFF  }
0xad: {  	[dreg:$0x0] =	wrdreg $0x60  }
0xae: {  	[dreg:$0x2] =	wrdreg s24  }
0xaf: {  	[dreg:$0x3] =	wrdreg s2  }
0xb0: {  	[dreg:$0x4] =	wrdreg $0x9  }
0xb1: {  	_ =	task.clear_ibuf [dreg:s7], $0x5FFFF;
	_ =	strace $0x90000046  }
0xb2: {  	s29 =	simm.s32 $0x9;
	_ =	strace $0x80000048  }
0xb3: {  	_ =	swait.ge [sflag:s29], $0x1  }
0xb4: {  	[sflag:s29] =	ssyncadd.s32 $0xFFFFFFFF  }
0xb5: {  	_ =	strace $0x90000048  }
0xb6: {  	_ =	sfence  }
0xb7: {  	s30 =	sld [smem:$0x0];
	_ =	sdelay $0x2  }
0xb8: {  	s31 =	sshll.u32 s1, $0xD;
	s1 =	sshrl.u32 s1, $0x2  }
0xb9: {  	s3 =	sand.u32 $0x4000, s31;
	s1 =	sadd.s32 s1, s30  }
0xba: {  	s0 =	sor.u32 s3, s0;
	s1 =	sshll.u32 s1, $0x11  }
0xbb: {  	s0 =	sor.u32 s1, s0  }
0xbc: {  	s0 =	sadd.s32 $0x8F2B, s0  }
0xbd: {  	[sflag:s0] =	ssyncadd.remote.s32 $0x1  }
0xbe: {  	_ =	sfence.sel $0xFFFF  }
0xbf: {  	[dreg:$0x0] =	wrdreg $0xFFFFFFFF;
	(pc) =	sbr.abs _section_cstart, $3  }
0xc0: {  	[dreg:$0x1] =	wrdreg $0xFFFFFFFF  }
0xc1: {  	_ =	task.clear_ibuf [dreg:s7], $0x2FFFF;
	_ =	strace $0x9FFFFFFF  }
0xc2: {  	(tm) =	ssettm $0x7FFFFFFF  }
0xc3: {  	_ =	shalt  }
tec
execute0_lowered:
.L_overlay_start_1:
0x0: {  	(tag) =	ssettag $0x1  }
0x1: {  	s0 =	srdreg.scid;
	s1 =	rddreg [dreg:$0x0]  }
0x2: {  	s14 =	stileid.u32;
	s2 =	rddreg [dreg:$0x1];
	v0 =	vimm.s32 $0xFEDCBA98;
	v1 =	vimm.s32 $0x76543210  }
0x3: {  	v2 =	vimm.s32 $0x3210FEDC;
	v3 =	vimm.s32 $0xBA987654;
	s16 =	simm.s32 $0x2;
	s22 =	simm.s32 $0x3000;
	s23 =	simm.s32 $0x3800  }
0x4: {  	v4 =	vimm.s32 $0x10FEDCBA;
	s24 =	simm.s32 $0x4000;
	s25 =	simm.s32 $0x4800;
	s26 =	simm.s32 $0x5000  }
0x5: {  	v5 =	vimm.s32 $0x98765432;
	s28 =	simm.s32 $0x5800;
	s29 =	simm.s32 $0x6000;
	s30 =	simm.s32 $0x6800  }
0x6: {  	v6 =	vimm.s32 $0xFEDCBA9;
	v7 =	vimm.s32 $0x87654321;
	s31 =	simm.s32 $0x7000;
	s15 =	simm.s32 $0x0;
	s0 =	sand.u32 $0x1, s0  }
0x7: {  	s3 =	sshll.u32 s14, $0x1;
	v0 =	vunpack.c.l.s4.s8 v0;
	v1 =	vunpack.c.l.s4.s8 v1;
	s6 =	sadd.s32 $0x300, s2;
	s7 =	sadd.s32 $0x400, s2;
	v2 =	vunpack.c.l.s4.s8 v2  }
0x8: {  	v3 =	vunpack.c.l.s4.s8 v3;
	v4 =	vunpack.c.l.s4.s8 v4;
	s10 =	sadd.s32 $0x600, s2;
	s11 =	sadd.s32 $0x700, s2;
	v5 =	vunpack.c.l.s4.s8 v5;
	p0 =	sgt.u32 s14, $0x3  }
0x9: {  	v6 =	vunpack.c.l.s4.s8 v6;
	v7 =	vunpack.c.l.s4.s8 v7;
	s14 =	simm.s32 $0x1;
	s4 =	sor.u32 s0, s3;
	s3 =	simm.s32 $0x0;
	v0 =	vunpack.c.0.s8.s32 v0  }
0xa: {  	s0 =	ssub.s32 $0x2, s0;
	s5 =	sshll.u32 s4, $0x4;
	[smem:$0x7FF] =	sst s3;
	v2 =	vunpack.c.0.s8.s32 v2;
	v3 =	vunpack.c.0.s8.s32 v3;
	v4 =	vunpack.c.0.s8.s32 v4  }
0xb: {  	s8 =	sshll.u32 s4, $0xB;
	s9 =	sshrl.u32 s0, $0x1;
	v5 =	vunpack.c.0.s8.s32 v5;
	v6 =	vunpack.c.0.s8.s32 v6;
	v7 =	vunpack.c.0.s8.s32 v7;
	s5 =	sand.u32 $0x70, s5  }
0xc: {  	v1 =	vunpack.c.0.s8.s32 v1;
	_ =	strace $0x80000047;
	s0 =	ssub.s32 s0, s9;
	s9 =	sadd.s32 $0x500, s2;
	v2 =	vcombine.low v3, v2  }
0xd: {  	s5 =	sadd.s32 s5, s1;
	s1 =	sadd.s32 s8, s1;
	s8 =	sadd.s32 $0x100, s2;
	v3 =	vcombine.low v5, v4;
	v4 =	vand.u32 $0xF, v0;
	v5 =	vcombine.low v7, v6  }
0xe: {  	s13 =	smax.u32 s0, $0x1;
	v0 =	vlaneseq.u32;
	s0 =	simm.s32 $0x8000;
	s4 =	sadd.s32 $0x5000, s5;
	v1 =	vcombine.low v4, v1  }
0xf: {  	s5 =	sadd.s32 $0x200, s2;
	s12 =	sadd.s32 $0x25800, s1;
	s1 =	simm.s32 $0x7800;
	v2 =	vand.u32 $0xF, v2;
	v3 =	vand.u32 $0xF, v3;
	v4 =	vand.u32 $0xF, v5  }
.LBB2_1:
0x10: {  	s17 =	simm.s32 $0x80;
	s18 =	simm.s32 $0x400  }
0x11: {  	[tilespmem:s3], [sflag:$0x2] =	stream.strided.gather [hbm4b:s4+s17], $0x800, s18, s17, $0x38;
	[tilespmem:$0x8800] =	vst v63  }
0x12: {  	_ =	swait.ge [sflag:s16], $0x800  }
0x13: {  	[sflag:s16] =	ssyncset.done $0x0  }
0x14: {  	s21 =	simm.s32 $0x20;
	[sflag:s16] =	ssyncadd.s32 $0xFFFFF800  }
0x15: {  	v6 =	vld [tilespmem:s21+$0xFFFFFFE0];
	_ =	sdelay $0x1  }
0x16: {  	v8 =	vld [tilespmem:s21+$0xFFFFFFF0];
	_ =	sdelay $0x1  }
0x17: {  	v7 =	vimm.f32 $-3.000000010e+38;
	v5 =	vld [tilespmem:s21+$0x0]  }
0x18: {  	vm0 =	vgt.f32 v6, v7  }
0x19: {  	v9 =	vimm.s32 $0x0;
	v10 =	vor.u32 s3, v0;
	s19 =	simm.s32 $0x10;
	v11 =	vsel vm0, v6, v7;
	v6 =	vld [tilespmem:s21+$0x10]  }
0x1a: {  	s20 =	simm.s32 $0x80;
	v12 =	vor.u32 s19, v0;
	s18 =	simm.s32 $0x60;
	v10 =	vsel vm0, v10, v9;
	vm15 =	vgt.f32 v8, v11  }
0x1b: {  	s17 =	simm.s32 $0x40;
	s19 =	simm.s32 $0x0;
	v7 =	vld [tilespmem:s18+$0xFFFFFFE0];
	s21 =	simm.s32 $0x20;
	v9 =	vsel vm15, v8, v11;
	v8 =	vsel vm15, v12, v10  }
.LBB2_2:
0x1c: {  	p1 =	sne.s32 s20, $0x7C0;
	v10 =	vor.u32 s21, v0;
	vm0 =	vgt.f32 v5, v9  }
0x1d: {  	s21 =	sadd.s32 $0x30, s19;
	s19 =	smov.u32 s17;
	s17 =	smov.u32 s20;
	v11 =	vld [tilespmem:s18+$0xFFFFFFF0];
	v9 =	vsel vm0, v5, v9;
	v8 =	vsel vm0, v10, v8  }
0x1e: {  	v10 =	vor.u32 s21, v0;
	vm0 =	vgt.f32 v6, v9  }
.Ltmp0:
0x1f: {  	v5 =	vld [tilespmem:s18+$0x0];
	v6 =	vsel vm0, v6, v9;
	v8 =	vsel vm0, v10, v8;
	(pc) =	sbr.rel @p1 .LBB2_2-.Ltmp0, $4  }
0x20: {  	v9 =	vor.u32 s19, v0;
	vm0 =	vgt.f32 v7, v6  }
0x21: {  	s21 =	sadd.s32 $0x10, s19;
	v10 =	vsel vm0, v7, v6;
	v8 =	vsel vm0, v9, v8;
	v6 =	vld [tilespmem:s18+$0x10]  }
0x22: {  	v12 =	vor.u32 s21, v0;
	s18 =	sadd.s32 $0x40, s18;
	vm0 =	vgt.f32 v11, v10  }
0x23: {  	s20 =	sadd.s32 $0x40, s20;
	s21 =	sadd.s32 $0x20, s19;
	v7 =	vld [tilespmem:s18+$0xFFFFFFE0];
	v9 =	vsel vm0, v11, v10;
	v8 =	vsel vm0, v12, v8  }
0x24: {  	vm0 =	vgt.f32 v5, v9  }
0x25: {  	v10 =	vld [tilespmem:s18+$0xFFFFFFF0];
	v5 =	vsel vm0, v5, v9  }
0x26: {  	vm1 =	vgt.f32 v6, v5  }
0x27: {  	v9 =	vld [tilespmem:s18+$0x0];
	v5 =	vsel vm1, v6, v5  }
0x28: {  	vm2 =	vgt.f32 v7, v5  }
0x29: {  	s19 =	sadd.s32 $0x30, s19;
	v6 =	vor.u32 s21, v0;
	v5 =	vsel vm2, v7, v5;
	v7 =	vld [tilespmem:s18+$0x10]  }
0x2a: {  	v6 =	vsel vm0, v6, v8;
	v8 =	vor.u32 s19, v0;
	vm0 =	vgt.f32 v10, v5  }
0x2b: {  	s20 =	sadd.s32 $0x10, s17;
	v6 =	vsel vm1, v8, v6;
	v8 =	vor.u32 s17, v0;
	v5 =	vsel vm0, v10, v5  }
0x2c: {  	s21 =	sadd.s32 $0x20, s17;
	v6 =	vsel vm2, v8, v6;
	v8 =	vor.u32 s20, v0;
	vm1 =	vgt.f32 v9, v5  }
0x2d: {  	s18 =	sadd.s32 $0x30, s17;
	v6 =	vsel vm0, v8, v6;
	v8 =	vor.u32 s21, v0;
	v5 =	vsel vm1, v9, v5  }
0x2e: {  	v6 =	vsel vm1, v8, v6;
	v8 =	vor.u32 s18, v0;
	vm0 =	vgt.f32 v7, v5  }
0x2f: {  	v5 =	vsel vm0, v7, v5;
	v6 =	vsel vm0, v8, v6  }
0x30: {  	v7 =	vperm.xlane v5, v1;
	v8 =	vperm.xlane v6, v1;
	_ =	sdelay $0x1  }
0x31: {  	vm0 =	veq.f32 v7, v5;
	vm1 =	vlt.s32 v8, v6  }
0x32: {  	vm2 =	vgt.f32 v7, v5;
	vm0 =	vmand vm0, vm1  }
0x33: {  	vm0 =	vmor vm2, vm0  }
0x34: {  	v5 =	vsel vm0, v7, v5;
	v6 =	vsel vm0, v8, v6  }
0x35: {  	v7 =	vperm.xlane v5, v2;
	v8 =	vperm.xlane v6, v2;
	_ =	sdelay $0x1  }
0x36: {  	vm0 =	veq.f32 v7, v5;
	vm1 =	vlt.s32 v8, v6  }
0x37: {  	vm2 =	vgt.f32 v7, v5;
	vm0 =	vmand vm0, vm1  }
0x38: {  	vm0 =	vmor vm2, vm0  }
0x39: {  	v5 =	vsel vm0, v7, v5;
	v6 =	vsel vm0, v8, v6  }
0x3a: {  	v7 =	vperm.xlane v5, v3;
	v8 =	vperm.xlane v6, v3;
	_ =	sdelay $0x1  }
0x3b: {  	vm0 =	veq.f32 v7, v5;
	vm1 =	vlt.s32 v8, v6  }
0x3c: {  	vm2 =	vgt.f32 v7, v5;
	vm0 =	vmand vm0, vm1  }
0x3d: {  	vm0 =	vmor vm2, vm0  }
0x3e: {  	v5 =	vsel vm0, v7, v5;
	v6 =	vsel vm0, v8, v6  }
0x3f: {  	v7 =	vperm.xlane v5, v4;
	v8 =	vperm.xlane v6, v4  }
0x40: {  	s17 =	simm.s32 $0x20  }
0x41: {  	v9 =	vld [tilespmem:s17+$0xFFFFFFE0];
	vm0 =	veq.f32 v7, v5;
	vm1 =	vlt.s32 v8, v6  }
0x42: {  	vm2 =	vgt.f32 v7, v5;
	vm0 =	vmand vm0, vm1  }
0x43: {  	s19 =	simm.s32 $0x0;
	v11 =	vld [tilespmem:s17+$0xFFFFFFF0];
	vm0 =	vmor vm2, vm0  }
0x44: {  	v5 =	vsel vm0, v8, v6;
	v8 =	vor.u32 s19, v0  }
0x45: {  	v12 =	vimm.f32 $-3.000000010e+38;
	s20 =	simm.s32 $0x10;
	v10 =	vld [tilespmem:s17+$0x0];
	vm0 =	veq.s32 v8, v5  }
0x46: {  	v14 =	vimm.s32 $0x0;
	s21 =	simm.s32 $0x20;
	v7 =	vor.u32 s20, v0;
	v13 =	vsel vm0, $0xFF61B1E6, v9  }
0x47: {  	v6 =	vor.u32 s21, v0;
	vm1 =	veq.s32 v7, v5;
	v9 =	vld [tilespmem:s17+$0x10];
	vm0 =	vgt.f32 v13, v12  }
0x48: {  	s18 =	simm.s32 $0x60;
	s20 =	simm.s32 $0x30;
	v13 =	vsel vm0, v13, v12;
	v12 =	vsel vm0, v8, v14;
	v14 =	vsel vm1, $0xFF61B1E6, v11  }
0x49: {  	s19 =	simm.s32 $0x80;
	s17 =	simm.s32 $0x40;
	v11 =	vld [tilespmem:s18+$0xFFFFFFE0];
	vm1 =	veq.s32 v6, v5;
	v8 =	vor.u32 s20, v0;
	vm0 =	vgt.f32 v14, v13  }
.LBB2_4:
0x4a: {  	p1 =	sne.s32 s19, $0x7C0;
	v13 =	vsel vm0, v14, v13;
	v7 =	vsel vm0, v7, v12;
	v10 =	vsel vm1, $0xFF61B1E6, v10  }
0x4b: {  	v12 =	vor.u32 s17, v0;
	vm1 =	veq.s32 v8, v5;
	v14 =	vld [tilespmem:s18+$0xFFFFFFF0];
	vm0 =	vgt.f32 v10, v13  }
0x4c: {  	s20 =	sadd.s32 $0x10, s17;
	v13 =	vsel vm0, v10, v13;
	v6 =	vsel vm0, v6, v7;
	v9 =	vsel vm1, $0xFF61B1E6, v9  }
.Ltmp1:
0x4d: {  	vm0 =	veq.s32 v12, v5;
	v7 =	vor.u32 s20, v0;
	v10 =	vld [tilespmem:s18+$0x0];
	vm1 =	vgt.f32 v9, v13;
	(pc) =	sbr.rel @p1 .LBB2_4-.Ltmp1, $4  }
0x4e: {  	s20 =	sadd.s32 $0x20, s17;
	v11 =	vsel vm0, $0xFF61B1E6, v11;
	v13 =	vsel vm1, v9, v13;
	v8 =	vsel vm1, v8, v6  }
0x4f: {  	vm1 =	veq.s32 v7, v5;
	v6 =	vor.u32 s20, v0;
	vm0 =	vgt.f32 v11, v13;
	v9 =	vld [tilespmem:s18+$0x10]  }
0x50: {  	s20 =	sadd.s32 $0x30, s17;
	s17 =	smov.u32 s19;
	s18 =	sadd.s32 $0x40, s18;
	v13 =	vsel vm0, v11, v13;
	v12 =	vsel vm0, v12, v8;
	v14 =	vsel vm1, $0xFF61B1E6, v14  }
0x51: {  	s19 =	sadd.s32 $0x40, s19;
	vm1 =	veq.s32 v6, v5;
	v8 =	vor.u32 s20, v0;
	v11 =	vld [tilespmem:s18+$0xFFFFFFE0];
	vm0 =	vgt.f32 v14, v13  }
0x52: {  	v13 =	vsel vm0, v14, v13;
	v10 =	vsel vm1, $0xFF61B1E6, v10  }
0x53: {  	v56 =	vld [tilespmem:s18+$0xFFFFFFF0];
	vm2 =	veq.s32 v8, v5;
	vm1 =	vgt.f32 v10, v13  }
0x54: {  	v15 =	vor.u32 s17, v0;
	v10 =	vsel vm1, v10, v13;
	v9 =	vsel vm2, $0xFF61B1E6, v9  }
0x55: {  	v7 =	vsel vm0, v7, v12;
	s19 =	sadd.s32 $0x10, s17;
	v57 =	vld [tilespmem:s18+$0x0];
	vm13 =	veq.s32 v15, v5;
	vm2 =	vgt.f32 v9, v10  }
0x56: {  	v58 =	vor.u32 s19, v0;
	v11 =	vsel vm13, $0xFF61B1E6, v11;
	v9 =	vsel vm2, v9, v10  }
0x57: {  	s21 =	sadd.s32 $0x20, s17;
	v6 =	vsel vm1, v6, v7;
	vm14 =	veq.s32 v58, v5;
	v7 =	vld [tilespmem:s18+$0x10];
	vm0 =	vgt.f32 v11, v9  }
0x58: {  	v10 =	vor.u32 s21, v0;
	v9 =	vsel vm0, v11, v9;
	v11 =	vsel vm14, $0xFF61B1E6, v56  }
0x59: {  	s19 =	sadd.s32 $0x30, s17;
	v6 =	vsel vm2, v8, v6;
	vm15 =	veq.s32 v10, v5;
	vm1 =	vgt.f32 v11, v9  }
0x5a: {  	v8 =	vor.u32 s19, v0;
	v9 =	vsel vm1, v11, v9;
	v11 =	vsel vm15, $0xFF61B1E6, v57  }
0x5b: {  	vm5 =	veq.s32 v8, v5;
	v6 =	vsel vm0, v15, v6;
	vm4 =	vgt.f32 v11, v9  }
0x5c: {  	v7 =	vsel vm5, $0xFF61B1E6, v7;
	v6 =	vsel vm1, v58, v6;
	v9 =	vsel vm4, v11, v9  }
0x5d: {  	v6 =	vsel vm4, v10, v6;
	vm6 =	vgt.f32 v7, v9  }
0x5e: {  	v7 =	vsel vm6, v7, v9;
	v6 =	vsel vm6, v8, v6  }
0x5f: {  	v8 =	vperm.xlane v7, v1;
	v9 =	vperm.xlane v6, v1;
	_ =	sdelay $0x1  }
0x60: {  	vm7 =	veq.f32 v8, v7;
	vm8 =	vlt.s32 v9, v6  }
0x61: {  	vm9 =	vgt.f32 v8, v7;
	vm0 =	vmand vm7, vm8  }
0x62: {  	vm0 =	vmor vm9, vm0  }
0x63: {  	v7 =	vsel vm0, v8, v7;
	v6 =	vsel vm0, v9, v6  }
0x64: {  	v8 =	vperm.xlane v7, v2;
	v9 =	vperm.xlane v6, v2;
	_ =	sdelay $0x1  }
0x65: {  	vm10 =	veq.f32 v8, v7;
	vm11 =	vlt.s32 v9, v6  }
0x66: {  	vm12 =	vgt.f32 v8, v7;
	vm0 =	vmand vm10, vm11  }
0x67: {  	vm0 =	vmor vm12, vm0  }
0x68: {  	v7 =	vsel vm0, v8, v7;
	v6 =	vsel vm0, v9, v6  }
0x69: {  	v8 =	vperm.xlane v7, v3;
	v9 =	vperm.xlane v6, v3;
	_ =	sdelay $0x1  }
0x6a: {  	vm13 =	veq.f32 v8, v7;
	vm14 =	vlt.s32 v9, v6  }
0x6b: {  	vm15 =	vgt.f32 v8, v7;
	vm0 =	vmand vm13, vm14  }
0x6c: {  	vm0 =	vmor vm15, vm0  }
0x6d: {  	v7 =	vsel vm0, v8, v7;
	v6 =	vsel vm0, v9, v6  }
0x6e: {  	v8 =	vperm.xlane v7, v4;
	v9 =	vperm.xlane v6, v4;
	_ =	sdelay $0x1  }
0x6f: {  	s17 =	simm.s32 $0x20;
	vm4 =	veq.f32 v8, v7;
	vm5 =	vlt.s32 v9, v6  }
0x70: {  	s20 =	simm.s32 $0x0;
	vm6 =	vgt.f32 v8, v7;
	v8 =	vld [tilespmem:s17+$0xFFFFFFE0];
	vm0 =	vmand vm4, vm5  }
0x71: {  	s21 =	simm.s32 $0x30;
	v10 =	vimm.s32 $0x0;
	v11 =	vor.u32 s20, v0;
	s20 =	simm.s32 $0x20;
	vm0 =	vmor vm6, vm0  }
0x72: {  	v59 =	vld [tilespmem:s17+$0xFFFFFFF0];
	v60 =	vor.u32 s20, v0;
	v7 =	vor.u32 s21, v0;
	s21 =	simm.s32 $0x10;
	v6 =	vsel vm0, v9, v6  }
0x73: {  	vm7 =	veq.s32 v11, v5;
	v61 =	vor.u32 s21, v0;
	vm8 =	veq.s32 v11, v6  }
0x74: {  	v62 =	vld [tilespmem:s17+$0x0];
	vm9 =	veq.s32 v60, v5;
	vm10 =	veq.s32 v61, v5;
	vm0 =	vmor vm8, vm7  }
0x75: {  	v9 =	vimm.f32 $-3.000000010e+38;
	vm11 =	veq.s32 v61, v6;
	v8 =	vsel vm0, $0xFF61B1E6, v8  }
0x76: {  	v16 =	vld [tilespmem:s17+$0x10];
	vm3 =	veq.s32 v7, v5;
	vm0 =	vmor vm11, vm10;
	vm4 =	vgt.f32 v8, v9  }
0x77: {  	vm12 =	veq.s32 v60, v6;
	v8 =	vsel vm4, v8, v9;
	v9 =	vsel vm0, $0xFF61B1E6, v59  }
0x78: {  	vm13 =	veq.s32 v7, v6;
	vm1 =	vmor vm12, vm9;
	vm0 =	vgt.f32 v9, v8  }
0x79: {  	v10 =	vsel vm4, v11, v10;
	v11 =	vsel vm1, $0xFF61B1E6, v62;
	v9 =	vsel vm0, v9, v8  }
0x7a: {  	s17 =	simm.s32 $0x60;
	vm15 =	vmor vm13, vm3;
	v63 =	vsel vm0, v61, v10;
	vm14 =	vgt.f32 v11, v9  }
0x7b: {  	s18 =	simm.s32 $0x40;
	s19 =	simm.s32 $0x80;
	s20 =	simm.s32 $0x70;
	v8 =	vld [tilespmem:s17+$0xFFFFFFE0];
	v10 =	vsel vm14, v11, v9;
	v9 =	vsel vm14, v60, v63;
	v11 =	vsel vm15, $0xFF61B1E6, v16  }
.LBB2_6:
0x7c: {  	p1 =	sne.s32 s19, $0x7C0;
	v12 =	vor.u32 s18, v0;
	s21 =	sadd.s32 $0x20, s18;
	v13 =	vor.u32 s20, v0;
	vm0 =	vgt.f32 v11, v10  }
0x7d: {  	s20 =	sadd.s32 $0x10, s18;
	s18 =	smov.u32 s19;
	v14 =	vld [tilespmem:s17+$0xFFFFFFF0];
	v15 =	vor.u32 s21, v0;
	v10 =	vsel vm0, v11, v10;
	v9 =	vsel vm0, v7, v9;
	v7 =	vmovc v13  }
0x7e: {  	vm0 =	veq.s32 v12, v5;
	vm1 =	veq.s32 v12, v6;
	v11 =	vor.u32 s20, v0  }
0x7f: {  	vm0 =	vmor vm1, vm0;
	vm1 =	veq.s32 v15, v5;
	vm2 =	veq.s32 v7, v5;
	v13 =	vld [tilespmem:s17+$0x0]  }
0x80: {  	vm3 =	veq.s32 v11, v6;
	v8 =	vsel vm0, $0xFF61B1E6, v8;
	vm0 =	veq.s32 v11, v5  }
0x81: {  	vm4 =	vgt.f32 v8, v10;
	vm0 =	vmor vm3, vm0;
	vm3 =	veq.s32 v15, v6;
	v16 =	vld [tilespmem:s17+$0x10]  }
.Ltmp2:
0x82: {  	v8 =	vsel vm4, v8, v10;
	v9 =	vsel vm4, v12, v9;
	v10 =	vsel vm0, $0xFF61B1E6, v14;
	(pc) =	sbr.rel @p1 .LBB2_6-.Ltmp2, $4  }
0x83: {  	vm1 =	vmor vm3, vm1;
	vm3 =	veq.s32 v7, v6;
	vm0 =	vgt.f32 v10, v8  }
0x84: {  	v10 =	vsel vm0, v10, v8;
	v9 =	vsel vm0, v11, v9;
	v11 =	vsel vm1, $0xFF61B1E6, v13  }
0x85: {  	s17 =	sadd.s32 $0x40, s17;
	vm1 =	vmor vm3, vm2;
	vm0 =	vgt.f32 v11, v10  }
0x86: {  	s19 =	sadd.s32 $0x40, s19;
	s20 =	sadd.s32 $0x30, s18;
	v8 =	vld [tilespmem:s17+$0xFFFFFFE0];
	v10 =	vsel vm0, v11, v10;
	v9 =	vsel vm0, v15, v9;
	v11 =	vsel vm1, $0xFF61B1E6, v16  }
0x87: {  	v12 =	vor.u32 s18, v0;
	s19 =	sadd.s32 $0x20, s18  }
0x88: {  	v13 =	vor.u32 s20, v0;
	vm0 =	vgt.f32 v11, v10;
	v14 =	vld [tilespmem:s17+$0xFFFFFFF0];
	v15 =	vor.u32 s19, v0  }
0x89: {  	s20 =	sadd.s32 $0x10, s18;
	v10 =	vsel vm0, v11, v10;
	vm1 =	veq.s32 v12, v5;
	vm2 =	veq.s32 v12, v6  }
0x8a: {  	v7 =	vsel vm0, v7, v9;
	v9 =	vor.u32 s20, v0;
	v11 =	vld [tilespmem:s17+$0x0];
	vm0 =	vmor vm2, vm1  }
0x8b: {  	vm1 =	veq.s32 v9, v6;
	v8 =	vsel vm0, $0xFF61B1E6, v8;
	vm0 =	veq.s32 v9, v5  }
0x8c: {  	v16 =	vld [tilespmem:s17+$0x10];
	vm2 =	veq.s32 v15, v5;
	vm3 =	vgt.f32 v8, v10;
	vm0 =	vmor vm1, vm0  }
0x8d: {  	vm1 =	veq.s32 v15, v6;
	v8 =	vsel vm3, v8, v10;
	v10 =	vsel vm0, $0xFF61B1E6, v14  }
0x8e: {  	vm0 =	veq.s32 v13, v5;
	vm1 =	vmor vm1, vm2;
	vm4 =	vgt.f32 v10, v8  }
0x8f: {  	vm2 =	veq.s32 v13, v6;
	v8 =	vsel vm4, v10, v8;
	v10 =	vsel vm1, $0xFF61B1E6, v11  }
0x90: {  	v7 =	vsel vm3, v12, v7;
	vm0 =	vmor vm2, vm0;
	vm1 =	vgt.f32 v10, v8  }
0x91: {  	v7 =	vsel vm4, v9, v7;
	v9 =	vsel vm0, $0xFF61B1E6, v16;
	v8 =	vsel vm1, v10, v8  }
0x92: {  	v7 =	vsel vm1, v15, v7;
	vm0 =	vgt.f32 v9, v8  }
0x93: {  	v8 =	vsel vm0, v9, v8;
	v7 =	vsel vm0, v13, v7  }
0x94: {  	v9 =	vperm.xlane v8, v1;
	v10 =	vperm.xlane v7, v1;
	_ =	sdelay $0x1  }
0x95: {  	vm0 =	veq.f32 v9, v8;
	vm1 =	vlt.s32 v10, v7  }
0x96: {  	vm2 =	vgt.f32 v9, v8;
	vm0 =	vmand vm0, vm1  }
0x97: {  	vm0 =	vmor vm2, vm0  }
0x98: {  	v8 =	vsel vm0, v9, v8;
	v7 =	vsel vm0, v10, v7  }
0x99: {  	v9 =	vperm.xlane v8, v2;
	v10 =	vperm.xlane v7, v2;
	_ =	sdelay $0x1  }
0x9a: {  	vm0 =	veq.f32 v9, v8;
	vm1 =	vlt.s32 v10, v7  }
0x9b: {  	vm2 =	vgt.f32 v9, v8;
	vm0 =	vmand vm0, vm1  }
0x9c: {  	vm0 =	vmor vm2, vm0  }
0x9d: {  	v8 =	vsel vm0, v9, v8;
	v7 =	vsel vm0, v10, v7  }
0x9e: {  	v9 =	vperm.xlane v8, v3;
	v10 =	vperm.xlane v7, v3;
	_ =	sdelay $0x1  }
0x9f: {  	vm0 =	veq.f32 v9, v8;
	vm1 =	vlt.s32 v10, v7  }
0xa0: {  	vm2 =	vgt.f32 v9, v8;
	vm0 =	vmand vm0, vm1  }
0xa1: {  	vm0 =	vmor vm2, vm0  }
0xa2: {  	v8 =	vsel vm0, v9, v8;
	v7 =	vsel vm0, v10, v7  }
0xa3: {  	s20 =	simm.s32 $0x10;
	v9 =	vperm.xlane v8, v4;
	v10 =	vperm.xlane v7, v4  }
0xa4: {  	v12 =	vor.u32 s20, v0  }
0xa5: {  	v11 =	vimm.s32 $0x0;
	vm0 =	veq.f32 v9, v8;
	vm1 =	vlt.s32 v10, v7  }
0xa6: {  	s21 =	simm.s32 $0x0;
	s19 =	simm.s32 $0x30;
	v13 =	vimm.f32 $-3.000000010e+38;
	vm2 =	vgt.f32 v9, v8;
	vm0 =	vmand vm0, vm1  }
0xa7: {  	s17 =	simm.s32 $0x20;
	v9 =	vor.u32 s21, v0;
	s21 =	simm.s32 $0x20;
	v8 =	vor.u32 s19, v0;
	vm0 =	vmor vm2, vm0  }
0xa8: {  	s18 =	simm.s32 $0x40;
	v14 =	vld [tilespmem:s17+$0xFFFFFFE0];
	vm1 =	veq.s32 v9, v5;
	v7 =	vsel vm0, v10, v7;
	v10 =	vor.u32 s21, v0  }
.LBB2_8:
0xa9: {  	p1 =	sne.s32 s18, $0x7C0;
	vm2 =	veq.s32 v9, v6;
	vm3 =	veq.s32 v9, v7;
	vm0 =	veq.s32 v8, v5  }
0xaa: {  	vm4 =	veq.s32 v10, v5;
	vm5 =	veq.s32 v8, v6;
	vm6 =	veq.s32 v8, v7;
	v15 =	vld [tilespmem:s17+$0xFFFFFFF0]  }
0xab: {  	vm7 =	veq.s32 v10, v7;
	vm2 =	vmor vm3, vm2;
	vm3 =	veq.s32 v10, v6  }
0xac: {  	vm8 =	veq.s32 v12, v7;
	vm1 =	vmor vm2, vm1;
	vm2 =	veq.s32 v12, v6;
	v16 =	vld [tilespmem:s17+$0x0]  }
0xad: {  	vm2 =	vmor vm8, vm2;
	v14 =	vsel vm1, $0xFF61B1E6, v14;
	vm1 =	veq.s32 v12, v5  }
0xae: {  	vm8 =	vgt.f32 v14, v13;
	vm1 =	vmor vm2, vm1;
	vm2 =	vmor vm7, vm3;
	v17 =	vld [tilespmem:s17+$0x10]  }
0xaf: {  	v13 =	vsel vm8, v14, v13;
	v9 =	vsel vm8, v9, v11;
	v11 =	vsel vm1, $0xFF61B1E6, v15  }
0xb0: {  	vm3 =	vmor vm6, vm5;
	vm2 =	vmor vm2, vm4;
	vm1 =	vgt.f32 v11, v13  }
0xb1: {  	v11 =	vsel vm1, v11, v13;
	v9 =	vsel vm1, v12, v9;
	v12 =	vsel vm2, $0xFF61B1E6, v16  }
.Ltmp3:
0xb2: {  	vm0 =	vmor vm3, vm0;
	vm1 =	vgt.f32 v12, v11;
	(pc) =	sbr.rel @p1 .LBB2_8-.Ltmp3, $4  }
0xb3: {  	v11 =	vsel vm1, v12, v11;
	v10 =	vsel vm1, v10, v9;
	v12 =	vsel vm0, $0xFF61B1E6, v17  }
0xb4: {  	s19 =	sadd.s32 $0x30, s18;
	v9 =	vor.u32 s18, v0;
	vm0 =	vgt.f32 v12, v11  }
0xb5: {  	s20 =	sadd.s32 $0x10, s18;
	s21 =	sadd.s32 $0x20, s18;
	s17 =	sadd.s32 $0x40, s17;
	v13 =	vsel vm0, v12, v11;
	v11 =	vsel vm0, v8, v10;
	v8 =	vor.u32 s19, v0  }
0xb6: {  	s18 =	sadd.s32 $0x40, s18;
	vm1 =	veq.s32 v9, v5;
	v12 =	vor.u32 s20, v0;
	v10 =	vor.u32 s21, v0;
	v14 =	vld [tilespmem:s17+$0xFFFFFFE0]  }
0xb7: {  	vm0 =	veq.s32 v9, v6  }
0xb8: {  	vm2 =	veq.s32 v9, v7;
	vm3 =	veq.s32 v8, v5;
	v15 =	vld [tilespmem:s17+$0xFFFFFFF0];
	vm4 =	veq.s32 v10, v5  }
0xb9: {  	vm5 =	veq.s32 v8, v6;
	vm6 =	veq.s32 v12, v7;
	vm0 =	vmor vm2, vm0  }
0xba: {  	v16 =	vld [tilespmem:s17+$0x0];
	vm2 =	veq.s32 v10, v6;
	vm0 =	vmor vm0, vm1;
	vm1 =	veq.s32 v12, v6  }
0xbb: {  	vm1 =	vmor vm6, vm1;
	v14 =	vsel vm0, $0xFF61B1E6, v14;
	vm0 =	veq.s32 v12, v5  }
0xbc: {  	v17 =	vld [tilespmem:s17+$0x10];
	vm6 =	veq.s32 v10, v7;
	vm7 =	vgt.f32 v14, v13;
	vm0 =	vmor vm1, vm0  }
0xbd: {  	vm1 =	vmor vm6, vm2;
	v13 =	vsel vm7, v14, v13;
	v14 =	vsel vm0, $0xFF61B1E6, v15  }
0xbe: {  	vm0 =	veq.s32 v8, v7;
	vm1 =	vmor vm1, vm4;
	vm2 =	vgt.f32 v14, v13  }
0xbf: {  	vm0 =	vmor vm0, vm5;
	v13 =	vsel vm2, v14, v13;
	v14 =	vsel vm1, $0xFF61B1E6, v16  }
0xc0: {  	v9 =	vsel vm7, v9, v11;
	vm0 =	vmor vm0, vm3;
	vm1 =	vgt.f32 v14, v13  }
0xc1: {  	v9 =	vsel vm2, v12, v9;
	v12 =	vsel vm0, $0xFF61B1E6, v17;
	v11 =	vsel vm1, v14, v13  }
0xc2: {  	v9 =	vsel vm1, v10, v9;
	vm0 =	vgt.f32 v12, v11  }
0xc3: {  	v10 =	vsel vm0, v12, v11;
	v8 =	vsel vm0, v8, v9  }
0xc4: {  	v9 =	vperm.xlane v10, v1;
	v11 =	vperm.xlane v8, v1;
	_ =	sdelay $0x1  }
0xc5: {  	vm0 =	veq.f32 v9, v10;
	vm1 =	vlt.s32 v11, v8  }
0xc6: {  	vm2 =	vgt.f32 v9, v10;
	vm0 =	vmand vm0, vm1  }
0xc7: {  	vm0 =	vmor vm2, vm0  }
0xc8: {  	v9 =	vsel vm0, v9, v10;
	v8 =	vsel vm0, v11, v8  }
0xc9: {  	v10 =	vperm.xlane v9, v2;
	v11 =	vperm.xlane v8, v2;
	_ =	sdelay $0x1  }
0xca: {  	vm0 =	veq.f32 v10, v9;
	vm1 =	vlt.s32 v11, v8  }
0xcb: {  	vm2 =	vgt.f32 v10, v9;
	vm0 =	vmand vm0, vm1  }
0xcc: {  	vm0 =	vmor vm2, vm0  }
0xcd: {  	v9 =	vsel vm0, v10, v9;
	v8 =	vsel vm0, v11, v8  }
0xce: {  	v10 =	vperm.xlane v9, v3;
	v11 =	vperm.xlane v8, v3;
	_ =	sdelay $0x1  }
0xcf: {  	vm0 =	veq.f32 v10, v9;
	vm1 =	vlt.s32 v11, v8  }
0xd0: {  	vm2 =	vgt.f32 v10, v9;
	vm0 =	vmand vm0, vm1  }
0xd1: {  	vm0 =	vmor vm2, vm0  }
0xd2: {  	v9 =	vsel vm0, v10, v9;
	v8 =	vsel vm0, v11, v8  }
0xd3: {  	s21 =	simm.s32 $0x10;
	v10 =	vperm.xlane v9, v4;
	v11 =	vperm.xlane v8, v4  }
0xd4: {  	v14 =	vimm.f32 $-3.000000010e+38;
	v13 =	vor.u32 s21, v0;
	v12 =	vimm.s32 $0x0  }
0xd5: {  	s20 =	simm.s32 $0x20;
	s18 =	simm.s32 $0x30;
	vm0 =	veq.f32 v10, v9;
	vm1 =	vlt.s32 v11, v8;
	vm2 =	vgt.f32 v10, v9  }
0xd6: {  	v10 =	vor.u32 s20, v0;
	v9 =	vor.u32 s18, v0;
	vm0 =	vmand vm0, vm1  }
0xd7: {  	s19 =	simm.s32 $0x0;
	vm7 =	veq.s32 v9, v5;
	vm1 =	veq.s32 v10, v5;
	vm0 =	vmor vm2, vm0  }
0xd8: {  	vm3 =	veq.s32 v9, v7;
	v8 =	vsel vm0, v11, v8;
	v11 =	vor.u32 s19, v0  }
0xd9: {  	s17 =	simm.s32 $0x20;
	vm0 =	veq.s32 v9, v6;
	vm2 =	veq.s32 v11, v5;
	vm5 =	veq.s32 v11, v6  }
0xda: {  	v15 =	vld [tilespmem:s17+$0xFFFFFFE0];
	s18 =	simm.s32 $0x40;
	vm6 =	veq.s32 v11, v7;
	vm8 =	veq.s32 v11, v8;
	vm4 =	veq.s32 v9, v8  }
.LBB2_10:
0xdb: {  	p1 =	sne.s32 s18, $0x7C0;
	vm9 =	veq.s32 v13, v5;
	vm10 =	veq.s32 v10, v6;
	vm11 =	veq.s32 v10, v7  }
0xdc: {  	vm6 =	vmor vm8, vm6;
	vm8 =	veq.s32 v13, v6;
	vm12 =	veq.s32 v10, v8;
	v16 =	vld [tilespmem:s17+$0xFFFFFFF0]  }
0xdd: {  	vm13 =	veq.s32 v13, v8;
	vm5 =	vmor vm6, vm5;
	vm6 =	veq.s32 v13, v7  }
0xde: {  	vm3 =	vmor vm4, vm3;
	vm2 =	vmor vm5, vm2;
	vm5 =	vmor vm13, vm6;
	v17 =	vld [tilespmem:s17+$0x0]  }
0xdf: {  	vm4 =	vmor vm12, vm11;
	v15 =	vsel vm2, $0xFF61B1E6, v15;
	vm2 =	vmor vm5, vm8  }
0xe0: {  	vm4 =	vmor vm4, vm10;
	vm5 =	vgt.f32 v15, v14;
	vm2 =	vmor vm2, vm9;
	v18 =	vld [tilespmem:s17+$0x10]  }
0xe1: {  	v14 =	vsel vm5, v15, v14;
	v11 =	vsel vm5, v11, v12;
	v12 =	vsel vm2, $0xFF61B1E6, v16  }
0xe2: {  	vm0 =	vmor vm3, vm0;
	vm1 =	vmor vm4, vm1;
	vm2 =	vgt.f32 v12, v14  }
0xe3: {  	v12 =	vsel vm2, v12, v14;
	v13 =	vsel vm2, v13, v11;
	v14 =	vsel vm1, $0xFF61B1E6, v17  }
0xe4: {  	vm0 =	vmor vm0, vm7;
	v11 =	vor.u32 s18, v0;
	vm1 =	vgt.f32 v14, v12  }
0xe5: {  	s19 =	sadd.s32 $0x20, s18;
	s20 =	sadd.s32 $0x30, s18;
	v12 =	vsel vm1, v14, v12;
	v13 =	vsel vm1, v10, v13;
	v14 =	vsel vm0, $0xFF61B1E6, v18  }
.Ltmp4:
0xe6: {  	v15 =	vor.u32 s20, v0;
	v10 =	vor.u32 s19, v0;
	vm0 =	vgt.f32 v14, v12;
	(pc) =	sbr.rel @p1 .LBB2_10-.Ltmp4, $4  }
0xe7: {  	vm2 =	veq.s32 v11, v5;
	s19 =	sadd.s32 $0x10, s18;
	v14 =	vsel vm0, v14, v12;
	v12 =	vsel vm0, v9, v13;
	v9 =	vmovc v15  }
0xe8: {  	vm5 =	veq.s32 v11, v6;
	vm6 =	veq.s32 v11, v7;
	v13 =	vor.u32 s19, v0  }
0xe9: {  	s17 =	sadd.s32 $0x40, s17;
	vm8 =	veq.s32 v11, v8;
	vm7 =	veq.s32 v9, v5;
	vm0 =	veq.s32 v9, v6  }
0xea: {  	s18 =	sadd.s32 $0x40, s18;
	vm1 =	veq.s32 v10, v5;
	vm3 =	veq.s32 v9, v7;
	vm4 =	veq.s32 v9, v8;
	v15 =	vld [tilespmem:s17+$0xFFFFFFE0]  }
0xeb: {  	vm9 =	veq.s32 v13, v5  }
0xec: {  	vm10 =	veq.s32 v10, v6;
	vm11 =	veq.s32 v10, v7;
	vm6 =	vmor vm8, vm6;
	v16 =	vld [tilespmem:s17+$0xFFFFFFF0]  }
0xed: {  	vm8 =	veq.s32 v13, v8;
	vm5 =	vmor vm6, vm5;
	vm6 =	veq.s32 v13, v7  }
0xee: {  	vm12 =	veq.s32 v13, v6;
	v17 =	vld [tilespmem:s17+$0x0];
	vm2 =	vmor vm5, vm2;
	vm5 =	vmor vm8, vm6  }
0xef: {  	vm6 =	veq.s32 v10, v8;
	v15 =	vsel vm2, $0xFF61B1E6, v15;
	vm2 =	vmor vm5, vm12  }
0xf0: {  	v18 =	vld [tilespmem:s17+$0x10];
	vm5 =	vmor vm6, vm11;
	vm6 =	vgt.f32 v15, v14;
	vm2 =	vmor vm2, vm9  }
0xf1: {  	vm5 =	vmor vm5, vm10;
	v14 =	vsel vm6, v15, v14;
	v15 =	vsel vm2, $0xFF61B1E6, v16  }
0xf2: {  	vm2 =	vmor vm4, vm3;
	vm1 =	vmor vm5, vm1;
	vm3 =	vgt.f32 v15, v14  }
0xf3: {  	vm0 =	vmor vm2, vm0;
	v14 =	vsel vm3, v15, v14;
	v15 =	vsel vm1, $0xFF61B1E6, v17  }
0xf4: {  	v11 =	vsel vm6, v11, v12;
	vm0 =	vmor vm0, vm7;
	vm1 =	vgt.f32 v15, v14  }
0xf5: {  	v11 =	vsel vm3, v13, v11;
	v13 =	vsel vm0, $0xFF61B1E6, v18;
	v12 =	vsel vm1, v15, v14  }
0xf6: {  	v10 =	vsel vm1, v10, v11;
	vm0 =	vgt.f32 v13, v12  }
0xf7: {  	v11 =	vsel vm0, v13, v12;
	v9 =	vsel vm0, v9, v10  }
0xf8: {  	v10 =	vperm.xlane v11, v1;
	v12 =	vperm.xlane v9, v1;
	_ =	sdelay $0x1  }
0xf9: {  	vm0 =	veq.f32 v10, v11;
	vm1 =	vlt.s32 v12, v9  }
0xfa: {  	vm2 =	vgt.f32 v10, v11;
	vm0 =	vmand vm0, vm1  }
0xfb: {  	vm0 =	vmor vm2, vm0  }
0xfc: {  	v10 =	vsel vm0, v10, v11;
	v9 =	vsel vm0, v12, v9  }
0xfd: {  	v11 =	vperm.xlane v10, v2;
	v12 =	vperm.xlane v9, v2;
	_ =	sdelay $0x1  }
0xfe: {  	vm0 =	veq.f32 v11, v10;
	vm1 =	vlt.s32 v12, v9  }
0xff: {  	vm2 =	vgt.f32 v11, v10;
	vm0 =	vmand vm0, vm1  }
0x100: {  	vm0 =	vmor vm2, vm0  }
0x101: {  	v10 =	vsel vm0, v11, v10;
	v9 =	vsel vm0, v12, v9  }
0x102: {  	v11 =	vperm.xlane v10, v3;
	v12 =	vperm.xlane v9, v3;
	_ =	sdelay $0x1  }
0x103: {  	vm0 =	veq.f32 v11, v10;
	vm1 =	vlt.s32 v12, v9  }
0x104: {  	vm2 =	vgt.f32 v11, v10;
	vm0 =	vmand vm0, vm1  }
0x105: {  	vm0 =	vmor vm2, vm0  }
0x106: {  	v10 =	vsel vm0, v11, v10  }
0x107: {  	s21 =	simm.s32 $0x10;
	v9 =	vsel vm0, v12, v9;
	v11 =	vperm.xlane v10, v4  }
0x108: {  	v14 =	vimm.f32 $-3.000000010e+38;
	v15 =	vor.u32 s21, v0;
	v12 =	vperm.xlane v9, v4  }
0x109: {  	s20 =	simm.s32 $0x20;
	vm4 =	veq.s32 v15, v5;
	v13 =	vimm.s32 $0x0;
	vm0 =	veq.f32 v11, v10  }
0x10a: {  	s18 =	simm.s32 $0x30;
	vm1 =	vlt.s32 v12, v9;
	vm2 =	vgt.f32 v11, v10;
	v11 =	vor.u32 s20, v0  }
0x10b: {  	v10 =	vor.u32 s18, v0;
	vm0 =	vmand vm0, vm1;
	vm15 =	veq.s32 v11, v5  }
0x10c: {  	vm14 =	veq.s32 v10, v5;
	vm9 =	veq.s32 v10, v6;
	vm1 =	veq.s32 v11, v6  }
0x10d: {  	s19 =	simm.s32 $0x0;
	vm3 =	veq.s32 v10, v7;
	vm11 =	veq.s32 v10, v8;
	vm0 =	vmor vm2, vm0  }
0x10e: {  	vm6 =	veq.s32 v11, v7;
	v9 =	vsel vm0, v12, v9;
	v12 =	vor.u32 s19, v0  }
0x10f: {  	vm0 =	veq.s32 v12, v5;
	vm2 =	veq.s32 v12, v6;
	vm5 =	veq.s32 v12, v7  }
0x110: {  	s17 =	simm.s32 $0x20;
	s18 =	simm.s32 $0x40;
	vm10 =	veq.s32 v12, v8;
	vm12 =	veq.s32 v12, v9;
	vm13 =	veq.s32 v10, v9  }
.LBB2_12:
0x111: {  	v16 =	vimm.s32 $0x0  }
0x112: {  	v16 =	vsel vm15, $0xFFFFFFFF, v16  }
0x113: {  	[tilespmem:$0x1FFE0] =	vst v16;
	v16 =	vimm.s32 $0x0  }
0x114: {  	v16 =	vsel vm14, $0xFFFFFFFF, v16  }
0x115: {  	[tilespmem:$0x1FFF0] =	vst v16;
	v16 =	vld [tilespmem:s17+$0xFFFFFFE0]  }
0x116: {  	vm10 =	vmor vm12, vm10  }
0x117: {  	vm8 =	veq.s32 v15, v8;
	v17 =	vld [tilespmem:s17+$0xFFFFFFF0];
	vm5 =	vmor vm10, vm5;
	vm10 =	veq.s32 v15, v9  }
0x118: {  	vm12 =	veq.s32 v15, v7;
	vm2 =	vmor vm5, vm2;
	vm5 =	vmor vm10, vm8  }
0x119: {  	vm14 =	veq.s32 v15, v6;
	vm0 =	vmor vm2, vm0;
	vm2 =	vmor vm5, vm12  }
0x11a: {  	v16 =	vsel vm0, $0xFF61B1E6, v16;
	vm0 =	vmor vm2, vm14  }
0x11b: {  	vm5 =	vgt.f32 v16, v14;
	vm0 =	vmor vm0, vm4  }
0x11c: {  	v14 =	vsel vm5, v16, v14;
	v12 =	vsel vm5, v12, v13;
	v13 =	vsel vm0, $0xFF61B1E6, v17;
	v16 =	vld [tilespmem:$0x1FFE0]  }
0x11d: {  	v18 =	vld [tilespmem:s17+$0x0];
	vm0 =	vgt.f32 v13, v14  }
0x11e: {  	vm7 =	veq.s32 v11, v9;
	vm15 =	veq.s32 v11, v8;
	v12 =	vsel vm0, v15, v12;
	v15 =	vld [tilespmem:$0x1FFF0]  }
0x11f: {  	vm7 =	vmor vm7, vm15  }
0x120: {  	v19 =	vld [tilespmem:s17+$0x10];
	vm2 =	vmor vm7, vm6  }
0x121: {  	vm11 =	vmor vm13, vm11;
	vm1 =	vmor vm2, vm1;
	vm2 =	vnez.u8 v16  }
0x122: {  	vm3 =	vmor vm11, vm3;
	v13 =	vsel vm0, v13, v14;
	vm1 =	vmor vm1, vm2  }
0x123: {  	vm2 =	vmor vm3, vm9;
	v14 =	vsel vm1, $0xFF61B1E6, v18;
	vm1 =	vnez.u8 v15  }
0x124: {  	s19 =	sadd.s32 $0x30, s18;
	vm0 =	vgt.f32 v14, v13;
	vm1 =	vmor vm2, vm1  }
0x125: {  	v15 =	vor.u32 s19, v0;
	v13 =	vsel vm0, v14, v13;
	v14 =	vsel vm1, $0xFF61B1E6, v19  }
0x126: {  	v11 =	vsel vm0, v11, v12;
	v12 =	vor.u32 s18, v0;
	vm1 =	vgt.f32 v14, v13  }
0x127: {  	p1 =	sne.s32 s18, $0x7C0;
	vm0 =	veq.s32 v12, v5;
	vm2 =	veq.s32 v12, v6;
	vm5 =	veq.s32 v12, v7  }
.Ltmp5:
0x128: {  	s21 =	sadd.s32 $0x20, s18;
	s20 =	sadd.s32 $0x10, s18;
	vm10 =	veq.s32 v12, v8;
	vm12 =	veq.s32 v12, v9;
	v14 =	vsel vm1, v14, v13;
	(pc) =	sbr.rel @p1 .LBB2_12-.Ltmp5, $4  }
0x129: {  	v13 =	vsel vm1, v10, v11;
	v10 =	vmovc v15;
	v11 =	vor.u32 s21, v0;
	v15 =	vor.u32 s20, v0  }
0x12a: {  	vm15 =	veq.s32 v11, v5;
	vm14 =	veq.s32 v10, v5;
	vm9 =	veq.s32 v10, v6  }
0x12b: {  	vm1 =	veq.s32 v11, v6;
	vm3 =	veq.s32 v10, v7;
	vm11 =	veq.s32 v10, v8  }
0x12c: {  	s17 =	sadd.s32 $0x40, s17;
	s18 =	sadd.s32 $0x40, s18;
	vm4 =	veq.s32 v15, v5;
	vm6 =	veq.s32 v11, v7;
	vm13 =	veq.s32 v10, v9  }
0x12d: {  	v16 =	vld [tilespmem:s17+$0xFFFFFFE0];
	vm7 =	vmor vm12, vm10  }
0x12e: {  	vm8 =	veq.s32 v15, v6;
	vm10 =	veq.s32 v11, v8;
	vm12 =	veq.s32 v15, v9  }
0x12f: {  	v17 =	vld [tilespmem:s17+$0xFFFFFFF0];
	vm11 =	vmor vm13, vm11;
	vm5 =	vmor vm7, vm5;
	vm7 =	veq.s32 v15, v8  }
0x130: {  	vm2 =	vmor vm5, vm2;
	vm7 =	vmor vm12, vm7;
	vm12 =	veq.s32 v15, v7  }
0x131: {  	v18 =	vld [tilespmem:s17+$0x0];
	vm5 =	veq.s32 v11, v9;
	vm0 =	vmor vm2, vm0;
	vm2 =	vmor vm7, vm12  }
0x132: {  	vm5 =	vmor vm5, vm10;
	v16 =	vsel vm0, $0xFF61B1E6, v16;
	vm0 =	vmor vm2, vm8  }
0x133: {  	v19 =	vld [tilespmem:s17+$0x10];
	vm2 =	vmor vm5, vm6;
	vm5 =	vgt.f32 v16, v14;
	vm0 =	vmor vm0, vm4  }
0x134: {  	vm1 =	vmor vm2, vm1;
	v14 =	vsel vm5, v16, v14;
	v16 =	vsel vm0, $0xFF61B1E6, v17  }
0x135: {  	vm0 =	vmor vm11, vm3;
	vm1 =	vmor vm1, vm15;
	vm2 =	vgt.f32 v16, v14  }
0x136: {  	vm0 =	vmor vm0, vm9;
	v14 =	vsel vm2, v16, v14;
	v16 =	vsel vm1, $0xFF61B1E6, v18  }
0x137: {  	v12 =	vsel vm5, v12, v13;
	vm0 =	vmor vm0, vm14;
	vm1 =	vgt.f32 v16, v14  }
0x138: {  	v12 =	vsel vm2, v15, v12;
	v13 =	vsel vm1, v16, v14;
	v14 =	vsel vm0, $0xFF61B1E6, v19  }
0x139: {  	v11 =	vsel vm1, v11, v12;
	vm0 =	vgt.f32 v14, v13  }
0x13a: {  	v12 =	vsel vm0, v14, v13;
	v10 =	vsel vm0, v10, v11  }
0x13b: {  	v11 =	vperm.xlane v12, v1;
	v13 =	vperm.xlane v10, v1;
	_ =	sdelay $0x1  }
0x13c: {  	vm0 =	veq.f32 v11, v12;
	vm1 =	vlt.s32 v13, v10  }
0x13d: {  	vm2 =	vgt.f32 v11, v12;
	vm0 =	vmand vm0, vm1  }
0x13e: {  	vm0 =	vmor vm2, vm0  }
0x13f: {  	v11 =	vsel vm0, v11, v12;
	v10 =	vsel vm0, v13, v10  }
0x140: {  	v12 =	vperm.xlane v11, v2;
	v13 =	vperm.xlane v10, v2;
	_ =	sdelay $0x1  }
0x141: {  	vm0 =	veq.f32 v12, v11;
	vm1 =	vlt.s32 v13, v10  }
0x142: {  	vm2 =	vgt.f32 v12, v11;
	vm0 =	vmand vm0, vm1  }
0x143: {  	vm0 =	vmor vm2, vm0  }
0x144: {  	v11 =	vsel vm0, v12, v11;
	v10 =	vsel vm0, v13, v10  }
0x145: {  	v12 =	vperm.xlane v11, v3;
	v13 =	vperm.xlane v10, v3  }
0x146: {  	s18 =	simm.s32 $0x20  }
0x147: {  	v15 =	vor.u32 s18, v0;
	vm0 =	veq.f32 v12, v11;
	vm1 =	vlt.s32 v13, v10  }
0x148: {  	s21 =	simm.s32 $0x10;
	vm5 =	veq.s32 v15, v6;
	vm2 =	vgt.f32 v12, v11;
	vm0 =	vmand vm0, vm1  }
0x149: {  	vm13 =	veq.s32 v15, v7;
	v16 =	vor.u32 s21, v0;
	vm0 =	vmor vm2, vm0  }
0x14a: {  	s20 =	simm.s32 $0x30;
	vm6 =	veq.s32 v16, v5;
	v11 =	vsel vm0, v12, v11;
	v10 =	vsel vm0, v13, v10  }
0x14b: {  	v14 =	vor.u32 s20, v0;
	v12 =	vperm.xlane v11, v4;
	v13 =	vperm.xlane v10, v4  }
0x14c: {  	vm3 =	veq.s32 v14, v7;
	vm12 =	veq.s32 v14, v8;
	vm14 =	veq.s32 v14, v9  }
0x14d: {  	s19 =	simm.s32 $0x0;
	vm0 =	veq.f32 v12, v11;
	vm1 =	vlt.s32 v13, v10;
	vm2 =	vgt.f32 v12, v11  }
0x14e: {  	v11 =	vimm.f32 $-3.000000010e+38;
	v12 =	vor.u32 s19, v0;
	vm0 =	vmand vm0, vm1  }
0x14f: {  	vm4 =	veq.s32 v12, v5;
	vm7 =	veq.s32 v12, v6;
	vm8 =	veq.s32 v12, v7  }
0x150: {  	vm9 =	veq.s32 v12, v8;
	vm10 =	veq.s32 v12, v9;
	vm0 =	vmor vm2, vm0  }
0x151: {  	vm1 =	veq.s32 v15, v5;
	vm2 =	veq.s32 v14, v6;
	v10 =	vsel vm0, v13, v10  }
0x152: {  	v13 =	vimm.s32 $0x0;
	vm0 =	veq.s32 v14, v5;
	vm11 =	veq.s32 v12, v10  }
0x153: {  	vm15 =	veq.s32 v14, v10;
	vm10 =	vmor vm11, vm10;
	vm11 =	veq.s32 v15, v9  }
0x154: {  	s17 =	simm.s32 $0x20;
	vm14 =	vmor vm15, vm14;
	vm9 =	vmor vm10, vm9;
	vm10 =	veq.s32 v15, v10  }
0x155: {  	v17 =	vld [tilespmem:s17+$0xFFFFFFE0];
	vm15 =	veq.s32 v16, v9;
	vm12 =	vmor vm14, vm12;
	vm10 =	vmor vm10, vm11  }
0x156: {  	vm11 =	veq.s32 v16, v6;
	vm8 =	vmor vm9, vm8;
	vm9 =	veq.s32 v16, v10  }
0x157: {  	v18 =	vld [tilespmem:s17+$0xFFFFFFF0];
	vm3 =	vmor vm12, vm3;
	vm9 =	vmor vm9, vm15;
	vm15 =	veq.s32 v16, v8  }
0x158: {  	vm7 =	vmor vm8, vm7;
	vm8 =	veq.s32 v16, v7;
	vm9 =	vmor vm9, vm15  }
0x159: {  	v19 =	vld [tilespmem:s17+$0x0];
	vm15 =	veq.s32 v15, v8;
	vm4 =	vmor vm7, vm4;
	vm7 =	vmor vm9, vm8  }
0x15a: {  	vm8 =	vmor vm10, vm15;
	v17 =	vsel vm4, $0xFF61B1E6, v17;
	vm4 =	vmor vm7, vm11  }
0x15b: {  	v20 =	vld [tilespmem:s17+$0x10];
	vm7 =	vmor vm8, vm13;
	vm8 =	vgt.f32 v17, v11;
	vm4 =	vmor vm4, vm6  }
0x15c: {  	vm5 =	vmor vm7, vm5;
	v11 =	vsel vm8, v17, v11;
	v17 =	vsel vm4, $0xFF61B1E6, v18  }
0x15d: {  	vm2 =	vmor vm3, vm2;
	vm1 =	vmor vm5, vm1;
	vm4 =	vgt.f32 v17, v11  }
0x15e: {  	v12 =	vsel vm8, v12, v13;
	v11 =	vsel vm4, v17, v11;
	v17 =	vsel vm1, $0xFF61B1E6, v19  }
0x15f: {  	vm0 =	vmor vm2, vm0;
	v12 =	vsel vm4, v16, v12;
	vm1 =	vgt.f32 v17, v11  }
0x160: {  	s20 =	simm.s32 $0x70;
	s19 =	simm.s32 $0x40;
	v16 =	vsel vm0, $0xFF61B1E6, v20;
	v13 =	vsel vm1, v17, v11;
	v15 =	vsel vm1, v15, v12  }
0x161: {  	v12 =	vor.u32 s19, v0;
	v11 =	vor.u32 s20, v0;
	vm0 =	vgt.f32 v16, v13  }
0x162: {  	v17 =	vimm.s32 $0x0;
	vm3 =	veq.s32 v12, v7;
	v16 =	vsel vm0, v16, v13  }
0x163: {  	v14 =	vsel vm0, v14, v15;
	vm0 =	veq.s32 v12, v5;
	v13 =	vimm.s32 $0x0  }
0x164: {  	vm5 =	veq.s32 v12, v8;
	vm15 =	veq.s32 v12, v9;
	v13 =	vsel vm0, $0xFFFFFFFF, v13  }
0x165: {  	vm7 =	veq.s32 v12, v10;
	vm0 =	veq.s32 v12, v6;
	[tilespmem:$0x1FF90] =	vst v13;
	v13 =	vimm.s32 $0x0  }
0x166: {  	vm11 =	veq.s32 v11, v5;
	v13 =	vsel vm0, $0xFFFFFFFF, v13;
	vm0 =	veq.s32 v11, v6  }
0x167: {  	vm6 =	veq.s32 v11, v8;
	vm8 =	veq.s32 v11, v9;
	v17 =	vsel vm0, $0xFFFFFFFF, v17  }
0x168: {  	s21 =	simm.s32 $0x50;
	s19 =	simm.s32 $0x60;
	vm9 =	veq.s32 v11, v10;
	vm0 =	veq.s32 v11, v7;
	[tilespmem:$0x1FFB0] =	vst v17;
	v17 =	vimm.s32 $0x0  }
0x169: {  	v15 =	vor.u32 s21, v0;
	[tilespmem:$0x1FFA0] =	vst v13;
	v13 =	vor.u32 s19, v0;
	v17 =	vsel vm0, $0xFFFFFFFF, v17  }
0x16a: {  	vm1 =	veq.s32 v15, v5;
	vm0 =	veq.s32 v13, v6;
	[tilespmem:$0x1FFC0] =	vst v17;
	v17 =	vimm.s32 $0x0  }
0x16b: {  	vm4 =	veq.s32 v15, v6;
	vm13 =	veq.s32 v15, v7;
	v17 =	vsel vm0, $0xFFFFFFFF, v17  }
0x16c: {  	s18 =	simm.s32 $0x80;
	vm12 =	veq.s32 v13, v5;
	vm2 =	veq.s32 v13, v7;
	vm14 =	veq.s32 v13, v8;
	[tilespmem:$0x1FFD0] =	vst v17  }
.LBB2_14:
0x16d: {  	v19 =	vld [tilespmem:$0x1FFA0];
	_ =	sdelay $0x2  }
0x16e: {  	v17 =	vimm.s32 $0x0;
	vm7 =	vmor vm7, vm15  }
0x16f: {  	v17 =	vsel vm12, $0xFFFFFFFF, v17;
	vm5 =	vmor vm7, vm5;
	vm7 =	vmor vm9, vm8  }
0x170: {  	[tilespmem:$0x1FF70] =	vst v17;
	v17 =	vimm.s32 $0x0;
	vm6 =	vmor vm7, vm6;
	vm7 =	vnez.u8 v19;
	v19 =	vld [tilespmem:$0x1FF90]  }
0x171: {  	s17 =	sadd.s32 $0x40, s17;
	v17 =	vsel vm11, $0xFFFFFFFF, v17  }
0x172: {  	[tilespmem:$0x1FF80] =	vst v17;
	v17 =	vld [tilespmem:s17+$0xFFFFFFE0];
	_ =	sdelay $0x1  }
0x173: {  	vm10 =	veq.s32 v15, v8;
	vm0 =	veq.s32 v13, v9;
	vm3 =	vmor vm5, vm3  }
0x174: {  	vm11 =	veq.s32 v13, v10;
	vm3 =	vmor vm3, vm7;
	vm7 =	vnez.u8 v19  }
0x175: {  	vm15 =	veq.s32 v15, v9;
	vm0 =	vmor vm11, vm0;
	vm3 =	vmor vm3, vm7  }
0x176: {  	vm12 =	veq.s32 v15, v10;
	vm0 =	vmor vm0, vm14;
	v17 =	vsel vm3, $0xFF61B1E6, v17  }
0x177: {  	v18 =	vld [tilespmem:s17+$0xFFFFFFF0];
	vm5 =	vmor vm12, vm15;
	vm0 =	vmor vm0, vm2;
	vm2 =	vgt.f32 v17, v16  }
0x178: {  	vm5 =	vmor vm5, vm10;
	v16 =	vsel vm2, v17, v16;
	v17 =	vld [tilespmem:$0x1FF70]  }
0x179: {  	vm5 =	vmor vm5, vm13  }
0x17a: {  	v62 =	vld [tilespmem:$0x1FFD0];
	vm3 =	vmor vm5, vm4  }
0x17b: {  	v20 =	vld [tilespmem:$0x1FFC0];
	vm1 =	vmor vm3, vm1  }
0x17c: {  	v19 =	vld [tilespmem:s17+$0x0];
	v12 =	vsel vm2, v12, v14;
	v14 =	vsel vm1, $0xFF61B1E6, v18  }
0x17d: {  	vm1 =	vgt.f32 v14, v16;
	vm2 =	vnez.u8 v17;
	v17 =	vld [tilespmem:$0x1FFB0]  }
0x17e: {  	v14 =	vsel vm1, v14, v16;
	v16 =	vld [tilespmem:$0x1FF80]  }
0x17f: {  	vm3 =	vnez.u8 v62  }
0x180: {  	v63 =	vld [tilespmem:s17+$0x10];
	vm7 =	vnez.u8 v20;
	vm0 =	vmor vm0, vm3  }
0x181: {  	vm6 =	vmor vm6, vm7;
	vm0 =	vmor vm0, vm2  }
0x182: {  	v12 =	vsel vm1, v15, v12;
	v15 =	vsel vm0, $0xFF61B1E6, v19;
	vm2 =	vnez.u8 v17  }
0x183: {  	vm1 =	vnez.u8 v16;
	vm0 =	vgt.f32 v15, v14;
	vm2 =	vmor vm6, vm2  }
0x184: {  	v14 =	vsel vm0, v15, v14;
	vm1 =	vmor vm2, vm1  }
0x185: {  	v13 =	vsel vm0, v13, v12;
	v12 =	vor.u32 s18, v0;
	v15 =	vsel vm1, $0xFF61B1E6, v63  }
0x186: {  	vm3 =	veq.s32 v12, v7;
	vm0 =	vgt.f32 v15, v14  }
0x187: {  	vm5 =	veq.s32 v12, v8;
	vm15 =	veq.s32 v12, v9;
	v16 =	vsel vm0, v15, v14  }
0x188: {  	v14 =	vsel vm0, v11, v13;
	vm0 =	veq.s32 v12, v5;
	v13 =	vimm.s32 $0x0  }
0x189: {  	s19 =	sadd.s32 $0x30, s18;
	vm7 =	veq.s32 v12, v10;
	v17 =	vimm.s32 $0x0;
	v13 =	vsel vm0, $0xFFFFFFFF, v13  }
0x18a: {  	s21 =	sadd.s32 $0x10, s18;
	v11 =	vor.u32 s19, v0;
	vm0 =	veq.s32 v12, v6;
	[tilespmem:$0x1FF90] =	vst v13;
	v13 =	vimm.s32 $0x0  }
0x18b: {  	v15 =	vor.u32 s21, v0;
	v13 =	vsel vm0, $0xFFFFFFFF, v13;
	vm0 =	veq.s32 v11, v6  }
0x18c: {  	p1 =	sne.s32 s18, $0x7C0;
	vm11 =	veq.s32 v11, v5;
	vm1 =	veq.s32 v15, v5;
	v17 =	vsel vm0, $0xFFFFFFFF, v17  }
.Ltmp6:
0x18d: {  	s20 =	sadd.s32 $0x20, s18;
	vm6 =	veq.s32 v11, v8;
	vm0 =	veq.s32 v11, v7;
	[tilespmem:$0x1FFB0] =	vst v17;
	v17 =	vimm.s32 $0x0;
	(pc) =	sbr.rel @p1 .LBB2_14-.Ltmp6, $4  }
0x18e: {  	vm8 =	veq.s32 v11, v9;
	[tilespmem:$0x1FFA0] =	vst v13;
	v13 =	vor.u32 s20, v0;
	v17 =	vsel vm0, $0xFFFFFFFF, v17  }
0x18f: {  	vm9 =	veq.s32 v11, v10;
	vm0 =	veq.s32 v13, v6;
	[tilespmem:$0x1FFC0] =	vst v17;
	v17 =	vimm.s32 $0x0  }
0x190: {  	vm4 =	veq.s32 v15, v6;
	vm13 =	veq.s32 v15, v7;
	v17 =	vsel vm0, $0xFFFFFFFF, v17  }
0x191: {  	s18 =	sadd.s32 $0x40, s18;
	vm12 =	veq.s32 v13, v5;
	vm2 =	veq.s32 v13, v7;
	vm14 =	veq.s32 v13, v8;
	[tilespmem:$0x1FFD0] =	vst v17  }
0x192: {  	v19 =	vld [tilespmem:$0x1FFA0];
	_ =	sdelay $0x4  }
0x193: {  	vm8 =	vmor vm9, vm8;
	vm9 =	vnez.u8 v19;
	v19 =	vld [tilespmem:$0x1FF90]  }
0x194: {  	vm0 =	vmor vm7, vm15;
	s17 =	sadd.s32 $0x40, s17  }
0x195: {  	vm7 =	veq.s32 v13, v10;
	vm0 =	vmor vm0, vm5;
	v17 =	vld [tilespmem:s17+$0xFFFFFFE0];
	vm5 =	veq.s32 v13, v9  }
0x196: {  	vm10 =	veq.s32 v15, v10;
	vm5 =	vmor vm7, vm5;
	vm7 =	veq.s32 v15, v9  }
0x197: {  	v18 =	vld [tilespmem:s17+$0xFFFFFFF0];
	vm0 =	vmor vm0, vm3;
	vm3 =	vmor vm10, vm7;
	vm7 =	veq.s32 v15, v8  }
0x198: {  	vm3 =	vmor vm3, vm7;
	vm0 =	vmor vm0, vm9;
	vm7 =	vnez.u8 v19  }
0x199: {  	vm3 =	vmor vm3, vm13;
	vm0 =	vmor vm0, vm7  }
0x19a: {  	v17 =	vsel vm0, $0xFF61B1E6, v17;
	vm0 =	vmor vm3, vm4  }
0x19b: {  	vm3 =	vgt.f32 v17, v16;
	vm0 =	vmor vm0, vm1  }
0x19c: {  	v16 =	vsel vm3, v17, v16;
	v17 =	vsel vm0, $0xFF61B1E6, v18;
	v18 =	vld [tilespmem:$0x1FFC0];
	_ =	sdelay $0x2  }
0x19d: {  	v21 =	vld [tilespmem:$0x1FFD0];
	_ =	sdelay $0x1  }
0x19e: {  	vm0 =	vnez.u8 v18;
	v18 =	vld [tilespmem:$0x1FFB0]  }
0x19f: {  	v19 =	vld [tilespmem:s17+$0x0]  }
0x1a0: {  	vm5 =	vmor vm5, vm14  }
0x1a1: {  	v20 =	vld [tilespmem:s17+$0x10];
	vm2 =	vmor vm5, vm2;
	vm1 =	vnez.u8 v21  }
0x1a2: {  	vm6 =	vmor vm8, vm6;
	vm1 =	vmor vm2, vm1;
	vm2 =	vgt.f32 v17, v16  }
0x1a3: {  	vm1 =	vmor vm1, vm12;
	vm0 =	vmor vm6, vm0;
	vm4 =	vnez.u8 v18  }
0x1a4: {  	v16 =	vsel vm2, v17, v16;
	v17 =	vsel vm1, $0xFF61B1E6, v19;
	vm0 =	vmor vm0, vm4  }
0x1a5: {  	v12 =	vsel vm3, v12, v14;
	vm1 =	vgt.f32 v17, v16;
	vm0 =	vmor vm0, vm11  }
0x1a6: {  	v12 =	vsel vm2, v15, v12;
	v14 =	vsel vm1, v17, v16;
	v15 =	vsel vm0, $0xFF61B1E6, v20  }
0x1a7: {  	v12 =	vsel vm1, v13, v12;
	vm0 =	vgt.f32 v15, v14  }
0x1a8: {  	v13 =	vsel vm0, v15, v14;
	v11 =	vsel vm0, v11, v12  }
0x1a9: {  	v12 =	vperm.xlane v13, v1;
	v14 =	vperm.xlane v11, v1;
	_ =	sdelay $0x1  }
0x1aa: {  	vm0 =	veq.f32 v12, v13;
	vm1 =	vlt.s32 v14, v11  }
0x1ab: {  	vm2 =	vgt.f32 v12, v13;
	vm0 =	vmand vm0, vm1  }
0x1ac: {  	vm0 =	vmor vm2, vm0  }
0x1ad: {  	v12 =	vsel vm0, v12, v13;
	v11 =	vsel vm0, v14, v11  }
0x1ae: {  	v13 =	vperm.xlane v12, v2;
	v14 =	vperm.xlane v11, v2;
	_ =	sdelay $0x1  }
0x1af: {  	vm0 =	veq.f32 v13, v12;
	vm1 =	vlt.s32 v14, v11  }
0x1b0: {  	vm2 =	vgt.f32 v13, v12;
	vm0 =	vmand vm0, vm1  }
0x1b1: {  	vm0 =	vmor vm2, vm0  }
0x1b2: {  	v12 =	vsel vm0, v13, v12;
	v11 =	vsel vm0, v14, v11  }
0x1b3: {  	v13 =	vperm.xlane v12, v3;
	v14 =	vperm.xlane v11, v3;
	_ =	sdelay $0x1  }
0x1b4: {  	vm0 =	veq.f32 v13, v12;
	vm1 =	vlt.s32 v14, v11  }
0x1b5: {  	s21 =	simm.s32 $0x20;
	vm2 =	vgt.f32 v13, v12;
	vm0 =	vmand vm0, vm1  }
0x1b6: {  	s18 =	simm.s32 $0x10;
	v16 =	vor.u32 s21, v0;
	vm0 =	vmor vm2, vm0  }
0x1b7: {  	v17 =	vor.u32 s18, v0;
	v12 =	vsel vm0, v13, v12;
	v11 =	vsel vm0, v14, v11  }
0x1b8: {  	s20 =	simm.s32 $0x30;
	vm5 =	veq.s32 v16, v6;
	v13 =	vperm.xlane v12, v4;
	v14 =	vperm.xlane v11, v4  }
0x1b9: {  	vm7 =	veq.s32 v16, v7;
	vm6 =	veq.s32 v17, v5;
	v15 =	vor.u32 s20, v0  }
0x1ba: {  	vm8 =	veq.s32 v15, v7;
	vm0 =	veq.f32 v13, v12;
	vm1 =	vlt.s32 v14, v11  }
0x1bb: {  	vm14 =	veq.s32 v15, v10;
	vm2 =	vgt.f32 v13, v12;
	vm0 =	vmand vm0, vm1  }
0x1bc: {  	s19 =	simm.s32 $0x0;
	v12 =	vimm.f32 $-3.000000010e+38;
	v13 =	vimm.s32 $0x0;
	vm0 =	vmor vm2, vm0  }
0x1bd: {  	vm1 =	veq.s32 v15, v6;
	v11 =	vsel vm0, v14, v11;
	v14 =	vor.u32 s19, v0  }
0x1be: {  	vm2 =	veq.s32 v16, v5;
	vm0 =	veq.s32 v15, v5;
	vm3 =	veq.s32 v14, v5  }
0x1bf: {  	vm4 =	veq.s32 v14, v6;
	vm9 =	veq.s32 v14, v7;
	vm10 =	veq.s32 v14, v8  }
0x1c0: {  	vm11 =	veq.s32 v14, v9;
	vm12 =	veq.s32 v14, v10;
	vm13 =	veq.s32 v14, v11  }
0x1c1: {  	vm15 =	veq.s32 v15, v11;
	vm12 =	vmor vm13, vm12;
	vm13 =	veq.s32 v17, v10  }
0x1c2: {  	vm14 =	vmor vm15, vm14;
	vm15 =	veq.s32 v17, v11;
	vm11 =	vmor vm12, vm11  }
0x1c3: {  	vm12 =	veq.s32 v16, v10;
	vm13 =	vmor vm15, vm13;
	vm15 =	veq.s32 v16, v11  }
0x1c4: {  	vm12 =	vmor vm15, vm12;
	vm15 =	veq.s32 v16, v9;
	vm10 =	vmor vm11, vm10  }
0x1c5: {  	s17 =	simm.s32 $0x20;
	vm11 =	veq.s32 v15, v8;
	vm12 =	vmor vm12, vm15;
	vm15 =	veq.s32 v15, v9  }
0x1c6: {  	v18 =	vld [tilespmem:s17+$0xFFFFFFE0];
	vm9 =	vmor vm10, vm9;
	vm10 =	veq.s32 v17, v6;
	vm14 =	vmor vm14, vm15  }
0x1c7: {  	vm15 =	veq.s32 v17, v9;
	vm4 =	vmor vm9, vm4;
	vm9 =	veq.s32 v17, v7  }
0x1c8: {  	v19 =	vld [tilespmem:s17+$0xFFFFFFF0];
	vm13 =	vmor vm13, vm15;
	vm11 =	vmor vm14, vm11;
	vm14 =	veq.s32 v17, v8  }
0x1c9: {  	vm15 =	veq.s32 v16, v8;
	vm3 =	vmor vm4, vm3;
	vm13 =	vmor vm13, vm14  }
0x1ca: {  	v62 =	vld [tilespmem:s17+$0x0];
	vm12 =	vmor vm12, vm15;
	vm8 =	vmor vm11, vm8;
	vm4 =	vmor vm13, vm9  }
0x1cb: {  	v18 =	vsel vm3, $0xFF61B1E6, v18;
	vm3 =	vmor vm4, vm10;
	vm4 =	vmor vm12, vm7  }
0x1cc: {  	vm7 =	vgt.f32 v18, v12;
	vm3 =	vmor vm3, vm6;
	vm4 =	vmor vm4, vm5  }
0x1cd: {  	v63 =	vld [tilespmem:s17+$0x10];
	v12 =	vsel vm7, v18, v12;
	v13 =	vsel vm7, v14, v13;
	v14 =	vsel vm3, $0xFF61B1E6, v19  }
0x1ce: {  	vm1 =	vmor vm8, vm1;
	vm2 =	vmor vm4, vm2;
	vm3 =	vgt.f32 v14, v12  }
0x1cf: {  	v12 =	vsel vm3, v14, v12;
	v14 =	vsel vm3, v17, v13;
	v17 =	vsel vm2, $0xFF61B1E6, v62  }
0x1d0: {  	s19 =	simm.s32 $0x40;
	vm0 =	vmor vm1, vm0;
	vm2 =	vgt.f32 v17, v12  }
0x1d1: {  	v13 =	vor.u32 s19, v0;
	v17 =	vsel vm2, v17, v12;
	v14 =	vsel vm2, v16, v14  }
0x1d2: {  	v16 =	vsel vm0, $0xFF61B1E6, v63;
	vm0 =	veq.s32 v13, v5;
	v12 =	vimm.s32 $0x0  }
0x1d3: {  	v12 =	vsel vm0, $0xFFFFFFFF, v12;
	vm0 =	vgt.f32 v16, v17  }
0x1d4: {  	v18 =	vimm.s32 $0x0;
	vm1 =	veq.s32 v13, v6;
	v17 =	vsel vm0, v16, v17  }
0x1d5: {  	v15 =	vsel vm0, v15, v14;
	vm0 =	veq.s32 v13, v7;
	v14 =	vimm.s32 $0x0  }
0x1d6: {  	s20 =	simm.s32 $0x70;
	v18 =	vsel vm1, $0xFFFFFFFF, v18;
	[tilespmem:$0x1FED0] =	vst v12;
	v14 =	vsel vm0, $0xFFFFFFFF, v14  }
0x1d7: {  	v12 =	vor.u32 s20, v0;
	vm0 =	veq.s32 v13, v8;
	[tilespmem:$0x1FEF0] =	vst v14;
	v14 =	vimm.s32 $0x0  }
0x1d8: {  	s21 =	simm.s32 $0x60;
	[tilespmem:$0x1FEE0] =	vst v18;
	v18 =	vimm.s32 $0x0;
	v14 =	vsel vm0, $0xFFFFFFFF, v14;
	vm0 =	veq.s32 v12, v6  }
0x1d9: {  	[tilespmem:$0x1FF00] =	vst v14;
	v14 =	vor.u32 s21, v0;
	v18 =	vsel vm0, $0xFFFFFFFF, v18  }
0x1da: {  	[tilespmem:$0x1FF10] =	vst v18;
	vm0 =	veq.s32 v14, v5;
	v18 =	vimm.s32 $0x0  }
0x1db: {  	v18 =	vsel vm0, $0xFFFFFFFF, v18  }
0x1dc: {  	vm4 =	veq.s32 v13, v9;
	vm0 =	veq.s32 v14, v6;
	[tilespmem:$0x1FF20] =	vst v18;
	v18 =	vimm.s32 $0x0  }
0x1dd: {  	s19 =	simm.s32 $0x50;
	vm7 =	veq.s32 v13, v10;
	vm10 =	veq.s32 v13, v11;
	v18 =	vsel vm0, $0xFFFFFFFF, v18  }
0x1de: {  	v16 =	vor.u32 s19, v0;
	vm0 =	veq.s32 v12, v7;
	[tilespmem:$0x1FF30] =	vst v18;
	v18 =	vimm.s32 $0x0  }
0x1df: {  	vm15 =	veq.s32 v12, v5;
	vm5 =	veq.s32 v12, v8;
	v18 =	vsel vm0, $0xFFFFFFFF, v18  }
0x1e0: {  	vm2 =	veq.s32 v16, v6;
	vm0 =	veq.s32 v16, v5;
	[tilespmem:$0x1FF40] =	vst v18;
	v18 =	vimm.s32 $0x0  }
0x1e1: {  	vm8 =	veq.s32 v12, v9;
	vm6 =	veq.s32 v16, v7;
	v18 =	vsel vm0, $0xFFFFFFFF, v18  }
0x1e2: {  	vm13 =	veq.s32 v12, v10;
	vm0 =	veq.s32 v14, v7;
	[tilespmem:$0x1FF50] =	vst v18;
	v18 =	vimm.s32 $0x0  }
0x1e3: {  	vm14 =	veq.s32 v12, v11;
	vm9 =	veq.s32 v16, v8;
	v18 =	vsel vm0, $0xFFFFFFFF, v18  }
0x1e4: {  	s18 =	simm.s32 $0x80;
	vm3 =	veq.s32 v14, v8;
	vm11 =	veq.s32 v14, v9;
	vm12 =	veq.s32 v14, v10;
	[tilespmem:$0x1FF60] =	vst v18  }
.LBB2_16:
0x1e5: {  	v19 =	vld [tilespmem:$0x1FF00];
	_ =	sdelay $0x3  }
0x1e6: {  	vm7 =	vmor vm10, vm7  }
0x1e7: {  	v18 =	vimm.s32 $0x0;
	vm4 =	vmor vm7, vm4;
	vm7 =	vnez.u8 v19;
	v19 =	vld [tilespmem:$0x1FEF0]  }
0x1e8: {  	vm0 =	veq.s32 v16, v10;
	vm1 =	veq.s32 v14, v11;
	vm10 =	veq.s32 v16, v11;
	v20 =	vld [tilespmem:$0x1FEE0]  }
0x1e9: {  	v58 =	vld [tilespmem:$0x1FED0];
	v18 =	vsel vm15, $0xFFFFFFFF, v18;
	vm15 =	veq.s32 v16, v9;
	vm0 =	vmor vm10, vm0  }
0x1ea: {  	s17 =	sadd.s32 $0x40, s17;
	v60 =	vld [tilespmem:$0x1FF60];
	vm1 =	vmor vm1, vm12;
	vm0 =	vmor vm0, vm15  }
0x1eb: {  	vm13 =	vmor vm14, vm13;
	[tilespmem:$0x1FEC0] =	vst v18;
	v18 =	vld [tilespmem:s17+$0xFFFFFFE0];
	vm1 =	vmor vm1, vm11;
	vm0 =	vmor vm0, vm9  }
0x1ec: {  	vm4 =	vmor vm4, vm7;
	vm7 =	vmor vm13, vm8;
	vm8 =	vnez.u8 v19  }
0x1ed: {  	vm5 =	vmor vm7, vm5;
	vm7 =	vnez.u8 v20;
	vm4 =	vmor vm4, vm8  }
0x1ee: {  	vm1 =	vmor vm1, vm3;
	vm3 =	vnez.u8 v58;
	vm4 =	vmor vm4, vm7  }
0x1ef: {  	vm0 =	vmor vm0, vm6;
	vm3 =	vmor vm4, vm3  }
0x1f0: {  	vm0 =	vmor vm0, vm2;
	vm2 =	vnez.u8 v60;
	v18 =	vsel vm3, $0xFF61B1E6, v18  }
0x1f1: {  	vm1 =	vmor vm1, vm2;
	vm2 =	vgt.f32 v18, v17  }
0x1f2: {  	v17 =	vsel vm2, v18, v17;
	v18 =	vld [tilespmem:$0x1FF20];
	_ =	sdelay $0x1  }
0x1f3: {  	v61 =	vld [tilespmem:$0x1FF50]  }
0x1f4: {  	v62 =	vld [tilespmem:$0x1FF30]  }
0x1f5: {  	v19 =	vld [tilespmem:s17+$0xFFFFFFF0]  }
0x1f6: {  	v13 =	vsel vm2, v13, v15;
	vm2 =	vnez.u8 v18;
	v18 =	vld [tilespmem:$0x1FF10]  }
0x1f7: {  	v21 =	vld [tilespmem:$0x1FF40]  }
0x1f8: {  	v59 =	vld [tilespmem:s17+$0x0];
	vm3 =	vnez.u8 v61  }
0x1f9: {  	vm0 =	vmor vm0, vm3;
	vm3 =	vnez.u8 v62  }
0x1fa: {  	vm1 =	vmor vm1, vm3  }
0x1fb: {  	v15 =	vsel vm0, $0xFF61B1E6, v19;
	vm1 =	vmor vm1, vm2;
	vm2 =	vnez.u8 v18;
	v18 =	vld [tilespmem:$0x1FEC0]  }
0x1fc: {  	vm4 =	vnez.u8 v21;
	vm0 =	vgt.f32 v15, v17  }
0x1fd: {  	v63 =	vld [tilespmem:s17+$0x10];
	vm4 =	vmor vm5, vm4;
	v15 =	vsel vm0, v15, v17;
	v17 =	vsel vm1, $0xFF61B1E6, v59  }
0x1fe: {  	v16 =	vsel vm0, v16, v13;
	v13 =	vor.u32 s18, v0;
	vm0 =	vgt.f32 v17, v15  }
0x1ff: {  	v15 =	vsel vm0, v17, v15;
	v14 =	vsel vm0, v14, v16;
	vm0 =	veq.s32 v13, v5  }
0x200: {  	v17 =	vimm.s32 $0x0;
	vm2 =	vmor vm4, vm2;
	vm1 =	vnez.u8 v18  }
0x201: {  	v17 =	vsel vm0, $0xFFFFFFFF, v17;
	vm1 =	vmor vm2, vm1  }
0x202: {  	[tilespmem:$0x1FED0] =	vst v17;
	v17 =	vimm.s32 $0x0;
	v16 =	vsel vm1, $0xFF61B1E6, v63;
	vm1 =	veq.s32 v13, v6  }
0x203: {  	vm0 =	vgt.f32 v16, v15;
	v17 =	vsel vm1, $0xFFFFFFFF, v17  }
0x204: {  	[tilespmem:$0x1FEE0] =	vst v17;
	v17 =	vsel vm0, v16, v15  }
0x205: {  	s19 =	sadd.s32 $0x30, s18;
	v15 =	vsel vm0, v12, v14;
	vm0 =	veq.s32 v13, v7;
	v14 =	vimm.s32 $0x0  }
0x206: {  	v18 =	vor.u32 s19, v0;
	v14 =	vsel vm0, $0xFFFFFFFF, v14  }
0x207: {  	v12 =	vmov v18;
	vm0 =	veq.s32 v13, v8;
	[tilespmem:$0x1FEF0] =	vst v14;
	v14 =	vimm.s32 $0x0  }
0x208: {  	s21 =	sadd.s32 $0x20, s18;
	v18 =	vimm.s32 $0x0;
	v14 =	vsel vm0, $0xFFFFFFFF, v14;
	vm0 =	veq.s32 v12, v6  }
0x209: {  	[tilespmem:$0x1FF00] =	vst v14;
	v14 =	vor.u32 s21, v0;
	v18 =	vsel vm0, $0xFFFFFFFF, v18  }
0x20a: {  	[tilespmem:$0x1FF10] =	vst v18;
	vm0 =	veq.s32 v14, v5;
	v18 =	vimm.s32 $0x0  }
0x20b: {  	v18 =	vsel vm0, $0xFFFFFFFF, v18  }
0x20c: {  	vm7 =	veq.s32 v13, v10;
	vm0 =	veq.s32 v14, v6;
	[tilespmem:$0x1FF20] =	vst v18;
	v18 =	vimm.s32 $0x0  }
0x20d: {  	s20 =	sadd.s32 $0x10, s18;
	vm10 =	veq.s32 v13, v11;
	vm4 =	veq.s32 v13, v9;
	v18 =	vsel vm0, $0xFFFFFFFF, v18  }
0x20e: {  	v16 =	vor.u32 s20, v0;
	vm0 =	veq.s32 v12, v7;
	[tilespmem:$0x1FF30] =	vst v18;
	v18 =	vimm.s32 $0x0  }
0x20f: {  	p1 =	sne.s32 s18, $0x7C0;
	vm15 =	veq.s32 v12, v5;
	vm5 =	veq.s32 v12, v8;
	v18 =	vsel vm0, $0xFFFFFFFF, v18  }
.Ltmp7:
0x210: {  	vm2 =	veq.s32 v16, v6;
	vm0 =	veq.s32 v16, v5;
	[tilespmem:$0x1FF40] =	vst v18;
	v18 =	vimm.s32 $0x0;
	(pc) =	sbr.rel @p1 .LBB2_16-.Ltmp7, $4  }
0x211: {  	vm8 =	veq.s32 v12, v9;
	vm6 =	veq.s32 v16, v7;
	v18 =	vsel vm0, $0xFFFFFFFF, v18  }
0x212: {  	vm13 =	veq.s32 v12, v10;
	vm0 =	veq.s32 v14, v7;
	[tilespmem:$0x1FF50] =	vst v18;
	v18 =	vimm.s32 $0x0  }
0x213: {  	vm14 =	veq.s32 v12, v11;
	vm9 =	veq.s32 v16, v8;
	v18 =	vsel vm0, $0xFFFFFFFF, v18  }
0x214: {  	s18 =	sadd.s32 $0x40, s18;
	vm3 =	veq.s32 v14, v8;
	vm11 =	veq.s32 v14, v9;
	vm12 =	veq.s32 v14, v10;
	[tilespmem:$0x1FF60] =	vst v18  }
0x215: {  	v19 =	vld [tilespmem:$0x1FF00]  }
0x216: {  	v47 =	vld [tilespmem:$0x1FEF0]  }
0x217: {  	v20 =	vld [tilespmem:$0x1FEE0]  }
0x218: {  	v49 =	vld [tilespmem:$0x1FED0]  }
0x219: {  	vm0 =	vmor vm10, vm7;
	vm1 =	vmor vm14, vm13;
	v21 =	vld [tilespmem:$0x1FF60]  }
0x21a: {  	vm13 =	veq.s32 v16, v10;
	vm14 =	veq.s32 v16, v11;
	vm10 =	veq.s32 v14, v11;
	v51 =	vld [tilespmem:$0x1FF50]  }
0x21b: {  	v22 =	vld [tilespmem:$0x1FF30];
	vm0 =	vmor vm0, vm4;
	vm4 =	vmor vm14, vm13;
	vm14 =	veq.s32 v16, v9  }
0x21c: {  	v53 =	vld [tilespmem:$0x1FF40];
	vm7 =	vmor vm10, vm12;
	vm1 =	vmor vm1, vm8;
	vm4 =	vmor vm4, vm14  }
0x21d: {  	s17 =	sadd.s32 $0x40, s17;
	v54 =	vld [tilespmem:$0x1FF20];
	vm7 =	vmor vm7, vm11;
	vm1 =	vmor vm1, vm5;
	vm4 =	vmor vm4, vm9  }
0x21e: {  	v18 =	vld [tilespmem:s17+$0xFFFFFFE0];
	vm3 =	vmor vm7, vm3;
	vm4 =	vmor vm4, vm6;
	vm13 =	vnez.u8 v19  }
0x21f: {  	v55 =	vld [tilespmem:$0x1FF10];
	vm12 =	vnez.u8 v47;
	vm14 =	vnez.u8 v49;
	vm0 =	vmor vm0, vm13  }
0x220: {  	v48 =	vld [tilespmem:s17+$0xFFFFFFF0];
	vm6 =	vmor vm4, vm2;
	vm13 =	vnez.u8 v20;
	vm0 =	vmor vm0, vm12  }
0x221: {  	vm7 =	vnez.u8 v21;
	vm8 =	vnez.u8 v51;
	vm0 =	vmor vm0, vm13  }
0x222: {  	v50 =	vld [tilespmem:s17+$0x0];
	vm10 =	vnez.u8 v22;
	vm2 =	vmor vm3, vm7;
	vm0 =	vmor vm0, vm14  }
0x223: {  	vm11 =	vnez.u8 v53;
	vm2 =	vmor vm2, vm10;
	v18 =	vsel vm0, $0xFF61B1E6, v18  }
0x224: {  	v52 =	vld [tilespmem:s17+$0x10];
	vm12 =	vnez.u8 v54;
	vm0 =	vmor vm6, vm8;
	vm9 =	vgt.f32 v18, v17  }
0x225: {  	vm14 =	vnez.u8 v55;
	v19 =	vsel vm0, $0xFF61B1E6, v48;
	v17 =	vsel vm9, v18, v17  }
0x226: {  	vm0 =	vmor vm1, vm11;
	vm1 =	vmor vm2, vm12;
	vm13 =	vgt.f32 v19, v17  }
0x227: {  	vm0 =	vmor vm0, vm14;
	v56 =	vsel vm1, $0xFF61B1E6, v50;
	v17 =	vsel vm13, v19, v17  }
0x228: {  	v13 =	vsel vm9, v13, v15;
	vm0 =	vmor vm0, vm15;
	vm1 =	vgt.f32 v56, v17  }
0x229: {  	v13 =	vsel vm13, v16, v13;
	v58 =	vsel vm0, $0xFF61B1E6, v52;
	v57 =	vsel vm1, v56, v17  }
0x22a: {  	v13 =	vsel vm1, v14, v13;
	vm0 =	vgt.f32 v58, v57  }
0x22b: {  	v59 =	vsel vm0, v58, v57;
	v12 =	vsel vm0, v12, v13  }
0x22c: {  	v60 =	vperm.xlane v59, v1;
	v61 =	vperm.xlane v12, v1;
	_ =	sdelay $0x1  }
0x22d: {  	vm7 =	veq.f32 v60, v59;
	vm8 =	vlt.s32 v61, v12  }
0x22e: {  	vm9 =	vgt.f32 v60, v59;
	vm0 =	vmand vm7, vm8  }
0x22f: {  	vm0 =	vmor vm9, vm0  }
0x230: {  	v13 =	vsel vm0, v60, v59;
	v12 =	vsel vm0, v61, v12  }
0x231: {  	v14 =	vperm.xlane v13, v2;
	v15 =	vperm.xlane v12, v2;
	_ =	sdelay $0x1  }
0x232: {  	vm10 =	veq.f32 v14, v13;
	vm11 =	vlt.s32 v15, v12  }
0x233: {  	vm12 =	vgt.f32 v14, v13;
	vm0 =	vmand vm10, vm11  }
0x234: {  	vm0 =	vmor vm12, vm0  }
0x235: {  	v13 =	vsel vm0, v14, v13;
	v12 =	vsel vm0, v15, v12  }
0x236: {  	v14 =	vperm.xlane v13, v3;
	v15 =	vperm.xlane v12, v3  }
0x237: {  	vm5 =	vcmask $0x320  }
0x238: {  	vm4 =	vmmov $0x1;
	vm13 =	veq.f32 v14, v13;
	vm14 =	vlt.s32 v15, v12  }
0x239: {  	v5 =	vnsel vm4, $0x0, v5;
	vm15 =	vgt.f32 v14, v13;
	vm0 =	vmand vm13, vm14  }
0x23a: {  	v5 =	vsel vm5, v5, v6;
	vm6 =	vcmask $0x720;
	vm0 =	vmor vm15, vm0  }
0x23b: {  	v5 =	vsel vm6, v5, v7;
	v13 =	vsel vm0, v14, v13;
	v12 =	vsel vm0, v15, v12  }
0x23c: {  	vm7 =	vcmask $0xB20;
	v6 =	vperm.xlane v13, v4;
	v62 =	vperm.xlane v12, v4  }
0x23d: {  	v5 =	vsel vm7, v5, v8;
	vm10 =	vcmask $0xF20  }
0x23e: {  	v5 =	vsel vm10, v5, v9;
	vm8 =	veq.f32 v6, v13;
	vm9 =	vlt.s32 v62, v12  }
0x23f: {  	vm12 =	vcmask $0x1320;
	vm11 =	vgt.f32 v6, v13;
	vm0 =	vmand vm8, vm9  }
0x240: {  	v5 =	vsel vm12, v5, v10;
	vm13 =	vcmask $0x1720;
	vm0 =	vmor vm11, vm0  }
0x241: {  	vm14 =	vcmask $0x1B20;
	v5 =	vsel vm13, v5, v11;
	v6 =	vsel vm0, v62, v12  }
0x242: {  	v5 =	vsel vm14, v5, v6  }
0x243: {  	v6 =	vshll.u32 v5, $0x4  }
0x244: {  	v5 =	vand.u32 $0x7, v5;
	v6 =	vand.u32 $0xFFFFFF80, v6  }
0x245: {  	v7 =	vshrl.u32 v0, $0x3;
	v5 =	vor.u32 v5, v6;
	v6 =	vand.u32 $0x7, v0  }
0x246: {  	v7 =	vmul.u32 $0x8, v7;
	v6 =	vperm.xlane v5, v6;
	_ =	sdelay $0x1  }
0x247: {  	v6 =	vadd.s32 v7, v6;
	_ =	sdelay $0x3  }
0x248: {  	s21 =	simm.s32 $0x800;
	vm15 =	vmmov $0xffff  }
0x249: {  	[tilespmem:s21], [sflag:$0x1] =	stream.indirect_vreg.gather [hbm4b:s2+s3], $0x80, v6, vm15, $0xb8;
	[tilespmem:$0x8800] =	vst v63  }
0x24a: {  	s18 =	simm.s32 $0x1000  }
0x24b: {  	[tilespmem:s18], [sflag:$0x1] =	stream.indirect_vreg.gather [hbm4b:s8+s3], $0x80, v6, vm15, $0xb8;
	[tilespmem:$0x8800] =	vst v63  }
0x24c: {  	s19 =	simm.s32 $0x1800  }
0x24d: {  	[tilespmem:s19], [sflag:$0x1] =	stream.indirect_vreg.gather [hbm4b:s5+s3], $0x80, v6, vm15, $0xb8;
	[tilespmem:$0x8800] =	vst v63  }
0x24e: {  	s20 =	simm.s32 $0x2000  }
0x24f: {  	[tilespmem:s20], [sflag:$0x1] =	stream.indirect_vreg.gather [hbm4b:s6+s3], $0x80, v6, vm15, $0xb8;
	[tilespmem:$0x8800] =	vst v63  }
0x250: {  	s21 =	simm.s32 $0x2800  }
0x251: {  	v63 =	vor.u32 $0x8, v0;
	[tilespmem:s21], [sflag:$0x1] =	stream.indirect_vreg.gather [hbm4b:s7+s3], $0x80, v6, vm15, $0xb8;
	[tilespmem:$0x8800] =	vst v63  }
0x252: {  	v5 =	vperm.xlane v5, v63  }
0x253: {  	[tilespmem:s22], [sflag:$0x1] =	stream.indirect_vreg.gather [hbm4b:s9+s3], $0x80, v6, vm15, $0xb8;
	[tilespmem:$0x8800] =	vst v63  }
0x254: {  	v5 =	vadd.s32 v7, v5  }
0x255: {  	[tilespmem:s23], [sflag:$0x1] =	stream.indirect_vreg.gather [hbm4b:s10+s3], $0x80, v6, vm15, $0xb8;
	[tilespmem:$0x8800] =	vst v63  }
0x256: {  	_ = 	snop  }
0x257: {  	[tilespmem:s24], [sflag:$0x1] =	stream.indirect_vreg.gather [hbm4b:s11+s3], $0x80, v6, vm15, $0xb8;
	[tilespmem:$0x8800] =	vst v63  }
0x258: {  	_ = 	snop  }
0x259: {  	[tilespmem:s25], [sflag:$0x1] =	stream.indirect_vreg.gather [hbm4b:s2+s3], $0x80, v5, vm15, $0xb8;
	[tilespmem:$0x8800] =	vst v63  }
0x25a: {  	_ = 	snop  }
0x25b: {  	[tilespmem:s26], [sflag:$0x1] =	stream.indirect_vreg.gather [hbm4b:s8+s3], $0x80, v5, vm15, $0xb8;
	[tilespmem:$0x8800] =	vst v63  }
0x25c: {  	_ = 	snop  }
0x25d: {  	[tilespmem:s28], [sflag:$0x1] =	stream.indirect_vreg.gather [hbm4b:s5+s3], $0x80, v5, vm15, $0xb8;
	[tilespmem:$0x8800] =	vst v63  }
0x25e: {  	_ = 	snop  }
0x25f: {  	[tilespmem:s29], [sflag:$0x1] =	stream.indirect_vreg.gather [hbm4b:s6+s3], $0x80, v5, vm15, $0xb8;
	[tilespmem:$0x8800] =	vst v63  }
0x260: {  	_ = 	snop  }
0x261: {  	[tilespmem:s30], [sflag:$0x1] =	stream.indirect_vreg.gather [hbm4b:s7+s3], $0x80, v5, vm15, $0xb8;
	[tilespmem:$0x8800] =	vst v63  }
0x262: {  	_ = 	snop  }
0x263: {  	[tilespmem:s31], [sflag:$0x1] =	stream.indirect_vreg.gather [hbm4b:s9+s3], $0x80, v5, vm15, $0xb8;
	[tilespmem:$0x8800] =	vst v63  }
0x264: {  	_ = 	snop  }
0x265: {  	[tilespmem:s1], [sflag:$0x1] =	stream.indirect_vreg.gather [hbm4b:s10+s3], $0x80, v5, vm15, $0xb8;
	[tilespmem:$0x8800] =	vst v63  }
0x266: {  	_ = 	snop  }
0x267: {  	[tilespmem:s0], [sflag:$0x1] =	stream.indirect_vreg.gather [hbm4b:s11+s3], $0x80, v5, vm15, $0xb8;
	[tilespmem:$0x8800] =	vst v63  }
0x268: {  	_ =	swait.ge [sflag:s14], $0x8000  }
0x269: {  	s15 =	sadd.s32 $0x1, s15;
	s17 =	simm.s32 @!p0 $0x0;
	[sflag:s14] =	ssyncset.done $0x0  }
0x26a: {  	p1 =	sne.s32 s15, s13;
	s18 =	simm.s32 @!p0 $0x800;
	[sflag:s14] =	ssyncadd.s32 $0xFFFF8000  }
0x26b: {  	[hbm4b:s12+s17] =	stream.linear.scatter @!p0 [tilespmem:s18], [sflag:$0x2], $0x4000, $0x38;
	[tilespmem:$0x8800] =	vst v63  }
.Ltmp8:
0x26c: {  	_ = 	snop;
	(pc) =	sbr.rel @p1 .LBB2_1-.Ltmp8, $4  }
0x26d: {  	s17 =	simm.s32 @!p0 $0x2  }
0x26e: {  	_ =	swait.ge @!p0 [sflag:s17], $0x4000  }
0x26f: {  	[sflag:s17] =	ssyncset.done @!p0 $0x0  }
0x270: {  	[sflag:s17] =	ssyncadd.s32 @!p0 $0xFFFFC000  }
0x271: {  	_ =	sfence.sel $0x180000  }
0x272: {  	[bflag:$0x0] =	sbarrier.arrive $0xFFFF  }
0x273: {  	_ =	strace $0x90000047  }
0x274: {  	s0 =	stileid.u32;
	[bflag:$0x2] =	sbarrier.arrive $0xFFFF  }
0x275: {  	p0 =	sne.s32 s0, $0x0;
	s0 =	rddreg [dreg:$0x2]  }
0x276: {  	s0 =	sadd.s32 @!p0 $0x100000, s0  }
0x277: {  	[sflag:s0] =	ssyncadd.tile.s32 @!p0 $0x1;
	_ =	shalt  }
.Lfunc_end2:
_tile_overlayer_lowered:
.L_overlay_start_2:
0x278: {  	(tag) =	ssettag $0x2  }
0x279: {  	s0 =	rddreg [dreg:$0x0];
	s2 =	stileid.u32  }
0x27a: {  	s1 =	rddreg [dreg:$0x1];
	p0 =	sne.s32 s2, $0x0  }
0x27b: {  	s3 =	rddreg [dreg:$0x2];
	[bflag:$0x3] =	sbarrier.arrive $0xFFFF;
	s2 =	simm.s32 @!p0 $0x1C02  }
0x27c: {  	[timem:s3], [sflag:s2] =	dma.local @!p0 [hbm:s0], s1  }
0x27d: {  	s0 =	simm.s32 @!p0 $0x2  }
0x27e: {  	_ =	swait.ge @!p0 [sflag:s0], s1  }
0x27f: {  	s1 =	ssub.s32 @!p0 $0x0, s1;
	[sflag:s0] =	ssyncset.done @!p0 $0x0  }
0x280: {  	[sflag:s0] =	ssyncadd.s32 @!p0 s1  }
0x281: {  	[bflag:$0x3] =	sbarrier.arrive $0xFFFF  }
0x282: {  	_ =	shalt  }

</sc_bundles>
